<compile_context>
chip_gen: v7x
topology: tpu7x:2x2x1
jax: 0.10.2.dev20260603
libtpu: 0.0.44.dev20260713+nightly
codegen_flags: <defaults>
</compile_context>

<pallas_src>
import functools

import numpy as np

import jax
import jax.numpy as jnp
from jax import lax
from jax.experimental import pallas as pl
from jax.experimental.pallas import tpu as pltpu
from jax.experimental.pallas import tpu_sc as plsc

_LANES = 16
_CORES = 2
_SUBCORES = 16
_TILES = _CORES * _SUBCORES
_CHUNK = 128
_ROW = 8
_NPB = 32
_NBUF = 6
_HI = jax.lax.Precision.HIGHEST


def _perm_consts():
    a = np.zeros((64, 256), np.float32)
    for i in range(64):
        a[i, (i // 2) * 8 + i % 2] = 1.0
    bcst = np.zeros((128, 256), np.float32)
    for i in range(128):
        s, k = divmod(i, 4)
        if k == 1:
            bcst[i, s * 8 + 2] = 1.0
        elif k == 2:
            bcst[i, s * 8 + 3] = 1.0
    gsel = np.zeros((128, 256), np.float32)
    for i in range(128):
        gsel[i, (i // 4) * 8 + 4] = 1.0
    gcols = np.zeros((1, 256), np.float32)
    gcols[0, 4::8] = 1.0
    return a, bcst, gsel, gcols


_A_PERM, _B_PERM, _G_SEL, _G_COLS = _perm_consts()


def _build_table_tc(xr, pr, W, b, head_w):
    rows = xr.shape[0]

    def body(x_ref, pos_ref, w_ref, b_ref, hw_ref,
             a_ref, bp_ref, gs_ref, gc_ref, tab_ref):
        w2 = jnp.dot(w_ref[...], hw_ref[...], precision=_HI)
        cc = jnp.dot(b_ref[...], hw_ref[...], precision=_HI)
        bmat = bp_ref[...] + gs_ref[...] * jnp.tile(w2, (32, 1))
        tab = (jnp.dot(pos_ref[...], a_ref[...], precision=_HI)
               + jnp.dot(x_ref[...], bmat, precision=_HI)
               + cc * gc_ref[...])
        tab_ref[...] = tab

    return pl.pallas_call(
        body,
        out_shape=jax.ShapeDtypeStruct((rows, _ROW * _NPB), jnp.float32),
    )(xr, pr, W, b.reshape(1, 64), head_w,
      jnp.asarray(_A_PERM), jnp.asarray(_B_PERM),
      jnp.asarray(_G_SEL), jnp.asarray(_G_COLS))


def _sc_flux(tab8, ei2, n_pad):
    n_chunks = ei2.shape[0] // 2
    bc, rem = divmod(n_chunks, _TILES)
    assert bc >= _NBUF
    k_max = bc + (1 if rem else 0)
    outer_n = -(-k_max // _NBUF)

    mesh = plsc.VectorSubcoreMesh(
        core_axis_name="c", subcore_axis_name="s",
        num_cores=_CORES, num_subcores=_SUBCORES)

    @functools.partial(
        pl.kernel,
        out_type=jax.ShapeDtypeStruct((_TILES, n_pad), jnp.float32),
        mesh=mesh,
        compiler_params=pltpu.CompilerParams(
            needs_layout_passes=False, use_tc_tiling_on_sc=False),
        scratch_types=[
            [pltpu.VMEM((_CHUNK,), jnp.int32) for _ in range(_NBUF)],
            [pltpu.VMEM((_CHUNK,), jnp.int32) for _ in range(_NBUF)],
            [pltpu.VMEM((_CHUNK, _ROW), jnp.float32) for _ in range(_NBUF)],
            [pltpu.VMEM((_CHUNK, _ROW), jnp.float32) for _ in range(_NBUF)],
            pltpu.VMEM((n_pad,), jnp.float32),
            [pltpu.SemaphoreType.DMA for _ in range(_NBUF)],
            [pltpu.SemaphoreType.DMA for _ in range(_NBUF)],
        ],
    )
    def k(tab_hbm, ei_hbm, out_hbm,
          sidx, didx, srows, drows, acc, semi, semr):
        cid = lax.axis_index("c")
        sid = lax.axis_index("s")
        wid = cid * _SUBCORES + sid
        cnt = bc + jnp.where(wid < rem, 1, 0)
        chunk0 = wid * bc + jnp.minimum(wid, rem)

        zero16 = jnp.zeros((_LANES,), jnp.float32)

        def zbody(j, carry):
            base = j * 4 * _LANES
            acc[pl.ds(base, _LANES)] = zero16
            acc[pl.ds(base + _LANES, _LANES)] = zero16
            acc[pl.ds(base + 2 * _LANES, _LANES)] = zero16
            acc[pl.ds(base + 3 * _LANES, _LANES)] = zero16
            return carry

        lax.fori_loop(0, n_pad // (4 * _LANES), zbody, 0)

        lane = lax.iota(jnp.int32, _LANES)
        cols = [jnp.full((_LANES,), c, jnp.int32) for c in range(5)]

        def fire_idx(j, s):
            jj = chunk0 + j
            pltpu.async_copy(ei_hbm.at[jj], sidx[s], semi[s])
            pltpu.async_copy(ei_hbm.at[n_chunks + jj], didx[s], semi[s])

        def wait_idx(s):
            pltpu.make_async_copy(ei_hbm.at[0], sidx[s], semi[s]).wait()
            pltpu.make_async_copy(ei_hbm.at[0], didx[s], semi[s]).wait()

        def fire_rows(s):
            pltpu.async_copy(tab_hbm.at[sidx[s]], srows[s], semr[s])
            pltpu.async_copy(tab_hbm.at[didx[s]], drows[s], semr[s])

        def wait_rows(s):
            pltpu.make_async_copy(tab_hbm.at[sidx[s]], srows[s], semr[s]).wait()
            pltpu.make_async_copy(tab_hbm.at[didx[s]], drows[s], semr[s]).wait()

        def compute(s):
            for gg in range(_CHUNK // _LANES):
                rows = lane + gg * _LANES
                px_s = plsc.load_gather(srows[s], [rows, cols[0]])
                py_s = plsc.load_gather(srows[s], [rows, cols[1]])
                u_s = plsc.load_gather(srows[s], [rows, cols[2]])
                v_s = plsc.load_gather(srows[s], [rows, cols[3]])
                g_s = plsc.load_gather(srows[s], [rows, cols[4]])
                px_d = plsc.load_gather(drows[s], [rows, cols[0]])
                py_d = plsc.load_gather(drows[s], [rows, cols[1]])
                dx = px_d - px_s
                dy = py_d - py_s
                r2 = dx * dx + dy * dy
                num = jnp.maximum(u_s * dx + v_s * dy, 0.0)
                yi = (plsc.bitcast(r2, jnp.int32) >> 1) + 0x1FBD1DF5
                y = plsc.bitcast(yi, jnp.float32)
                y = 0.5 * (y + r2 / y)
                y = 0.5 * (y + r2 / y)
                y = 0.5 * (y + r2 / y)
                dist = y + 1e-6
                m = num / (dist * dist) * g_s
                d16 = didx[s][pl.ds(gg * _LANES, _LANES)]
                s16 = sidx[s][pl.ds(gg * _LANES, _LANES)]
                plsc.addupdate_scatter(acc, [d16], m)
                plsc.addupdate_scatter(acc, [s16], -m)

        for j in range(4):
            fire_idx(j, j)
        wait_idx(0)
        fire_rows(0)
        wait_idx(1)
        fire_rows(1)

        def outer(i0, carry):
            for b in range(_NBUF):
                i = i0 * _NBUF + b
                s = b
                s1 = (b + 2) % _NBUF
                s2 = (b + 4) % _NBUF

                @pl.when(i + 2 < cnt)
                def _():
                    wait_idx(s1)
                    fire_rows(s1)

                @pl.when(i + 4 < cnt)
                def _():
                    fire_idx(i + 4, s2)

                @pl.when(i < cnt)
                def _():
                    wait_rows(s)
                    compute(s)
            return carry

        lax.fori_loop(0, outer_n, outer, 0)

        pltpu.sync_copy(acc, out_hbm.at[wid])

    return k(tab8, ei2)


def _epilogue_tc(partials, x0p, head_b, n_pad):
    x2 = x0p.reshape(1, n_pad)
    hb = head_b.reshape(1, 1)

    def body(p_ref, x_ref, hb_ref, pm_ref, dl_ref):
        d = jnp.sum(p_ref[...], axis=0, keepdims=True) + hb_ref[...]
        dl_ref[...] = d
        pm_ref[...] = jax.nn.softplus(x_ref[...] + d)

    return pl.pallas_call(
        body,
        out_shape=(jax.ShapeDtypeStruct((1, n_pad), jnp.float32),
                   jax.ShapeDtypeStruct((1, n_pad), jnp.float32)),
    )(partials, x2, hb)


def kernel(x, edge_index, pos, W, b, head_w, head_b):
    n = x.shape[0]
    e = edge_index.shape[1]
    assert n % _NPB == 0 and e % _CHUNK == 0
    n_pad = -(-n // 128) * 128

    xr = x.reshape(n // _NPB, 4 * _NPB)
    pr = pos.reshape(n // _NPB, 2 * _NPB)
    ei2 = edge_index.reshape(2 * e // _CHUNK, _CHUNK)

    table = _build_table_tc(xr, pr, W, b, head_w)
    tab8 = table.reshape(n, _ROW)
    partials = _sc_flux(tab8, ei2, n_pad)

    x0p = jnp.pad(xr[:, ::4].reshape(n), (0, n_pad - n))
    pm_p, dl_p = _epilogue_tc(partials, x0p, head_b, n_pad)

    pm10_next = pm_p.reshape(n_pad, 1)[:n]
    delta_pm10 = dl_p.reshape(n_pad, 1)[:n]
    return (pm10_next, delta_pm10)

# --- scband reference (transcript-rebuilt; emitter-appended) ---
"""Pipeline reference for scband-pidust-model-19344532702165 (READ-ONLY COPY).

The authoritative reference and input builder live on the scoring server;
editing this copy changes nothing except your own understanding.
"""

import jax, jax.numpy as jnp
import numpy as np

N_NODES = 100000
N_EDGES = 1600000
IN_CH = 4
HID = 64


def setup_inputs(seed: int = 0) -> dict:
    key = jax.random.key(seed)
    ks = jax.random.split(key, 6)
    x = jax.random.uniform(ks[0], (N_NODES, IN_CH), dtype=jnp.float32)
    edge_index = jax.random.randint(ks[1], (2, N_EDGES), 0, N_NODES, dtype=jnp.int32)
    pos = jax.random.normal(ks[2], (N_NODES, 2), dtype=jnp.float32)
    # PhysicsFluxLayer parameters (node encoder linear in_ch -> hidden)
    W = jax.random.normal(ks[3], (IN_CH, HID), dtype=jnp.float32) * (1.0 / np.sqrt(IN_CH))
    b = jax.random.uniform(ks[4], (HID,), dtype=jnp.float32, minval=-1.0 / np.sqrt(IN_CH), maxval=1.0 / np.sqrt(IN_CH))
    # output head: zero-initialized as in the torch module
    head_w = jnp.zeros((HID, 1), dtype=jnp.float32)
    head_b = jnp.zeros((1,), dtype=jnp.float32)
    return {"x": x, "edge_index": edge_index, "pos": pos, "W": W, "b": b, "head_w": head_w, "head_b": head_b}


def reference(x, edge_index, pos, W, b, head_w, head_b):
    src = edge_index[0]
    dst = edge_index[1]
    u10 = x[:, 1]
    v10 = x[:, 2]
    # node encoding
    h = x @ W + b
    # physics-informed upwind advective flux along each edge
    d = pos[dst] - pos[src]
    dist = jnp.sqrt(jnp.sum(d * d, axis=-1)) + 1e-6
    unit = d / dist[:, None]
    wind_src = jnp.stack([u10[src], v10[src]], axis=-1)
    vel = jnp.sum(wind_src * unit, axis=-1)
    coef = jax.nn.relu(vel) / dist
    msg = coef[:, None] * jnp.take(h, src, axis=0)
    n = x.shape[0]
    flux_in = jax.ops.segment_sum(msg, dst, num_segments=n)
    flux_out = jax.ops.segment_sum(msg, src, num_segments=n)
    flux = flux_in - flux_out
    delta_pm10 = flux @ head_w + head_b
    pm10_next = jax.nn.softplus(x[:, 0:1] + delta_pm10)
    return (pm10_next, delta_pm10)

if __name__ == "__main__":
    import jax
    _d = setup_inputs()
    print(jax.jit(kernel)(*tuple(_d.values())))

</pallas_src>

<mosaic_0001>
#map = affine_map<(d0, d1) -> (0, 0)>
module attributes {stable_mosaic.version = 14 : i64} {
  func.func @k(%arg0: i32, %arg1: i32, %arg2: memref<100000x8xf32, #tpu.memory_space<hbm>>, %arg3: memref<25000x128xi32, #tpu.memory_space<hbm>>, %arg4: memref<32x100096xf32, #tpu.memory_space<hbm>>, %arg5: memref<128xi32, #tpu.memory_space<vmem>>, %arg6: memref<128xi32, #tpu.memory_space<vmem>>, %arg7: memref<128xi32, #tpu.memory_space<vmem>>, %arg8: memref<128xi32, #tpu.memory_space<vmem>>, %arg9: memref<128xi32, #tpu.memory_space<vmem>>, %arg10: memref<128xi32, #tpu.memory_space<vmem>>, %arg11: memref<128xi32, #tpu.memory_space<vmem>>, %arg12: memref<128xi32, #tpu.memory_space<vmem>>, %arg13: memref<128xi32, #tpu.memory_space<vmem>>, %arg14: memref<128xi32, #tpu.memory_space<vmem>>, %arg15: memref<128xi32, #tpu.memory_space<vmem>>, %arg16: memref<128xi32, #tpu.memory_space<vmem>>, %arg17: memref<128x8xf32, #tpu.memory_space<vmem>>, %arg18: memref<128x8xf32, #tpu.memory_space<vmem>>, %arg19: memref<128x8xf32, #tpu.memory_space<vmem>>, %arg20: memref<128x8xf32, #tpu.memory_space<vmem>>, %arg21: memref<128x8xf32, #tpu.memory_space<vmem>>, %arg22: memref<128x8xf32, #tpu.memory_space<vmem>>, %arg23: memref<128x8xf32, #tpu.memory_space<vmem>>, %arg24: memref<128x8xf32, #tpu.memory_space<vmem>>, %arg25: memref<128x8xf32, #tpu.memory_space<vmem>>, %arg26: memref<128x8xf32, #tpu.memory_space<vmem>>, %arg27: memref<128x8xf32, #tpu.memory_space<vmem>>, %arg28: memref<128x8xf32, #tpu.memory_space<vmem>>, %arg29: memref<100096xf32, #tpu.memory_space<vmem>>, %arg30: memref<!tpu.dma_semaphore, #tpu.memory_space<semaphore_mem>>, %arg31: memref<!tpu.dma_semaphore, #tpu.memory_space<semaphore_mem>>, %arg32: memref<!tpu.dma_semaphore, #tpu.memory_space<semaphore_mem>>, %arg33: memref<!tpu.dma_semaphore, #tpu.memory_space<semaphore_mem>>, %arg34: memref<!tpu.dma_semaphore, #tpu.memory_space<semaphore_mem>>, %arg35: memref<!tpu.dma_semaphore, #tpu.memory_space<semaphore_mem>>, %arg36: memref<!tpu.dma_semaphore, #tpu.memory_space<semaphore_mem>>, %arg37: memref<!tpu.dma_semaphore, #tpu.memory_space<semaphore_mem>>, %arg38: memref<!tpu.dma_semaphore, #tpu.memory_space<semaphore_mem>>, %arg39: memref<!tpu.dma_semaphore, #tpu.memory_space<semaphore_mem>>, %arg40: memref<!tpu.dma_semaphore, #tpu.memory_space<semaphore_mem>>, %arg41: memref<!tpu.dma_semaphore, #tpu.memory_space<semaphore_mem>>) attributes {dimension_semantics = [#tpu.dimension_semantics<core_parallel>, #tpu.dimension_semantics<subcore_parallel>], iteration_bounds = array<i64: 2, 16>, scalar_prefetch = 0 : i64, scratch_operands = 37 : i64, tpu.core_type = #tpu.core_type<sc_vector_subcore>, window_params = [{transform_indices = #map}, {transform_indices = #map}, {transform_indices = #map}]} {
    %mul3A = arith.constant 16 : i32
    %mul3A_0 = arith.muli %arg0, %mul3A : i32
    %add3A = arith.addi %mul3A_0, %arg1 : i32
    %lt3A = arith.constant 20 : i32
    %lt3A_1 = arith.cmpi slt, %add3A, %lt3A : i32
    %jit3A = arith.constant 1 : i32
    %jit3A_2 = arith.constant 0 : i32
    %select_n3A = arith.select %lt3A_1, %jit3A, %jit3A_2 : i32
    %add3A_3 = arith.constant 390 : i32
    %add3A_4 = arith.addi %add3A_3, %select_n3A : i32
    %mul3A_5 = arith.constant 390 : i32
    %mul3A_6 = arith.muli %add3A, %mul3A_5 : i32
    %min3A = arith.constant 20 : i32
    %min3A_7 = arith.minsi %add3A, %min3A : i32
    %add3A_8 = arith.addi %mul3A_6, %min3A_7 : i32
    %broadcast_in_dim3A = arith.constant 0.000000e+00 : f32
    %broadcast_in_dim3A_9 = vector.broadcast %broadcast_in_dim3A : f32 to vector<16xf32>
    %scan3A = arith.constant 0 : i32
    %scan3A_10 = arith.constant 0 : i32
    %scan3A_11 = arith.constant 1564 : i32
    %scan3A_12 = arith.addi %scan3A_10, %scan3A_11 : i32
    %scan3A_13 = arith.constant 1 : i32
    scf.for %scan3A_133 = %scan3A_10 to %scan3A_12 step %scan3A_13  : i32 {
      %mul3A_134 = arith.constant 4 : i32
      %mul3A_135 = arith.muli %scan3A_133, %mul3A_134 : i32
      %mul3A_136 = arith.constant 16 : i32
      %mul3A_137 = arith.muli %mul3A_135, %mul3A_136 : i32
      %swap3A = arith.index_cast %mul3A_137 : i32 to index
      %swap3A_138 = tpu.vector_load %arg29[%swap3A] {strides = array<i32>} : memref<100096xf32, #tpu.memory_space<vmem>>, vector<16xf32>,
      tpu.vector_store %arg29[%swap3A], %broadcast_in_dim3A_9 {strides = array<i32>} : memref<100096xf32, #tpu.memory_space<vmem>>, vector<16xf32>,
      %add3A_139 = arith.constant 16 : i32
      %add3A_140 = arith.addi %mul3A_137, %add3A_139 : i32
      %swap3A_141 = arith.index_cast %add3A_140 : i32 to index
      %swap3A_142 = tpu.vector_load %arg29[%swap3A_141] {strides = array<i32>} : memref<100096xf32, #tpu.memory_space<vmem>>, vector<16xf32>,
      tpu.vector_store %arg29[%swap3A_141], %broadcast_in_dim3A_9 {strides = array<i32>} : memref<100096xf32, #tpu.memory_space<vmem>>, vector<16xf32>,
      %add3A_143 = arith.constant 32 : i32
      %add3A_144 = arith.addi %mul3A_137, %add3A_143 : i32
      %swap3A_145 = arith.index_cast %add3A_144 : i32 to index
      %swap3A_146 = tpu.vector_load %arg29[%swap3A_145] {strides = array<i32>} : memref<100096xf32, #tpu.memory_space<vmem>>, vector<16xf32>,
      tpu.vector_store %arg29[%swap3A_145], %broadcast_in_dim3A_9 {strides = array<i32>} : memref<100096xf32, #tpu.memory_space<vmem>>, vector<16xf32>,
      %add3A_147 = arith.constant 48 : i32
      %add3A_148 = arith.addi %mul3A_137, %add3A_147 : i32
      %swap3A_149 = arith.index_cast %add3A_148 : i32 to index
      %swap3A_150 = tpu.vector_load %arg29[%swap3A_149] {strides = array<i32>} : memref<100096xf32, #tpu.memory_space<vmem>>, vector<16xf32>,
      tpu.vector_store %arg29[%swap3A_149], %broadcast_in_dim3A_9 {strides = array<i32>} : memref<100096xf32, #tpu.memory_space<vmem>>, vector<16xf32>,
    }
    %scan3A_14 = arith.constant 1564 : i32
    %iota3A = tpu.iota {dimensions = array<i32: 0>} : vector<16xi32>
    %broadcast_in_dim3A_15 = arith.constant 0 : i32
    %broadcast_in_dim3A_16 = vector.broadcast %broadcast_in_dim3A_15 : i32 to vector<16xi32>
    %broadcast_in_dim3A_17 = arith.constant 1 : i32
    %broadcast_in_dim3A_18 = vector.broadcast %broadcast_in_dim3A_17 : i32 to vector<16xi32>
    %broadcast_in_dim3A_19 = arith.constant 2 : i32
    %broadcast_in_dim3A_20 = vector.broadcast %broadcast_in_dim3A_19 : i32 to vector<16xi32>
    %broadcast_in_dim3A_21 = arith.constant 3 : i32
    %broadcast_in_dim3A_22 = vector.broadcast %broadcast_in_dim3A_21 : i32 to vector<16xi32>
    %broadcast_in_dim3A_23 = arith.constant 4 : i32
    %broadcast_in_dim3A_24 = vector.broadcast %broadcast_in_dim3A_23 : i32 to vector<16xi32>
    %add3A_25 = arith.constant 0 : i32
    %add3A_26 = arith.addi %add3A_8, %add3A_25 : i32
    %dma_start3A = arith.constant 0 : i32
    %dma_start3A_27 = tpu.memref_slice %arg3[%add3A_26, %dma_start3A] : memref<25000x128xi32, #tpu.memory_space<hbm>> -> memref<1x128xi32, #tpu.memory_space<hbm>>
    %dma_start3A_28 = tpu.memref_squeeze %dma_start3A_27 : memref<1x128xi32, #tpu.memory_space<hbm>> -> memref<128xi32, #tpu.memory_space<hbm>>
    %dma_start3A_29 = arith.constant 0 : i32
    %dma_start3A_30 = tpu.memref_slice %arg3[%add3A_26, %dma_start3A_29] : memref<25000x128xi32, #tpu.memory_space<hbm>> -> memref<1x128xi32, #tpu.memory_space<hbm>>
    %dma_start3A_31 = tpu.memref_squeeze %dma_start3A_30 : memref<1x128xi32, #tpu.memory_space<hbm>> -> memref<128xi32, #tpu.memory_space<hbm>>
    tpu.enqueue_dma source(%dma_start3A_31 : memref<128xi32, #tpu.memory_space<hbm>>) target(%arg5 : memref<128xi32, #tpu.memory_space<vmem>>) target_semaphore(%arg30 : memref<!tpu.dma_semaphore, #tpu.memory_space<semaphore_mem>>)
    %add3A_32 = arith.constant 12500 : i32
    %add3A_33 = arith.addi %add3A_32, %add3A_26 : i32
    %dma_start3A_34 = arith.constant 0 : i32
    %dma_start3A_35 = tpu.memref_slice %arg3[%add3A_33, %dma_start3A_34] : memref<25000x128xi32, #tpu.memory_space<hbm>> -> memref<1x128xi32, #tpu.memory_space<hbm>>
    %dma_start3A_36 = tpu.memref_squeeze %dma_start3A_35 : memref<1x128xi32, #tpu.memory_space<hbm>> -> memref<128xi32, #tpu.memory_space<hbm>>
    %dma_start3A_37 = arith.constant 0 : i32
    %dma_start3A_38 = tpu.memref_slice %arg3[%add3A_33, %dma_start3A_37] : memref<25000x128xi32, #tpu.memory_space<hbm>> -> memref<1x128xi32, #tpu.memory_space<hbm>>
    %dma_start3A_39 = tpu.memref_squeeze %dma_start3A_38 : memref<1x128xi32, #tpu.memory_space<hbm>> -> memref<128xi32, #tpu.memory_space<hbm>>
    tpu.enqueue_dma source(%dma_start3A_39 : memref<128xi32, #tpu.memory_space<hbm>>) target(%arg11 : memref<128xi32, #tpu.memory_space<vmem>>) target_semaphore(%arg30 : memref<!tpu.dma_semaphore, #tpu.memory_space<semaphore_mem>>)
    %add3A_40 = arith.constant 1 : i32
    %add3A_41 = arith.addi %add3A_8, %add3A_40 : i32
    %dma_start3A_42 = arith.constant 0 : i32
    %dma_start3A_43 = tpu.memref_slice %arg3[%add3A_41, %dma_start3A_42] : memref<25000x128xi32, #tpu.memory_space<hbm>> -> memref<1x128xi32, #tpu.memory_space<hbm>>
    %dma_start3A_44 = tpu.memref_squeeze %dma_start3A_43 : memref<1x128xi32, #tpu.memory_space<hbm>> -> memref<128xi32, #tpu.memory_space<hbm>>
    %dma_start3A_45 = arith.constant 0 : i32
    %dma_start3A_46 = tpu.memref_slice %arg3[%add3A_41, %dma_start3A_45] : memref<25000x128xi32, #tpu.memory_space<hbm>> -> memref<1x128xi32, #tpu.memory_space<hbm>>
    %dma_start3A_47 = tpu.memref_squeeze %dma_start3A_46 : memref<1x128xi32, #tpu.memory_space<hbm>> -> memref<128xi32, #tpu.memory_space<hbm>>
    tpu.enqueue_dma source(%dma_start3A_47 : memref<128xi32, #tpu.memory_space<hbm>>) target(%arg6 : memref<128xi32, #tpu.memory_space<vmem>>) target_semaphore(%arg31 : memref<!tpu.dma_semaphore, #tpu.memory_space<semaphore_mem>>)
    %add3A_48 = arith.constant 12500 : i32
    %add3A_49 = arith.addi %add3A_48, %add3A_41 : i32
    %dma_start3A_50 = arith.constant 0 : i32
    %dma_start3A_51 = tpu.memref_slice %arg3[%add3A_49, %dma_start3A_50] : memref<25000x128xi32, #tpu.memory_space<hbm>> -> memref<1x128xi32, #tpu.memory_space<hbm>>
    %dma_start3A_52 = tpu.memref_squeeze %dma_start3A_51 : memref<1x128xi32, #tpu.memory_space<hbm>> -> memref<128xi32, #tpu.memory_space<hbm>>
    %dma_start3A_53 = arith.constant 0 : i32
    %dma_start3A_54 = tpu.memref_slice %arg3[%add3A_49, %dma_start3A_53] : memref<25000x128xi32, #tpu.memory_space<hbm>> -> memref<1x128xi32, #tpu.memory_space<hbm>>
    %dma_start3A_55 = tpu.memref_squeeze %dma_start3A_54 : memref<1x128xi32, #tpu.memory_space<hbm>> -> memref<128xi32, #tpu.memory_space<hbm>>
    tpu.enqueue_dma source(%dma_start3A_55 : memref<128xi32, #tpu.memory_space<hbm>>) target(%arg12 : memref<128xi32, #tpu.memory_space<vmem>>) target_semaphore(%arg31 : memref<!tpu.dma_semaphore, #tpu.memory_space<semaphore_mem>>)
    %add3A_56 = arith.constant 2 : i32
    %add3A_57 = arith.addi %add3A_8, %add3A_56 : i32
    %dma_start3A_58 = arith.constant 0 : i32
    %dma_start3A_59 = tpu.memref_slice %arg3[%add3A_57, %dma_start3A_58] : memref<25000x128xi32, #tpu.memory_space<hbm>> -> memref<1x128xi32, #tpu.memory_space<hbm>>
    %dma_start3A_60 = tpu.memref_squeeze %dma_start3A_59 : memref<1x128xi32, #tpu.memory_space<hbm>> -> memref<128xi32, #tpu.memory_space<hbm>>
    %dma_start3A_61 = arith.constant 0 : i32
    %dma_start3A_62 = tpu.memref_slice %arg3[%add3A_57, %dma_start3A_61] : memref<25000x128xi32, #tpu.memory_space<hbm>> -> memref<1x128xi32, #tpu.memory_space<hbm>>
    %dma_start3A_63 = tpu.memref_squeeze %dma_start3A_62 : memref<1x128xi32, #tpu.memory_space<hbm>> -> memref<128xi32, #tpu.memory_space<hbm>>
    tpu.enqueue_dma source(%dma_start3A_63 : memref<128xi32, #tpu.memory_space<hbm>>) target(%arg7 : memref<128xi32, #tpu.memory_space<vmem>>) target_semaphore(%arg32 : memref<!tpu.dma_semaphore, #tpu.memory_space<semaphore_mem>>)
    %add3A_64 = arith.constant 12500 : i32
    %add3A_65 = arith.addi %add3A_64, %add3A_57 : i32
    %dma_start3A_66 = arith.constant 0 : i32
    %dma_start3A_67 = tpu.memref_slice %arg3[%add3A_65, %dma_start3A_66] : memref<25000x128xi32, #tpu.memory_space<hbm>> -> memref<1x128xi32, #tpu.memory_space<hbm>>
    %dma_start3A_68 = tpu.memref_squeeze %dma_start3A_67 : memref<1x128xi32, #tpu.memory_space<hbm>> -> memref<128xi32, #tpu.memory_space<hbm>>
    %dma_start3A_69 = arith.constant 0 : i32
    %dma_start3A_70 = tpu.memref_slice %arg3[%add3A_65, %dma_start3A_69] : memref<25000x128xi32, #tpu.memory_space<hbm>> -> memref<1x128xi32, #tpu.memory_space<hbm>>
    %dma_start3A_71 = tpu.memref_squeeze %dma_start3A_70 : memref<1x128xi32, #tpu.memory_space<hbm>> -> memref<128xi32, #tpu.memory_space<hbm>>
    tpu.enqueue_dma source(%dma_start3A_71 : memref<128xi32, #tpu.memory_space<hbm>>) target(%arg13 : memref<128xi32, #tpu.memory_space<vmem>>) target_semaphore(%arg32 : memref<!tpu.dma_semaphore, #tpu.memory_space<semaphore_mem>>)
    %add3A_72 = arith.constant 3 : i32
    %add3A_73 = arith.addi %add3A_8, %add3A_72 : i32
    %dma_start3A_74 = arith.constant 0 : i32
    %dma_start3A_75 = tpu.memref_slice %arg3[%add3A_73, %dma_start3A_74] : memref<25000x128xi32, #tpu.memory_space<hbm>> -> memref<1x128xi32, #tpu.memory_space<hbm>>
    %dma_start3A_76 = tpu.memref_squeeze %dma_start3A_75 : memref<1x128xi32, #tpu.memory_space<hbm>> -> memref<128xi32, #tpu.memory_space<hbm>>
    %dma_start3A_77 = arith.constant 0 : i32
    %dma_start3A_78 = tpu.memref_slice %arg3[%add3A_73, %dma_start3A_77] : memref<25000x128xi32, #tpu.memory_space<hbm>> -> memref<1x128xi32, #tpu.memory_space<hbm>>
    %dma_start3A_79 = tpu.memref_squeeze %dma_start3A_78 : memref<1x128xi32, #tpu.memory_space<hbm>> -> memref<128xi32, #tpu.memory_space<hbm>>
    tpu.enqueue_dma source(%dma_start3A_79 : memref<128xi32, #tpu.memory_space<hbm>>) target(%arg8 : memref<128xi32, #tpu.memory_space<vmem>>) target_semaphore(%arg33 : memref<!tpu.dma_semaphore, #tpu.memory_space<semaphore_mem>>)
    %add3A_80 = arith.constant 12500 : i32
    %add3A_81 = arith.addi %add3A_80, %add3A_73 : i32
    %dma_start3A_82 = arith.constant 0 : i32
    %dma_start3A_83 = tpu.memref_slice %arg3[%add3A_81, %dma_start3A_82] : memref<25000x128xi32, #tpu.memory_space<hbm>> -> memref<1x128xi32, #tpu.memory_space<hbm>>
    %dma_start3A_84 = tpu.memref_squeeze %dma_start3A_83 : memref<1x128xi32, #tpu.memory_space<hbm>> -> memref<128xi32, #tpu.memory_space<hbm>>
    %dma_start3A_85 = arith.constant 0 : i32
    %dma_start3A_86 = tpu.memref_slice %arg3[%add3A_81, %dma_start3A_85] : memref<25000x128xi32, #tpu.memory_space<hbm>> -> memref<1x128xi32, #tpu.memory_space<hbm>>
    %dma_start3A_87 = tpu.memref_squeeze %dma_start3A_86 : memref<1x128xi32, #tpu.memory_space<hbm>> -> memref<128xi32, #tpu.memory_space<hbm>>
    tpu.enqueue_dma source(%dma_start3A_87 : memref<128xi32, #tpu.memory_space<hbm>>) target(%arg14 : memref<128xi32, #tpu.memory_space<vmem>>) target_semaphore(%arg33 : memref<!tpu.dma_semaphore, #tpu.memory_space<semaphore_mem>>)
    %dma_wait3A = arith.constant 0 : i32
    %dma_wait3A_88 = arith.constant 0 : i32
    %dma_wait3A_89 = tpu.memref_slice %arg3[%dma_wait3A, %dma_wait3A_88] : memref<25000x128xi32, #tpu.memory_space<hbm>> -> memref<1x128xi32, #tpu.memory_space<hbm>>
    %dma_wait3A_90 = tpu.memref_squeeze %dma_wait3A_89 : memref<1x128xi32, #tpu.memory_space<hbm>> -> memref<128xi32, #tpu.memory_space<hbm>>
    %dma_wait3A_91 = arith.constant 0 : i32
    %dma_wait3A_92 = tpu.memref_slice %arg3[%dma_wait3A, %dma_wait3A_91] : memref<25000x128xi32, #tpu.memory_space<hbm>> -> memref<1x128xi32, #tpu.memory_space<hbm>>
    %dma_wait3A_93 = tpu.memref_squeeze %dma_wait3A_92 : memref<1x128xi32, #tpu.memory_space<hbm>> -> memref<128xi32, #tpu.memory_space<hbm>>
    tpu.wait_dma2 semaphore(%arg30 : memref<!tpu.dma_semaphore, #tpu.memory_space<semaphore_mem>>) src(%dma_wait3A_93 : memref<128xi32, #tpu.memory_space<hbm>>) dst(%arg5 : memref<128xi32, #tpu.memory_space<vmem>>)
    %dma_wait3A_94 = arith.constant 0 : i32
    %dma_wait3A_95 = arith.constant 0 : i32
    %dma_wait3A_96 = tpu.memref_slice %arg3[%dma_wait3A_94, %dma_wait3A_95] : memref<25000x128xi32, #tpu.memory_space<hbm>> -> memref<1x128xi32, #tpu.memory_space<hbm>>
    %dma_wait3A_97 = tpu.memref_squeeze %dma_wait3A_96 : memref<1x128xi32, #tpu.memory_space<hbm>> -> memref<128xi32, #tpu.memory_space<hbm>>
    %dma_wait3A_98 = arith.constant 0 : i32
    %dma_wait3A_99 = tpu.memref_slice %arg3[%dma_wait3A_94, %dma_wait3A_98] : memref<25000x128xi32, #tpu.memory_space<hbm>> -> memref<1x128xi32, #tpu.memory_space<hbm>>
    %dma_wait3A_100 = tpu.memref_squeeze %dma_wait3A_99 : memref<1x128xi32, #tpu.memory_space<hbm>> -> memref<128xi32, #tpu.memory_space<hbm>>
    tpu.wait_dma2 semaphore(%arg30 : memref<!tpu.dma_semaphore, #tpu.memory_space<semaphore_mem>>) src(%dma_wait3A_100 : memref<128xi32, #tpu.memory_space<hbm>>) dst(%arg11 : memref<128xi32, #tpu.memory_space<vmem>>)
    %dma_start3A_101 = arith.constant 0 : i32
    %dma_start3A_102 = arith.constant 0 : i32
    %dma_start3A_103 = tpu.memref_slice %arg2[%dma_start3A_101, %dma_start3A_102] : memref<100000x8xf32, #tpu.memory_space<hbm>> -> memref<100000x8xf32, #tpu.memory_space<hbm>>
    tpu.enqueue_indirect_dma source(%dma_start3A_103 : memref<100000x8xf32, #tpu.memory_space<hbm>>) target(%arg17 : memref<128x8xf32, #tpu.memory_space<vmem>>) offsets(%arg5 : memref<128xi32, #tpu.memory_space<vmem>>) semaphore(%arg36 : memref<!tpu.dma_semaphore, #tpu.memory_space<semaphore_mem>>)
    %dma_start3A_104 = arith.constant 0 : i32
    %dma_start3A_105 = arith.constant 0 : i32
    %dma_start3A_106 = tpu.memref_slice %arg2[%dma_start3A_104, %dma_start3A_105] : memref<100000x8xf32, #tpu.memory_space<hbm>> -> memref<100000x8xf32, #tpu.memory_space<hbm>>
    tpu.enqueue_indirect_dma source(%dma_start3A_106 : memref<100000x8xf32, #tpu.memory_space<hbm>>) target(%arg23 : memref<128x8xf32, #tpu.memory_space<vmem>>) offsets(%arg11 : memref<128xi32, #tpu.memory_space<vmem>>) semaphore(%arg36 : memref<!tpu.dma_semaphore, #tpu.memory_space<semaphore_mem>>)
    %dma_wait3A_107 = arith.constant 0 : i32
    %dma_wait3A_108 = arith.constant 0 : i32
    %dma_wait3A_109 = tpu.memref_slice %arg3[%dma_wait3A_107, %dma_wait3A_108] : memref<25000x128xi32, #tpu.memory_space<hbm>> -> memref<1x128xi32, #tpu.memory_space<hbm>>
    %dma_wait3A_110 = tpu.memref_squeeze %dma_wait3A_109 : memref<1x128xi32, #tpu.memory_space<hbm>> -> memref<128xi32, #tpu.memory_space<hbm>>
    %dma_wait3A_111 = arith.constant 0 : i32
    %dma_wait3A_112 = tpu.memref_slice %arg3[%dma_wait3A_107, %dma_wait3A_111] : memref<25000x128xi32, #tpu.memory_space<hbm>> -> memref<1x128xi32, #tpu.memory_space<hbm>>
    %dma_wait3A_113 = tpu.memref_squeeze %dma_wait3A_112 : memref<1x128xi32, #tpu.memory_space<hbm>> -> memref<128xi32, #tpu.memory_space<hbm>>
    tpu.wait_dma2 semaphore(%arg31 : memref<!tpu.dma_semaphore, #tpu.memory_space<semaphore_mem>>) src(%dma_wait3A_113 : memref<128xi32, #tpu.memory_space<hbm>>) dst(%arg6 : memref<128xi32, #tpu.memory_space<vmem>>)
    %dma_wait3A_114 = arith.constant 0 : i32
    %dma_wait3A_115 = arith.constant 0 : i32
    %dma_wait3A_116 = tpu.memref_slice %arg3[%dma_wait3A_114, %dma_wait3A_115] : memref<25000x128xi32, #tpu.memory_space<hbm>> -> memref<1x128xi32, #tpu.memory_space<hbm>>
    %dma_wait3A_117 = tpu.memref_squeeze %dma_wait3A_116 : memref<1x128xi32, #tpu.memory_space<hbm>> -> memref<128xi32, #tpu.memory_space<hbm>>
    %dma_wait3A_118 = arith.constant 0 : i32
    %dma_wait3A_119 = tpu.memref_slice %arg3[%dma_wait3A_114, %dma_wait3A_118] : memref<25000x128xi32, #tpu.memory_space<hbm>> -> memref<1x128xi32, #tpu.memory_space<hbm>>
    %dma_wait3A_120 = tpu.memref_squeeze %dma_wait3A_119 : memref<1x128xi32, #tpu.memory_space<hbm>> -> memref<128xi32, #tpu.memory_space<hbm>>
    tpu.wait_dma2 semaphore(%arg31 : memref<!tpu.dma_semaphore, #tpu.memory_space<semaphore_mem>>) src(%dma_wait3A_120 : memref<128xi32, #tpu.memory_space<hbm>>) dst(%arg12 : memref<128xi32, #tpu.memory_space<vmem>>)
    %dma_start3A_121 = arith.constant 0 : i32
    %dma_start3A_122 = arith.constant 0 : i32
    %dma_start3A_123 = tpu.memref_slice %arg2[%dma_start3A_121, %dma_start3A_122] : memref<100000x8xf32, #tpu.memory_space<hbm>> -> memref<100000x8xf32, #tpu.memory_space<hbm>>
    tpu.enqueue_indirect_dma source(%dma_start3A_123 : memref<100000x8xf32, #tpu.memory_space<hbm>>) target(%arg18 : memref<128x8xf32, #tpu.memory_space<vmem>>) offsets(%arg6 : memref<128xi32, #tpu.memory_space<vmem>>) semaphore(%arg37 : memref<!tpu.dma_semaphore, #tpu.memory_space<semaphore_mem>>)
    %dma_start3A_124 = arith.constant 0 : i32
    %dma_start3A_125 = arith.constant 0 : i32
    %dma_start3A_126 = tpu.memref_slice %arg2[%dma_start3A_124, %dma_start3A_125] : memref<100000x8xf32, #tpu.memory_space<hbm>> -> memref<100000x8xf32, #tpu.memory_space<hbm>>
    tpu.enqueue_indirect_dma source(%dma_start3A_126 : memref<100000x8xf32, #tpu.memory_space<hbm>>) target(%arg24 : memref<128x8xf32, #tpu.memory_space<vmem>>) offsets(%arg12 : memref<128xi32, #tpu.memory_space<vmem>>) semaphore(%arg37 : memref<!tpu.dma_semaphore, #tpu.memory_space<semaphore_mem>>)
    %scan3A_127 = arith.constant 0 : i32
    %scan3A_128 = arith.constant 0 : i32
    %scan3A_129 = arith.constant 66 : i32
    %scan3A_130 = arith.addi %scan3A_128, %scan3A_129 : i32
    %scan3A_131 = arith.constant 1 : i32
    scf.for %scan3A_133 = %scan3A_128 to %scan3A_130 step %scan3A_131  : i32 {
      %mul3A_134 = arith.constant 6 : i32
      %mul3A_135 = arith.muli %scan3A_133, %mul3A_134 : i32
      %add3A_136 = arith.constant 0 : i32
      %add3A_137 = arith.addi %mul3A_135, %add3A_136 : i32
      %add3A_138 = arith.constant 2 : i32
      %add3A_139 = arith.addi %add3A_137, %add3A_138 : i32
      %lt3A_140 = arith.cmpi slt, %add3A_139, %add3A_4 : i32
      %convert_element_type3A = arith.extui %lt3A_140 : i1 to i32
      %cond3A = arith.constant 0 : i32
      %cond3A_141 = arith.cmpi ne, %convert_element_type3A, %cond3A : i32
      scf.if %cond3A_141 {
        %dma_wait3A_252 = arith.constant 0 : i32
        %dma_wait3A_253 = arith.constant 0 : i32
        %dma_wait3A_254 = tpu.memref_slice %arg3[%dma_wait3A_252, %dma_wait3A_253] : memref<25000x128xi32, #tpu.memory_space<hbm>> -> memref<1x128xi32, #tpu.memory_space<hbm>>
        %dma_wait3A_255 = tpu.memref_squeeze %dma_wait3A_254 : memref<1x128xi32, #tpu.memory_space<hbm>> -> memref<128xi32, #tpu.memory_space<hbm>>
        %dma_wait3A_256 = arith.constant 0 : i32
        %dma_wait3A_257 = tpu.memref_slice %arg3[%dma_wait3A_252, %dma_wait3A_256] : memref<25000x128xi32, #tpu.memory_space<hbm>> -> memref<1x128xi32, #tpu.memory_space<hbm>>
        %dma_wait3A_258 = tpu.memref_squeeze %dma_wait3A_257 : memref<1x128xi32, #tpu.memory_space<hbm>> -> memref<128xi32, #tpu.memory_space<hbm>>
        tpu.wait_dma2 semaphore(%arg32 : memref<!tpu.dma_semaphore, #tpu.memory_space<semaphore_mem>>) src(%dma_wait3A_258 : memref<128xi32, #tpu.memory_space<hbm>>) dst(%arg7 : memref<128xi32, #tpu.memory_space<vmem>>)
        %dma_wait3A_259 = arith.constant 0 : i32
        %dma_wait3A_260 = arith.constant 0 : i32
        %dma_wait3A_261 = tpu.memref_slice %arg3[%dma_wait3A_259, %dma_wait3A_260] : memref<25000x128xi32, #tpu.memory_space<hbm>> -> memref<1x128xi32, #tpu.memory_space<hbm>>
        %dma_wait3A_262 = tpu.memref_squeeze %dma_wait3A_261 : memref<1x128xi32, #tpu.memory_space<hbm>> -> memref<128xi32, #tpu.memory_space<hbm>>
        %dma_wait3A_263 = arith.constant 0 : i32
        %dma_wait3A_264 = tpu.memref_slice %arg3[%dma_wait3A_259, %dma_wait3A_263] : memref<25000x128xi32, #tpu.memory_space<hbm>> -> memref<1x128xi32, #tpu.memory_space<hbm>>
        %dma_wait3A_265 = tpu.memref_squeeze %dma_wait3A_264 : memref<1x128xi32, #tpu.memory_space<hbm>> -> memref<128xi32, #tpu.memory_space<hbm>>
        tpu.wait_dma2 semaphore(%arg32 : memref<!tpu.dma_semaphore, #tpu.memory_space<semaphore_mem>>) src(%dma_wait3A_265 : memref<128xi32, #tpu.memory_space<hbm>>) dst(%arg13 : memref<128xi32, #tpu.memory_space<vmem>>)
        %dma_start3A_266 = arith.constant 0 : i32
        %dma_start3A_267 = arith.constant 0 : i32
        %dma_start3A_268 = tpu.memref_slice %arg2[%dma_start3A_266, %dma_start3A_267] : memref<100000x8xf32, #tpu.memory_space<hbm>> -> memref<100000x8xf32, #tpu.memory_space<hbm>>
        tpu.enqueue_indirect_dma source(%dma_start3A_268 : memref<100000x8xf32, #tpu.memory_space<hbm>>) target(%arg19 : memref<128x8xf32, #tpu.memory_space<vmem>>) offsets(%arg7 : memref<128xi32, #tpu.memory_space<vmem>>) semaphore(%arg38 : memref<!tpu.dma_semaphore, #tpu.memory_space<semaphore_mem>>)
        %dma_start3A_269 = arith.constant 0 : i32
        %dma_start3A_270 = arith.constant 0 : i32
        %dma_start3A_271 = tpu.memref_slice %arg2[%dma_start3A_269, %dma_start3A_270] : memref<100000x8xf32, #tpu.memory_space<hbm>> -> memref<100000x8xf32, #tpu.memory_space<hbm>>
        tpu.enqueue_indirect_dma source(%dma_start3A_271 : memref<100000x8xf32, #tpu.memory_space<hbm>>) target(%arg25 : memref<128x8xf32, #tpu.memory_space<vmem>>) offsets(%arg13 : memref<128xi32, #tpu.memory_space<vmem>>) semaphore(%arg38 : memref<!tpu.dma_semaphore, #tpu.memory_space<semaphore_mem>>)
      } else {
      }
      %add3A_142 = arith.constant 4 : i32
      %add3A_143 = arith.addi %add3A_137, %add3A_142 : i32
      %lt3A_144 = arith.cmpi slt, %add3A_143, %add3A_4 : i32
      %convert_element_type3A_145 = arith.extui %lt3A_144 : i1 to i32
      %cond3A_146 = arith.constant 0 : i32
      %cond3A_147 = arith.cmpi ne, %convert_element_type3A_145, %cond3A_146 : i32
      scf.if %cond3A_147 {
        %add3A_252 = arith.constant 4 : i32
        %add3A_253 = arith.addi %add3A_137, %add3A_252 : i32
        %add3A_254 = arith.addi %add3A_8, %add3A_253 : i32
        %dma_start3A_255 = arith.constant 0 : i32
        %dma_start3A_256 = tpu.memref_slice %arg3[%add3A_254, %dma_start3A_255] : memref<25000x128xi32, #tpu.memory_space<hbm>> -> memref<1x128xi32, #tpu.memory_space<hbm>>
        %dma_start3A_257 = tpu.memref_squeeze %dma_start3A_256 : memref<1x128xi32, #tpu.memory_space<hbm>> -> memref<128xi32, #tpu.memory_space<hbm>>
        %dma_start3A_258 = arith.constant 0 : i32
        %dma_start3A_259 = tpu.memref_slice %arg3[%add3A_254, %dma_start3A_258] : memref<25000x128xi32, #tpu.memory_space<hbm>> -> memref<1x128xi32, #tpu.memory_space<hbm>>
        %dma_start3A_260 = tpu.memref_squeeze %dma_start3A_259 : memref<1x128xi32, #tpu.memory_space<hbm>> -> memref<128xi32, #tpu.memory_space<hbm>>
        tpu.enqueue_dma source(%dma_start3A_260 : memref<128xi32, #tpu.memory_space<hbm>>) target(%arg9 : memref<128xi32, #tpu.memory_space<vmem>>) target_semaphore(%arg34 : memref<!tpu.dma_semaphore, #tpu.memory_space<semaphore_mem>>)
        %add3A_261 = arith.constant 12500 : i32
        %add3A_262 = arith.addi %add3A_261, %add3A_254 : i32
        %dma_start3A_263 = arith.constant 0 : i32
        %dma_start3A_264 = tpu.memref_slice %arg3[%add3A_262, %dma_start3A_263] : memref<25000x128xi32, #tpu.memory_space<hbm>> -> memref<1x128xi32, #tpu.memory_space<hbm>>
        %dma_start3A_265 = tpu.memref_squeeze %dma_start3A_264 : memref<1x128xi32, #tpu.memory_space<hbm>> -> memref<128xi32, #tpu.memory_space<hbm>>
        %dma_start3A_266 = arith.constant 0 : i32
        %dma_start3A_267 = tpu.memref_slice %arg3[%add3A_262, %dma_start3A_266] : memref<25000x128xi32, #tpu.memory_space<hbm>> -> memref<1x128xi32, #tpu.memory_space<hbm>>
        %dma_start3A_268 = tpu.memref_squeeze %dma_start3A_267 : memref<1x128xi32, #tpu.memory_space<hbm>> -> memref<128xi32, #tpu.memory_space<hbm>>
        tpu.enqueue_dma source(%dma_start3A_268 : memref<128xi32, #tpu.memory_space<hbm>>) target(%arg15 : memref<128xi32, #tpu.memory_space<vmem>>) target_semaphore(%arg34 : memref<!tpu.dma_semaphore, #tpu.memory_space<semaphore_mem>>)
      } else {
      }
      %lt3A_148 = arith.cmpi slt, %add3A_137, %add3A_4 : i32
      %convert_element_type3A_149 = arith.extui %lt3A_148 : i1 to i32
      %cond3A_150 = arith.constant 0 : i32
      %cond3A_151 = arith.cmpi ne, %convert_element_type3A_149, %cond3A_150 : i32
      scf.if %cond3A_151 {
        %dma_wait3A_252 = arith.constant 0 : i32
        %dma_wait3A_253 = arith.constant 0 : i32
        %dma_wait3A_254 = tpu.memref_slice %arg2[%dma_wait3A_252, %dma_wait3A_253] : memref<100000x8xf32, #tpu.memory_space<hbm>> -> memref<100000x8xf32, #tpu.memory_space<hbm>>
        tpu.wait_indirect_dma semaphore(%arg36 : memref<!tpu.dma_semaphore, #tpu.memory_space<semaphore_mem>>) src(%dma_wait3A_254 : memref<100000x8xf32, #tpu.memory_space<hbm>>) dst(%arg17 : memref<128x8xf32, #tpu.memory_space<vmem>>)
        %dma_wait3A_255 = arith.constant 0 : i32
        %dma_wait3A_256 = arith.constant 0 : i32
        %dma_wait3A_257 = tpu.memref_slice %arg2[%dma_wait3A_255, %dma_wait3A_256] : memref<100000x8xf32, #tpu.memory_space<hbm>> -> memref<100000x8xf32, #tpu.memory_space<hbm>>
        tpu.wait_indirect_dma semaphore(%arg36 : memref<!tpu.dma_semaphore, #tpu.memory_space<semaphore_mem>>) src(%dma_wait3A_257 : memref<100000x8xf32, #tpu.memory_space<hbm>>) dst(%arg23 : memref<128x8xf32, #tpu.memory_space<vmem>>)
        %add3A_258 = arith.constant 0 : i32
        %add3A_259 = vector.broadcast %add3A_258 : i32 to vector<16xi32>
        %add3A_260 = arith.addi %iota3A, %add3A_259 : vector<16xi32>
        %gather3A = tpu.vector_load_idx %arg17[%add3A_260, %broadcast_in_dim3A_16] : memref<128x8xf32, #tpu.memory_space<vmem>>[vector<16xi32>, vector<16xi32>], vector<16xf32>,
        %gather3A_261 = tpu.vector_load_idx %arg17[%add3A_260, %broadcast_in_dim3A_18] : memref<128x8xf32, #tpu.memory_space<vmem>>[vector<16xi32>, vector<16xi32>], vector<16xf32>,
        %gather3A_262 = tpu.vector_load_idx %arg17[%add3A_260, %broadcast_in_dim3A_20] : memref<128x8xf32, #tpu.memory_space<vmem>>[vector<16xi32>, vector<16xi32>], vector<16xf32>,
        %gather3A_263 = tpu.vector_load_idx %arg17[%add3A_260, %broadcast_in_dim3A_22] : memref<128x8xf32, #tpu.memory_space<vmem>>[vector<16xi32>, vector<16xi32>], vector<16xf32>,
        %gather3A_264 = tpu.vector_load_idx %arg17[%add3A_260, %broadcast_in_dim3A_24] : memref<128x8xf32, #tpu.memory_space<vmem>>[vector<16xi32>, vector<16xi32>], vector<16xf32>,
        %gather3A_265 = tpu.vector_load_idx %arg23[%add3A_260, %broadcast_in_dim3A_16] : memref<128x8xf32, #tpu.memory_space<vmem>>[vector<16xi32>, vector<16xi32>], vector<16xf32>,
        %gather3A_266 = tpu.vector_load_idx %arg23[%add3A_260, %broadcast_in_dim3A_18] : memref<128x8xf32, #tpu.memory_space<vmem>>[vector<16xi32>, vector<16xi32>], vector<16xf32>,
        %sub3A = arith.subf %gather3A_265, %gather3A : vector<16xf32>
        %sub3A_267 = arith.subf %gather3A_266, %gather3A_261 : vector<16xf32>
        %mul3A_268 = arith.mulf %sub3A, %sub3A : vector<16xf32>
        %mul3A_269 = arith.mulf %sub3A_267, %sub3A_267 : vector<16xf32>
        %add3A_270 = arith.addf %mul3A_268, %mul3A_269 : vector<16xf32>
        %mul3A_271 = arith.mulf %gather3A_262, %sub3A : vector<16xf32>
        %mul3A_272 = arith.mulf %gather3A_263, %sub3A_267 : vector<16xf32>
        %add3A_273 = arith.addf %mul3A_271, %mul3A_272 : vector<16xf32>
        %max3A = arith.constant 0.000000e+00 : f32
        %max3A_274 = vector.broadcast %max3A : f32 to vector<16xf32>
        %max3A_275 = arith.maximumf %add3A_273, %max3A_274 : vector<16xf32>
        %bitcast3A = vector.bitcast %add3A_270 : vector<16xf32> to vector<16xi32>
        %shift_right_arithmetic3A = arith.constant 1 : i32
        %shift_right_arithmetic3A_276 = vector.broadcast %shift_right_arithmetic3A : i32 to vector<16xi32>
        %shift_right_arithmetic3A_277 = arith.shrsi %bitcast3A, %shift_right_arithmetic3A_276 : vector<16xi32>
        %add3A_278 = arith.constant 532487669 : i32
        %add3A_279 = vector.broadcast %add3A_278 : i32 to vector<16xi32>
        %add3A_280 = arith.addi %shift_right_arithmetic3A_277, %add3A_279 : vector<16xi32>
        %bitcast3A_281 = vector.bitcast %add3A_280 : vector<16xi32> to vector<16xf32>
        %div3A = arith.divf %add3A_270, %bitcast3A_281 : vector<16xf32>
        %add3A_282 = arith.addf %bitcast3A_281, %div3A : vector<16xf32>
        %mul3A_283 = arith.constant 5.000000e-01 : f32
        %mul3A_284 = vector.broadcast %mul3A_283 : f32 to vector<16xf32>
        %mul3A_285 = arith.mulf %mul3A_284, %add3A_282 : vector<16xf32>
        %div3A_286 = arith.divf %add3A_270, %mul3A_285 : vector<16xf32>
        %add3A_287 = arith.addf %mul3A_285, %div3A_286 : vector<16xf32>
        %mul3A_288 = arith.constant 5.000000e-01 : f32
        %mul3A_289 = vector.broadcast %mul3A_288 : f32 to vector<16xf32>
        %mul3A_290 = arith.mulf %mul3A_289, %add3A_287 : vector<16xf32>
        %div3A_291 = arith.divf %add3A_270, %mul3A_290 : vector<16xf32>
        %add3A_292 = arith.addf %mul3A_290, %div3A_291 : vector<16xf32>
        %mul3A_293 = arith.constant 5.000000e-01 : f32
        %mul3A_294 = vector.broadcast %mul3A_293 : f32 to vector<16xf32>
        %mul3A_295 = arith.mulf %mul3A_294, %add3A_292 : vector<16xf32>
        %add3A_296 = arith.constant 9.99999997E-7 : f32
        %add3A_297 = vector.broadcast %add3A_296 : f32 to vector<16xf32>
        %add3A_298 = arith.addf %mul3A_295, %add3A_297 : vector<16xf32>
        %mul3A_299 = arith.mulf %add3A_298, %add3A_298 : vector<16xf32>
        %div3A_300 = arith.divf %max3A_275, %mul3A_299 : vector<16xf32>
        %mul3A_301 = arith.mulf %div3A_300, %gather3A_264 : vector<16xf32>
        %get3A = arith.constant 0 : index
        %get3A_302 = tpu.vector_load %arg11[%get3A] {strides = array<i32>} : memref<128xi32, #tpu.memory_space<vmem>>, vector<16xi32>,
        %get3A_303 = arith.constant 0 : index
        %get3A_304 = tpu.vector_load %arg5[%get3A_303] {strides = array<i32>} : memref<128xi32, #tpu.memory_space<vmem>>, vector<16xi32>,
        tpu.vector_store_idx %arg29[%get3A_302], %mul3A_301 {add = true} : memref<100096xf32, #tpu.memory_space<vmem>>[vector<16xi32>], vector<16xf32>,
        %neg3A = arith.constant 0.000000e+00 : f32
        %neg3A_305 = vector.broadcast %neg3A : f32 to vector<16xf32>
        %neg3A_306 = arith.subf %neg3A_305, %mul3A_301 : vector<16xf32>
        tpu.vector_store_idx %arg29[%get3A_304], %neg3A_306 {add = true} : memref<100096xf32, #tpu.memory_space<vmem>>[vector<16xi32>], vector<16xf32>,
        %add3A_307 = arith.constant 16 : i32
        %add3A_308 = vector.broadcast %add3A_307 : i32 to vector<16xi32>
        %add3A_309 = arith.addi %iota3A, %add3A_308 : vector<16xi32>
        %gather3A_310 = tpu.vector_load_idx %arg17[%add3A_309, %broadcast_in_dim3A_16] : memref<128x8xf32, #tpu.memory_space<vmem>>[vector<16xi32>, vector<16xi32>], vector<16xf32>,
        %gather3A_311 = tpu.vector_load_idx %arg17[%add3A_309, %broadcast_in_dim3A_18] : memref<128x8xf32, #tpu.memory_space<vmem>>[vector<16xi32>, vector<16xi32>], vector<16xf32>,
        %gather3A_312 = tpu.vector_load_idx %arg17[%add3A_309, %broadcast_in_dim3A_20] : memref<128x8xf32, #tpu.memory_space<vmem>>[vector<16xi32>, vector<16xi32>], vector<16xf32>,
        %gather3A_313 = tpu.vector_load_idx %arg17[%add3A_309, %broadcast_in_dim3A_22] : memref<128x8xf32, #tpu.memory_space<vmem>>[vector<16xi32>, vector<16xi32>], vector<16xf32>,
        %gather3A_314 = tpu.vector_load_idx %arg17[%add3A_309, %broadcast_in_dim3A_24] : memref<128x8xf32, #tpu.memory_space<vmem>>[vector<16xi32>, vector<16xi32>], vector<16xf32>,
        %gather3A_315 = tpu.vector_load_idx %arg23[%add3A_309, %broadcast_in_dim3A_16] : memref<128x8xf32, #tpu.memory_space<vmem>>[vector<16xi32>, vector<16xi32>], vector<16xf32>,
        %gather3A_316 = tpu.vector_load_idx %arg23[%add3A_309, %broadcast_in_dim3A_18] : memref<128x8xf32, #tpu.memory_space<vmem>>[vector<16xi32>, vector<16xi32>], vector<16xf32>,
        %sub3A_317 = arith.subf %gather3A_315, %gather3A_310 : vector<16xf32>
        %sub3A_318 = arith.subf %gather3A_316, %gather3A_311 : vector<16xf32>
        %mul3A_319 = arith.mulf %sub3A_317, %sub3A_317 : vector<16xf32>
        %mul3A_320 = arith.mulf %sub3A_318, %sub3A_318 : vector<16xf32>
        %add3A_321 = arith.addf %mul3A_319, %mul3A_320 : vector<16xf32>
        %mul3A_322 = arith.mulf %gather3A_312, %sub3A_317 : vector<16xf32>
        %mul3A_323 = arith.mulf %gather3A_313, %sub3A_318 : vector<16xf32>
        %add3A_324 = arith.addf %mul3A_322, %mul3A_323 : vector<16xf32>
        %max3A_325 = arith.constant 0.000000e+00 : f32
        %max3A_326 = vector.broadcast %max3A_325 : f32 to vector<16xf32>
        %max3A_327 = arith.maximumf %add3A_324, %max3A_326 : vector<16xf32>
        %bitcast3A_328 = vector.bitcast %add3A_321 : vector<16xf32> to vector<16xi32>
        %shift_right_arithmetic3A_329 = arith.constant 1 : i32
        %shift_right_arithmetic3A_330 = vector.broadcast %shift_right_arithmetic3A_329 : i32 to vector<16xi32>
        %shift_right_arithmetic3A_331 = arith.shrsi %bitcast3A_328, %shift_right_arithmetic3A_330 : vector<16xi32>
        %add3A_332 = arith.constant 532487669 : i32
        %add3A_333 = vector.broadcast %add3A_332 : i32 to vector<16xi32>
        %add3A_334 = arith.addi %shift_right_arithmetic3A_331, %add3A_333 : vector<16xi32>
        %bitcast3A_335 = vector.bitcast %add3A_334 : vector<16xi32> to vector<16xf32>
        %div3A_336 = arith.divf %add3A_321, %bitcast3A_335 : vector<16xf32>
        %add3A_337 = arith.addf %bitcast3A_335, %div3A_336 : vector<16xf32>
        %mul3A_338 = arith.constant 5.000000e-01 : f32
        %mul3A_339 = vector.broadcast %mul3A_338 : f32 to vector<16xf32>
        %mul3A_340 = arith.mulf %mul3A_339, %add3A_337 : vector<16xf32>
        %div3A_341 = arith.divf %add3A_321, %mul3A_340 : vector<16xf32>
        %add3A_342 = arith.addf %mul3A_340, %div3A_341 : vector<16xf32>
        %mul3A_343 = arith.constant 5.000000e-01 : f32
        %mul3A_344 = vector.broadcast %mul3A_343 : f32 to vector<16xf32>
        %mul3A_345 = arith.mulf %mul3A_344, %add3A_342 : vector<16xf32>
        %div3A_346 = arith.divf %add3A_321, %mul3A_345 : vector<16xf32>
        %add3A_347 = arith.addf %mul3A_345, %div3A_346 : vector<16xf32>
        %mul3A_348 = arith.constant 5.000000e-01 : f32
        %mul3A_349 = vector.broadcast %mul3A_348 : f32 to vector<16xf32>
        %mul3A_350 = arith.mulf %mul3A_349, %add3A_347 : vector<16xf32>
        %add3A_351 = arith.constant 9.99999997E-7 : f32
        %add3A_352 = vector.broadcast %add3A_351 : f32 to vector<16xf32>
        %add3A_353 = arith.addf %mul3A_350, %add3A_352 : vector<16xf32>
        %mul3A_354 = arith.mulf %add3A_353, %add3A_353 : vector<16xf32>
        %div3A_355 = arith.divf %max3A_327, %mul3A_354 : vector<16xf32>
        %mul3A_356 = arith.mulf %div3A_355, %gather3A_314 : vector<16xf32>
        %get3A_357 = arith.constant 16 : index
        %get3A_358 = tpu.vector_load %arg11[%get3A_357] {strides = array<i32>} : memref<128xi32, #tpu.memory_space<vmem>>, vector<16xi32>,
        %get3A_359 = arith.constant 16 : index
        %get3A_360 = tpu.vector_load %arg5[%get3A_359] {strides = array<i32>} : memref<128xi32, #tpu.memory_space<vmem>>, vector<16xi32>,
        tpu.vector_store_idx %arg29[%get3A_358], %mul3A_356 {add = true} : memref<100096xf32, #tpu.memory_space<vmem>>[vector<16xi32>], vector<16xf32>,
        %neg3A_361 = arith.constant 0.000000e+00 : f32
        %neg3A_362 = vector.broadcast %neg3A_361 : f32 to vector<16xf32>
        %neg3A_363 = arith.subf %neg3A_362, %mul3A_356 : vector<16xf32>
        tpu.vector_store_idx %arg29[%get3A_360], %neg3A_363 {add = true} : memref<100096xf32, #tpu.memory_space<vmem>>[vector<16xi32>], vector<16xf32>,
        %add3A_364 = arith.constant 32 : i32
        %add3A_365 = vector.broadcast %add3A_364 : i32 to vector<16xi32>
        %add3A_366 = arith.addi %iota3A, %add3A_365 : vector<16xi32>
        %gather3A_367 = tpu.vector_load_idx %arg17[%add3A_366, %broadcast_in_dim3A_16] : memref<128x8xf32, #tpu.memory_space<vmem>>[vector<16xi32>, vector<16xi32>], vector<16xf32>,
        %gather3A_368 = tpu.vector_load_idx %arg17[%add3A_366, %broadcast_in_dim3A_18] : memref<128x8xf32, #tpu.memory_space<vmem>>[vector<16xi32>, vector<16xi32>], vector<16xf32>,
        %gather3A_369 = tpu.vector_load_idx %arg17[%add3A_366, %broadcast_in_dim3A_20] : memref<128x8xf32, #tpu.memory_space<vmem>>[vector<16xi32>, vector<16xi32>], vector<16xf32>,
        %gather3A_370 = tpu.vector_load_idx %arg17[%add3A_366, %broadcast_in_dim3A_22] : memref<128x8xf32, #tpu.memory_space<vmem>>[vector<16xi32>, vector<16xi32>], vector<16xf32>,
        %gather3A_371 = tpu.vector_load_idx %arg17[%add3A_366, %broadcast_in_dim3A_24] : memref<128x8xf32, #tpu.memory_space<vmem>>[vector<16xi32>, vector<16xi32>], vector<16xf32>,
        %gather3A_372 = tpu.vector_load_idx %arg23[%add3A_366, %broadcast_in_dim3A_16] : memref<128x8xf32, #tpu.memory_space<vmem>>[vector<16xi32>, vector<16xi32>], vector<16xf32>,
        %gather3A_373 = tpu.vector_load_idx %arg23[%add3A_366, %broadcast_in_dim3A_18] : memref<128x8xf32, #tpu.memory_space<vmem>>[vector<16xi32>, vector<16xi32>], vector<16xf32>,
        %sub3A_374 = arith.subf %gather3A_372, %gather3A_367 : vector<16xf32>
        %sub3A_375 = arith.subf %gather3A_373, %gather3A_368 : vector<16xf32>
        %mul3A_376 = arith.mulf %sub3A_374, %sub3A_374 : vector<16xf32>
        %mul3A_377 = arith.mulf %sub3A_375, %sub3A_375 : vector<16xf32>
        %add3A_378 = arith.addf %mul3A_376, %mul3A_377 : vector<16xf32>
        %mul3A_379 = arith.mulf %gather3A_369, %sub3A_374 : vector<16xf32>
        %mul3A_380 = arith.mulf %gather3A_370, %sub3A_375 : vector<16xf32>
        %add3A_381 = arith.addf %mul3A_379, %mul3A_380 : vector<16xf32>
        %max3A_382 = arith.constant 0.000000e+00 : f32
        %max3A_383 = vector.broadcast %max3A_382 : f32 to vector<16xf32>
        %max3A_384 = arith.maximumf %add3A_381, %max3A_383 : vector<16xf32>
        %bitcast3A_385 = vector.bitcast %add3A_378 : vector<16xf32> to vector<16xi32>
        %shift_right_arithmetic3A_386 = arith.constant 1 : i32
        %shift_right_arithmetic3A_387 = vector.broadcast %shift_right_arithmetic3A_386 : i32 to vector<16xi32>
        %shift_right_arithmetic3A_388 = arith.shrsi %bitcast3A_385, %shift_right_arithmetic3A_387 : vector<16xi32>
        %add3A_389 = arith.constant 532487669 : i32
        %add3A_390 = vector.broadcast %add3A_389 : i32 to vector<16xi32>
        %add3A_391 = arith.addi %shift_right_arithmetic3A_388, %add3A_390 : vector<16xi32>
        %bitcast3A_392 = vector.bitcast %add3A_391 : vector<16xi32> to vector<16xf32>
        %div3A_393 = arith.divf %add3A_378, %bitcast3A_392 : vector<16xf32>
        %add3A_394 = arith.addf %bitcast3A_392, %div3A_393 : vector<16xf32>
        %mul3A_395 = arith.constant 5.000000e-01 : f32
        %mul3A_396 = vector.broadcast %mul3A_395 : f32 to vector<16xf32>
        %mul3A_397 = arith.mulf %mul3A_396, %add3A_394 : vector<16xf32>
        %div3A_398 = arith.divf %add3A_378, %mul3A_397 : vector<16xf32>
        %add3A_399 = arith.addf %mul3A_397, %div3A_398 : vector<16xf32>
        %mul3A_400 = arith.constant 5.000000e-01 : f32
        %mul3A_401 = vector.broadcast %mul3A_400 : f32 to vector<16xf32>
        %mul3A_402 = arith.mulf %mul3A_401, %add3A_399 : vector<16xf32>
        %div3A_403 = arith.divf %add3A_378, %mul3A_402 : vector<16xf32>
        %add3A_404 = arith.addf %mul3A_402, %div3A_403 : vector<16xf32>
        %mul3A_405 = arith.constant 5.000000e-01 : f32
        %mul3A_406 = vector.broadcast %mul3A_405 : f32 to vector<16xf32>
        %mul3A_407 = arith.mulf %mul3A_406, %add3A_404 : vector<16xf32>
        %add3A_408 = arith.constant 9.99999997E-7 : f32
        %add3A_409 = vector.broadcast %add3A_408 : f32 to vector<16xf32>
        %add3A_410 = arith.addf %mul3A_407, %add3A_409 : vector<16xf32>
        %mul3A_411 = arith.mulf %add3A_410, %add3A_410 : vector<16xf32>
        %div3A_412 = arith.divf %max3A_384, %mul3A_411 : vector<16xf32>
        %mul3A_413 = arith.mulf %div3A_412, %gather3A_371 : vector<16xf32>
        %get3A_414 = arith.constant 32 : index
        %get3A_415 = tpu.vector_load %arg11[%get3A_414] {strides = array<i32>} : memref<128xi32, #tpu.memory_space<vmem>>, vector<16xi32>,
        %get3A_416 = arith.constant 32 : index
        %get3A_417 = tpu.vector_load %arg5[%get3A_416] {strides = array<i32>} : memref<128xi32, #tpu.memory_space<vmem>>, vector<16xi32>,
        tpu.vector_store_idx %arg29[%get3A_415], %mul3A_413 {add = true} : memref<100096xf32, #tpu.memory_space<vmem>>[vector<16xi32>], vector<16xf32>,
        %neg3A_418 = arith.constant 0.000000e+00 : f32
        %neg3A_419 = vector.broadcast %neg3A_418 : f32 to vector<16xf32>
        %neg3A_420 = arith.subf %neg3A_419, %mul3A_413 : vector<16xf32>
        tpu.vector_store_idx %arg29[%get3A_417], %neg3A_420 {add = true} : memref<100096xf32, #tpu.memory_space<vmem>>[vector<16xi32>], vector<16xf32>,
        %add3A_421 = arith.constant 48 : i32
        %add3A_422 = vector.broadcast %add3A_421 : i32 to vector<16xi32>
        %add3A_423 = arith.addi %iota3A, %add3A_422 : vector<16xi32>
        %gather3A_424 = tpu.vector_load_idx %arg17[%add3A_423, %broadcast_in_dim3A_16] : memref<128x8xf32, #tpu.memory_space<vmem>>[vector<16xi32>, vector<16xi32>], vector<16xf32>,
        %gather3A_425 = tpu.vector_load_idx %arg17[%add3A_423, %broadcast_in_dim3A_18] : memref<128x8xf32, #tpu.memory_space<vmem>>[vector<16xi32>, vector<16xi32>], vector<16xf32>,
        %gather3A_426 = tpu.vector_load_idx %arg17[%add3A_423, %broadcast_in_dim3A_20] : memref<128x8xf32, #tpu.memory_space<vmem>>[vector<16xi32>, vector<16xi32>], vector<16xf32>,
        %gather3A_427 = tpu.vector_load_idx %arg17[%add3A_423, %broadcast_in_dim3A_22] : memref<128x8xf32, #tpu.memory_space<vmem>>[vector<16xi32>, vector<16xi32>], vector<16xf32>,
        %gather3A_428 = tpu.vector_load_idx %arg17[%add3A_423, %broadcast_in_dim3A_24] : memref<128x8xf32, #tpu.memory_space<vmem>>[vector<16xi32>, vector<16xi32>], vector<16xf32>,
        %gather3A_429 = tpu.vector_load_idx %arg23[%add3A_423, %broadcast_in_dim3A_16] : memref<128x8xf32, #tpu.memory_space<vmem>>[vector<16xi32>, vector<16xi32>], vector<16xf32>,
        %gather3A_430 = tpu.vector_load_idx %arg23[%add3A_423, %broadcast_in_dim3A_18] : memref<128x8xf32, #tpu.memory_space<vmem>>[vector<16xi32>, vector<16xi32>], vector<16xf32>,
        %sub3A_431 = arith.subf %gather3A_429, %gather3A_424 : vector<16xf32>
        %sub3A_432 = arith.subf %gather3A_430, %gather3A_425 : vector<16xf32>
        %mul3A_433 = arith.mulf %sub3A_431, %sub3A_431 : vector<16xf32>
        %mul3A_434 = arith.mulf %sub3A_432, %sub3A_432 : vector<16xf32>
        %add3A_435 = arith.addf %mul3A_433, %mul3A_434 : vector<16xf32>
        %mul3A_436 = arith.mulf %gather3A_426, %sub3A_431 : vector<16xf32>
        %mul3A_437 = arith.mulf %gather3A_427, %sub3A_432 : vector<16xf32>
        %add3A_438 = arith.addf %mul3A_436, %mul3A_437 : vector<16xf32>
        %max3A_439 = arith.constant 0.000000e+00 : f32
        %max3A_440 = vector.broadcast %max3A_439 : f32 to vector<16xf32>
        %max3A_441 = arith.maximumf %add3A_438, %max3A_440 : vector<16xf32>
        %bitcast3A_442 = vector.bitcast %add3A_435 : vector<16xf32> to vector<16xi32>
        %shift_right_arithmetic3A_443 = arith.constant 1 : i32
        %shift_right_arithmetic3A_444 = vector.broadcast %shift_right_arithmetic3A_443 : i32 to vector<16xi32>
        %shift_right_arithmetic3A_445 = arith.shrsi %bitcast3A_442, %shift_right_arithmetic3A_444 : vector<16xi32>
        %add3A_446 = arith.constant 532487669 : i32
        %add3A_447 = vector.broadcast %add3A_446 : i32 to vector<16xi32>
        %add3A_448 = arith.addi %shift_right_arithmetic3A_445, %add3A_447 : vector<16xi32>
        %bitcast3A_449 = vector.bitcast %add3A_448 : vector<16xi32> to vector<16xf32>
        %div3A_450 = arith.divf %add3A_435, %bitcast3A_449 : vector<16xf32>
        %add3A_451 = arith.addf %bitcast3A_449, %div3A_450 : vector<16xf32>
        %mul3A_452 = arith.constant 5.000000e-01 : f32
        %mul3A_453 = vector.broadcast %mul3A_452 : f32 to vector<16xf32>
        %mul3A_454 = arith.mulf %mul3A_453, %add3A_451 : vector<16xf32>
        %div3A_455 = arith.divf %add3A_435, %mul3A_454 : vector<16xf32>
        %add3A_456 = arith.addf %mul3A_454, %div3A_455 : vector<16xf32>
        %mul3A_457 = arith.constant 5.000000e-01 : f32
        %mul3A_458 = vector.broadcast %mul3A_457 : f32 to vector<16xf32>
        %mul3A_459 = arith.mulf %mul3A_458, %add3A_456 : vector<16xf32>
        %div3A_460 = arith.divf %add3A_435, %mul3A_459 : vector<16xf32>
        %add3A_461 = arith.addf %mul3A_459, %div3A_460 : vector<16xf32>
        %mul3A_462 = arith.constant 5.000000e-01 : f32
        %mul3A_463 = vector.broadcast %mul3A_462 : f32 to vector<16xf32>
        %mul3A_464 = arith.mulf %mul3A_463, %add3A_461 : vector<16xf32>
        %add3A_465 = arith.constant 9.99999997E-7 : f32
        %add3A_466 = vector.broadcast %add3A_465 : f32 to vector<16xf32>
        %add3A_467 = arith.addf %mul3A_464, %add3A_466 : vector<16xf32>
        %mul3A_468 = arith.mulf %add3A_467, %add3A_467 : vector<16xf32>
        %div3A_469 = arith.divf %max3A_441, %mul3A_468 : vector<16xf32>
        %mul3A_470 = arith.mulf %div3A_469, %gather3A_428 : vector<16xf32>
        %get3A_471 = arith.constant 48 : index
        %get3A_472 = tpu.vector_load %arg11[%get3A_471] {strides = array<i32>} : memref<128xi32, #tpu.memory_space<vmem>>, vector<16xi32>,
        %get3A_473 = arith.constant 48 : index
        %get3A_474 = tpu.vector_load %arg5[%get3A_473] {strides = array<i32>} : memref<128xi32, #tpu.memory_space<vmem>>, vector<16xi32>,
        tpu.vector_store_idx %arg29[%get3A_472], %mul3A_470 {add = true} : memref<100096xf32, #tpu.memory_space<vmem>>[vector<16xi32>], vector<16xf32>,
        %neg3A_475 = arith.constant 0.000000e+00 : f32
        %neg3A_476 = vector.broadcast %neg3A_475 : f32 to vector<16xf32>
        %neg3A_477 = arith.subf %neg3A_476, %mul3A_470 : vector<16xf32>
        tpu.vector_store_idx %arg29[%get3A_474], %neg3A_477 {add = true} : memref<100096xf32, #tpu.memory_space<vmem>>[vector<16xi32>], vector<16xf32>,
        %add3A_478 = arith.constant 64 : i32
        %add3A_479 = vector.broadcast %add3A_478 : i32 to vector<16xi32>
        %add3A_480 = arith.addi %iota3A, %add3A_479 : vector<16xi32>
        %gather3A_481 = tpu.vector_load_idx %arg17[%add3A_480, %broadcast_in_dim3A_16] : memref<128x8xf32, #tpu.memory_space<vmem>>[vector<16xi32>, vector<16xi32>], vector<16xf32>,
        %gather3A_482 = tpu.vector_load_idx %arg17[%add3A_480, %broadcast_in_dim3A_18] : memref<128x8xf32, #tpu.memory_space<vmem>>[vector<16xi32>, vector<16xi32>], vector<16xf32>,
        %gather3A_483 = tpu.vector_load_idx %arg17[%add3A_480, %broadcast_in_dim3A_20] : memref<128x8xf32, #tpu.memory_space<vmem>>[vector<16xi32>, vector<16xi32>], vector<16xf32>,
        %gather3A_484 = tpu.vector_load_idx %arg17[%add3A_480, %broadcast_in_dim3A_22] : memref<128x8xf32, #tpu.memory_space<vmem>>[vector<16xi32>, vector<16xi32>], vector<16xf32>,
        %gather3A_485 = tpu.vector_load_idx %arg17[%add3A_480, %broadcast_in_dim3A_24] : memref<128x8xf32, #tpu.memory_space<vmem>>[vector<16xi32>, vector<16xi32>], vector<16xf32>,
        %gather3A_486 = tpu.vector_load_idx %arg23[%add3A_480, %broadcast_in_dim3A_16] : memref<128x8xf32, #tpu.memory_space<vmem>>[vector<16xi32>, vector<16xi32>], vector<16xf32>,
        %gather3A_487 = tpu.vector_load_idx %arg23[%add3A_480, %broadcast_in_dim3A_18] : memref<128x8xf32, #tpu.memory_space<vmem>>[vector<16xi32>, vector<16xi32>], vector<16xf32>,
        %sub3A_488 = arith.subf %gather3A_486, %gather3A_481 : vector<16xf32>
        %sub3A_489 = arith.subf %gather3A_487, %gather3A_482 : vector<16xf32>
        %mul3A_490 = arith.mulf %sub3A_488, %sub3A_488 : vector<16xf32>
        %mul3A_491 = arith.mulf %sub3A_489, %sub3A_489 : vector<16xf32>
        %add3A_492 = arith.addf %mul3A_490, %mul3A_491 : vector<16xf32>
        %mul3A_493 = arith.mulf %gather3A_483, %sub3A_488 : vector<16xf32>
        %mul3A_494 = arith.mulf %gather3A_484, %sub3A_489 : vector<16xf32>
        %add3A_495 = arith.addf %mul3A_493, %mul3A_494 : vector<16xf32>
        %max3A_496 = arith.constant 0.000000e+00 : f32
        %max3A_497 = vector.broadcast %max3A_496 : f32 to vector<16xf32>
        %max3A_498 = arith.maximumf %add3A_495, %max3A_497 : vector<16xf32>
        %bitcast3A_499 = vector.bitcast %add3A_492 : vector<16xf32> to vector<16xi32>
        %shift_right_arithmetic3A_500 = arith.constant 1 : i32
        %shift_right_arithmetic3A_501 = vector.broadcast %shift_right_arithmetic3A_500 : i32 to vector<16xi32>
        %shift_right_arithmetic3A_502 = arith.shrsi %bitcast3A_499, %shift_right_arithmetic3A_501 : vector<16xi32>
        %add3A_503 = arith.constant 532487669 : i32
        %add3A_504 = vector.broadcast %add3A_503 : i32 to vector<16xi32>
        %add3A_505 = arith.addi %shift_right_arithmetic3A_502, %add3A_504 : vector<16xi32>
        %bitcast3A_506 = vector.bitcast %add3A_505 : vector<16xi32> to vector<16xf32>
        %div3A_507 = arith.divf %add3A_492, %bitcast3A_506 : vector<16xf32>
        %add3A_508 = arith.addf %bitcast3A_506, %div3A_507 : vector<16xf32>
        %mul3A_509 = arith.constant 5.000000e-01 : f32
        %mul3A_510 = vector.broadcast %mul3A_509 : f32 to vector<16xf32>
        %mul3A_511 = arith.mulf %mul3A_510, %add3A_508 : vector<16xf32>
        %div3A_512 = arith.divf %add3A_492, %mul3A_511 : vector<16xf32>
        %add3A_513 = arith.addf %mul3A_511, %div3A_512 : vector<16xf32>
        %mul3A_514 = arith.constant 5.000000e-01 : f32
        %mul3A_515 = vector.broadcast %mul3A_514 : f32 to vector<16xf32>
        %mul3A_516 = arith.mulf %mul3A_515, %add3A_513 : vector<16xf32>
        %div3A_517 = arith.divf %add3A_492, %mul3A_516 : vector<16xf32>
        %add3A_518 = arith.addf %mul3A_516, %div3A_517 : vector<16xf32>
        %mul3A_519 = arith.constant 5.000000e-01 : f32
        %mul3A_520 = vector.broadcast %mul3A_519 : f32 to vector<16xf32>
        %mul3A_521 = arith.mulf %mul3A_520, %add3A_518 : vector<16xf32>
        %add3A_522 = arith.constant 9.99999997E-7 : f32
        %add3A_523 = vector.broadcast %add3A_522 : f32 to vector<16xf32>
        %add3A_524 = arith.addf %mul3A_521, %add3A_523 : vector<16xf32>
        %mul3A_525 = arith.mulf %add3A_524, %add3A_524 : vector<16xf32>
        %div3A_526 = arith.divf %max3A_498, %mul3A_525 : vector<16xf32>
        %mul3A_527 = arith.mulf %div3A_526, %gather3A_485 : vector<16xf32>
        %get3A_528 = arith.constant 64 : index
        %get3A_529 = tpu.vector_load %arg11[%get3A_528] {strides = array<i32>} : memref<128xi32, #tpu.memory_space<vmem>>, vector<16xi32>,
        %get3A_530 = arith.constant 64 : index
        %get3A_531 = tpu.vector_load %arg5[%get3A_530] {strides = array<i32>} : memref<128xi32, #tpu.memory_space<vmem>>, vector<16xi32>,
        tpu.vector_store_idx %arg29[%get3A_529], %mul3A_527 {add = true} : memref<100096xf32, #tpu.memory_space<vmem>>[vector<16xi32>], vector<16xf32>,
        %neg3A_532 = arith.constant 0.000000e+00 : f32
        %neg3A_533 = vector.broadcast %neg3A_532 : f32 to vector<16xf32>
        %neg3A_534 = arith.subf %neg3A_533, %mul3A_527 : vector<16xf32>
        tpu.vector_store_idx %arg29[%get3A_531], %neg3A_534 {add = true} : memref<100096xf32, #tpu.memory_space<vmem>>[vector<16xi32>], vector<16xf32>,
        %add3A_535 = arith.constant 80 : i32
        %add3A_536 = vector.broadcast %add3A_535 : i32 to vector<16xi32>
        %add3A_537 = arith.addi %iota3A, %add3A_536 : vector<16xi32>
        %gather3A_538 = tpu.vector_load_idx %arg17[%add3A_537, %broadcast_in_dim3A_16] : memref<128x8xf32, #tpu.memory_space<vmem>>[vector<16xi32>, vector<16xi32>], vector<16xf32>,
        %gather3A_539 = tpu.vector_load_idx %arg17[%add3A_537, %broadcast_in_dim3A_18] : memref<128x8xf32, #tpu.memory_space<vmem>>[vector<16xi32>, vector<16xi32>], vector<16xf32>,
        %gather3A_540 = tpu.vector_load_idx %arg17[%add3A_537, %broadcast_in_dim3A_20] : memref<128x8xf32, #tpu.memory_space<vmem>>[vector<16xi32>, vector<16xi32>], vector<16xf32>,
        %gather3A_541 = tpu.vector_load_idx %arg17[%add3A_537, %broadcast_in_dim3A_22] : memref<128x8xf32, #tpu.memory_space<vmem>>[vector<16xi32>, vector<16xi32>], vector<16xf32>,
        %gather3A_542 = tpu.vector_load_idx %arg17[%add3A_537, %broadcast_in_dim3A_24] : memref<128x8xf32, #tpu.memory_space<vmem>>[vector<16xi32>, vector<16xi32>], vector<16xf32>,
        %gather3A_543 = tpu.vector_load_idx %arg23[%add3A_537, %broadcast_in_dim3A_16] : memref<128x8xf32, #tpu.memory_space<vmem>>[vector<16xi32>, vector<16xi32>], vector<16xf32>,
        %gather3A_544 = tpu.vector_load_idx %arg23[%add3A_537, %broadcast_in_dim3A_18] : memref<128x8xf32, #tpu.memory_space<vmem>>[vector<16xi32>, vector<16xi32>], vector<16xf32>,
        %sub3A_545 = arith.subf %gather3A_543, %gather3A_538 : vector<16xf32>
        %sub3A_546 = arith.subf %gather3A_544, %gather3A_539 : vector<16xf32>
        %mul3A_547 = arith.mulf %sub3A_545, %sub3A_545 : vector<16xf32>
        %mul3A_548 = arith.mulf %sub3A_546, %sub3A_546 : vector<16xf32>
        %add3A_549 = arith.addf %mul3A_547, %mul3A_548 : vector<16xf32>
        %mul3A_550 = arith.mulf %gather3A_540, %sub3A_545 : vector<16xf32>
        %mul3A_551 = arith.mulf %gather3A_541, %sub3A_546 : vector<16xf32>
        %add3A_552 = arith.addf %mul3A_550, %mul3A_551 : vector<16xf32>
        %max3A_553 = arith.constant 0.000000e+00 : f32
        %max3A_554 = vector.broadcast %max3A_553 : f32 to vector<16xf32>
        %max3A_555 = arith.maximumf %add3A_552, %max3A_554 : vector<16xf32>
        %bitcast3A_556 = vector.bitcast %add3A_549 : vector<16xf32> to vector<16xi32>
        %shift_right_arithmetic3A_557 = arith.constant 1 : i32
        %shift_right_arithmetic3A_558 = vector.broadcast %shift_right_arithmetic3A_557 : i32 to vector<16xi32>
        %shift_right_arithmetic3A_559 = arith.shrsi %bitcast3A_556, %shift_right_arithmetic3A_558 : vector<16xi32>
        %add3A_560 = arith.constant 532487669 : i32
        %add3A_561 = vector.broadcast %add3A_560 : i32 to vector<16xi32>
        %add3A_562 = arith.addi %shift_right_arithmetic3A_559, %add3A_561 : vector<16xi32>
        %bitcast3A_563 = vector.bitcast %add3A_562 : vector<16xi32> to vector<16xf32>
        %div3A_564 = arith.divf %add3A_549, %bitcast3A_563 : vector<16xf32>
        %add3A_565 = arith.addf %bitcast3A_563, %div3A_564 : vector<16xf32>
        %mul3A_566 = arith.constant 5.000000e-01 : f32
        %mul3A_567 = vector.broadcast %mul3A_566 : f32 to vector<16xf32>
        %mul3A_568 = arith.mulf %mul3A_567, %add3A_565 : vector<16xf32>
        %div3A_569 = arith.divf %add3A_549, %mul3A_568 : vector<16xf32>
        %add3A_570 = arith.addf %mul3A_568, %div3A_569 : vector<16xf32>
        %mul3A_571 = arith.constant 5.000000e-01 : f32
        %mul3A_572 = vector.broadcast %mul3A_571 : f32 to vector<16xf32>
        %mul3A_573 = arith.mulf %mul3A_572, %add3A_570 : vector<16xf32>
        %div3A_574 = arith.divf %add3A_549, %mul3A_573 : vector<16xf32>
        %add3A_575 = arith.addf %mul3A_573, %div3A_574 : vector<16xf32>
        %mul3A_576 = arith.constant 5.000000e-01 : f32
        %mul3A_577 = vector.broadcast %mul3A_576 : f32 to vector<16xf32>
        %mul3A_578 = arith.mulf %mul3A_577, %add3A_575 : vector<16xf32>
        %add3A_579 = arith.constant 9.99999997E-7 : f32
        %add3A_580 = vector.broadcast %add3A_579 : f32 to vector<16xf32>
        %add3A_581 = arith.addf %mul3A_578, %add3A_580 : vector<16xf32>
        %mul3A_582 = arith.mulf %add3A_581, %add3A_581 : vector<16xf32>
        %div3A_583 = arith.divf %max3A_555, %mul3A_582 : vector<16xf32>
        %mul3A_584 = arith.mulf %div3A_583, %gather3A_542 : vector<16xf32>
        %get3A_585 = arith.constant 80 : index
        %get3A_586 = tpu.vector_load %arg11[%get3A_585] {strides = array<i32>} : memref<128xi32, #tpu.memory_space<vmem>>, vector<16xi32>,
        %get3A_587 = arith.constant 80 : index
        %get3A_588 = tpu.vector_load %arg5[%get3A_587] {strides = array<i32>} : memref<128xi32, #tpu.memory_space<vmem>>, vector<16xi32>,
        tpu.vector_store_idx %arg29[%get3A_586], %mul3A_584 {add = true} : memref<100096xf32, #tpu.memory_space<vmem>>[vector<16xi32>], vector<16xf32>,
        %neg3A_589 = arith.constant 0.000000e+00 : f32
        %neg3A_590 = vector.broadcast %neg3A_589 : f32 to vector<16xf32>
        %neg3A_591 = arith.subf %neg3A_590, %mul3A_584 : vector<16xf32>
        tpu.vector_store_idx %arg29[%get3A_588], %neg3A_591 {add = true} : memref<100096xf32, #tpu.memory_space<vmem>>[vector<16xi32>], vector<16xf32>,
        %add3A_592 = arith.constant 96 : i32
        %add3A_593 = vector.broadcast %add3A_592 : i32 to vector<16xi32>
        %add3A_594 = arith.addi %iota3A, %add3A_593 : vector<16xi32>
        %gather3A_595 = tpu.vector_load_idx %arg17[%add3A_594, %broadcast_in_dim3A_16] : memref<128x8xf32, #tpu.memory_space<vmem>>[vector<16xi32>, vector<16xi32>], vector<16xf32>,
        %gather3A_596 = tpu.vector_load_idx %arg17[%add3A_594, %broadcast_in_dim3A_18] : memref<128x8xf32, #tpu.memory_space<vmem>>[vector<16xi32>, vector<16xi32>], vector<16xf32>,
        %gather3A_597 = tpu.vector_load_idx %arg17[%add3A_594, %broadcast_in_dim3A_20] : memref<128x8xf32, #tpu.memory_space<vmem>>[vector<16xi32>, vector<16xi32>], vector<16xf32>,
        %gather3A_598 = tpu.vector_load_idx %arg17[%add3A_594, %broadcast_in_dim3A_22] : memref<128x8xf32, #tpu.memory_space<vmem>>[vector<16xi32>, vector<16xi32>], vector<16xf32>,
        %gather3A_599 = tpu.vector_load_idx %arg17[%add3A_594, %broadcast_in_dim3A_24] : memref<128x8xf32, #tpu.memory_space<vmem>>[vector<16xi32>, vector<16xi32>], vector<16xf32>,
        %gather3A_600 = tpu.vector_load_idx %arg23[%add3A_594, %broadcast_in_dim3A_16] : memref<128x8xf32, #tpu.memory_space<vmem>>[vector<16xi32>, vector<16xi32>], vector<16xf32>,
        %gather3A_601 = tpu.vector_load_idx %arg23[%add3A_594, %broadcast_in_dim3A_18] : memref<128x8xf32, #tpu.memory_space<vmem>>[vector<16xi32>, vector<16xi32>], vector<16xf32>,
        %sub3A_602 = arith.subf %gather3A_600, %gather3A_595 : vector<16xf32>
        %sub3A_603 = arith.subf %gather3A_601, %gather3A_596 : vector<16xf32>
        %mul3A_604 = arith.mulf %sub3A_602, %sub3A_602 : vector<16xf32>
        %mul3A_605 = arith.mulf %sub3A_603, %sub3A_603 : vector<16xf32>
        %add3A_606 = arith.addf %mul3A_604, %mul3A_605 : vector<16xf32>
        %mul3A_607 = arith.mulf %gather3A_597, %sub3A_602 : vector<16xf32>
        %mul3A_608 = arith.mulf %gather3A_598, %sub3A_603 : vector<16xf32>
        %add3A_609 = arith.addf %mul3A_607, %mul3A_608 : vector<16xf32>
        %max3A_610 = arith.constant 0.000000e+00 : f32
        %max3A_611 = vector.broadcast %max3A_610 : f32 to vector<16xf32>
        %max3A_612 = arith.maximumf %add3A_609, %max3A_611 : vector<16xf32>
        %bitcast3A_613 = vector.bitcast %add3A_606 : vector<16xf32> to vector<16xi32>
        %shift_right_arithmetic3A_614 = arith.constant 1 : i32
        %shift_right_arithmetic3A_615 = vector.broadcast %shift_right_arithmetic3A_614 : i32 to vector<16xi32>
        %shift_right_arithmetic3A_616 = arith.shrsi %bitcast3A_613, %shift_right_arithmetic3A_615 : vector<16xi32>
        %add3A_617 = arith.constant 532487669 : i32
        %add3A_618 = vector.broadcast %add3A_617 : i32 to vector<16xi32>
        %add3A_619 = arith.addi %shift_right_arithmetic3A_616, %add3A_618 : vector<16xi32>
        %bitcast3A_620 = vector.bitcast %add3A_619 : vector<16xi32> to vector<16xf32>
        %div3A_621 = arith.divf %add3A_606, %bitcast3A_620 : vector<16xf32>
        %add3A_622 = arith.addf %bitcast3A_620, %div3A_621 : vector<16xf32>
        %mul3A_623 = arith.constant 5.000000e-01 : f32
        %mul3A_624 = vector.broadcast %mul3A_623 : f32 to vector<16xf32>
        %mul3A_625 = arith.mulf %mul3A_624, %add3A_622 : vector<16xf32>
        %div3A_626 = arith.divf %add3A_606, %mul3A_625 : vector<16xf32>
        %add3A_627 = arith.addf %mul3A_625, %div3A_626 : vector<16xf32>
        %mul3A_628 = arith.constant 5.000000e-01 : f32
        %mul3A_629 = vector.broadcast %mul3A_628 : f32 to vector<16xf32>
        %mul3A_630 = arith.mulf %mul3A_629, %add3A_627 : vector<16xf32>
        %div3A_631 = arith.divf %add3A_606, %mul3A_630 : vector<16xf32>
        %add3A_632 = arith.addf %mul3A_630, %div3A_631 : vector<16xf32>
        %mul3A_633 = arith.constant 5.000000e-01 : f32
        %mul3A_634 = vector.broadcast %mul3A_633 : f32 to vector<16xf32>
        %mul3A_635 = arith.mulf %mul3A_634, %add3A_632 : vector<16xf32>
        %add3A_636 = arith.constant 9.99999997E-7 : f32
        %add3A_637 = vector.broadcast %add3A_636 : f32 to vector<16xf32>
        %add3A_638 = arith.addf %mul3A_635, %add3A_637 : vector<16xf32>
        %mul3A_639 = arith.mulf %add3A_638, %add3A_638 : vector<16xf32>
        %div3A_640 = arith.divf %max3A_612, %mul3A_639 : vector<16xf32>
        %mul3A_641 = arith.mulf %div3A_640, %gather3A_599 : vector<16xf32>
        %get3A_642 = arith.constant 96 : index
        %get3A_643 = tpu.vector_load %arg11[%get3A_642] {strides = array<i32>} : memref<128xi32, #tpu.memory_space<vmem>>, vector<16xi32>,
        %get3A_644 = arith.constant 96 : index
        %get3A_645 = tpu.vector_load %arg5[%get3A_644] {strides = array<i32>} : memref<128xi32, #tpu.memory_space<vmem>>, vector<16xi32>,
        tpu.vector_store_idx %arg29[%get3A_643], %mul3A_641 {add = true} : memref<100096xf32, #tpu.memory_space<vmem>>[vector<16xi32>], vector<16xf32>,
        %neg3A_646 = arith.constant 0.000000e+00 : f32
        %neg3A_647 = vector.broadcast %neg3A_646 : f32 to vector<16xf32>
        %neg3A_648 = arith.subf %neg3A_647, %mul3A_641 : vector<16xf32>
        tpu.vector_store_idx %arg29[%get3A_645], %neg3A_648 {add = true} : memref<100096xf32, #tpu.memory_space<vmem>>[vector<16xi32>], vector<16xf32>,
        %add3A_649 = arith.constant 112 : i32
        %add3A_650 = vector.broadcast %add3A_649 : i32 to vector<16xi32>
        %add3A_651 = arith.addi %iota3A, %add3A_650 : vector<16xi32>
        %gather3A_652 = tpu.vector_load_idx %arg17[%add3A_651, %broadcast_in_dim3A_16] : memref<128x8xf32, #tpu.memory_space<vmem>>[vector<16xi32>, vector<16xi32>], vector<16xf32>,
        %gather3A_653 = tpu.vector_load_idx %arg17[%add3A_651, %broadcast_in_dim3A_18] : memref<128x8xf32, #tpu.memory_space<vmem>>[vector<16xi32>, vector<16xi32>], vector<16xf32>,
        %gather3A_654 = tpu.vector_load_idx %arg17[%add3A_651, %broadcast_in_dim3A_20] : memref<128x8xf32, #tpu.memory_space<vmem>>[vector<16xi32>, vector<16xi32>], vector<16xf32>,
        %gather3A_655 = tpu.vector_load_idx %arg17[%add3A_651, %broadcast_in_dim3A_22] : memref<128x8xf32, #tpu.memory_space<vmem>>[vector<16xi32>, vector<16xi32>], vector<16xf32>,
        %gather3A_656 = tpu.vector_load_idx %arg17[%add3A_651, %broadcast_in_dim3A_24] : memref<128x8xf32, #tpu.memory_space<vmem>>[vector<16xi32>, vector<16xi32>], vector<16xf32>,
        %gather3A_657 = tpu.vector_load_idx %arg23[%add3A_651, %broadcast_in_dim3A_16] : memref<128x8xf32, #tpu.memory_space<vmem>>[vector<16xi32>, vector<16xi32>], vector<16xf32>,
        %gather3A_658 = tpu.vector_load_idx %arg23[%add3A_651, %broadcast_in_dim3A_18] : memref<128x8xf32, #tpu.memory_space<vmem>>[vector<16xi32>, vector<16xi32>], vector<16xf32>,
        %sub3A_659 = arith.subf %gather3A_657, %gather3A_652 : vector<16xf32>
        %sub3A_660 = arith.subf %gather3A_658, %gather3A_653 : vector<16xf32>
        %mul3A_661 = arith.mulf %sub3A_659, %sub3A_659 : vector<16xf32>
        %mul3A_662 = arith.mulf %sub3A_660, %sub3A_660 : vector<16xf32>
        %add3A_663 = arith.addf %mul3A_661, %mul3A_662 : vector<16xf32>
        %mul3A_664 = arith.mulf %gather3A_654, %sub3A_659 : vector<16xf32>
        %mul3A_665 = arith.mulf %gather3A_655, %sub3A_660 : vector<16xf32>
        %add3A_666 = arith.addf %mul3A_664, %mul3A_665 : vector<16xf32>
        %max3A_667 = arith.constant 0.000000e+00 : f32
        %max3A_668 = vector.broadcast %max3A_667 : f32 to vector<16xf32>
        %max3A_669 = arith.maximumf %add3A_666, %max3A_668 : vector<16xf32>
        %bitcast3A_670 = vector.bitcast %add3A_663 : vector<16xf32> to vector<16xi32>
        %shift_right_arithmetic3A_671 = arith.constant 1 : i32
        %shift_right_arithmetic3A_672 = vector.broadcast %shift_right_arithmetic3A_671 : i32 to vector<16xi32>
        %shift_right_arithmetic3A_673 = arith.shrsi %bitcast3A_670, %shift_right_arithmetic3A_672 : vector<16xi32>
        %add3A_674 = arith.constant 532487669 : i32
        %add3A_675 = vector.broadcast %add3A_674 : i32 to vector<16xi32>
        %add3A_676 = arith.addi %shift_right_arithmetic3A_673, %add3A_675 : vector<16xi32>
        %bitcast3A_677 = vector.bitcast %add3A_676 : vector<16xi32> to vector<16xf32>
        %div3A_678 = arith.divf %add3A_663, %bitcast3A_677 : vector<16xf32>
        %add3A_679 = arith.addf %bitcast3A_677, %div3A_678 : vector<16xf32>
        %mul3A_680 = arith.constant 5.000000e-01 : f32
        %mul3A_681 = vector.broadcast %mul3A_680 : f32 to vector<16xf32>
        %mul3A_682 = arith.mulf %mul3A_681, %add3A_679 : vector<16xf32>
        %div3A_683 = arith.divf %add3A_663, %mul3A_682 : vector<16xf32>
        %add3A_684 = arith.addf %mul3A_682, %div3A_683 : vector<16xf32>
        %mul3A_685 = arith.constant 5.000000e-01 : f32
        %mul3A_686 = vector.broadcast %mul3A_685 : f32 to vector<16xf32>
        %mul3A_687 = arith.mulf %mul3A_686, %add3A_684 : vector<16xf32>
        %div3A_688 = arith.divf %add3A_663, %mul3A_687 : vector<16xf32>
        %add3A_689 = arith.addf %mul3A_687, %div3A_688 : vector<16xf32>
        %mul3A_690 = arith.constant 5.000000e-01 : f32
        %mul3A_691 = vector.broadcast %mul3A_690 : f32 to vector<16xf32>
        %mul3A_692 = arith.mulf %mul3A_691, %add3A_689 : vector<16xf32>
        %add3A_693 = arith.constant 9.99999997E-7 : f32
        %add3A_694 = vector.broadcast %add3A_693 : f32 to vector<16xf32>
        %add3A_695 = arith.addf %mul3A_692, %add3A_694 : vector<16xf32>
        %mul3A_696 = arith.mulf %add3A_695, %add3A_695 : vector<16xf32>
        %div3A_697 = arith.divf %max3A_669, %mul3A_696 : vector<16xf32>
        %mul3A_698 = arith.mulf %div3A_697, %gather3A_656 : vector<16xf32>
        %get3A_699 = arith.constant 112 : index
        %get3A_700 = tpu.vector_load %arg11[%get3A_699] {strides = array<i32>} : memref<128xi32, #tpu.memory_space<vmem>>, vector<16xi32>,
        %get3A_701 = arith.constant 112 : index
        %get3A_702 = tpu.vector_load %arg5[%get3A_701] {strides = array<i32>} : memref<128xi32, #tpu.memory_space<vmem>>, vector<16xi32>,
        tpu.vector_store_idx %arg29[%get3A_700], %mul3A_698 {add = true} : memref<100096xf32, #tpu.memory_space<vmem>>[vector<16xi32>], vector<16xf32>,
        %neg3A_703 = arith.constant 0.000000e+00 : f32
        %neg3A_704 = vector.broadcast %neg3A_703 : f32 to vector<16xf32>
        %neg3A_705 = arith.subf %neg3A_704, %mul3A_698 : vector<16xf32>
        tpu.vector_store_idx %arg29[%get3A_702], %neg3A_705 {add = true} : memref<100096xf32, #tpu.memory_space<vmem>>[vector<16xi32>], vector<16xf32>,
      } else {
      }
      %mul3A_152 = arith.constant 6 : i32
      %mul3A_153 = arith.muli %scan3A_133, %mul3A_152 : i32
      %add3A_154 = arith.constant 1 : i32
      %add3A_155 = arith.addi %mul3A_153, %add3A_154 : i32
      %add3A_156 = arith.constant 2 : i32
      %add3A_157 = arith.addi %add3A_155, %add3A_156 : i32
      %lt3A_158 = arith.cmpi slt, %add3A_157, %add3A_4 : i32
      %convert_element_type3A_159 = arith.extui %lt3A_158 : i1 to i32
      %cond3A_160 = arith.constant 0 : i32
      %cond3A_161 = arith.cmpi ne, %convert_element_type3A_159, %cond3A_160 : i32
      scf.if %cond3A_161 {
        %dma_wait3A_252 = arith.constant 0 : i32
        %dma_wait3A_253 = arith.constant 0 : i32
        %dma_wait3A_254 = tpu.memref_slice %arg3[%dma_wait3A_252, %dma_wait3A_253] : memref<25000x128xi32, #tpu.memory_space<hbm>> -> memref<1x128xi32, #tpu.memory_space<hbm>>
        %dma_wait3A_255 = tpu.memref_squeeze %dma_wait3A_254 : memref<1x128xi32, #tpu.memory_space<hbm>> -> memref<128xi32, #tpu.memory_space<hbm>>
        %dma_wait3A_256 = arith.constant 0 : i32
        %dma_wait3A_257 = tpu.memref_slice %arg3[%dma_wait3A_252, %dma_wait3A_256] : memref<25000x128xi32, #tpu.memory_space<hbm>> -> memref<1x128xi32, #tpu.memory_space<hbm>>
        %dma_wait3A_258 = tpu.memref_squeeze %dma_wait3A_257 : memref<1x128xi32, #tpu.memory_space<hbm>> -> memref<128xi32, #tpu.memory_space<hbm>>
        tpu.wait_dma2 semaphore(%arg33 : memref<!tpu.dma_semaphore, #tpu.memory_space<semaphore_mem>>) src(%dma_wait3A_258 : memref<128xi32, #tpu.memory_space<hbm>>) dst(%arg8 : memref<128xi32, #tpu.memory_space<vmem>>)
        %dma_wait3A_259 = arith.constant 0 : i32
        %dma_wait3A_260 = arith.constant 0 : i32
        %dma_wait3A_261 = tpu.memref_slice %arg3[%dma_wait3A_259, %dma_wait3A_260] : memref<25000x128xi32, #tpu.memory_space<hbm>> -> memref<1x128xi32, #tpu.memory_space<hbm>>
        %dma_wait3A_262 = tpu.memref_squeeze %dma_wait3A_261 : memref<1x128xi32, #tpu.memory_space<hbm>> -> memref<128xi32, #tpu.memory_space<hbm>>
        %dma_wait3A_263 = arith.constant 0 : i32
        %dma_wait3A_264 = tpu.memref_slice %arg3[%dma_wait3A_259, %dma_wait3A_263] : memref<25000x128xi32, #tpu.memory_space<hbm>> -> memref<1x128xi32, #tpu.memory_space<hbm>>
        %dma_wait3A_265 = tpu.memref_squeeze %dma_wait3A_264 : memref<1x128xi32, #tpu.memory_space<hbm>> -> memref<128xi32, #tpu.memory_space<hbm>>
        tpu.wait_dma2 semaphore(%arg33 : memref<!tpu.dma_semaphore, #tpu.memory_space<semaphore_mem>>) src(%dma_wait3A_265 : memref<128xi32, #tpu.memory_space<hbm>>) dst(%arg14 : memref<128xi32, #tpu.memory_space<vmem>>)
        %dma_start3A_266 = arith.constant 0 : i32
        %dma_start3A_267 = arith.constant 0 : i32
        %dma_start3A_268 = tpu.memref_slice %arg2[%dma_start3A_266, %dma_start3A_267] : memref<100000x8xf32, #tpu.memory_space<hbm>> -> memref<100000x8xf32, #tpu.memory_space<hbm>>
        tpu.enqueue_indirect_dma source(%dma_start3A_268 : memref<100000x8xf32, #tpu.memory_space<hbm>>) target(%arg20 : memref<128x8xf32, #tpu.memory_space<vmem>>) offsets(%arg8 : memref<128xi32, #tpu.memory_space<vmem>>) semaphore(%arg39 : memref<!tpu.dma_semaphore, #tpu.memory_space<semaphore_mem>>)
        %dma_start3A_269 = arith.constant 0 : i32
        %dma_start3A_270 = arith.constant 0 : i32
        %dma_start3A_271 = tpu.memref_slice %arg2[%dma_start3A_269, %dma_start3A_270] : memref<100000x8xf32, #tpu.memory_space<hbm>> -> memref<100000x8xf32, #tpu.memory_space<hbm>>
        tpu.enqueue_indirect_dma source(%dma_start3A_271 : memref<100000x8xf32, #tpu.memory_space<hbm>>) target(%arg26 : memref<128x8xf32, #tpu.memory_space<vmem>>) offsets(%arg14 : memref<128xi32, #tpu.memory_space<vmem>>) semaphore(%arg39 : memref<!tpu.dma_semaphore, #tpu.memory_space<semaphore_mem>>)
      } else {
      }
      %add3A_162 = arith.constant 4 : i32
      %add3A_163 = arith.addi %add3A_155, %add3A_162 : i32
      %lt3A_164 = arith.cmpi slt, %add3A_163, %add3A_4 : i32
      %convert_element_type3A_165 = arith.extui %lt3A_164 : i1 to i32
      %cond3A_166 = arith.constant 0 : i32
      %cond3A_167 = arith.cmpi ne, %convert_element_type3A_165, %cond3A_166 : i32
      scf.if %cond3A_167 {
        %add3A_252 = arith.constant 4 : i32
        %add3A_253 = arith.addi %add3A_155, %add3A_252 : i32
        %add3A_254 = arith.addi %add3A_8, %add3A_253 : i32
        %dma_start3A_255 = arith.constant 0 : i32
        %dma_start3A_256 = tpu.memref_slice %arg3[%add3A_254, %dma_start3A_255] : memref<25000x128xi32, #tpu.memory_space<hbm>> -> memref<1x128xi32, #tpu.memory_space<hbm>>
        %dma_start3A_257 = tpu.memref_squeeze %dma_start3A_256 : memref<1x128xi32, #tpu.memory_space<hbm>> -> memref<128xi32, #tpu.memory_space<hbm>>
        %dma_start3A_258 = arith.constant 0 : i32
        %dma_start3A_259 = tpu.memref_slice %arg3[%add3A_254, %dma_start3A_258] : memref<25000x128xi32, #tpu.memory_space<hbm>> -> memref<1x128xi32, #tpu.memory_space<hbm>>
        %dma_start3A_260 = tpu.memref_squeeze %dma_start3A_259 : memref<1x128xi32, #tpu.memory_space<hbm>> -> memref<128xi32, #tpu.memory_space<hbm>>
        tpu.enqueue_dma source(%dma_start3A_260 : memref<128xi32, #tpu.memory_space<hbm>>) target(%arg10 : memref<128xi32, #tpu.memory_space<vmem>>) target_semaphore(%arg35 : memref<!tpu.dma_semaphore, #tpu.memory_space<semaphore_mem>>)
        %add3A_261 = arith.constant 12500 : i32
        %add3A_262 = arith.addi %add3A_261, %add3A_254 : i32
        %dma_start3A_263 = arith.constant 0 : i32
        %dma_start3A_264 = tpu.memref_slice %arg3[%add3A_262, %dma_start3A_263] : memref<25000x128xi32, #tpu.memory_space<hbm>> -> memref<1x128xi32, #tpu.memory_space<hbm>>
        %dma_start3A_265 = tpu.memref_squeeze %dma_start3A_264 : memref<1x128xi32, #tpu.memory_space<hbm>> -> memref<128xi32, #tpu.memory_space<hbm>>
        %dma_start3A_266 = arith.constant 0 : i32
        %dma_start3A_267 = tpu.memref_slice %arg3[%add3A_262, %dma_start3A_266] : memref<25000x128xi32, #tpu.memory_space<hbm>> -> memref<1x128xi32, #tpu.memory_space<hbm>>
        %dma_start3A_268 = tpu.memref_squeeze %dma_start3A_267 : memref<1x128xi32, #tpu.memory_space<hbm>> -> memref<128xi32, #tpu.memory_space<hbm>>
        tpu.enqueue_dma source(%dma_start3A_268 : memref<128xi32, #tpu.memory_space<hbm>>) target(%arg16 : memref<128xi32, #tpu.memory_space<vmem>>) target_semaphore(%arg35 : memref<!tpu.dma_semaphore, #tpu.memory_space<semaphore_mem>>)
      } else {
      }
      %lt3A_168 = arith.cmpi slt, %add3A_155, %add3A_4 : i32
      %convert_element_type3A_169 = arith.extui %lt3A_168 : i1 to i32
      %cond3A_170 = arith.constant 0 : i32
      %cond3A_171 = arith.cmpi ne, %convert_element_type3A_169, %cond3A_170 : i32
      scf.if %cond3A_171 {
        %dma_wait3A_252 = arith.constant 0 : i32
        %dma_wait3A_253 = arith.constant 0 : i32
        %dma_wait3A_254 = tpu.memref_slice %arg2[%dma_wait3A_252, %dma_wait3A_253] : memref<100000x8xf32, #tpu.memory_space<hbm>> -> memref<100000x8xf32, #tpu.memory_space<hbm>>
        tpu.wait_indirect_dma semaphore(%arg37 : memref<!tpu.dma_semaphore, #tpu.memory_space<semaphore_mem>>) src(%dma_wait3A_254 : memref<100000x8xf32, #tpu.memory_space<hbm>>) dst(%arg18 : memref<128x8xf32, #tpu.memory_space<vmem>>)
        %dma_wait3A_255 = arith.constant 0 : i32
        %dma_wait3A_256 = arith.constant 0 : i32
        %dma_wait3A_257 = tpu.memref_slice %arg2[%dma_wait3A_255, %dma_wait3A_256] : memref<100000x8xf32, #tpu.memory_space<hbm>> -> memref<100000x8xf32, #tpu.memory_space<hbm>>
        tpu.wait_indirect_dma semaphore(%arg37 : memref<!tpu.dma_semaphore, #tpu.memory_space<semaphore_mem>>) src(%dma_wait3A_257 : memref<100000x8xf32, #tpu.memory_space<hbm>>) dst(%arg24 : memref<128x8xf32, #tpu.memory_space<vmem>>)
        %add3A_258 = arith.constant 0 : i32
        %add3A_259 = vector.broadcast %add3A_258 : i32 to vector<16xi32>
        %add3A_260 = arith.addi %iota3A, %add3A_259 : vector<16xi32>
        %gather3A = tpu.vector_load_idx %arg18[%add3A_260, %broadcast_in_dim3A_16] : memref<128x8xf32, #tpu.memory_space<vmem>>[vector<16xi32>, vector<16xi32>], vector<16xf32>,
        %gather3A_261 = tpu.vector_load_idx %arg18[%add3A_260, %broadcast_in_dim3A_18] : memref<128x8xf32, #tpu.memory_space<vmem>>[vector<16xi32>, vector<16xi32>], vector<16xf32>,
        %gather3A_262 = tpu.vector_load_idx %arg18[%add3A_260, %broadcast_in_dim3A_20] : memref<128x8xf32, #tpu.memory_space<vmem>>[vector<16xi32>, vector<16xi32>], vector<16xf32>,
        %gather3A_263 = tpu.vector_load_idx %arg18[%add3A_260, %broadcast_in_dim3A_22] : memref<128x8xf32, #tpu.memory_space<vmem>>[vector<16xi32>, vector<16xi32>], vector<16xf32>,
        %gather3A_264 = tpu.vector_load_idx %arg18[%add3A_260, %broadcast_in_dim3A_24] : memref<128x8xf32, #tpu.memory_space<vmem>>[vector<16xi32>, vector<16xi32>], vector<16xf32>,
        %gather3A_265 = tpu.vector_load_idx %arg24[%add3A_260, %broadcast_in_dim3A_16] : memref<128x8xf32, #tpu.memory_space<vmem>>[vector<16xi32>, vector<16xi32>], vector<16xf32>,
        %gather3A_266 = tpu.vector_load_idx %arg24[%add3A_260, %broadcast_in_dim3A_18] : memref<128x8xf32, #tpu.memory_space<vmem>>[vector<16xi32>, vector<16xi32>], vector<16xf32>,
        %sub3A = arith.subf %gather3A_265, %gather3A : vector<16xf32>
        %sub3A_267 = arith.subf %gather3A_266, %gather3A_261 : vector<16xf32>
        %mul3A_268 = arith.mulf %sub3A, %sub3A : vector<16xf32>
        %mul3A_269 = arith.mulf %sub3A_267, %sub3A_267 : vector<16xf32>
        %add3A_270 = arith.addf %mul3A_268, %mul3A_269 : vector<16xf32>
        %mul3A_271 = arith.mulf %gather3A_262, %sub3A : vector<16xf32>
        %mul3A_272 = arith.mulf %gather3A_263, %sub3A_267 : vector<16xf32>
        %add3A_273 = arith.addf %mul3A_271, %mul3A_272 : vector<16xf32>
        %max3A = arith.constant 0.000000e+00 : f32
        %max3A_274 = vector.broadcast %max3A : f32 to vector<16xf32>
        %max3A_275 = arith.maximumf %add3A_273, %max3A_274 : vector<16xf32>
        %bitcast3A = vector.bitcast %add3A_270 : vector<16xf32> to vector<16xi32>
        %shift_right_arithmetic3A = arith.constant 1 : i32
        %shift_right_arithmetic3A_276 = vector.broadcast %shift_right_arithmetic3A : i32 to vector<16xi32>
        %shift_right_arithmetic3A_277 = arith.shrsi %bitcast3A, %shift_right_arithmetic3A_276 : vector<16xi32>
        %add3A_278 = arith.constant 532487669 : i32
        %add3A_279 = vector.broadcast %add3A_278 : i32 to vector<16xi32>
        %add3A_280 = arith.addi %shift_right_arithmetic3A_277, %add3A_279 : vector<16xi32>
        %bitcast3A_281 = vector.bitcast %add3A_280 : vector<16xi32> to vector<16xf32>
        %div3A = arith.divf %add3A_270, %bitcast3A_281 : vector<16xf32>
        %add3A_282 = arith.addf %bitcast3A_281, %div3A : vector<16xf32>
        %mul3A_283 = arith.constant 5.000000e-01 : f32
        %mul3A_284 = vector.broadcast %mul3A_283 : f32 to vector<16xf32>
        %mul3A_285 = arith.mulf %mul3A_284, %add3A_282 : vector<16xf32>
        %div3A_286 = arith.divf %add3A_270, %mul3A_285 : vector<16xf32>
        %add3A_287 = arith.addf %mul3A_285, %div3A_286 : vector<16xf32>
        %mul3A_288 = arith.constant 5.000000e-01 : f32
        %mul3A_289 = vector.broadcast %mul3A_288 : f32 to vector<16xf32>
        %mul3A_290 = arith.mulf %mul3A_289, %add3A_287 : vector<16xf32>
        %div3A_291 = arith.divf %add3A_270, %mul3A_290 : vector<16xf32>
        %add3A_292 = arith.addf %mul3A_290, %div3A_291 : vector<16xf32>
        %mul3A_293 = arith.constant 5.000000e-01 : f32
        %mul3A_294 = vector.broadcast %mul3A_293 : f32 to vector<16xf32>
        %mul3A_295 = arith.mulf %mul3A_294, %add3A_292 : vector<16xf32>
        %add3A_296 = arith.constant 9.99999997E-7 : f32
        %add3A_297 = vector.broadcast %add3A_296 : f32 to vector<16xf32>
        %add3A_298 = arith.addf %mul3A_295, %add3A_297 : vector<16xf32>
        %mul3A_299 = arith.mulf %add3A_298, %add3A_298 : vector<16xf32>
        %div3A_300 = arith.divf %max3A_275, %mul3A_299 : vector<16xf32>
        %mul3A_301 = arith.mulf %div3A_300, %gather3A_264 : vector<16xf32>
        %get3A = arith.constant 0 : index
        %get3A_302 = tpu.vector_load %arg12[%get3A] {strides = array<i32>} : memref<128xi32, #tpu.memory_space<vmem>>, vector<16xi32>,
        %get3A_303 = arith.constant 0 : index
        %get3A_304 = tpu.vector_load %arg6[%get3A_303] {strides = array<i32>} : memref<128xi32, #tpu.memory_space<vmem>>, vector<16xi32>,
        tpu.vector_store_idx %arg29[%get3A_302], %mul3A_301 {add = true} : memref<100096xf32, #tpu.memory_space<vmem>>[vector<16xi32>], vector<16xf32>,
        %neg3A = arith.constant 0.000000e+00 : f32
        %neg3A_305 = vector.broadcast %neg3A : f32 to vector<16xf32>
        %neg3A_306 = arith.subf %neg3A_305, %mul3A_301 : vector<16xf32>
        tpu.vector_store_idx %arg29[%get3A_304], %neg3A_306 {add = true} : memref<100096xf32, #tpu.memory_space<vmem>>[vector<16xi32>], vector<16xf32>,
        %add3A_307 = arith.constant 16 : i32
        %add3A_308 = vector.broadcast %add3A_307 : i32 to vector<16xi32>
        %add3A_309 = arith.addi %iota3A, %add3A_308 : vector<16xi32>
        %gather3A_310 = tpu.vector_load_idx %arg18[%add3A_309, %broadcast_in_dim3A_16] : memref<128x8xf32, #tpu.memory_space<vmem>>[vector<16xi32>, vector<16xi32>], vector<16xf32>,
        %gather3A_311 = tpu.vector_load_idx %arg18[%add3A_309, %broadcast_in_dim3A_18] : memref<128x8xf32, #tpu.memory_space<vmem>>[vector<16xi32>, vector<16xi32>], vector<16xf32>,
        %gather3A_312 = tpu.vector_load_idx %arg18[%add3A_309, %broadcast_in_dim3A_20] : memref<128x8xf32, #tpu.memory_space<vmem>>[vector<16xi32>, vector<16xi32>], vector<16xf32>,
        %gather3A_313 = tpu.vector_load_idx %arg18[%add3A_309, %broadcast_in_dim3A_22] : memref<128x8xf32, #tpu.memory_space<vmem>>[vector<16xi32>, vector<16xi32>], vector<16xf32>,
        %gather3A_314 = tpu.vector_load_idx %arg18[%add3A_309, %broadcast_in_dim3A_24] : memref<128x8xf32, #tpu.memory_space<vmem>>[vector<16xi32>, vector<16xi32>], vector<16xf32>,
        %gather3A_315 = tpu.vector_load_idx %arg24[%add3A_309, %broadcast_in_dim3A_16] : memref<128x8xf32, #tpu.memory_space<vmem>>[vector<16xi32>, vector<16xi32>], vector<16xf32>,
        %gather3A_316 = tpu.vector_load_idx %arg24[%add3A_309, %broadcast_in_dim3A_18] : memref<128x8xf32, #tpu.memory_space<vmem>>[vector<16xi32>, vector<16xi32>], vector<16xf32>,
        %sub3A_317 = arith.subf %gather3A_315, %gather3A_310 : vector<16xf32>
        %sub3A_318 = arith.subf %gather3A_316, %gather3A_311 : vector<16xf32>
        %mul3A_319 = arith.mulf %sub3A_317, %sub3A_317 : vector<16xf32>
        %mul3A_320 = arith.mulf %sub3A_318, %sub3A_318 : vector<16xf32>
        %add3A_321 = arith.addf %mul3A_319, %mul3A_320 : vector<16xf32>
        %mul3A_322 = arith.mulf %gather3A_312, %sub3A_317 : vector<16xf32>
        %mul3A_323 = arith.mulf %gather3A_313, %sub3A_318 : vector<16xf32>
        %add3A_324 = arith.addf %mul3A_322, %mul3A_323 : vector<16xf32>
        %max3A_325 = arith.constant 0.000000e+00 : f32
        %max3A_326 = vector.broadcast %max3A_325 : f32 to vector<16xf32>
        %max3A_327 = arith.maximumf %add3A_324, %max3A_326 : vector<16xf32>
        %bitcast3A_328 = vector.bitcast %add3A_321 : vector<16xf32> to vector<16xi32>
        %shift_right_arithmetic3A_329 = arith.constant 1 : i32
        %shift_right_arithmetic3A_330 = vector.broadcast %shift_right_arithmetic3A_329 : i32 to vector<16xi32>
        %shift_right_arithmetic3A_331 = arith.shrsi %bitcast3A_328, %shift_right_arithmetic3A_330 : vector<16xi32>
        %add3A_332 = arith.constant 532487669 : i32
        %add3A_333 = vector.broadcast %add3A_332 : i32 to vector<16xi32>
        %add3A_334 = arith.addi %shift_right_arithmetic3A_331, %add3A_333 : vector<16xi32>
        %bitcast3A_335 = vector.bitcast %add3A_334 : vector<16xi32> to vector<16xf32>
        %div3A_336 = arith.divf %add3A_321, %bitcast3A_335 : vector<16xf32>
        %add3A_337 = arith.addf %bitcast3A_335, %div3A_336 : vector<16xf32>
        %mul3A_338 = arith.constant 5.000000e-01 : f32
        %mul3A_339 = vector.broadcast %mul3A_338 : f32 to vector<16xf32>
        %mul3A_340 = arith.mulf %mul3A_339, %add3A_337 : vector<16xf32>
        %div3A_341 = arith.divf %add3A_321, %mul3A_340 : vector<16xf32>
        %add3A_342 = arith.addf %mul3A_340, %div3A_341 : vector<16xf32>
        %mul3A_343 = arith.constant 5.000000e-01 : f32
        %mul3A_344 = vector.broadcast %mul3A_343 : f32 to vector<16xf32>
        %mul3A_345 = arith.mulf %mul3A_344, %add3A_342 : vector<16xf32>
        %div3A_346 = arith.divf %add3A_321, %mul3A_345 : vector<16xf32>
        %add3A_347 = arith.addf %mul3A_345, %div3A_346 : vector<16xf32>
        %mul3A_348 = arith.constant 5.000000e-01 : f32
        %mul3A_349 = vector.broadcast %mul3A_348 : f32 to vector<16xf32>
        %mul3A_350 = arith.mulf %mul3A_349, %add3A_347 : vector<16xf32>
        %add3A_351 = arith.constant 9.99999997E-7 : f32
        %add3A_352 = vector.broadcast %add3A_351 : f32 to vector<16xf32>
        %add3A_353 = arith.addf %mul3A_350, %add3A_352 : vector<16xf32>
        %mul3A_354 = arith.mulf %add3A_353, %add3A_353 : vector<16xf32>
        %div3A_355 = arith.divf %max3A_327, %mul3A_354 : vector<16xf32>
        %mul3A_356 = arith.mulf %div3A_355, %gather3A_314 : vector<16xf32>
        %get3A_357 = arith.constant 16 : index
        %get3A_358 = tpu.vector_load %arg12[%get3A_357] {strides = array<i32>} : memref<128xi32, #tpu.memory_space<vmem>>, vector<16xi32>,
        %get3A_359 = arith.constant 16 : index
        %get3A_360 = tpu.vector_load %arg6[%get3A_359] {strides = array<i32>} : memref<128xi32, #tpu.memory_space<vmem>>, vector<16xi32>,
        tpu.vector_store_idx %arg29[%get3A_358], %mul3A_356 {add = true} : memref<100096xf32, #tpu.memory_space<vmem>>[vector<16xi32>], vector<16xf32>,
        %neg3A_361 = arith.constant 0.000000e+00 : f32
        %neg3A_362 = vector.broadcast %neg3A_361 : f32 to vector<16xf32>
        %neg3A_363 = arith.subf %neg3A_362, %mul3A_356 : vector<16xf32>
        tpu.vector_store_idx %arg29[%get3A_360], %neg3A_363 {add = true} : memref<100096xf32, #tpu.memory_space<vmem>>[vector<16xi32>], vector<16xf32>,
        %add3A_364 = arith.constant 32 : i32
        %add3A_365 = vector.broadcast %add3A_364 : i32 to vector<16xi32>
        %add3A_366 = arith.addi %iota3A, %add3A_365 : vector<16xi32>
        %gather3A_367 = tpu.vector_load_idx %arg18[%add3A_366, %broadcast_in_dim3A_16] : memref<128x8xf32, #tpu.memory_space<vmem>>[vector<16xi32>, vector<16xi32>], vector<16xf32>,
        %gather3A_368 = tpu.vector_load_idx %arg18[%add3A_366, %broadcast_in_dim3A_18] : memref<128x8xf32, #tpu.memory_space<vmem>>[vector<16xi32>, vector<16xi32>], vector<16xf32>,
        %gather3A_369 = tpu.vector_load_idx %arg18[%add3A_366, %broadcast_in_dim3A_20] : memref<128x8xf32, #tpu.memory_space<vmem>>[vector<16xi32>, vector<16xi32>], vector<16xf32>,
        %gather3A_370 = tpu.vector_load_idx %arg18[%add3A_366, %broadcast_in_dim3A_22] : memref<128x8xf32, #tpu.memory_space<vmem>>[vector<16xi32>, vector<16xi32>], vector<16xf32>,
        %gather3A_371 = tpu.vector_load_idx %arg18[%add3A_366, %broadcast_in_dim3A_24] : memref<128x8xf32, #tpu.memory_space<vmem>>[vector<16xi32>, vector<16xi32>], vector<16xf32>,
        %gather3A_372 = tpu.vector_load_idx %arg24[%add3A_366, %broadcast_in_dim3A_16] : memref<128x8xf32, #tpu.memory_space<vmem>>[vector<16xi32>, vector<16xi32>], vector<16xf32>,
        %gather3A_373 = tpu.vector_load_idx %arg24[%add3A_366, %broadcast_in_dim3A_18] : memref<128x8xf32, #tpu.memory_space<vmem>>[vector<16xi32>, vector<16xi32>], vector<16xf32>,
        %sub3A_374 = arith.subf %gather3A_372, %gather3A_367 : vector<16xf32>
        %sub3A_375 = arith.subf %gather3A_373, %gather3A_368 : vector<16xf32>
        %mul3A_376 = arith.mulf %sub3A_374, %sub3A_374 : vector<16xf32>
        %mul3A_377 = arith.mulf %sub3A_375, %sub3A_375 : vector<16xf32>
        %add3A_378 = arith.addf %mul3A_376, %mul3A_377 : vector<16xf32>
        %mul3A_379 = arith.mulf %gather3A_369, %sub3A_374 : vector<16xf32>
        %mul3A_380 = arith.mulf %gather3A_370, %sub3A_375 : vector<16xf32>
        %add3A_381 = arith.addf %mul3A_379, %mul3A_380 : vector<16xf32>
        %max3A_382 = arith.constant 0.000000e+00 : f32
        %max3A_383 = vector.broadcast %max3A_382 : f32 to vector<16xf32>
        %max3A_384 = arith.maximumf %add3A_381, %max3A_383 : vector<16xf32>
        %bitcast3A_385 = vector.bitcast %add3A_378 : vector<16xf32> to vector<16xi32>
        %shift_right_arithmetic3A_386 = arith.constant 1 : i32
        %shift_right_arithmetic3A_387 = vector.broadcast %shift_right_arithmetic3A_386 : i32 to vector<16xi32>
        %shift_right_arithmetic3A_388 = arith.shrsi %bitcast3A_385, %shift_right_arithmetic3A_387 : vector<16xi32>
        %add3A_389 = arith.constant 532487669 : i32
        %add3A_390 = vector.broadcast %add3A_389 : i32 to vector<16xi32>
        %add3A_391 = arith.addi %shift_right_arithmetic3A_388, %add3A_390 : vector<16xi32>
        %bitcast3A_392 = vector.bitcast %add3A_391 : vector<16xi32> to vector<16xf32>
        %div3A_393 = arith.divf %add3A_378, %bitcast3A_392 : vector<16xf32>
        %add3A_394 = arith.addf %bitcast3A_392, %div3A_393 : vector<16xf32>
        %mul3A_395 = arith.constant 5.000000e-01 : f32
        %mul3A_396 = vector.broadcast %mul3A_395 : f32 to vector<16xf32>
        %mul3A_397 = arith.mulf %mul3A_396, %add3A_394 : vector<16xf32>
        %div3A_398 = arith.divf %add3A_378, %mul3A_397 : vector<16xf32>
        %add3A_399 = arith.addf %mul3A_397, %div3A_398 : vector<16xf32>
        %mul3A_400 = arith.constant 5.000000e-01 : f32
        %mul3A_401 = vector.broadcast %mul3A_400 : f32 to vector<16xf32>
        %mul3A_402 = arith.mulf %mul3A_401, %add3A_399 : vector<16xf32>
        %div3A_403 = arith.divf %add3A_378, %mul3A_402 : vector<16xf32>
        %add3A_404 = arith.addf %mul3A_402, %div3A_403 : vector<16xf32>
        %mul3A_405 = arith.constant 5.000000e-01 : f32
        %mul3A_406 = vector.broadcast %mul3A_405 : f32 to vector<16xf32>
        %mul3A_407 = arith.mulf %mul3A_406, %add3A_404 : vector<16xf32>
        %add3A_408 = arith.constant 9.99999997E-7 : f32
        %add3A_409 = vector.broadcast %add3A_408 : f32 to vector<16xf32>
        %add3A_410 = arith.addf %mul3A_407, %add3A_409 : vector<16xf32>
        %mul3A_411 = arith.mulf %add3A_410, %add3A_410 : vector<16xf32>
        %div3A_412 = arith.divf %max3A_384, %mul3A_411 : vector<16xf32>
        %mul3A_413 = arith.mulf %div3A_412, %gather3A_371 : vector<16xf32>
        %get3A_414 = arith.constant 32 : index
        %get3A_415 = tpu.vector_load %arg12[%get3A_414] {strides = array<i32>} : memref<128xi32, #tpu.memory_space<vmem>>, vector<16xi32>,
        %get3A_416 = arith.constant 32 : index
        %get3A_417 = tpu.vector_load %arg6[%get3A_416] {strides = array<i32>} : memref<128xi32, #tpu.memory_space<vmem>>, vector<16xi32>,
        tpu.vector_store_idx %arg29[%get3A_415], %mul3A_413 {add = true} : memref<100096xf32, #tpu.memory_space<vmem>>[vector<16xi32>], vector<16xf32>,
        %neg3A_418 = arith.constant 0.000000e+00 : f32
        %neg3A_419 = vector.broadcast %neg3A_418 : f32 to vector<16xf32>
        %neg3A_420 = arith.subf %neg3A_419, %mul3A_413 : vector<16xf32>
        tpu.vector_store_idx %arg29[%get3A_417], %neg3A_420 {add = true} : memref<100096xf32, #tpu.memory_space<vmem>>[vector<16xi32>], vector<16xf32>,
        %add3A_421 = arith.constant 48 : i32
        %add3A_422 = vector.broadcast %add3A_421 : i32 to vector<16xi32>
        %add3A_423 = arith.addi %iota3A, %add3A_422 : vector<16xi32>
        %gather3A_424 = tpu.vector_load_idx %arg18[%add3A_423, %broadcast_in_dim3A_16] : memref<128x8xf32, #tpu.memory_space<vmem>>[vector<16xi32>, vector<16xi32>], vector<16xf32>,
        %gather3A_425 = tpu.vector_load_idx %arg18[%add3A_423, %broadcast_in_dim3A_18] : memref<128x8xf32, #tpu.memory_space<vmem>>[vector<16xi32>, vector<16xi32>], vector<16xf32>,
        %gather3A_426 = tpu.vector_load_idx %arg18[%add3A_423, %broadcast_in_dim3A_20] : memref<128x8xf32, #tpu.memory_space<vmem>>[vector<16xi32>, vector<16xi32>], vector<16xf32>,
        %gather3A_427 = tpu.vector_load_idx %arg18[%add3A_423, %broadcast_in_dim3A_22] : memref<128x8xf32, #tpu.memory_space<vmem>>[vector<16xi32>, vector<16xi32>], vector<16xf32>,
        %gather3A_428 = tpu.vector_load_idx %arg18[%add3A_423, %broadcast_in_dim3A_24] : memref<128x8xf32, #tpu.memory_space<vmem>>[vector<16xi32>, vector<16xi32>], vector<16xf32>,
        %gather3A_429 = tpu.vector_load_idx %arg24[%add3A_423, %broadcast_in_dim3A_16] : memref<128x8xf32, #tpu.memory_space<vmem>>[vector<16xi32>, vector<16xi32>], vector<16xf32>,
        %gather3A_430 = tpu.vector_load_idx %arg24[%add3A_423, %broadcast_in_dim3A_18] : memref<128x8xf32, #tpu.memory_space<vmem>>[vector<16xi32>, vector<16xi32>], vector<16xf32>,
        %sub3A_431 = arith.subf %gather3A_429, %gather3A_424 : vector<16xf32>
        %sub3A_432 = arith.subf %gather3A_430, %gather3A_425 : vector<16xf32>
        %mul3A_433 = arith.mulf %sub3A_431, %sub3A_431 : vector<16xf32>
        %mul3A_434 = arith.mulf %sub3A_432, %sub3A_432 : vector<16xf32>
        %add3A_435 = arith.addf %mul3A_433, %mul3A_434 : vector<16xf32>
        %mul3A_436 = arith.mulf %gather3A_426, %sub3A_431 : vector<16xf32>
        %mul3A_437 = arith.mulf %gather3A_427, %sub3A_432 : vector<16xf32>
        %add3A_438 = arith.addf %mul3A_436, %mul3A_437 : vector<16xf32>
        %max3A_439 = arith.constant 0.000000e+00 : f32
        %max3A_440 = vector.broadcast %max3A_439 : f32 to vector<16xf32>
        %max3A_441 = arith.maximumf %add3A_438, %max3A_440 : vector<16xf32>
        %bitcast3A_442 = vector.bitcast %add3A_435 : vector<16xf32> to vector<16xi32>
        %shift_right_arithmetic3A_443 = arith.constant 1 : i32
        %shift_right_arithmetic3A_444 = vector.broadcast %shift_right_arithmetic3A_443 : i32 to vector<16xi32>
        %shift_right_arithmetic3A_445 = arith.shrsi %bitcast3A_442, %shift_right_arithmetic3A_444 : vector<16xi32>
        %add3A_446 = arith.constant 532487669 : i32
        %add3A_447 = vector.broadcast %add3A_446 : i32 to vector<16xi32>
        %add3A_448 = arith.addi %shift_right_arithmetic3A_445, %add3A_447 : vector<16xi32>
        %bitcast3A_449 = vector.bitcast %add3A_448 : vector<16xi32> to vector<16xf32>
        %div3A_450 = arith.divf %add3A_435, %bitcast3A_449 : vector<16xf32>
        %add3A_451 = arith.addf %bitcast3A_449, %div3A_450 : vector<16xf32>
        %mul3A_452 = arith.constant 5.000000e-01 : f32
        %mul3A_453 = vector.broadcast %mul3A_452 : f32 to vector<16xf32>
        %mul3A_454 = arith.mulf %mul3A_453, %add3A_451 : vector<16xf32>
        %div3A_455 = arith.divf %add3A_435, %mul3A_454 : vector<16xf32>
        %add3A_456 = arith.addf %mul3A_454, %div3A_455 : vector<16xf32>
        %mul3A_457 = arith.constant 5.000000e-01 : f32
        %mul3A_458 = vector.broadcast %mul3A_457 : f32 to vector<16xf32>
        %mul3A_459 = arith.mulf %mul3A_458, %add3A_456 : vector<16xf32>
        %div3A_460 = arith.divf %add3A_435, %mul3A_459 : vector<16xf32>
        %add3A_461 = arith.addf %mul3A_459, %div3A_460 : vector<16xf32>
        %mul3A_462 = arith.constant 5.000000e-01 : f32
        %mul3A_463 = vector.broadcast %mul3A_462 : f32 to vector<16xf32>
        %mul3A_464 = arith.mulf %mul3A_463, %add3A_461 : vector<16xf32>
        %add3A_465 = arith.constant 9.99999997E-7 : f32
        %add3A_466 = vector.broadcast %add3A_465 : f32 to vector<16xf32>
        %add3A_467 = arith.addf %mul3A_464, %add3A_466 : vector<16xf32>
        %mul3A_468 = arith.mulf %add3A_467, %add3A_467 : vector<16xf32>
        %div3A_469 = arith.divf %max3A_441, %mul3A_468 : vector<16xf32>
        %mul3A_470 = arith.mulf %div3A_469, %gather3A_428 : vector<16xf32>
        %get3A_471 = arith.constant 48 : index
        %get3A_472 = tpu.vector_load %arg12[%get3A_471] {strides = array<i32>} : memref<128xi32, #tpu.memory_space<vmem>>, vector<16xi32>,
        %get3A_473 = arith.constant 48 : index
        %get3A_474 = tpu.vector_load %arg6[%get3A_473] {strides = array<i32>} : memref<128xi32, #tpu.memory_space<vmem>>, vector<16xi32>,
        tpu.vector_store_idx %arg29[%get3A_472], %mul3A_470 {add = true} : memref<100096xf32, #tpu.memory_space<vmem>>[vector<16xi32>], vector<16xf32>,
        %neg3A_475 = arith.constant 0.000000e+00 : f32
        %neg3A_476 = vector.broadcast %neg3A_475 : f32 to vector<16xf32>
        %neg3A_477 = arith.subf %neg3A_476, %mul3A_470 : vector<16xf32>
        tpu.vector_store_idx %arg29[%get3A_474], %neg3A_477 {add = true} : memref<100096xf32, #tpu.memory_space<vmem>>[vector<16xi32>], vector<16xf32>,
        %add3A_478 = arith.constant 64 : i32
        %add3A_479 = vector.broadcast %add3A_478 : i32 to vector<16xi32>
        %add3A_480 = arith.addi %iota3A, %add3A_479 : vector<16xi32>
        %gather3A_481 = tpu.vector_load_idx %arg18[%add3A_480, %broadcast_in_dim3A_16] : memref<128x8xf32, #tpu.memory_space<vmem>>[vector<16xi32>, vector<16xi32>], vector<16xf32>,
        %gather3A_482 = tpu.vector_load_idx %arg18[%add3A_480, %broadcast_in_dim3A_18] : memref<128x8xf32, #tpu.memory_space<vmem>>[vector<16xi32>, vector<16xi32>], vector<16xf32>,
        %gather3A_483 = tpu.vector_load_idx %arg18[%add3A_480, %broadcast_in_dim3A_20] : memref<128x8xf32, #tpu.memory_space<vmem>>[vector<16xi32>, vector<16xi32>], vector<16xf32>,
        %gather3A_484 = tpu.vector_load_idx %arg18[%add3A_480, %broadcast_in_dim3A_22] : memref<128x8xf32, #tpu.memory_space<vmem>>[vector<16xi32>, vector<16xi32>], vector<16xf32>,
        %gather3A_485 = tpu.vector_load_idx %arg18[%add3A_480, %broadcast_in_dim3A_24] : memref<128x8xf32, #tpu.memory_space<vmem>>[vector<16xi32>, vector<16xi32>], vector<16xf32>,
        %gather3A_486 = tpu.vector_load_idx %arg24[%add3A_480, %broadcast_in_dim3A_16] : memref<128x8xf32, #tpu.memory_space<vmem>>[vector<16xi32>, vector<16xi32>], vector<16xf32>,
        %gather3A_487 = tpu.vector_load_idx %arg24[%add3A_480, %broadcast_in_dim3A_18] : memref<128x8xf32, #tpu.memory_space<vmem>>[vector<16xi32>, vector<16xi32>], vector<16xf32>,
        %sub3A_488 = arith.subf %gather3A_486, %gather3A_481 : vector<16xf32>
        %sub3A_489 = arith.subf %gather3A_487, %gather3A_482 : vector<16xf32>
        %mul3A_490 = arith.mulf %sub3A_488, %sub3A_488 : vector<16xf32>
        %mul3A_491 = arith.mulf %sub3A_489, %sub3A_489 : vector<16xf32>
        %add3A_492 = arith.addf %mul3A_490, %mul3A_491 : vector<16xf32>
        %mul3A_493 = arith.mulf %gather3A_483, %sub3A_488 : vector<16xf32>
        %mul3A_494 = arith.mulf %gather3A_484, %sub3A_489 : vector<16xf32>
        %add3A_495 = arith.addf %mul3A_493, %mul3A_494 : vector<16xf32>
        %max3A_496 = arith.constant 0.000000e+00 : f32
        %max3A_497 = vector.broadcast %max3A_496 : f32 to vector<16xf32>
        %max3A_498 = arith.maximumf %add3A_495, %max3A_497 : vector<16xf32>
        %bitcast3A_499 = vector.bitcast %add3A_492 : vector<16xf32> to vector<16xi32>
        %shift_right_arithmetic3A_500 = arith.constant 1 : i32
        %shift_right_arithmetic3A_501 = vector.broadcast %shift_right_arithmetic3A_500 : i32 to vector<16xi32>
        %shift_right_arithmetic3A_502 = arith.shrsi %bitcast3A_499, %shift_right_arithmetic3A_501 : vector<16xi32>
        %add3A_503 = arith.constant 532487669 : i32
        %add3A_504 = vector.broadcast %add3A_503 : i32 to vector<16xi32>
        %add3A_505 = arith.addi %shift_right_arithmetic3A_502, %add3A_504 : vector<16xi32>
        %bitcast3A_506 = vector.bitcast %add3A_505 : vector<16xi32> to vector<16xf32>
        %div3A_507 = arith.divf %add3A_492, %bitcast3A_506 : vector<16xf32>
        %add3A_508 = arith.addf %bitcast3A_506, %div3A_507 : vector<16xf32>
        %mul3A_509 = arith.constant 5.000000e-01 : f32
        %mul3A_510 = vector.broadcast %mul3A_509 : f32 to vector<16xf32>
        %mul3A_511 = arith.mulf %mul3A_510, %add3A_508 : vector<16xf32>
        %div3A_512 = arith.divf %add3A_492, %mul3A_511 : vector<16xf32>
        %add3A_513 = arith.addf %mul3A_511, %div3A_512 : vector<16xf32>
        %mul3A_514 = arith.constant 5.000000e-01 : f32
        %mul3A_515 = vector.broadcast %mul3A_514 : f32 to vector<16xf32>
        %mul3A_516 = arith.mulf %mul3A_515, %add3A_513 : vector<16xf32>
        %div3A_517 = arith.divf %add3A_492, %mul3A_516 : vector<16xf32>
        %add3A_518 = arith.addf %mul3A_516, %div3A_517 : vector<16xf32>
        %mul3A_519 = arith.constant 5.000000e-01 : f32
        %mul3A_520 = vector.broadcast %mul3A_519 : f32 to vector<16xf32>
        %mul3A_521 = arith.mulf %mul3A_520, %add3A_518 : vector<16xf32>
        %add3A_522 = arith.constant 9.99999997E-7 : f32
        %add3A_523 = vector.broadcast %add3A_522 : f32 to vector<16xf32>
        %add3A_524 = arith.addf %mul3A_521, %add3A_523 : vector<16xf32>
        %mul3A_525 = arith.mulf %add3A_524, %add3A_524 : vector<16xf32>
        %div3A_526 = arith.divf %max3A_498, %mul3A_525 : vector<16xf32>
        %mul3A_527 = arith.mulf %div3A_526, %gather3A_485 : vector<16xf32>
        %get3A_528 = arith.constant 64 : index
        %get3A_529 = tpu.vector_load %arg12[%get3A_528] {strides = array<i32>} : memref<128xi32, #tpu.memory_space<vmem>>, vector<16xi32>,
        %get3A_530 = arith.constant 64 : index
        %get3A_531 = tpu.vector_load %arg6[%get3A_530] {strides = array<i32>} : memref<128xi32, #tpu.memory_space<vmem>>, vector<16xi32>,
        tpu.vector_store_idx %arg29[%get3A_529], %mul3A_527 {add = true} : memref<100096xf32, #tpu.memory_space<vmem>>[vector<16xi32>], vector<16xf32>,
        %neg3A_532 = arith.constant 0.000000e+00 : f32
        %neg3A_533 = vector.broadcast %neg3A_532 : f32 to vector<16xf32>
        %neg3A_534 = arith.subf %neg3A_533, %mul3A_527 : vector<16xf32>
        tpu.vector_store_idx %arg29[%get3A_531], %neg3A_534 {add = true} : memref<100096xf32, #tpu.memory_space<vmem>>[vector<16xi32>], vector<16xf32>,
        %add3A_535 = arith.constant 80 : i32
        %add3A_536 = vector.broadcast %add3A_535 : i32 to vector<16xi32>
        %add3A_537 = arith.addi %iota3A, %add3A_536 : vector<16xi32>
        %gather3A_538 = tpu.vector_load_idx %arg18[%add3A_537, %broadcast_in_dim3A_16] : memref<128x8xf32, #tpu.memory_space<vmem>>[vector<16xi32>, vector<16xi32>], vector<16xf32>,
        %gather3A_539 = tpu.vector_load_idx %arg18[%add3A_537, %broadcast_in_dim3A_18] : memref<128x8xf32, #tpu.memory_space<vmem>>[vector<16xi32>, vector<16xi32>], vector<16xf32>,
        %gather3A_540 = tpu.vector_load_idx %arg18[%add3A_537, %broadcast_in_dim3A_20] : memref<128x8xf32, #tpu.memory_space<vmem>>[vector<16xi32>, vector<16xi32>], vector<16xf32>,
        %gather3A_541 = tpu.vector_load_idx %arg18[%add3A_537, %broadcast_in_dim3A_22] : memref<128x8xf32, #tpu.memory_space<vmem>>[vector<16xi32>, vector<16xi32>], vector<16xf32>,
        %gather3A_542 = tpu.vector_load_idx %arg18[%add3A_537, %broadcast_in_dim3A_24] : memref<128x8xf32, #tpu.memory_space<vmem>>[vector<16xi32>, vector<16xi32>], vector<16xf32>,
        %gather3A_543 = tpu.vector_load_idx %arg24[%add3A_537, %broadcast_in_dim3A_16] : memref<128x8xf32, #tpu.memory_space<vmem>>[vector<16xi32>, vector<16xi32>], vector<16xf32>,
        %gather3A_544 = tpu.vector_load_idx %arg24[%add3A_537, %broadcast_in_dim3A_18] : memref<128x8xf32, #tpu.memory_space<vmem>>[vector<16xi32>, vector<16xi32>], vector<16xf32>,
        %sub3A_545 = arith.subf %gather3A_543, %gather3A_538 : vector<16xf32>
        %sub3A_546 = arith.subf %gather3A_544, %gather3A_539 : vector<16xf32>
        %mul3A_547 = arith.mulf %sub3A_545, %sub3A_545 : vector<16xf32>
        %mul3A_548 = arith.mulf %sub3A_546, %sub3A_546 : vector<16xf32>
        %add3A_549 = arith.addf %mul3A_547, %mul3A_548 : vector<16xf32>
        %mul3A_550 = arith.mulf %gather3A_540, %sub3A_545 : vector<16xf32>
        %mul3A_551 = arith.mulf %gather3A_541, %sub3A_546 : vector<16xf32>
        %add3A_552 = arith.addf %mul3A_550, %mul3A_551 : vector<16xf32>
        %max3A_553 = arith.constant 0.000000e+00 : f32
        %max3A_554 = vector.broadcast %max3A_553 : f32 to vector<16xf32>
        %max3A_555 = arith.maximumf %add3A_552, %max3A_554 : vector<16xf32>
        %bitcast3A_556 = vector.bitcast %add3A_549 : vector<16xf32> to vector<16xi32>
        %shift_right_arithmetic3A_557 = arith.constant 1 : i32
        %shift_right_arithmetic3A_558 = vector.broadcast %shift_right_arithmetic3A_557 : i32 to vector<16xi32>
        %shift_right_arithmetic3A_559 = arith.shrsi %bitcast3A_556, %shift_right_arithmetic3A_558 : vector<16xi32>
        %add3A_560 = arith.constant 532487669 : i32
        %add3A_561 = vector.broadcast %add3A_560 : i32 to vector<16xi32>
        %add3A_562 = arith.addi %shift_right_arithmetic3A_559, %add3A_561 : vector<16xi32>
        %bitcast3A_563 = vector.bitcast %add3A_562 : vector<16xi32> to vector<16xf32>
        %div3A_564 = arith.divf %add3A_549, %bitcast3A_563 : vector<16xf32>
        %add3A_565 = arith.addf %bitcast3A_563, %div3A_564 : vector<16xf32>
        %mul3A_566 = arith.constant 5.000000e-01 : f32
        %mul3A_567 = vector.broadcast %mul3A_566 : f32 to vector<16xf32>
        %mul3A_568 = arith.mulf %mul3A_567, %add3A_565 : vector<16xf32>
        %div3A_569 = arith.divf %add3A_549, %mul3A_568 : vector<16xf32>
        %add3A_570 = arith.addf %mul3A_568, %div3A_569 : vector<16xf32>
        %mul3A_571 = arith.constant 5.000000e-01 : f32
        %mul3A_572 = vector.broadcast %mul3A_571 : f32 to vector<16xf32>
        %mul3A_573 = arith.mulf %mul3A_572, %add3A_570 : vector<16xf32>
        %div3A_574 = arith.divf %add3A_549, %mul3A_573 : vector<16xf32>
        %add3A_575 = arith.addf %mul3A_573, %div3A_574 : vector<16xf32>
        %mul3A_576 = arith.constant 5.000000e-01 : f32
        %mul3A_577 = vector.broadcast %mul3A_576 : f32 to vector<16xf32>
        %mul3A_578 = arith.mulf %mul3A_577, %add3A_575 : vector<16xf32>
        %add3A_579 = arith.constant 9.99999997E-7 : f32
        %add3A_580 = vector.broadcast %add3A_579 : f32 to vector<16xf32>
        %add3A_581 = arith.addf %mul3A_578, %add3A_580 : vector<16xf32>
        %mul3A_582 = arith.mulf %add3A_581, %add3A_581 : vector<16xf32>
        %div3A_583 = arith.divf %max3A_555, %mul3A_582 : vector<16xf32>
        %mul3A_584 = arith.mulf %div3A_583, %gather3A_542 : vector<16xf32>
        %get3A_585 = arith.constant 80 : index
        %get3A_586 = tpu.vector_load %arg12[%get3A_585] {strides = array<i32>} : memref<128xi32, #tpu.memory_space<vmem>>, vector<16xi32>,
        %get3A_587 = arith.constant 80 : index
        %get3A_588 = tpu.vector_load %arg6[%get3A_587] {strides = array<i32>} : memref<128xi32, #tpu.memory_space<vmem>>, vector<16xi32>,
        tpu.vector_store_idx %arg29[%get3A_586], %mul3A_584 {add = true} : memref<100096xf32, #tpu.memory_space<vmem>>[vector<16xi32>], vector<16xf32>,
        %neg3A_589 = arith.constant 0.000000e+00 : f32
        %neg3A_590 = vector.broadcast %neg3A_589 : f32 to vector<16xf32>
        %neg3A_591 = arith.subf %neg3A_590, %mul3A_584 : vector<16xf32>
        tpu.vector_store_idx %arg29[%get3A_588], %neg3A_591 {add = true} : memref<100096xf32, #tpu.memory_space<vmem>>[vector<16xi32>], vector<16xf32>,
        %add3A_592 = arith.constant 96 : i32
        %add3A_593 = vector.broadcast %add3A_592 : i32 to vector<16xi32>
        %add3A_594 = arith.addi %iota3A, %add3A_593 : vector<16xi32>
        %gather3A_595 = tpu.vector_load_idx %arg18[%add3A_594, %broadcast_in_dim3A_16] : memref<128x8xf32, #tpu.memory_space<vmem>>[vector<16xi32>, vector<16xi32>], vector<16xf32>,
        %gather3A_596 = tpu.vector_load_idx %arg18[%add3A_594, %broadcast_in_dim3A_18] : memref<128x8xf32, #tpu.memory_space<vmem>>[vector<16xi32>, vector<16xi32>], vector<16xf32>,
        %gather3A_597 = tpu.vector_load_idx %arg18[%add3A_594, %broadcast_in_dim3A_20] : memref<128x8xf32, #tpu.memory_space<vmem>>[vector<16xi32>, vector<16xi32>], vector<16xf32>,
        %gather3A_598 = tpu.vector_load_idx %arg18[%add3A_594, %broadcast_in_dim3A_22] : memref<128x8xf32, #tpu.memory_space<vmem>>[vector<16xi32>, vector<16xi32>], vector<16xf32>,
        %gather3A_599 = tpu.vector_load_idx %arg18[%add3A_594, %broadcast_in_dim3A_24] : memref<128x8xf32, #tpu.memory_space<vmem>>[vector<16xi32>, vector<16xi32>], vector<16xf32>,
        %gather3A_600 = tpu.vector_load_idx %arg24[%add3A_594, %broadcast_in_dim3A_16] : memref<128x8xf32, #tpu.memory_space<vmem>>[vector<16xi32>, vector<16xi32>], vector<16xf32>,
        %gather3A_601 = tpu.vector_load_idx %arg24[%add3A_594, %broadcast_in_dim3A_18] : memref<128x8xf32, #tpu.memory_space<vmem>>[vector<16xi32>, vector<16xi32>], vector<16xf32>,
        %sub3A_602 = arith.subf %gather3A_600, %gather3A_595 : vector<16xf32>
        %sub3A_603 = arith.subf %gather3A_601, %gather3A_596 : vector<16xf32>
        %mul3A_604 = arith.mulf %sub3A_602, %sub3A_602 : vector<16xf32>
        %mul3A_605 = arith.mulf %sub3A_603, %sub3A_603 : vector<16xf32>
        %add3A_606 = arith.addf %mul3A_604, %mul3A_605 : vector<16xf32>
        %mul3A_607 = arith.mulf %gather3A_597, %sub3A_602 : vector<16xf32>
        %mul3A_608 = arith.mulf %gather3A_598, %sub3A_603 : vector<16xf32>
        %add3A_609 = arith.addf %mul3A_607, %mul3A_608 : vector<16xf32>
        %max3A_610 = arith.constant 0.000000e+00 : f32
        %max3A_611 = vector.broadcast %max3A_610 : f32 to vector<16xf32>
        %max3A_612 = arith.maximumf %add3A_609, %max3A_611 : vector<16xf32>
        %bitcast3A_613 = vector.bitcast %add3A_606 : vector<16xf32> to vector<16xi32>
        %shift_right_arithmetic3A_614 = arith.constant 1 : i32
        %shift_right_arithmetic3A_615 = vector.broadcast %shift_right_arithmetic3A_614 : i32 to vector<16xi32>
        %shift_right_arithmetic3A_616 = arith.shrsi %bitcast3A_613, %shift_right_arithmetic3A_615 : vector<16xi32>
        %add3A_617 = arith.constant 532487669 : i32
        %add3A_618 = vector.broadcast %add3A_617 : i32 to vector<16xi32>
        %add3A_619 = arith.addi %shift_right_arithmetic3A_616, %add3A_618 : vector<16xi32>
        %bitcast3A_620 = vector.bitcast %add3A_619 : vector<16xi32> to vector<16xf32>
        %div3A_621 = arith.divf %add3A_606, %bitcast3A_620 : vector<16xf32>
        %add3A_622 = arith.addf %bitcast3A_620, %div3A_621 : vector<16xf32>
        %mul3A_623 = arith.constant 5.000000e-01 : f32
        %mul3A_624 = vector.broadcast %mul3A_623 : f32 to vector<16xf32>
        %mul3A_625 = arith.mulf %mul3A_624, %add3A_622 : vector<16xf32>
        %div3A_626 = arith.divf %add3A_606, %mul3A_625 : vector<16xf32>
        %add3A_627 = arith.addf %mul3A_625, %div3A_626 : vector<16xf32>
        %mul3A_628 = arith.constant 5.000000e-01 : f32
        %mul3A_629 = vector.broadcast %mul3A_628 : f32 to vector<16xf32>
        %mul3A_630 = arith.mulf %mul3A_629, %add3A_627 : vector<16xf32>
        %div3A_631 = arith.divf %add3A_606, %mul3A_630 : vector<16xf32>
        %add3A_632 = arith.addf %mul3A_630, %div3A_631 : vector<16xf32>
        %mul3A_633 = arith.constant 5.000000e-01 : f32
        %mul3A_634 = vector.broadcast %mul3A_633 : f32 to vector<16xf32>
        %mul3A_635 = arith.mulf %mul3A_634, %add3A_632 : vector<16xf32>
        %add3A_636 = arith.constant 9.99999997E-7 : f32
        %add3A_637 = vector.broadcast %add3A_636 : f32 to vector<16xf32>
        %add3A_638 = arith.addf %mul3A_635, %add3A_637 : vector<16xf32>
        %mul3A_639 = arith.mulf %add3A_638, %add3A_638 : vector<16xf32>
        %div3A_640 = arith.divf %max3A_612, %mul3A_639 : vector<16xf32>
        %mul3A_641 = arith.mulf %div3A_640, %gather3A_599 : vector<16xf32>
        %get3A_642 = arith.constant 96 : index
        %get3A_643 = tpu.vector_load %arg12[%get3A_642] {strides = array<i32>} : memref<128xi32, #tpu.memory_space<vmem>>, vector<16xi32>,
        %get3A_644 = arith.constant 96 : index
        %get3A_645 = tpu.vector_load %arg6[%get3A_644] {strides = array<i32>} : memref<128xi32, #tpu.memory_space<vmem>>, vector<16xi32>,
        tpu.vector_store_idx %arg29[%get3A_643], %mul3A_641 {add = true} : memref<100096xf32, #tpu.memory_space<vmem>>[vector<16xi32>], vector<16xf32>,
        %neg3A_646 = arith.constant 0.000000e+00 : f32
        %neg3A_647 = vector.broadcast %neg3A_646 : f32 to vector<16xf32>
        %neg3A_648 = arith.subf %neg3A_647, %mul3A_641 : vector<16xf32>
        tpu.vector_store_idx %arg29[%get3A_645], %neg3A_648 {add = true} : memref<100096xf32, #tpu.memory_space<vmem>>[vector<16xi32>], vector<16xf32>,
        %add3A_649 = arith.constant 112 : i32
        %add3A_650 = vector.broadcast %add3A_649 : i32 to vector<16xi32>
        %add3A_651 = arith.addi %iota3A, %add3A_650 : vector<16xi32>
        %gather3A_652 = tpu.vector_load_idx %arg18[%add3A_651, %broadcast_in_dim3A_16] : memref<128x8xf32, #tpu.memory_space<vmem>>[vector<16xi32>, vector<16xi32>], vector<16xf32>,
        %gather3A_653 = tpu.vector_load_idx %arg18[%add3A_651, %broadcast_in_dim3A_18] : memref<128x8xf32, #tpu.memory_space<vmem>>[vector<16xi32>, vector<16xi32>], vector<16xf32>,
        %gather3A_654 = tpu.vector_load_idx %arg18[%add3A_651, %broadcast_in_dim3A_20] : memref<128x8xf32, #tpu.memory_space<vmem>>[vector<16xi32>, vector<16xi32>], vector<16xf32>,
        %gather3A_655 = tpu.vector_load_idx %arg18[%add3A_651, %broadcast_in_dim3A_22] : memref<128x8xf32, #tpu.memory_space<vmem>>[vector<16xi32>, vector<16xi32>], vector<16xf32>,
        %gather3A_656 = tpu.vector_load_idx %arg18[%add3A_651, %broadcast_in_dim3A_24] : memref<128x8xf32, #tpu.memory_space<vmem>>[vector<16xi32>, vector<16xi32>], vector<16xf32>,
        %gather3A_657 = tpu.vector_load_idx %arg24[%add3A_651, %broadcast_in_dim3A_16] : memref<128x8xf32, #tpu.memory_space<vmem>>[vector<16xi32>, vector<16xi32>], vector<16xf32>,
        %gather3A_658 = tpu.vector_load_idx %arg24[%add3A_651, %broadcast_in_dim3A_18] : memref<128x8xf32, #tpu.memory_space<vmem>>[vector<16xi32>, vector<16xi32>], vector<16xf32>,
        %sub3A_659 = arith.subf %gather3A_657, %gather3A_652 : vector<16xf32>
        %sub3A_660 = arith.subf %gather3A_658, %gather3A_653 : vector<16xf32>
        %mul3A_661 = arith.mulf %sub3A_659, %sub3A_659 : vector<16xf32>
        %mul3A_662 = arith.mulf %sub3A_660, %sub3A_660 : vector<16xf32>
        %add3A_663 = arith.addf %mul3A_661, %mul3A_662 : vector<16xf32>
        %mul3A_664 = arith.mulf %gather3A_654, %sub3A_659 : vector<16xf32>
        %mul3A_665 = arith.mulf %gather3A_655, %sub3A_660 : vector<16xf32>
        %add3A_666 = arith.addf %mul3A_664, %mul3A_665 : vector<16xf32>
        %max3A_667 = arith.constant 0.000000e+00 : f32
        %max3A_668 = vector.broadcast %max3A_667 : f32 to vector<16xf32>
        %max3A_669 = arith.maximumf %add3A_666, %max3A_668 : vector<16xf32>
        %bitcast3A_670 = vector.bitcast %add3A_663 : vector<16xf32> to vector<16xi32>
        %shift_right_arithmetic3A_671 = arith.constant 1 : i32
        %shift_right_arithmetic3A_672 = vector.broadcast %shift_right_arithmetic3A_671 : i32 to vector<16xi32>
        %shift_right_arithmetic3A_673 = arith.shrsi %bitcast3A_670, %shift_right_arithmetic3A_672 : vector<16xi32>
        %add3A_674 = arith.constant 532487669 : i32
        %add3A_675 = vector.broadcast %add3A_674 : i32 to vector<16xi32>
        %add3A_676 = arith.addi %shift_right_arithmetic3A_673, %add3A_675 : vector<16xi32>
        %bitcast3A_677 = vector.bitcast %add3A_676 : vector<16xi32> to vector<16xf32>
        %div3A_678 = arith.divf %add3A_663, %bitcast3A_677 : vector<16xf32>
        %add3A_679 = arith.addf %bitcast3A_677, %div3A_678 : vector<16xf32>
        %mul3A_680 = arith.constant 5.000000e-01 : f32
        %mul3A_681 = vector.broadcast %mul3A_680 : f32 to vector<16xf32>
        %mul3A_682 = arith.mulf %mul3A_681, %add3A_679 : vector<16xf32>
        %div3A_683 = arith.divf %add3A_663, %mul3A_682 : vector<16xf32>
        %add3A_684 = arith.addf %mul3A_682, %div3A_683 : vector<16xf32>
        %mul3A_685 = arith.constant 5.000000e-01 : f32
        %mul3A_686 = vector.broadcast %mul3A_685 : f32 to vector<16xf32>
        %mul3A_687 = arith.mulf %mul3A_686, %add3A_684 : vector<16xf32>
        %div3A_688 = arith.divf %add3A_663, %mul3A_687 : vector<16xf32>
        %add3A_689 = arith.addf %mul3A_687, %div3A_688 : vector<16xf32>
        %mul3A_690 = arith.constant 5.000000e-01 : f32
        %mul3A_691 = vector.broadcast %mul3A_690 : f32 to vector<16xf32>
        %mul3A_692 = arith.mulf %mul3A_691, %add3A_689 : vector<16xf32>
        %add3A_693 = arith.constant 9.99999997E-7 : f32
        %add3A_694 = vector.broadcast %add3A_693 : f32 to vector<16xf32>
        %add3A_695 = arith.addf %mul3A_692, %add3A_694 : vector<16xf32>
        %mul3A_696 = arith.mulf %add3A_695, %add3A_695 : vector<16xf32>
        %div3A_697 = arith.divf %max3A_669, %mul3A_696 : vector<16xf32>
        %mul3A_698 = arith.mulf %div3A_697, %gather3A_656 : vector<16xf32>
        %get3A_699 = arith.constant 112 : index
        %get3A_700 = tpu.vector_load %arg12[%get3A_699] {strides = array<i32>} : memref<128xi32, #tpu.memory_space<vmem>>, vector<16xi32>,
        %get3A_701 = arith.constant 112 : index
        %get3A_702 = tpu.vector_load %arg6[%get3A_701] {strides = array<i32>} : memref<128xi32, #tpu.memory_space<vmem>>, vector<16xi32>,
        tpu.vector_store_idx %arg29[%get3A_700], %mul3A_698 {add = true} : memref<100096xf32, #tpu.memory_space<vmem>>[vector<16xi32>], vector<16xf32>,
        %neg3A_703 = arith.constant 0.000000e+00 : f32
        %neg3A_704 = vector.broadcast %neg3A_703 : f32 to vector<16xf32>
        %neg3A_705 = arith.subf %neg3A_704, %mul3A_698 : vector<16xf32>
        tpu.vector_store_idx %arg29[%get3A_702], %neg3A_705 {add = true} : memref<100096xf32, #tpu.memory_space<vmem>>[vector<16xi32>], vector<16xf32>,
      } else {
      }
      %mul3A_172 = arith.constant 6 : i32
      %mul3A_173 = arith.muli %scan3A_133, %mul3A_172 : i32
      %add3A_174 = arith.constant 2 : i32
      %add3A_175 = arith.addi %mul3A_173, %add3A_174 : i32
      %add3A_176 = arith.constant 2 : i32
      %add3A_177 = arith.addi %add3A_175, %add3A_176 : i32
      %lt3A_178 = arith.cmpi slt, %add3A_177, %add3A_4 : i32
      %convert_element_type3A_179 = arith.extui %lt3A_178 : i1 to i32
      %cond3A_180 = arith.constant 0 : i32
      %cond3A_181 = arith.cmpi ne, %convert_element_type3A_179, %cond3A_180 : i32
      scf.if %cond3A_181 {
        %dma_wait3A_252 = arith.constant 0 : i32
        %dma_wait3A_253 = arith.constant 0 : i32
        %dma_wait3A_254 = tpu.memref_slice %arg3[%dma_wait3A_252, %dma_wait3A_253] : memref<25000x128xi32, #tpu.memory_space<hbm>> -> memref<1x128xi32, #tpu.memory_space<hbm>>
        %dma_wait3A_255 = tpu.memref_squeeze %dma_wait3A_254 : memref<1x128xi32, #tpu.memory_space<hbm>> -> memref<128xi32, #tpu.memory_space<hbm>>
        %dma_wait3A_256 = arith.constant 0 : i32
        %dma_wait3A_257 = tpu.memref_slice %arg3[%dma_wait3A_252, %dma_wait3A_256] : memref<25000x128xi32, #tpu.memory_space<hbm>> -> memref<1x128xi32, #tpu.memory_space<hbm>>
        %dma_wait3A_258 = tpu.memref_squeeze %dma_wait3A_257 : memref<1x128xi32, #tpu.memory_space<hbm>> -> memref<128xi32, #tpu.memory_space<hbm>>
        tpu.wait_dma2 semaphore(%arg34 : memref<!tpu.dma_semaphore, #tpu.memory_space<semaphore_mem>>) src(%dma_wait3A_258 : memref<128xi32, #tpu.memory_space<hbm>>) dst(%arg9 : memref<128xi32, #tpu.memory_space<vmem>>)
        %dma_wait3A_259 = arith.constant 0 : i32
        %dma_wait3A_260 = arith.constant 0 : i32
        %dma_wait3A_261 = tpu.memref_slice %arg3[%dma_wait3A_259, %dma_wait3A_260] : memref<25000x128xi32, #tpu.memory_space<hbm>> -> memref<1x128xi32, #tpu.memory_space<hbm>>
        %dma_wait3A_262 = tpu.memref_squeeze %dma_wait3A_261 : memref<1x128xi32, #tpu.memory_space<hbm>> -> memref<128xi32, #tpu.memory_space<hbm>>
        %dma_wait3A_263 = arith.constant 0 : i32
        %dma_wait3A_264 = tpu.memref_slice %arg3[%dma_wait3A_259, %dma_wait3A_263] : memref<25000x128xi32, #tpu.memory_space<hbm>> -> memref<1x128xi32, #tpu.memory_space<hbm>>
        %dma_wait3A_265 = tpu.memref_squeeze %dma_wait3A_264 : memref<1x128xi32, #tpu.memory_space<hbm>> -> memref<128xi32, #tpu.memory_space<hbm>>
        tpu.wait_dma2 semaphore(%arg34 : memref<!tpu.dma_semaphore, #tpu.memory_space<semaphore_mem>>) src(%dma_wait3A_265 : memref<128xi32, #tpu.memory_space<hbm>>) dst(%arg15 : memref<128xi32, #tpu.memory_space<vmem>>)
        %dma_start3A_266 = arith.constant 0 : i32
        %dma_start3A_267 = arith.constant 0 : i32
        %dma_start3A_268 = tpu.memref_slice %arg2[%dma_start3A_266, %dma_start3A_267] : memref<100000x8xf32, #tpu.memory_space<hbm>> -> memref<100000x8xf32, #tpu.memory_space<hbm>>
        tpu.enqueue_indirect_dma source(%dma_start3A_268 : memref<100000x8xf32, #tpu.memory_space<hbm>>) target(%arg21 : memref<128x8xf32, #tpu.memory_space<vmem>>) offsets(%arg9 : memref<128xi32, #tpu.memory_space<vmem>>) semaphore(%arg40 : memref<!tpu.dma_semaphore, #tpu.memory_space<semaphore_mem>>)
        %dma_start3A_269 = arith.constant 0 : i32
        %dma_start3A_270 = arith.constant 0 : i32
        %dma_start3A_271 = tpu.memref_slice %arg2[%dma_start3A_269, %dma_start3A_270] : memref<100000x8xf32, #tpu.memory_space<hbm>> -> memref<100000x8xf32, #tpu.memory_space<hbm>>
        tpu.enqueue_indirect_dma source(%dma_start3A_271 : memref<100000x8xf32, #tpu.memory_space<hbm>>) target(%arg27 : memref<128x8xf32, #tpu.memory_space<vmem>>) offsets(%arg15 : memref<128xi32, #tpu.memory_space<vmem>>) semaphore(%arg40 : memref<!tpu.dma_semaphore, #tpu.memory_space<semaphore_mem>>)
      } else {
      }
      %add3A_182 = arith.constant 4 : i32
      %add3A_183 = arith.addi %add3A_175, %add3A_182 : i32
      %lt3A_184 = arith.cmpi slt, %add3A_183, %add3A_4 : i32
      %convert_element_type3A_185 = arith.extui %lt3A_184 : i1 to i32
      %cond3A_186 = arith.constant 0 : i32
      %cond3A_187 = arith.cmpi ne, %convert_element_type3A_185, %cond3A_186 : i32
      scf.if %cond3A_187 {
        %add3A_252 = arith.constant 4 : i32
        %add3A_253 = arith.addi %add3A_175, %add3A_252 : i32
        %add3A_254 = arith.addi %add3A_8, %add3A_253 : i32
        %dma_start3A_255 = arith.constant 0 : i32
        %dma_start3A_256 = tpu.memref_slice %arg3[%add3A_254, %dma_start3A_255] : memref<25000x128xi32, #tpu.memory_space<hbm>> -> memref<1x128xi32, #tpu.memory_space<hbm>>
        %dma_start3A_257 = tpu.memref_squeeze %dma_start3A_256 : memref<1x128xi32, #tpu.memory_space<hbm>> -> memref<128xi32, #tpu.memory_space<hbm>>
        %dma_start3A_258 = arith.constant 0 : i32
        %dma_start3A_259 = tpu.memref_slice %arg3[%add3A_254, %dma_start3A_258] : memref<25000x128xi32, #tpu.memory_space<hbm>> -> memref<1x128xi32, #tpu.memory_space<hbm>>
        %dma_start3A_260 = tpu.memref_squeeze %dma_start3A_259 : memref<1x128xi32, #tpu.memory_space<hbm>> -> memref<128xi32, #tpu.memory_space<hbm>>
        tpu.enqueue_dma source(%dma_start3A_260 : memref<128xi32, #tpu.memory_space<hbm>>) target(%arg5 : memref<128xi32, #tpu.memory_space<vmem>>) target_semaphore(%arg30 : memref<!tpu.dma_semaphore, #tpu.memory_space<semaphore_mem>>)
        %add3A_261 = arith.constant 12500 : i32
        %add3A_262 = arith.addi %add3A_261, %add3A_254 : i32
        %dma_start3A_263 = arith.constant 0 : i32
        %dma_start3A_264 = tpu.memref_slice %arg3[%add3A_262, %dma_start3A_263] : memref<25000x128xi32, #tpu.memory_space<hbm>> -> memref<1x128xi32, #tpu.memory_space<hbm>>
        %dma_start3A_265 = tpu.memref_squeeze %dma_start3A_264 : memref<1x128xi32, #tpu.memory_space<hbm>> -> memref<128xi32, #tpu.memory_space<hbm>>
        %dma_start3A_266 = arith.constant 0 : i32
        %dma_start3A_267 = tpu.memref_slice %arg3[%add3A_262, %dma_start3A_266] : memref<25000x128xi32, #tpu.memory_space<hbm>> -> memref<1x128xi32, #tpu.memory_space<hbm>>
        %dma_start3A_268 = tpu.memref_squeeze %dma_start3A_267 : memref<1x128xi32, #tpu.memory_space<hbm>> -> memref<128xi32, #tpu.memory_space<hbm>>
        tpu.enqueue_dma source(%dma_start3A_268 : memref<128xi32, #tpu.memory_space<hbm>>) target(%arg11 : memref<128xi32, #tpu.memory_space<vmem>>) target_semaphore(%arg30 : memref<!tpu.dma_semaphore, #tpu.memory_space<semaphore_mem>>)
      } else {
      }
      %lt3A_188 = arith.cmpi slt, %add3A_175, %add3A_4 : i32
      %convert_element_type3A_189 = arith.extui %lt3A_188 : i1 to i32
      %cond3A_190 = arith.constant 0 : i32
      %cond3A_191 = arith.cmpi ne, %convert_element_type3A_189, %cond3A_190 : i32
      scf.if %cond3A_191 {
        %dma_wait3A_252 = arith.constant 0 : i32
        %dma_wait3A_253 = arith.constant 0 : i32
        %dma_wait3A_254 = tpu.memref_slice %arg2[%dma_wait3A_252, %dma_wait3A_253] : memref<100000x8xf32, #tpu.memory_space<hbm>> -> memref<100000x8xf32, #tpu.memory_space<hbm>>
        tpu.wait_indirect_dma semaphore(%arg38 : memref<!tpu.dma_semaphore, #tpu.memory_space<semaphore_mem>>) src(%dma_wait3A_254 : memref<100000x8xf32, #tpu.memory_space<hbm>>) dst(%arg19 : memref<128x8xf32, #tpu.memory_space<vmem>>)
        %dma_wait3A_255 = arith.constant 0 : i32
        %dma_wait3A_256 = arith.constant 0 : i32
        %dma_wait3A_257 = tpu.memref_slice %arg2[%dma_wait3A_255, %dma_wait3A_256] : memref<100000x8xf32, #tpu.memory_space<hbm>> -> memref<100000x8xf32, #tpu.memory_space<hbm>>
        tpu.wait_indirect_dma semaphore(%arg38 : memref<!tpu.dma_semaphore, #tpu.memory_space<semaphore_mem>>) src(%dma_wait3A_257 : memref<100000x8xf32, #tpu.memory_space<hbm>>) dst(%arg25 : memref<128x8xf32, #tpu.memory_space<vmem>>)
        %add3A_258 = arith.constant 0 : i32
        %add3A_259 = vector.broadcast %add3A_258 : i32 to vector<16xi32>
        %add3A_260 = arith.addi %iota3A, %add3A_259 : vector<16xi32>
        %gather3A = tpu.vector_load_idx %arg19[%add3A_260, %broadcast_in_dim3A_16] : memref<128x8xf32, #tpu.memory_space<vmem>>[vector<16xi32>, vector<16xi32>], vector<16xf32>,
        %gather3A_261 = tpu.vector_load_idx %arg19[%add3A_260, %broadcast_in_dim3A_18] : memref<128x8xf32, #tpu.memory_space<vmem>>[vector<16xi32>, vector<16xi32>], vector<16xf32>,
        %gather3A_262 = tpu.vector_load_idx %arg19[%add3A_260, %broadcast_in_dim3A_20] : memref<128x8xf32, #tpu.memory_space<vmem>>[vector<16xi32>, vector<16xi32>], vector<16xf32>,
        %gather3A_263 = tpu.vector_load_idx %arg19[%add3A_260, %broadcast_in_dim3A_22] : memref<128x8xf32, #tpu.memory_space<vmem>>[vector<16xi32>, vector<16xi32>], vector<16xf32>,
        %gather3A_264 = tpu.vector_load_idx %arg19[%add3A_260, %broadcast_in_dim3A_24] : memref<128x8xf32, #tpu.memory_space<vmem>>[vector<16xi32>, vector<16xi32>], vector<16xf32>,
        %gather3A_265 = tpu.vector_load_idx %arg25[%add3A_260, %broadcast_in_dim3A_16] : memref<128x8xf32, #tpu.memory_space<vmem>>[vector<16xi32>, vector<16xi32>], vector<16xf32>,
        %gather3A_266 = tpu.vector_load_idx %arg25[%add3A_260, %broadcast_in_dim3A_18] : memref<128x8xf32, #tpu.memory_space<vmem>>[vector<16xi32>, vector<16xi32>], vector<16xf32>,
        %sub3A = arith.subf %gather3A_265, %gather3A : vector<16xf32>
        %sub3A_267 = arith.subf %gather3A_266, %gather3A_261 : vector<16xf32>
        %mul3A_268 = arith.mulf %sub3A, %sub3A : vector<16xf32>
        %mul3A_269 = arith.mulf %sub3A_267, %sub3A_267 : vector<16xf32>
        %add3A_270 = arith.addf %mul3A_268, %mul3A_269 : vector<16xf32>
        %mul3A_271 = arith.mulf %gather3A_262, %sub3A : vector<16xf32>
        %mul3A_272 = arith.mulf %gather3A_263, %sub3A_267 : vector<16xf32>
        %add3A_273 = arith.addf %mul3A_271, %mul3A_272 : vector<16xf32>
        %max3A = arith.constant 0.000000e+00 : f32
        %max3A_274 = vector.broadcast %max3A : f32 to vector<16xf32>
        %max3A_275 = arith.maximumf %add3A_273, %max3A_274 : vector<16xf32>
        %bitcast3A = vector.bitcast %add3A_270 : vector<16xf32> to vector<16xi32>
        %shift_right_arithmetic3A = arith.constant 1 : i32
        %shift_right_arithmetic3A_276 = vector.broadcast %shift_right_arithmetic3A : i32 to vector<16xi32>
        %shift_right_arithmetic3A_277 = arith.shrsi %bitcast3A, %shift_right_arithmetic3A_276 : vector<16xi32>
        %add3A_278 = arith.constant 532487669 : i32
        %add3A_279 = vector.broadcast %add3A_278 : i32 to vector<16xi32>
        %add3A_280 = arith.addi %shift_right_arithmetic3A_277, %add3A_279 : vector<16xi32>
        %bitcast3A_281 = vector.bitcast %add3A_280 : vector<16xi32> to vector<16xf32>
        %div3A = arith.divf %add3A_270, %bitcast3A_281 : vector<16xf32>
        %add3A_282 = arith.addf %bitcast3A_281, %div3A : vector<16xf32>
        %mul3A_283 = arith.constant 5.000000e-01 : f32
        %mul3A_284 = vector.broadcast %mul3A_283 : f32 to vector<16xf32>
        %mul3A_285 = arith.mulf %mul3A_284, %add3A_282 : vector<16xf32>
        %div3A_286 = arith.divf %add3A_270, %mul3A_285 : vector<16xf32>
        %add3A_287 = arith.addf %mul3A_285, %div3A_286 : vector<16xf32>
        %mul3A_288 = arith.constant 5.000000e-01 : f32
        %mul3A_289 = vector.broadcast %mul3A_288 : f32 to vector<16xf32>
        %mul3A_290 = arith.mulf %mul3A_289, %add3A_287 : vector<16xf32>
        %div3A_291 = arith.divf %add3A_270, %mul3A_290 : vector<16xf32>
        %add3A_292 = arith.addf %mul3A_290, %div3A_291 : vector<16xf32>
        %mul3A_293 = arith.constant 5.000000e-01 : f32
        %mul3A_294 = vector.broadcast %mul3A_293 : f32 to vector<16xf32>
        %mul3A_295 = arith.mulf %mul3A_294, %add3A_292 : vector<16xf32>
        %add3A_296 = arith.constant 9.99999997E-7 : f32
        %add3A_297 = vector.broadcast %add3A_296 : f32 to vector<16xf32>
        %add3A_298 = arith.addf %mul3A_295, %add3A_297 : vector<16xf32>
        %mul3A_299 = arith.mulf %add3A_298, %add3A_298 : vector<16xf32>
        %div3A_300 = arith.divf %max3A_275, %mul3A_299 : vector<16xf32>
        %mul3A_301 = arith.mulf %div3A_300, %gather3A_264 : vector<16xf32>
        %get3A = arith.constant 0 : index
        %get3A_302 = tpu.vector_load %arg13[%get3A] {strides = array<i32>} : memref<128xi32, #tpu.memory_space<vmem>>, vector<16xi32>,
        %get3A_303 = arith.constant 0 : index
        %get3A_304 = tpu.vector_load %arg7[%get3A_303] {strides = array<i32>} : memref<128xi32, #tpu.memory_space<vmem>>, vector<16xi32>,
        tpu.vector_store_idx %arg29[%get3A_302], %mul3A_301 {add = true} : memref<100096xf32, #tpu.memory_space<vmem>>[vector<16xi32>], vector<16xf32>,
        %neg3A = arith.constant 0.000000e+00 : f32
        %neg3A_305 = vector.broadcast %neg3A : f32 to vector<16xf32>
        %neg3A_306 = arith.subf %neg3A_305, %mul3A_301 : vector<16xf32>
        tpu.vector_store_idx %arg29[%get3A_304], %neg3A_306 {add = true} : memref<100096xf32, #tpu.memory_space<vmem>>[vector<16xi32>], vector<16xf32>,
        %add3A_307 = arith.constant 16 : i32
        %add3A_308 = vector.broadcast %add3A_307 : i32 to vector<16xi32>
        %add3A_309 = arith.addi %iota3A, %add3A_308 : vector<16xi32>
        %gather3A_310 = tpu.vector_load_idx %arg19[%add3A_309, %broadcast_in_dim3A_16] : memref<128x8xf32, #tpu.memory_space<vmem>>[vector<16xi32>, vector<16xi32>], vector<16xf32>,
        %gather3A_311 = tpu.vector_load_idx %arg19[%add3A_309, %broadcast_in_dim3A_18] : memref<128x8xf32, #tpu.memory_space<vmem>>[vector<16xi32>, vector<16xi32>], vector<16xf32>,
        %gather3A_312 = tpu.vector_load_idx %arg19[%add3A_309, %broadcast_in_dim3A_20] : memref<128x8xf32, #tpu.memory_space<vmem>>[vector<16xi32>, vector<16xi32>], vector<16xf32>,
        %gather3A_313 = tpu.vector_load_idx %arg19[%add3A_309, %broadcast_in_dim3A_22] : memref<128x8xf32, #tpu.memory_space<vmem>>[vector<16xi32>, vector<16xi32>], vector<16xf32>,
        %gather3A_314 = tpu.vector_load_idx %arg19[%add3A_309, %broadcast_in_dim3A_24] : memref<128x8xf32, #tpu.memory_space<vmem>>[vector<16xi32>, vector<16xi32>], vector<16xf32>,
        %gather3A_315 = tpu.vector_load_idx %arg25[%add3A_309, %broadcast_in_dim3A_16] : memref<128x8xf32, #tpu.memory_space<vmem>>[vector<16xi32>, vector<16xi32>], vector<16xf32>,
        %gather3A_316 = tpu.vector_load_idx %arg25[%add3A_309, %broadcast_in_dim3A_18] : memref<128x8xf32, #tpu.memory_space<vmem>>[vector<16xi32>, vector<16xi32>], vector<16xf32>,
        %sub3A_317 = arith.subf %gather3A_315, %gather3A_310 : vector<16xf32>
        %sub3A_318 = arith.subf %gather3A_316, %gather3A_311 : vector<16xf32>
        %mul3A_319 = arith.mulf %sub3A_317, %sub3A_317 : vector<16xf32>
        %mul3A_320 = arith.mulf %sub3A_318, %sub3A_318 : vector<16xf32>
        %add3A_321 = arith.addf %mul3A_319, %mul3A_320 : vector<16xf32>
        %mul3A_322 = arith.mulf %gather3A_312, %sub3A_317 : vector<16xf32>
        %mul3A_323 = arith.mulf %gather3A_313, %sub3A_318 : vector<16xf32>
        %add3A_324 = arith.addf %mul3A_322, %mul3A_323 : vector<16xf32>
        %max3A_325 = arith.constant 0.000000e+00 : f32
        %max3A_326 = vector.broadcast %max3A_325 : f32 to vector<16xf32>
        %max3A_327 = arith.maximumf %add3A_324, %max3A_326 : vector<16xf32>
        %bitcast3A_328 = vector.bitcast %add3A_321 : vector<16xf32> to vector<16xi32>
        %shift_right_arithmetic3A_329 = arith.constant 1 : i32
        %shift_right_arithmetic3A_330 = vector.broadcast %shift_right_arithmetic3A_329 : i32 to vector<16xi32>
        %shift_right_arithmetic3A_331 = arith.shrsi %bitcast3A_328, %shift_right_arithmetic3A_330 : vector<16xi32>
        %add3A_332 = arith.constant 532487669 : i32
        %add3A_333 = vector.broadcast %add3A_332 : i32 to vector<16xi32>
        %add3A_334 = arith.addi %shift_right_arithmetic3A_331, %add3A_333 : vector<16xi32>
        %bitcast3A_335 = vector.bitcast %add3A_334 : vector<16xi32> to vector<16xf32>
        %div3A_336 = arith.divf %add3A_321, %bitcast3A_335 : vector<16xf32>
        %add3A_337 = arith.addf %bitcast3A_335, %div3A_336 : vector<16xf32>
        %mul3A_338 = arith.constant 5.000000e-01 : f32
        %mul3A_339 = vector.broadcast %mul3A_338 : f32 to vector<16xf32>
        %mul3A_340 = arith.mulf %mul3A_339, %add3A_337 : vector<16xf32>
        %div3A_341 = arith.divf %add3A_321, %mul3A_340 : vector<16xf32>
        %add3A_342 = arith.addf %mul3A_340, %div3A_341 : vector<16xf32>
        %mul3A_343 = arith.constant 5.000000e-01 : f32
        %mul3A_344 = vector.broadcast %mul3A_343 : f32 to vector<16xf32>
        %mul3A_345 = arith.mulf %mul3A_344, %add3A_342 : vector<16xf32>
        %div3A_346 = arith.divf %add3A_321, %mul3A_345 : vector<16xf32>
        %add3A_347 = arith.addf %mul3A_345, %div3A_346 : vector<16xf32>
        %mul3A_348 = arith.constant 5.000000e-01 : f32
        %mul3A_349 = vector.broadcast %mul3A_348 : f32 to vector<16xf32>
        %mul3A_350 = arith.mulf %mul3A_349, %add3A_347 : vector<16xf32>
        %add3A_351 = arith.constant 9.99999997E-7 : f32
        %add3A_352 = vector.broadcast %add3A_351 : f32 to vector<16xf32>
        %add3A_353 = arith.addf %mul3A_350, %add3A_352 : vector<16xf32>
        %mul3A_354 = arith.mulf %add3A_353, %add3A_353 : vector<16xf32>
        %div3A_355 = arith.divf %max3A_327, %mul3A_354 : vector<16xf32>
        %mul3A_356 = arith.mulf %div3A_355, %gather3A_314 : vector<16xf32>
        %get3A_357 = arith.constant 16 : index
        %get3A_358 = tpu.vector_load %arg13[%get3A_357] {strides = array<i32>} : memref<128xi32, #tpu.memory_space<vmem>>, vector<16xi32>,
        %get3A_359 = arith.constant 16 : index
        %get3A_360 = tpu.vector_load %arg7[%get3A_359] {strides = array<i32>} : memref<128xi32, #tpu.memory_space<vmem>>, vector<16xi32>,
        tpu.vector_store_idx %arg29[%get3A_358], %mul3A_356 {add = true} : memref<100096xf32, #tpu.memory_space<vmem>>[vector<16xi32>], vector<16xf32>,
        %neg3A_361 = arith.constant 0.000000e+00 : f32
        %neg3A_362 = vector.broadcast %neg3A_361 : f32 to vector<16xf32>
        %neg3A_363 = arith.subf %neg3A_362, %mul3A_356 : vector<16xf32>
        tpu.vector_store_idx %arg29[%get3A_360], %neg3A_363 {add = true} : memref<100096xf32, #tpu.memory_space<vmem>>[vector<16xi32>], vector<16xf32>,
        %add3A_364 = arith.constant 32 : i32
        %add3A_365 = vector.broadcast %add3A_364 : i32 to vector<16xi32>
        %add3A_366 = arith.addi %iota3A, %add3A_365 : vector<16xi32>
        %gather3A_367 = tpu.vector_load_idx %arg19[%add3A_366, %broadcast_in_dim3A_16] : memref<128x8xf32, #tpu.memory_space<vmem>>[vector<16xi32>, vector<16xi32>], vector<16xf32>,
        %gather3A_368 = tpu.vector_load_idx %arg19[%add3A_366, %broadcast_in_dim3A_18] : memref<128x8xf32, #tpu.memory_space<vmem>>[vector<16xi32>, vector<16xi32>], vector<16xf32>,
        %gather3A_369 = tpu.vector_load_idx %arg19[%add3A_366, %broadcast_in_dim3A_20] : memref<128x8xf32, #tpu.memory_space<vmem>>[vector<16xi32>, vector<16xi32>], vector<16xf32>,
        %gather3A_370 = tpu.vector_load_idx %arg19[%add3A_366, %broadcast_in_dim3A_22] : memref<128x8xf32, #tpu.memory_space<vmem>>[vector<16xi32>, vector<16xi32>], vector<16xf32>,
        %gather3A_371 = tpu.vector_load_idx %arg19[%add3A_366, %broadcast_in_dim3A_24] : memref<128x8xf32, #tpu.memory_space<vmem>>[vector<16xi32>, vector<16xi32>], vector<16xf32>,
        %gather3A_372 = tpu.vector_load_idx %arg25[%add3A_366, %broadcast_in_dim3A_16] : memref<128x8xf32, #tpu.memory_space<vmem>>[vector<16xi32>, vector<16xi32>], vector<16xf32>,
        %gather3A_373 = tpu.vector_load_idx %arg25[%add3A_366, %broadcast_in_dim3A_18] : memref<128x8xf32, #tpu.memory_space<vmem>>[vector<16xi32>, vector<16xi32>], vector<16xf32>,
        %sub3A_374 = arith.subf %gather3A_372, %gather3A_367 : vector<16xf32>
        %sub3A_375 = arith.subf %gather3A_373, %gather3A_368 : vector<16xf32>
        %mul3A_376 = arith.mulf %sub3A_374, %sub3A_374 : vector<16xf32>
        %mul3A_377 = arith.mulf %sub3A_375, %sub3A_375 : vector<16xf32>
        %add3A_378 = arith.addf %mul3A_376, %mul3A_377 : vector<16xf32>
        %mul3A_379 = arith.mulf %gather3A_369, %sub3A_374 : vector<16xf32>
        %mul3A_380 = arith.mulf %gather3A_370, %sub3A_375 : vector<16xf32>
        %add3A_381 = arith.addf %mul3A_379, %mul3A_380 : vector<16xf32>
        %max3A_382 = arith.constant 0.000000e+00 : f32
        %max3A_383 = vector.broadcast %max3A_382 : f32 to vector<16xf32>
        %max3A_384 = arith.maximumf %add3A_381, %max3A_383 : vector<16xf32>
        %bitcast3A_385 = vector.bitcast %add3A_378 : vector<16xf32> to vector<16xi32>
        %shift_right_arithmetic3A_386 = arith.constant 1 : i32
        %shift_right_arithmetic3A_387 = vector.broadcast %shift_right_arithmetic3A_386 : i32 to vector<16xi32>
        %shift_right_arithmetic3A_388 = arith.shrsi %bitcast3A_385, %shift_right_arithmetic3A_387 : vector<16xi32>
        %add3A_389 = arith.constant 532487669 : i32
        %add3A_390 = vector.broadcast %add3A_389 : i32 to vector<16xi32>
        %add3A_391 = arith.addi %shift_right_arithmetic3A_388, %add3A_390 : vector<16xi32>
        %bitcast3A_392 = vector.bitcast %add3A_391 : vector<16xi32> to vector<16xf32>
        %div3A_393 = arith.divf %add3A_378, %bitcast3A_392 : vector<16xf32>
        %add3A_394 = arith.addf %bitcast3A_392, %div3A_393 : vector<16xf32>
        %mul3A_395 = arith.constant 5.000000e-01 : f32
        %mul3A_396 = vector.broadcast %mul3A_395 : f32 to vector<16xf32>
        %mul3A_397 = arith.mulf %mul3A_396, %add3A_394 : vector<16xf32>
        %div3A_398 = arith.divf %add3A_378, %mul3A_397 : vector<16xf32>
        %add3A_399 = arith.addf %mul3A_397, %div3A_398 : vector<16xf32>
        %mul3A_400 = arith.constant 5.000000e-01 : f32
        %mul3A_401 = vector.broadcast %mul3A_400 : f32 to vector<16xf32>
        %mul3A_402 = arith.mulf %mul3A_401, %add3A_399 : vector<16xf32>
        %div3A_403 = arith.divf %add3A_378, %mul3A_402 : vector<16xf32>
        %add3A_404 = arith.addf %mul3A_402, %div3A_403 : vector<16xf32>
        %mul3A_405 = arith.constant 5.000000e-01 : f32
        %mul3A_406 = vector.broadcast %mul3A_405 : f32 to vector<16xf32>
        %mul3A_407 = arith.mulf %mul3A_406, %add3A_404 : vector<16xf32>
        %add3A_408 = arith.constant 9.99999997E-7 : f32
        %add3A_409 = vector.broadcast %add3A_408 : f32 to vector<16xf32>
        %add3A_410 = arith.addf %mul3A_407, %add3A_409 : vector<16xf32>
        %mul3A_411 = arith.mulf %add3A_410, %add3A_410 : vector<16xf32>
        %div3A_412 = arith.divf %max3A_384, %mul3A_411 : vector<16xf32>
        %mul3A_413 = arith.mulf %div3A_412, %gather3A_371 : vector<16xf32>
        %get3A_414 = arith.constant 32 : index
        %get3A_415 = tpu.vector_load %arg13[%get3A_414] {strides = array<i32>} : memref<128xi32, #tpu.memory_space<vmem>>, vector<16xi32>,
        %get3A_416 = arith.constant 32 : index
        %get3A_417 = tpu.vector_load %arg7[%get3A_416] {strides = array<i32>} : memref<128xi32, #tpu.memory_space<vmem>>, vector<16xi32>,
        tpu.vector_store_idx %arg29[%get3A_415], %mul3A_413 {add = true} : memref<100096xf32, #tpu.memory_space<vmem>>[vector<16xi32>], vector<16xf32>,
        %neg3A_418 = arith.constant 0.000000e+00 : f32
        %neg3A_419 = vector.broadcast %neg3A_418 : f32 to vector<16xf32>
        %neg3A_420 = arith.subf %neg3A_419, %mul3A_413 : vector<16xf32>
        tpu.vector_store_idx %arg29[%get3A_417], %neg3A_420 {add = true} : memref<100096xf32, #tpu.memory_space<vmem>>[vector<16xi32>], vector<16xf32>,
        %add3A_421 = arith.constant 48 : i32
        %add3A_422 = vector.broadcast %add3A_421 : i32 to vector<16xi32>
        %add3A_423 = arith.addi %iota3A, %add3A_422 : vector<16xi32>
        %gather3A_424 = tpu.vector_load_idx %arg19[%add3A_423, %broadcast_in_dim3A_16] : memref<128x8xf32, #tpu.memory_space<vmem>>[vector<16xi32>, vector<16xi32>], vector<16xf32>,
        %gather3A_425 = tpu.vector_load_idx %arg19[%add3A_423, %broadcast_in_dim3A_18] : memref<128x8xf32, #tpu.memory_space<vmem>>[vector<16xi32>, vector<16xi32>], vector<16xf32>,
        %gather3A_426 = tpu.vector_load_idx %arg19[%add3A_423, %broadcast_in_dim3A_20] : memref<128x8xf32, #tpu.memory_space<vmem>>[vector<16xi32>, vector<16xi32>], vector<16xf32>,
        %gather3A_427 = tpu.vector_load_idx %arg19[%add3A_423, %broadcast_in_dim3A_22] : memref<128x8xf32, #tpu.memory_space<vmem>>[vector<16xi32>, vector<16xi32>], vector<16xf32>,
        %gather3A_428 = tpu.vector_load_idx %arg19[%add3A_423, %broadcast_in_dim3A_24] : memref<128x8xf32, #tpu.memory_space<vmem>>[vector<16xi32>, vector<16xi32>], vector<16xf32>,
        %gather3A_429 = tpu.vector_load_idx %arg25[%add3A_423, %broadcast_in_dim3A_16] : memref<128x8xf32, #tpu.memory_space<vmem>>[vector<16xi32>, vector<16xi32>], vector<16xf32>,
        %gather3A_430 = tpu.vector_load_idx %arg25[%add3A_423, %broadcast_in_dim3A_18] : memref<128x8xf32, #tpu.memory_space<vmem>>[vector<16xi32>, vector<16xi32>], vector<16xf32>,
        %sub3A_431 = arith.subf %gather3A_429, %gather3A_424 : vector<16xf32>
        %sub3A_432 = arith.subf %gather3A_430, %gather3A_425 : vector<16xf32>
        %mul3A_433 = arith.mulf %sub3A_431, %sub3A_431 : vector<16xf32>
        %mul3A_434 = arith.mulf %sub3A_432, %sub3A_432 : vector<16xf32>
        %add3A_435 = arith.addf %mul3A_433, %mul3A_434 : vector<16xf32>
        %mul3A_436 = arith.mulf %gather3A_426, %sub3A_431 : vector<16xf32>
        %mul3A_437 = arith.mulf %gather3A_427, %sub3A_432 : vector<16xf32>
        %add3A_438 = arith.addf %mul3A_436, %mul3A_437 : vector<16xf32>
        %max3A_439 = arith.constant 0.000000e+00 : f32
        %max3A_440 = vector.broadcast %max3A_439 : f32 to vector<16xf32>
        %max3A_441 = arith.maximumf %add3A_438, %max3A_440 : vector<16xf32>
        %bitcast3A_442 = vector.bitcast %add3A_435 : vector<16xf32> to vector<16xi32>
        %shift_right_arithmetic3A_443 = arith.constant 1 : i32
        %shift_right_arithmetic3A_444 = vector.broadcast %shift_right_arithmetic3A_443 : i32 to vector<16xi32>
        %shift_right_arithmetic3A_445 = arith.shrsi %bitcast3A_442, %shift_right_arithmetic3A_444 : vector<16xi32>
        %add3A_446 = arith.constant 532487669 : i32
        %add3A_447 = vector.broadcast %add3A_446 : i32 to vector<16xi32>
        %add3A_448 = arith.addi %shift_right_arithmetic3A_445, %add3A_447 : vector<16xi32>
        %bitcast3A_449 = vector.bitcast %add3A_448 : vector<16xi32> to vector<16xf32>
        %div3A_450 = arith.divf %add3A_435, %bitcast3A_449 : vector<16xf32>
        %add3A_451 = arith.addf %bitcast3A_449, %div3A_450 : vector<16xf32>
        %mul3A_452 = arith.constant 5.000000e-01 : f32
        %mul3A_453 = vector.broadcast %mul3A_452 : f32 to vector<16xf32>
        %mul3A_454 = arith.mulf %mul3A_453, %add3A_451 : vector<16xf32>
        %div3A_455 = arith.divf %add3A_435, %mul3A_454 : vector<16xf32>
        %add3A_456 = arith.addf %mul3A_454, %div3A_455 : vector<16xf32>
        %mul3A_457 = arith.constant 5.000000e-01 : f32
        %mul3A_458 = vector.broadcast %mul3A_457 : f32 to vector<16xf32>
        %mul3A_459 = arith.mulf %mul3A_458, %add3A_456 : vector<16xf32>
        %div3A_460 = arith.divf %add3A_435, %mul3A_459 : vector<16xf32>
        %add3A_461 = arith.addf %mul3A_459, %div3A_460 : vector<16xf32>
        %mul3A_462 = arith.constant 5.000000e-01 : f32
        %mul3A_463 = vector.broadcast %mul3A_462 : f32 to vector<16xf32>
        %mul3A_464 = arith.mulf %mul3A_463, %add3A_461 : vector<16xf32>
        %add3A_465 = arith.constant 9.99999997E-7 : f32
        %add3A_466 = vector.broadcast %add3A_465 : f32 to vector<16xf32>
        %add3A_467 = arith.addf %mul3A_464, %add3A_466 : vector<16xf32>
        %mul3A_468 = arith.mulf %add3A_467, %add3A_467 : vector<16xf32>
        %div3A_469 = arith.divf %max3A_441, %mul3A_468 : vector<16xf32>
        %mul3A_470 = arith.mulf %div3A_469, %gather3A_428 : vector<16xf32>
        %get3A_471 = arith.constant 48 : index
        %get3A_472 = tpu.vector_load %arg13[%get3A_471] {strides = array<i32>} : memref<128xi32, #tpu.memory_space<vmem>>, vector<16xi32>,
        %get3A_473 = arith.constant 48 : index
        %get3A_474 = tpu.vector_load %arg7[%get3A_473] {strides = array<i32>} : memref<128xi32, #tpu.memory_space<vmem>>, vector<16xi32>,
        tpu.vector_store_idx %arg29[%get3A_472], %mul3A_470 {add = true} : memref<100096xf32, #tpu.memory_space<vmem>>[vector<16xi32>], vector<16xf32>,
        %neg3A_475 = arith.constant 0.000000e+00 : f32
        %neg3A_476 = vector.broadcast %neg3A_475 : f32 to vector<16xf32>
        %neg3A_477 = arith.subf %neg3A_476, %mul3A_470 : vector<16xf32>
        tpu.vector_store_idx %arg29[%get3A_474], %neg3A_477 {add = true} : memref<100096xf32, #tpu.memory_space<vmem>>[vector<16xi32>], vector<16xf32>,
        %add3A_478 = arith.constant 64 : i32
        %add3A_479 = vector.broadcast %add3A_478 : i32 to vector<16xi32>
        %add3A_480 = arith.addi %iota3A, %add3A_479 : vector<16xi32>
        %gather3A_481 = tpu.vector_load_idx %arg19[%add3A_480, %broadcast_in_dim3A_16] : memref<128x8xf32, #tpu.memory_space<vmem>>[vector<16xi32>, vector<16xi32>], vector<16xf32>,
        %gather3A_482 = tpu.vector_load_idx %arg19[%add3A_480, %broadcast_in_dim3A_18] : memref<128x8xf32, #tpu.memory_space<vmem>>[vector<16xi32>, vector<16xi32>], vector<16xf32>,
        %gather3A_483 = tpu.vector_load_idx %arg19[%add3A_480, %broadcast_in_dim3A_20] : memref<128x8xf32, #tpu.memory_space<vmem>>[vector<16xi32>, vector<16xi32>], vector<16xf32>,
        %gather3A_484 = tpu.vector_load_idx %arg19[%add3A_480, %broadcast_in_dim3A_22] : memref<128x8xf32, #tpu.memory_space<vmem>>[vector<16xi32>, vector<16xi32>], vector<16xf32>,
        %gather3A_485 = tpu.vector_load_idx %arg19[%add3A_480, %broadcast_in_dim3A_24] : memref<128x8xf32, #tpu.memory_space<vmem>>[vector<16xi32>, vector<16xi32>], vector<16xf32>,
        %gather3A_486 = tpu.vector_load_idx %arg25[%add3A_480, %broadcast_in_dim3A_16] : memref<128x8xf32, #tpu.memory_space<vmem>>[vector<16xi32>, vector<16xi32>], vector<16xf32>,
        %gather3A_487 = tpu.vector_load_idx %arg25[%add3A_480, %broadcast_in_dim3A_18] : memref<128x8xf32, #tpu.memory_space<vmem>>[vector<16xi32>, vector<16xi32>], vector<16xf32>,
        %sub3A_488 = arith.subf %gather3A_486, %gather3A_481 : vector<16xf32>
        %sub3A_489 = arith.subf %gather3A_487, %gather3A_482 : vector<16xf32>
        %mul3A_490 = arith.mulf %sub3A_488, %sub3A_488 : vector<16xf32>
        %mul3A_491 = arith.mulf %sub3A_489, %sub3A_489 : vector<16xf32>
        %add3A_492 = arith.addf %mul3A_490, %mul3A_491 : vector<16xf32>
        %mul3A_493 = arith.mulf %gather3A_483, %sub3A_488 : vector<16xf32>
        %mul3A_494 = arith.mulf %gather3A_484, %sub3A_489 : vector<16xf32>
        %add3A_495 = arith.addf %mul3A_493, %mul3A_494 : vector<16xf32>
        %max3A_496 = arith.constant 0.000000e+00 : f32
        %max3A_497 = vector.broadcast %max3A_496 : f32 to vector<16xf32>
        %max3A_498 = arith.maximumf %add3A_495, %max3A_497 : vector<16xf32>
        %bitcast3A_499 = vector.bitcast %add3A_492 : vector<16xf32> to vector<16xi32>
        %shift_right_arithmetic3A_500 = arith.constant 1 : i32
        %shift_right_arithmetic3A_501 = vector.broadcast %shift_right_arithmetic3A_500 : i32 to vector<16xi32>
        %shift_right_arithmetic3A_502 = arith.shrsi %bitcast3A_499, %shift_right_arithmetic3A_501 : vector<16xi32>
        %add3A_503 = arith.constant 532487669 : i32
        %add3A_504 = vector.broadcast %add3A_503 : i32 to vector<16xi32>
        %add3A_505 = arith.addi %shift_right_arithmetic3A_502, %add3A_504 : vector<16xi32>
        %bitcast3A_506 = vector.bitcast %add3A_505 : vector<16xi32> to vector<16xf32>
        %div3A_507 = arith.divf %add3A_492, %bitcast3A_506 : vector<16xf32>
        %add3A_508 = arith.addf %bitcast3A_506, %div3A_507 : vector<16xf32>
        %mul3A_509 = arith.constant 5.000000e-01 : f32
        %mul3A_510 = vector.broadcast %mul3A_509 : f32 to vector<16xf32>
        %mul3A_511 = arith.mulf %mul3A_510, %add3A_508 : vector<16xf32>
        %div3A_512 = arith.divf %add3A_492, %mul3A_511 : vector<16xf32>
        %add3A_513 = arith.addf %mul3A_511, %div3A_512 : vector<16xf32>
        %mul3A_514 = arith.constant 5.000000e-01 : f32
        %mul3A_515 = vector.broadcast %mul3A_514 : f32 to vector<16xf32>
        %mul3A_516 = arith.mulf %mul3A_515, %add3A_513 : vector<16xf32>
        %div3A_517 = arith.divf %add3A_492, %mul3A_516 : vector<16xf32>
        %add3A_518 = arith.addf %mul3A_516, %div3A_517 : vector<16xf32>
        %mul3A_519 = arith.constant 5.000000e-01 : f32
        %mul3A_520 = vector.broadcast %mul3A_519 : f32 to vector<16xf32>
        %mul3A_521 = arith.mulf %mul3A_520, %add3A_518 : vector<16xf32>
        %add3A_522 = arith.constant 9.99999997E-7 : f32
        %add3A_523 = vector.broadcast %add3A_522 : f32 to vector<16xf32>
        %add3A_524 = arith.addf %mul3A_521, %add3A_523 : vector<16xf32>
        %mul3A_525 = arith.mulf %add3A_524, %add3A_524 : vector<16xf32>
        %div3A_526 = arith.divf %max3A_498, %mul3A_525 : vector<16xf32>
        %mul3A_527 = arith.mulf %div3A_526, %gather3A_485 : vector<16xf32>
        %get3A_528 = arith.constant 64 : index
        %get3A_529 = tpu.vector_load %arg13[%get3A_528] {strides = array<i32>} : memref<128xi32, #tpu.memory_space<vmem>>, vector<16xi32>,
        %get3A_530 = arith.constant 64 : index
        %get3A_531 = tpu.vector_load %arg7[%get3A_530] {strides = array<i32>} : memref<128xi32, #tpu.memory_space<vmem>>, vector<16xi32>,
        tpu.vector_store_idx %arg29[%get3A_529], %mul3A_527 {add = true} : memref<100096xf32, #tpu.memory_space<vmem>>[vector<16xi32>], vector<16xf32>,
        %neg3A_532 = arith.constant 0.000000e+00 : f32
        %neg3A_533 = vector.broadcast %neg3A_532 : f32 to vector<16xf32>
        %neg3A_534 = arith.subf %neg3A_533, %mul3A_527 : vector<16xf32>
        tpu.vector_store_idx %arg29[%get3A_531], %neg3A_534 {add = true} : memref<100096xf32, #tpu.memory_space<vmem>>[vector<16xi32>], vector<16xf32>,
        %add3A_535 = arith.constant 80 : i32
        %add3A_536 = vector.broadcast %add3A_535 : i32 to vector<16xi32>
        %add3A_537 = arith.addi %iota3A, %add3A_536 : vector<16xi32>
        %gather3A_538 = tpu.vector_load_idx %arg19[%add3A_537, %broadcast_in_dim3A_16] : memref<128x8xf32, #tpu.memory_space<vmem>>[vector<16xi32>, vector<16xi32>], vector<16xf32>,
        %gather3A_539 = tpu.vector_load_idx %arg19[%add3A_537, %broadcast_in_dim3A_18] : memref<128x8xf32, #tpu.memory_space<vmem>>[vector<16xi32>, vector<16xi32>], vector<16xf32>,
        %gather3A_540 = tpu.vector_load_idx %arg19[%add3A_537, %broadcast_in_dim3A_20] : memref<128x8xf32, #tpu.memory_space<vmem>>[vector<16xi32>, vector<16xi32>], vector<16xf32>,
        %gather3A_541 = tpu.vector_load_idx %arg19[%add3A_537, %broadcast_in_dim3A_22] : memref<128x8xf32, #tpu.memory_space<vmem>>[vector<16xi32>, vector<16xi32>], vector<16xf32>,
        %gather3A_542 = tpu.vector_load_idx %arg19[%add3A_537, %broadcast_in_dim3A_24] : memref<128x8xf32, #tpu.memory_space<vmem>>[vector<16xi32>, vector<16xi32>], vector<16xf32>,
        %gather3A_543 = tpu.vector_load_idx %arg25[%add3A_537, %broadcast_in_dim3A_16] : memref<128x8xf32, #tpu.memory_space<vmem>>[vector<16xi32>, vector<16xi32>], vector<16xf32>,
        %gather3A_544 = tpu.vector_load_idx %arg25[%add3A_537, %broadcast_in_dim3A_18] : memref<128x8xf32, #tpu.memory_space<vmem>>[vector<16xi32>, vector<16xi32>], vector<16xf32>,
        %sub3A_545 = arith.subf %gather3A_543, %gather3A_538 : vector<16xf32>
        %sub3A_546 = arith.subf %gather3A_544, %gather3A_539 : vector<16xf32>
        %mul3A_547 = arith.mulf %sub3A_545, %sub3A_545 : vector<16xf32>
        %mul3A_548 = arith.mulf %sub3A_546, %sub3A_546 : vector<16xf32>
        %add3A_549 = arith.addf %mul3A_547, %mul3A_548 : vector<16xf32>
        %mul3A_550 = arith.mulf %gather3A_540, %sub3A_545 : vector<16xf32>
        %mul3A_551 = arith.mulf %gather3A_541, %sub3A_546 : vector<16xf32>
        %add3A_552 = arith.addf %mul3A_550, %mul3A_551 : vector<16xf32>
        %max3A_553 = arith.constant 0.000000e+00 : f32
        %max3A_554 = vector.broadcast %max3A_553 : f32 to vector<16xf32>
        %max3A_555 = arith.maximumf %add3A_552, %max3A_554 : vector<16xf32>
        %bitcast3A_556 = vector.bitcast %add3A_549 : vector<16xf32> to vector<16xi32>
        %shift_right_arithmetic3A_557 = arith.constant 1 : i32
        %shift_right_arithmetic3A_558 = vector.broadcast %shift_right_arithmetic3A_557 : i32 to vector<16xi32>
        %shift_right_arithmetic3A_559 = arith.shrsi %bitcast3A_556, %shift_right_arithmetic3A_558 : vector<16xi32>
        %add3A_560 = arith.constant 532487669 : i32
        %add3A_561 = vector.broadcast %add3A_560 : i32 to vector<16xi32>
        %add3A_562 = arith.addi %shift_right_arithmetic3A_559, %add3A_561 : vector<16xi32>
        %bitcast3A_563 = vector.bitcast %add3A_562 : vector<16xi32> to vector<16xf32>
        %div3A_564 = arith.divf %add3A_549, %bitcast3A_563 : vector<16xf32>
        %add3A_565 = arith.addf %bitcast3A_563, %div3A_564 : vector<16xf32>
        %mul3A_566 = arith.constant 5.000000e-01 : f32
        %mul3A_567 = vector.broadcast %mul3A_566 : f32 to vector<16xf32>
        %mul3A_568 = arith.mulf %mul3A_567, %add3A_565 : vector<16xf32>
        %div3A_569 = arith.divf %add3A_549, %mul3A_568 : vector<16xf32>
        %add3A_570 = arith.addf %mul3A_568, %div3A_569 : vector<16xf32>
        %mul3A_571 = arith.constant 5.000000e-01 : f32
        %mul3A_572 = vector.broadcast %mul3A_571 : f32 to vector<16xf32>
        %mul3A_573 = arith.mulf %mul3A_572, %add3A_570 : vector<16xf32>
        %div3A_574 = arith.divf %add3A_549, %mul3A_573 : vector<16xf32>
        %add3A_575 = arith.addf %mul3A_573, %div3A_574 : vector<16xf32>
        %mul3A_576 = arith.constant 5.000000e-01 : f32
        %mul3A_577 = vector.broadcast %mul3A_576 : f32 to vector<16xf32>
        %mul3A_578 = arith.mulf %mul3A_577, %add3A_575 : vector<16xf32>
        %add3A_579 = arith.constant 9.99999997E-7 : f32
        %add3A_580 = vector.broadcast %add3A_579 : f32 to vector<16xf32>
        %add3A_581 = arith.addf %mul3A_578, %add3A_580 : vector<16xf32>
        %mul3A_582 = arith.mulf %add3A_581, %add3A_581 : vector<16xf32>
        %div3A_583 = arith.divf %max3A_555, %mul3A_582 : vector<16xf32>
        %mul3A_584 = arith.mulf %div3A_583, %gather3A_542 : vector<16xf32>
        %get3A_585 = arith.constant 80 : index
        %get3A_586 = tpu.vector_load %arg13[%get3A_585] {strides = array<i32>} : memref<128xi32, #tpu.memory_space<vmem>>, vector<16xi32>,
        %get3A_587 = arith.constant 80 : index
        %get3A_588 = tpu.vector_load %arg7[%get3A_587] {strides = array<i32>} : memref<128xi32, #tpu.memory_space<vmem>>, vector<16xi32>,
        tpu.vector_store_idx %arg29[%get3A_586], %mul3A_584 {add = true} : memref<100096xf32, #tpu.memory_space<vmem>>[vector<16xi32>], vector<16xf32>,
        %neg3A_589 = arith.constant 0.000000e+00 : f32
        %neg3A_590 = vector.broadcast %neg3A_589 : f32 to vector<16xf32>
        %neg3A_591 = arith.subf %neg3A_590, %mul3A_584 : vector<16xf32>
        tpu.vector_store_idx %arg29[%get3A_588], %neg3A_591 {add = true} : memref<100096xf32, #tpu.memory_space<vmem>>[vector<16xi32>], vector<16xf32>,
        %add3A_592 = arith.constant 96 : i32
        %add3A_593 = vector.broadcast %add3A_592 : i32 to vector<16xi32>
        %add3A_594 = arith.addi %iota3A, %add3A_593 : vector<16xi32>
        %gather3A_595 = tpu.vector_load_idx %arg19[%add3A_594, %broadcast_in_dim3A_16] : memref<128x8xf32, #tpu.memory_space<vmem>>[vector<16xi32>, vector<16xi32>], vector<16xf32>,
        %gather3A_596 = tpu.vector_load_idx %arg19[%add3A_594, %broadcast_in_dim3A_18] : memref<128x8xf32, #tpu.memory_space<vmem>>[vector<16xi32>, vector<16xi32>], vector<16xf32>,
        %gather3A_597 = tpu.vector_load_idx %arg19[%add3A_594, %broadcast_in_dim3A_20] : memref<128x8xf32, #tpu.memory_space<vmem>>[vector<16xi32>, vector<16xi32>], vector<16xf32>,
        %gather3A_598 = tpu.vector_load_idx %arg19[%add3A_594, %broadcast_in_dim3A_22] : memref<128x8xf32, #tpu.memory_space<vmem>>[vector<16xi32>, vector<16xi32>], vector<16xf32>,
        %gather3A_599 = tpu.vector_load_idx %arg19[%add3A_594, %broadcast_in_dim3A_24] : memref<128x8xf32, #tpu.memory_space<vmem>>[vector<16xi32>, vector<16xi32>], vector<16xf32>,
        %gather3A_600 = tpu.vector_load_idx %arg25[%add3A_594, %broadcast_in_dim3A_16] : memref<128x8xf32, #tpu.memory_space<vmem>>[vector<16xi32>, vector<16xi32>], vector<16xf32>,
        %gather3A_601 = tpu.vector_load_idx %arg25[%add3A_594, %broadcast_in_dim3A_18] : memref<128x8xf32, #tpu.memory_space<vmem>>[vector<16xi32>, vector<16xi32>], vector<16xf32>,
        %sub3A_602 = arith.subf %gather3A_600, %gather3A_595 : vector<16xf32>
        %sub3A_603 = arith.subf %gather3A_601, %gather3A_596 : vector<16xf32>
        %mul3A_604 = arith.mulf %sub3A_602, %sub3A_602 : vector<16xf32>
        %mul3A_605 = arith.mulf %sub3A_603, %sub3A_603 : vector<16xf32>
        %add3A_606 = arith.addf %mul3A_604, %mul3A_605 : vector<16xf32>
        %mul3A_607 = arith.mulf %gather3A_597, %sub3A_602 : vector<16xf32>
        %mul3A_608 = arith.mulf %gather3A_598, %sub3A_603 : vector<16xf32>
        %add3A_609 = arith.addf %mul3A_607, %mul3A_608 : vector<16xf32>
        %max3A_610 = arith.constant 0.000000e+00 : f32
        %max3A_611 = vector.broadcast %max3A_610 : f32 to vector<16xf32>
        %max3A_612 = arith.maximumf %add3A_609, %max3A_611 : vector<16xf32>
        %bitcast3A_613 = vector.bitcast %add3A_606 : vector<16xf32> to vector<16xi32>
        %shift_right_arithmetic3A_614 = arith.constant 1 : i32
        %shift_right_arithmetic3A_615 = vector.broadcast %shift_right_arithmetic3A_614 : i32 to vector<16xi32>
        %shift_right_arithmetic3A_616 = arith.shrsi %bitcast3A_613, %shift_right_arithmetic3A_615 : vector<16xi32>
        %add3A_617 = arith.constant 532487669 : i32
        %add3A_618 = vector.broadcast %add3A_617 : i32 to vector<16xi32>
        %add3A_619 = arith.addi %shift_right_arithmetic3A_616, %add3A_618 : vector<16xi32>
        %bitcast3A_620 = vector.bitcast %add3A_619 : vector<16xi32> to vector<16xf32>
        %div3A_621 = arith.divf %add3A_606, %bitcast3A_620 : vector<16xf32>
        %add3A_622 = arith.addf %bitcast3A_620, %div3A_621 : vector<16xf32>
        %mul3A_623 = arith.constant 5.000000e-01 : f32
        %mul3A_624 = vector.broadcast %mul3A_623 : f32 to vector<16xf32>
        %mul3A_625 = arith.mulf %mul3A_624, %add3A_622 : vector<16xf32>
        %div3A_626 = arith.divf %add3A_606, %mul3A_625 : vector<16xf32>
        %add3A_627 = arith.addf %mul3A_625, %div3A_626 : vector<16xf32>
        %mul3A_628 = arith.constant 5.000000e-01 : f32
        %mul3A_629 = vector.broadcast %mul3A_628 : f32 to vector<16xf32>
        %mul3A_630 = arith.mulf %mul3A_629, %add3A_627 : vector<16xf32>
        %div3A_631 = arith.divf %add3A_606, %mul3A_630 : vector<16xf32>
        %add3A_632 = arith.addf %mul3A_630, %div3A_631 : vector<16xf32>
        %mul3A_633 = arith.constant 5.000000e-01 : f32
        %mul3A_634 = vector.broadcast %mul3A_633 : f32 to vector<16xf32>
        %mul3A_635 = arith.mulf %mul3A_634, %add3A_632 : vector<16xf32>
        %add3A_636 = arith.constant 9.99999997E-7 : f32
        %add3A_637 = vector.broadcast %add3A_636 : f32 to vector<16xf32>
        %add3A_638 = arith.addf %mul3A_635, %add3A_637 : vector<16xf32>
        %mul3A_639 = arith.mulf %add3A_638, %add3A_638 : vector<16xf32>
        %div3A_640 = arith.divf %max3A_612, %mul3A_639 : vector<16xf32>
        %mul3A_641 = arith.mulf %div3A_640, %gather3A_599 : vector<16xf32>
        %get3A_642 = arith.constant 96 : index
        %get3A_643 = tpu.vector_load %arg13[%get3A_642] {strides = array<i32>} : memref<128xi32, #tpu.memory_space<vmem>>, vector<16xi32>,
        %get3A_644 = arith.constant 96 : index
        %get3A_645 = tpu.vector_load %arg7[%get3A_644] {strides = array<i32>} : memref<128xi32, #tpu.memory_space<vmem>>, vector<16xi32>,
        tpu.vector_store_idx %arg29[%get3A_643], %mul3A_641 {add = true} : memref<100096xf32, #tpu.memory_space<vmem>>[vector<16xi32>], vector<16xf32>,
        %neg3A_646 = arith.constant 0.000000e+00 : f32
        %neg3A_647 = vector.broadcast %neg3A_646 : f32 to vector<16xf32>
        %neg3A_648 = arith.subf %neg3A_647, %mul3A_641 : vector<16xf32>
        tpu.vector_store_idx %arg29[%get3A_645], %neg3A_648 {add = true} : memref<100096xf32, #tpu.memory_space<vmem>>[vector<16xi32>], vector<16xf32>,
        %add3A_649 = arith.constant 112 : i32
        %add3A_650 = vector.broadcast %add3A_649 : i32 to vector<16xi32>
        %add3A_651 = arith.addi %iota3A, %add3A_650 : vector<16xi32>
        %gather3A_652 = tpu.vector_load_idx %arg19[%add3A_651, %broadcast_in_dim3A_16] : memref<128x8xf32, #tpu.memory_space<vmem>>[vector<16xi32>, vector<16xi32>], vector<16xf32>,
        %gather3A_653 = tpu.vector_load_idx %arg19[%add3A_651, %broadcast_in_dim3A_18] : memref<128x8xf32, #tpu.memory_space<vmem>>[vector<16xi32>, vector<16xi32>], vector<16xf32>,
        %gather3A_654 = tpu.vector_load_idx %arg19[%add3A_651, %broadcast_in_dim3A_20] : memref<128x8xf32, #tpu.memory_space<vmem>>[vector<16xi32>, vector<16xi32>], vector<16xf32>,
        %gather3A_655 = tpu.vector_load_idx %arg19[%add3A_651, %broadcast_in_dim3A_22] : memref<128x8xf32, #tpu.memory_space<vmem>>[vector<16xi32>, vector<16xi32>], vector<16xf32>,
        %gather3A_656 = tpu.vector_load_idx %arg19[%add3A_651, %broadcast_in_dim3A_24] : memref<128x8xf32, #tpu.memory_space<vmem>>[vector<16xi32>, vector<16xi32>], vector<16xf32>,
        %gather3A_657 = tpu.vector_load_idx %arg25[%add3A_651, %broadcast_in_dim3A_16] : memref<128x8xf32, #tpu.memory_space<vmem>>[vector<16xi32>, vector<16xi32>], vector<16xf32>,
        %gather3A_658 = tpu.vector_load_idx %arg25[%add3A_651, %broadcast_in_dim3A_18] : memref<128x8xf32, #tpu.memory_space<vmem>>[vector<16xi32>, vector<16xi32>], vector<16xf32>,
        %sub3A_659 = arith.subf %gather3A_657, %gather3A_652 : vector<16xf32>
        %sub3A_660 = arith.subf %gather3A_658, %gather3A_653 : vector<16xf32>
        %mul3A_661 = arith.mulf %sub3A_659, %sub3A_659 : vector<16xf32>
        %mul3A_662 = arith.mulf %sub3A_660, %sub3A_660 : vector<16xf32>
        %add3A_663 = arith.addf %mul3A_661, %mul3A_662 : vector<16xf32>
        %mul3A_664 = arith.mulf %gather3A_654, %sub3A_659 : vector<16xf32>
        %mul3A_665 = arith.mulf %gather3A_655, %sub3A_660 : vector<16xf32>
        %add3A_666 = arith.addf %mul3A_664, %mul3A_665 : vector<16xf32>
        %max3A_667 = arith.constant 0.000000e+00 : f32
        %max3A_668 = vector.broadcast %max3A_667 : f32 to vector<16xf32>
        %max3A_669 = arith.maximumf %add3A_666, %max3A_668 : vector<16xf32>
        %bitcast3A_670 = vector.bitcast %add3A_663 : vector<16xf32> to vector<16xi32>
        %shift_right_arithmetic3A_671 = arith.constant 1 : i32
        %shift_right_arithmetic3A_672 = vector.broadcast %shift_right_arithmetic3A_671 : i32 to vector<16xi32>
        %shift_right_arithmetic3A_673 = arith.shrsi %bitcast3A_670, %shift_right_arithmetic3A_672 : vector<16xi32>
        %add3A_674 = arith.constant 532487669 : i32
        %add3A_675 = vector.broadcast %add3A_674 : i32 to vector<16xi32>
        %add3A_676 = arith.addi %shift_right_arithmetic3A_673, %add3A_675 : vector<16xi32>
        %bitcast3A_677 = vector.bitcast %add3A_676 : vector<16xi32> to vector<16xf32>
        %div3A_678 = arith.divf %add3A_663, %bitcast3A_677 : vector<16xf32>
        %add3A_679 = arith.addf %bitcast3A_677, %div3A_678 : vector<16xf32>
        %mul3A_680 = arith.constant 5.000000e-01 : f32
        %mul3A_681 = vector.broadcast %mul3A_680 : f32 to vector<16xf32>
        %mul3A_682 = arith.mulf %mul3A_681, %add3A_679 : vector<16xf32>
        %div3A_683 = arith.divf %add3A_663, %mul3A_682 : vector<16xf32>
        %add3A_684 = arith.addf %mul3A_682, %div3A_683 : vector<16xf32>
        %mul3A_685 = arith.constant 5.000000e-01 : f32
        %mul3A_686 = vector.broadcast %mul3A_685 : f32 to vector<16xf32>
        %mul3A_687 = arith.mulf %mul3A_686, %add3A_684 : vector<16xf32>
        %div3A_688 = arith.divf %add3A_663, %mul3A_687 : vector<16xf32>
        %add3A_689 = arith.addf %mul3A_687, %div3A_688 : vector<16xf32>
        %mul3A_690 = arith.constant 5.000000e-01 : f32
        %mul3A_691 = vector.broadcast %mul3A_690 : f32 to vector<16xf32>
        %mul3A_692 = arith.mulf %mul3A_691, %add3A_689 : vector<16xf32>
        %add3A_693 = arith.constant 9.99999997E-7 : f32
        %add3A_694 = vector.broadcast %add3A_693 : f32 to vector<16xf32>
        %add3A_695 = arith.addf %mul3A_692, %add3A_694 : vector<16xf32>
        %mul3A_696 = arith.mulf %add3A_695, %add3A_695 : vector<16xf32>
        %div3A_697 = arith.divf %max3A_669, %mul3A_696 : vector<16xf32>
        %mul3A_698 = arith.mulf %div3A_697, %gather3A_656 : vector<16xf32>
        %get3A_699 = arith.constant 112 : index
        %get3A_700 = tpu.vector_load %arg13[%get3A_699] {strides = array<i32>} : memref<128xi32, #tpu.memory_space<vmem>>, vector<16xi32>,
        %get3A_701 = arith.constant 112 : index
        %get3A_702 = tpu.vector_load %arg7[%get3A_701] {strides = array<i32>} : memref<128xi32, #tpu.memory_space<vmem>>, vector<16xi32>,
        tpu.vector_store_idx %arg29[%get3A_700], %mul3A_698 {add = true} : memref<100096xf32, #tpu.memory_space<vmem>>[vector<16xi32>], vector<16xf32>,
        %neg3A_703 = arith.constant 0.000000e+00 : f32
        %neg3A_704 = vector.broadcast %neg3A_703 : f32 to vector<16xf32>
        %neg3A_705 = arith.subf %neg3A_704, %mul3A_698 : vector<16xf32>
        tpu.vector_store_idx %arg29[%get3A_702], %neg3A_705 {add = true} : memref<100096xf32, #tpu.memory_space<vmem>>[vector<16xi32>], vector<16xf32>,
      } else {
      }
      %mul3A_192 = arith.constant 6 : i32
      %mul3A_193 = arith.muli %scan3A_133, %mul3A_192 : i32
      %add3A_194 = arith.constant 3 : i32
      %add3A_195 = arith.addi %mul3A_193, %add3A_194 : i32
      %add3A_196 = arith.constant 2 : i32
      %add3A_197 = arith.addi %add3A_195, %add3A_196 : i32
      %lt3A_198 = arith.cmpi slt, %add3A_197, %add3A_4 : i32
      %convert_element_type3A_199 = arith.extui %lt3A_198 : i1 to i32
      %cond3A_200 = arith.constant 0 : i32
      %cond3A_201 = arith.cmpi ne, %convert_element_type3A_199, %cond3A_200 : i32
      scf.if %cond3A_201 {
        %dma_wait3A_252 = arith.constant 0 : i32
        %dma_wait3A_253 = arith.constant 0 : i32
        %dma_wait3A_254 = tpu.memref_slice %arg3[%dma_wait3A_252, %dma_wait3A_253] : memref<25000x128xi32, #tpu.memory_space<hbm>> -> memref<1x128xi32, #tpu.memory_space<hbm>>
        %dma_wait3A_255 = tpu.memref_squeeze %dma_wait3A_254 : memref<1x128xi32, #tpu.memory_space<hbm>> -> memref<128xi32, #tpu.memory_space<hbm>>
        %dma_wait3A_256 = arith.constant 0 : i32
        %dma_wait3A_257 = tpu.memref_slice %arg3[%dma_wait3A_252, %dma_wait3A_256] : memref<25000x128xi32, #tpu.memory_space<hbm>> -> memref<1x128xi32, #tpu.memory_space<hbm>>
        %dma_wait3A_258 = tpu.memref_squeeze %dma_wait3A_257 : memref<1x128xi32, #tpu.memory_space<hbm>> -> memref<128xi32, #tpu.memory_space<hbm>>
        tpu.wait_dma2 semaphore(%arg35 : memref<!tpu.dma_semaphore, #tpu.memory_space<semaphore_mem>>) src(%dma_wait3A_258 : memref<128xi32, #tpu.memory_space<hbm>>) dst(%arg10 : memref<128xi32, #tpu.memory_space<vmem>>)
        %dma_wait3A_259 = arith.constant 0 : i32
        %dma_wait3A_260 = arith.constant 0 : i32
        %dma_wait3A_261 = tpu.memref_slice %arg3[%dma_wait3A_259, %dma_wait3A_260] : memref<25000x128xi32, #tpu.memory_space<hbm>> -> memref<1x128xi32, #tpu.memory_space<hbm>>
        %dma_wait3A_262 = tpu.memref_squeeze %dma_wait3A_261 : memref<1x128xi32, #tpu.memory_space<hbm>> -> memref<128xi32, #tpu.memory_space<hbm>>
        %dma_wait3A_263 = arith.constant 0 : i32
        %dma_wait3A_264 = tpu.memref_slice %arg3[%dma_wait3A_259, %dma_wait3A_263] : memref<25000x128xi32, #tpu.memory_space<hbm>> -> memref<1x128xi32, #tpu.memory_space<hbm>>
        %dma_wait3A_265 = tpu.memref_squeeze %dma_wait3A_264 : memref<1x128xi32, #tpu.memory_space<hbm>> -> memref<128xi32, #tpu.memory_space<hbm>>
        tpu.wait_dma2 semaphore(%arg35 : memref<!tpu.dma_semaphore, #tpu.memory_space<semaphore_mem>>) src(%dma_wait3A_265 : memref<128xi32, #tpu.memory_space<hbm>>) dst(%arg16 : memref<128xi32, #tpu.memory_space<vmem>>)
        %dma_start3A_266 = arith.constant 0 : i32
        %dma_start3A_267 = arith.constant 0 : i32
        %dma_start3A_268 = tpu.memref_slice %arg2[%dma_start3A_266, %dma_start3A_267] : memref<100000x8xf32, #tpu.memory_space<hbm>> -> memref<100000x8xf32, #tpu.memory_space<hbm>>
        tpu.enqueue_indirect_dma source(%dma_start3A_268 : memref<100000x8xf32, #tpu.memory_space<hbm>>) target(%arg22 : memref<128x8xf32, #tpu.memory_space<vmem>>) offsets(%arg10 : memref<128xi32, #tpu.memory_space<vmem>>) semaphore(%arg41 : memref<!tpu.dma_semaphore, #tpu.memory_space<semaphore_mem>>)
        %dma_start3A_269 = arith.constant 0 : i32
        %dma_start3A_270 = arith.constant 0 : i32
        %dma_start3A_271 = tpu.memref_slice %arg2[%dma_start3A_269, %dma_start3A_270] : memref<100000x8xf32, #tpu.memory_space<hbm>> -> memref<100000x8xf32, #tpu.memory_space<hbm>>
        tpu.enqueue_indirect_dma source(%dma_start3A_271 : memref<100000x8xf32, #tpu.memory_space<hbm>>) target(%arg28 : memref<128x8xf32, #tpu.memory_space<vmem>>) offsets(%arg16 : memref<128xi32, #tpu.memory_space<vmem>>) semaphore(%arg41 : memref<!tpu.dma_semaphore, #tpu.memory_space<semaphore_mem>>)
      } else {
      }
      %add3A_202 = arith.constant 4 : i32
      %add3A_203 = arith.addi %add3A_195, %add3A_202 : i32
      %lt3A_204 = arith.cmpi slt, %add3A_203, %add3A_4 : i32
      %convert_element_type3A_205 = arith.extui %lt3A_204 : i1 to i32
      %cond3A_206 = arith.constant 0 : i32
      %cond3A_207 = arith.cmpi ne, %convert_element_type3A_205, %cond3A_206 : i32
      scf.if %cond3A_207 {
        %add3A_252 = arith.constant 4 : i32
        %add3A_253 = arith.addi %add3A_195, %add3A_252 : i32
        %add3A_254 = arith.addi %add3A_8, %add3A_253 : i32
        %dma_start3A_255 = arith.constant 0 : i32
        %dma_start3A_256 = tpu.memref_slice %arg3[%add3A_254, %dma_start3A_255] : memref<25000x128xi32, #tpu.memory_space<hbm>> -> memref<1x128xi32, #tpu.memory_space<hbm>>
        %dma_start3A_257 = tpu.memref_squeeze %dma_start3A_256 : memref<1x128xi32, #tpu.memory_space<hbm>> -> memref<128xi32, #tpu.memory_space<hbm>>
        %dma_start3A_258 = arith.constant 0 : i32
        %dma_start3A_259 = tpu.memref_slice %arg3[%add3A_254, %dma_start3A_258] : memref<25000x128xi32, #tpu.memory_space<hbm>> -> memref<1x128xi32, #tpu.memory_space<hbm>>
        %dma_start3A_260 = tpu.memref_squeeze %dma_start3A_259 : memref<1x128xi32, #tpu.memory_space<hbm>> -> memref<128xi32, #tpu.memory_space<hbm>>
        tpu.enqueue_dma source(%dma_start3A_260 : memref<128xi32, #tpu.memory_space<hbm>>) target(%arg6 : memref<128xi32, #tpu.memory_space<vmem>>) target_semaphore(%arg31 : memref<!tpu.dma_semaphore, #tpu.memory_space<semaphore_mem>>)
        %add3A_261 = arith.constant 12500 : i32
        %add3A_262 = arith.addi %add3A_261, %add3A_254 : i32
        %dma_start3A_263 = arith.constant 0 : i32
        %dma_start3A_264 = tpu.memref_slice %arg3[%add3A_262, %dma_start3A_263] : memref<25000x128xi32, #tpu.memory_space<hbm>> -> memref<1x128xi32, #tpu.memory_space<hbm>>
        %dma_start3A_265 = tpu.memref_squeeze %dma_start3A_264 : memref<1x128xi32, #tpu.memory_space<hbm>> -> memref<128xi32, #tpu.memory_space<hbm>>
        %dma_start3A_266 = arith.constant 0 : i32
        %dma_start3A_267 = tpu.memref_slice %arg3[%add3A_262, %dma_start3A_266] : memref<25000x128xi32, #tpu.memory_space<hbm>> -> memref<1x128xi32, #tpu.memory_space<hbm>>
        %dma_start3A_268 = tpu.memref_squeeze %dma_start3A_267 : memref<1x128xi32, #tpu.memory_space<hbm>> -> memref<128xi32, #tpu.memory_space<hbm>>
        tpu.enqueue_dma source(%dma_start3A_268 : memref<128xi32, #tpu.memory_space<hbm>>) target(%arg12 : memref<128xi32, #tpu.memory_space<vmem>>) target_semaphore(%arg31 : memref<!tpu.dma_semaphore, #tpu.memory_space<semaphore_mem>>)
      } else {
      }
      %lt3A_208 = arith.cmpi slt, %add3A_195, %add3A_4 : i32
      %convert_element_type3A_209 = arith.extui %lt3A_208 : i1 to i32
      %cond3A_210 = arith.constant 0 : i32
      %cond3A_211 = arith.cmpi ne, %convert_element_type3A_209, %cond3A_210 : i32
      scf.if %cond3A_211 {
        %dma_wait3A_252 = arith.constant 0 : i32
        %dma_wait3A_253 = arith.constant 0 : i32
        %dma_wait3A_254 = tpu.memref_slice %arg2[%dma_wait3A_252, %dma_wait3A_253] : memref<100000x8xf32, #tpu.memory_space<hbm>> -> memref<100000x8xf32, #tpu.memory_space<hbm>>
        tpu.wait_indirect_dma semaphore(%arg39 : memref<!tpu.dma_semaphore, #tpu.memory_space<semaphore_mem>>) src(%dma_wait3A_254 : memref<100000x8xf32, #tpu.memory_space<hbm>>) dst(%arg20 : memref<128x8xf32, #tpu.memory_space<vmem>>)
        %dma_wait3A_255 = arith.constant 0 : i32
        %dma_wait3A_256 = arith.constant 0 : i32
        %dma_wait3A_257 = tpu.memref_slice %arg2[%dma_wait3A_255, %dma_wait3A_256] : memref<100000x8xf32, #tpu.memory_space<hbm>> -> memref<100000x8xf32, #tpu.memory_space<hbm>>
        tpu.wait_indirect_dma semaphore(%arg39 : memref<!tpu.dma_semaphore, #tpu.memory_space<semaphore_mem>>) src(%dma_wait3A_257 : memref<100000x8xf32, #tpu.memory_space<hbm>>) dst(%arg26 : memref<128x8xf32, #tpu.memory_space<vmem>>)
        %add3A_258 = arith.constant 0 : i32
        %add3A_259 = vector.broadcast %add3A_258 : i32 to vector<16xi32>
        %add3A_260 = arith.addi %iota3A, %add3A_259 : vector<16xi32>
        %gather3A = tpu.vector_load_idx %arg20[%add3A_260, %broadcast_in_dim3A_16] : memref<128x8xf32, #tpu.memory_space<vmem>>[vector<16xi32>, vector<16xi32>], vector<16xf32>,
        %gather3A_261 = tpu.vector_load_idx %arg20[%add3A_260, %broadcast_in_dim3A_18] : memref<128x8xf32, #tpu.memory_space<vmem>>[vector<16xi32>, vector<16xi32>], vector<16xf32>,
        %gather3A_262 = tpu.vector_load_idx %arg20[%add3A_260, %broadcast_in_dim3A_20] : memref<128x8xf32, #tpu.memory_space<vmem>>[vector<16xi32>, vector<16xi32>], vector<16xf32>,
        %gather3A_263 = tpu.vector_load_idx %arg20[%add3A_260, %broadcast_in_dim3A_22] : memref<128x8xf32, #tpu.memory_space<vmem>>[vector<16xi32>, vector<16xi32>], vector<16xf32>,
        %gather3A_264 = tpu.vector_load_idx %arg20[%add3A_260, %broadcast_in_dim3A_24] : memref<128x8xf32, #tpu.memory_space<vmem>>[vector<16xi32>, vector<16xi32>], vector<16xf32>,
        %gather3A_265 = tpu.vector_load_idx %arg26[%add3A_260, %broadcast_in_dim3A_16] : memref<128x8xf32, #tpu.memory_space<vmem>>[vector<16xi32>, vector<16xi32>], vector<16xf32>,
        %gather3A_266 = tpu.vector_load_idx %arg26[%add3A_260, %broadcast_in_dim3A_18] : memref<128x8xf32, #tpu.memory_space<vmem>>[vector<16xi32>, vector<16xi32>], vector<16xf32>,
        %sub3A = arith.subf %gather3A_265, %gather3A : vector<16xf32>
        %sub3A_267 = arith.subf %gather3A_266, %gather3A_261 : vector<16xf32>
        %mul3A_268 = arith.mulf %sub3A, %sub3A : vector<16xf32>
        %mul3A_269 = arith.mulf %sub3A_267, %sub3A_267 : vector<16xf32>
        %add3A_270 = arith.addf %mul3A_268, %mul3A_269 : vector<16xf32>
        %mul3A_271 = arith.mulf %gather3A_262, %sub3A : vector<16xf32>
        %mul3A_272 = arith.mulf %gather3A_263, %sub3A_267 : vector<16xf32>
        %add3A_273 = arith.addf %mul3A_271, %mul3A_272 : vector<16xf32>
        %max3A = arith.constant 0.000000e+00 : f32
        %max3A_274 = vector.broadcast %max3A : f32 to vector<16xf32>
        %max3A_275 = arith.maximumf %add3A_273, %max3A_274 : vector<16xf32>
        %bitcast3A = vector.bitcast %add3A_270 : vector<16xf32> to vector<16xi32>
        %shift_right_arithmetic3A = arith.constant 1 : i32
        %shift_right_arithmetic3A_276 = vector.broadcast %shift_right_arithmetic3A : i32 to vector<16xi32>
        %shift_right_arithmetic3A_277 = arith.shrsi %bitcast3A, %shift_right_arithmetic3A_276 : vector<16xi32>
        %add3A_278 = arith.constant 532487669 : i32
        %add3A_279 = vector.broadcast %add3A_278 : i32 to vector<16xi32>
        %add3A_280 = arith.addi %shift_right_arithmetic3A_277, %add3A_279 : vector<16xi32>
        %bitcast3A_281 = vector.bitcast %add3A_280 : vector<16xi32> to vector<16xf32>
        %div3A = arith.divf %add3A_270, %bitcast3A_281 : vector<16xf32>
        %add3A_282 = arith.addf %bitcast3A_281, %div3A : vector<16xf32>
        %mul3A_283 = arith.constant 5.000000e-01 : f32
        %mul3A_284 = vector.broadcast %mul3A_283 : f32 to vector<16xf32>
        %mul3A_285 = arith.mulf %mul3A_284, %add3A_282 : vector<16xf32>
        %div3A_286 = arith.divf %add3A_270, %mul3A_285 : vector<16xf32>
        %add3A_287 = arith.addf %mul3A_285, %div3A_286 : vector<16xf32>
        %mul3A_288 = arith.constant 5.000000e-01 : f32
        %mul3A_289 = vector.broadcast %mul3A_288 : f32 to vector<16xf32>
        %mul3A_290 = arith.mulf %mul3A_289, %add3A_287 : vector<16xf32>
        %div3A_291 = arith.divf %add3A_270, %mul3A_290 : vector<16xf32>
        %add3A_292 = arith.addf %mul3A_290, %div3A_291 : vector<16xf32>
        %mul3A_293 = arith.constant 5.000000e-01 : f32
        %mul3A_294 = vector.broadcast %mul3A_293 : f32 to vector<16xf32>
        %mul3A_295 = arith.mulf %mul3A_294, %add3A_292 : vector<16xf32>
        %add3A_296 = arith.constant 9.99999997E-7 : f32
        %add3A_297 = vector.broadcast %add3A_296 : f32 to vector<16xf32>
        %add3A_298 = arith.addf %mul3A_295, %add3A_297 : vector<16xf32>
        %mul3A_299 = arith.mulf %add3A_298, %add3A_298 : vector<16xf32>
        %div3A_300 = arith.divf %max3A_275, %mul3A_299 : vector<16xf32>
        %mul3A_301 = arith.mulf %div3A_300, %gather3A_264 : vector<16xf32>
        %get3A = arith.constant 0 : index
        %get3A_302 = tpu.vector_load %arg14[%get3A] {strides = array<i32>} : memref<128xi32, #tpu.memory_space<vmem>>, vector<16xi32>,
        %get3A_303 = arith.constant 0 : index
        %get3A_304 = tpu.vector_load %arg8[%get3A_303] {strides = array<i32>} : memref<128xi32, #tpu.memory_space<vmem>>, vector<16xi32>,
        tpu.vector_store_idx %arg29[%get3A_302], %mul3A_301 {add = true} : memref<100096xf32, #tpu.memory_space<vmem>>[vector<16xi32>], vector<16xf32>,
        %neg3A = arith.constant 0.000000e+00 : f32
        %neg3A_305 = vector.broadcast %neg3A : f32 to vector<16xf32>
        %neg3A_306 = arith.subf %neg3A_305, %mul3A_301 : vector<16xf32>
        tpu.vector_store_idx %arg29[%get3A_304], %neg3A_306 {add = true} : memref<100096xf32, #tpu.memory_space<vmem>>[vector<16xi32>], vector<16xf32>,
        %add3A_307 = arith.constant 16 : i32
        %add3A_308 = vector.broadcast %add3A_307 : i32 to vector<16xi32>
        %add3A_309 = arith.addi %iota3A, %add3A_308 : vector<16xi32>
        %gather3A_310 = tpu.vector_load_idx %arg20[%add3A_309, %broadcast_in_dim3A_16] : memref<128x8xf32, #tpu.memory_space<vmem>>[vector<16xi32>, vector<16xi32>], vector<16xf32>,
        %gather3A_311 = tpu.vector_load_idx %arg20[%add3A_309, %broadcast_in_dim3A_18] : memref<128x8xf32, #tpu.memory_space<vmem>>[vector<16xi32>, vector<16xi32>], vector<16xf32>,
        %gather3A_312 = tpu.vector_load_idx %arg20[%add3A_309, %broadcast_in_dim3A_20] : memref<128x8xf32, #tpu.memory_space<vmem>>[vector<16xi32>, vector<16xi32>], vector<16xf32>,
        %gather3A_313 = tpu.vector_load_idx %arg20[%add3A_309, %broadcast_in_dim3A_22] : memref<128x8xf32, #tpu.memory_space<vmem>>[vector<16xi32>, vector<16xi32>], vector<16xf32>,
        %gather3A_314 = tpu.vector_load_idx %arg20[%add3A_309, %broadcast_in_dim3A_24] : memref<128x8xf32, #tpu.memory_space<vmem>>[vector<16xi32>, vector<16xi32>], vector<16xf32>,
        %gather3A_315 = tpu.vector_load_idx %arg26[%add3A_309, %broadcast_in_dim3A_16] : memref<128x8xf32, #tpu.memory_space<vmem>>[vector<16xi32>, vector<16xi32>], vector<16xf32>,
        %gather3A_316 = tpu.vector_load_idx %arg26[%add3A_309, %broadcast_in_dim3A_18] : memref<128x8xf32, #tpu.memory_space<vmem>>[vector<16xi32>, vector<16xi32>], vector<16xf32>,
        %sub3A_317 = arith.subf %gather3A_315, %gather3A_310 : vector<16xf32>
        %sub3A_318 = arith.subf %gather3A_316, %gather3A_311 : vector<16xf32>
        %mul3A_319 = arith.mulf %sub3A_317, %sub3A_317 : vector<16xf32>
        %mul3A_320 = arith.mulf %sub3A_318, %sub3A_318 : vector<16xf32>
        %add3A_321 = arith.addf %mul3A_319, %mul3A_320 : vector<16xf32>
        %mul3A_322 = arith.mulf %gather3A_312, %sub3A_317 : vector<16xf32>
        %mul3A_323 = arith.mulf %gather3A_313, %sub3A_318 : vector<16xf32>
        %add3A_324 = arith.addf %mul3A_322, %mul3A_323 : vector<16xf32>
        %max3A_325 = arith.constant 0.000000e+00 : f32
        %max3A_326 = vector.broadcast %max3A_325 : f32 to vector<16xf32>
        %max3A_327 = arith.maximumf %add3A_324, %max3A_326 : vector<16xf32>
        %bitcast3A_328 = vector.bitcast %add3A_321 : vector<16xf32> to vector<16xi32>
        %shift_right_arithmetic3A_329 = arith.constant 1 : i32
        %shift_right_arithmetic3A_330 = vector.broadcast %shift_right_arithmetic3A_329 : i32 to vector<16xi32>
        %shift_right_arithmetic3A_331 = arith.shrsi %bitcast3A_328, %shift_right_arithmetic3A_330 : vector<16xi32>
        %add3A_332 = arith.constant 532487669 : i32
        %add3A_333 = vector.broadcast %add3A_332 : i32 to vector<16xi32>
        %add3A_334 = arith.addi %shift_right_arithmetic3A_331, %add3A_333 : vector<16xi32>
        %bitcast3A_335 = vector.bitcast %add3A_334 : vector<16xi32> to vector<16xf32>
        %div3A_336 = arith.divf %add3A_321, %bitcast3A_335 : vector<16xf32>
        %add3A_337 = arith.addf %bitcast3A_335, %div3A_336 : vector<16xf32>
        %mul3A_338 = arith.constant 5.000000e-01 : f32
        %mul3A_339 = vector.broadcast %mul3A_338 : f32 to vector<16xf32>
        %mul3A_340 = arith.mulf %mul3A_339, %add3A_337 : vector<16xf32>
        %div3A_341 = arith.divf %add3A_321, %mul3A_340 : vector<16xf32>
        %add3A_342 = arith.addf %mul3A_340, %div3A_341 : vector<16xf32>
        %mul3A_343 = arith.constant 5.000000e-01 : f32
        %mul3A_344 = vector.broadcast %mul3A_343 : f32 to vector<16xf32>
        %mul3A_345 = arith.mulf %mul3A_344, %add3A_342 : vector<16xf32>
        %div3A_346 = arith.divf %add3A_321, %mul3A_345 : vector<16xf32>
        %add3A_347 = arith.addf %mul3A_345, %div3A_346 : vector<16xf32>
        %mul3A_348 = arith.constant 5.000000e-01 : f32
        %mul3A_349 = vector.broadcast %mul3A_348 : f32 to vector<16xf32>
        %mul3A_350 = arith.mulf %mul3A_349, %add3A_347 : vector<16xf32>
        %add3A_351 = arith.constant 9.99999997E-7 : f32
        %add3A_352 = vector.broadcast %add3A_351 : f32 to vector<16xf32>
        %add3A_353 = arith.addf %mul3A_350, %add3A_352 : vector<16xf32>
        %mul3A_354 = arith.mulf %add3A_353, %add3A_353 : vector<16xf32>
        %div3A_355 = arith.divf %max3A_327, %mul3A_354 : vector<16xf32>
        %mul3A_356 = arith.mulf %div3A_355, %gather3A_314 : vector<16xf32>
        %get3A_357 = arith.constant 16 : index
        %get3A_358 = tpu.vector_load %arg14[%get3A_357] {strides = array<i32>} : memref<128xi32, #tpu.memory_space<vmem>>, vector<16xi32>,
        %get3A_359 = arith.constant 16 : index
        %get3A_360 = tpu.vector_load %arg8[%get3A_359] {strides = array<i32>} : memref<128xi32, #tpu.memory_space<vmem>>, vector<16xi32>,
        tpu.vector_store_idx %arg29[%get3A_358], %mul3A_356 {add = true} : memref<100096xf32, #tpu.memory_space<vmem>>[vector<16xi32>], vector<16xf32>,
        %neg3A_361 = arith.constant 0.000000e+00 : f32
        %neg3A_362 = vector.broadcast %neg3A_361 : f32 to vector<16xf32>
        %neg3A_363 = arith.subf %neg3A_362, %mul3A_356 : vector<16xf32>
        tpu.vector_store_idx %arg29[%get3A_360], %neg3A_363 {add = true} : memref<100096xf32, #tpu.memory_space<vmem>>[vector<16xi32>], vector<16xf32>,
        %add3A_364 = arith.constant 32 : i32
        %add3A_365 = vector.broadcast %add3A_364 : i32 to vector<16xi32>
        %add3A_366 = arith.addi %iota3A, %add3A_365 : vector<16xi32>
        %gather3A_367 = tpu.vector_load_idx %arg20[%add3A_366, %broadcast_in_dim3A_16] : memref<128x8xf32, #tpu.memory_space<vmem>>[vector<16xi32>, vector<16xi32>], vector<16xf32>,
        %gather3A_368 = tpu.vector_load_idx %arg20[%add3A_366, %broadcast_in_dim3A_18] : memref<128x8xf32, #tpu.memory_space<vmem>>[vector<16xi32>, vector<16xi32>], vector<16xf32>,
        %gather3A_369 = tpu.vector_load_idx %arg20[%add3A_366, %broadcast_in_dim3A_20] : memref<128x8xf32, #tpu.memory_space<vmem>>[vector<16xi32>, vector<16xi32>], vector<16xf32>,
        %gather3A_370 = tpu.vector_load_idx %arg20[%add3A_366, %broadcast_in_dim3A_22] : memref<128x8xf32, #tpu.memory_space<vmem>>[vector<16xi32>, vector<16xi32>], vector<16xf32>,
        %gather3A_371 = tpu.vector_load_idx %arg20[%add3A_366, %broadcast_in_dim3A_24] : memref<128x8xf32, #tpu.memory_space<vmem>>[vector<16xi32>, vector<16xi32>], vector<16xf32>,
        %gather3A_372 = tpu.vector_load_idx %arg26[%add3A_366, %broadcast_in_dim3A_16] : memref<128x8xf32, #tpu.memory_space<vmem>>[vector<16xi32>, vector<16xi32>], vector<16xf32>,
        %gather3A_373 = tpu.vector_load_idx %arg26[%add3A_366, %broadcast_in_dim3A_18] : memref<128x8xf32, #tpu.memory_space<vmem>>[vector<16xi32>, vector<16xi32>], vector<16xf32>,
        %sub3A_374 = arith.subf %gather3A_372, %gather3A_367 : vector<16xf32>
        %sub3A_375 = arith.subf %gather3A_373, %gather3A_368 : vector<16xf32>
        %mul3A_376 = arith.mulf %sub3A_374, %sub3A_374 : vector<16xf32>
        %mul3A_377 = arith.mulf %sub3A_375, %sub3A_375 : vector<16xf32>
        %add3A_378 = arith.addf %mul3A_376, %mul3A_377 : vector<16xf32>
        %mul3A_379 = arith.mulf %gather3A_369, %sub3A_374 : vector<16xf32>
        %mul3A_380 = arith.mulf %gather3A_370, %sub3A_375 : vector<16xf32>
        %add3A_381 = arith.addf %mul3A_379, %mul3A_380 : vector<16xf32>
        %max3A_382 = arith.constant 0.000000e+00 : f32
        %max3A_383 = vector.broadcast %max3A_382 : f32 to vector<16xf32>
        %max3A_384 = arith.maximumf %add3A_381, %max3A_383 : vector<16xf32>
        %bitcast3A_385 = vector.bitcast %add3A_378 : vector<16xf32> to vector<16xi32>
        %shift_right_arithmetic3A_386 = arith.constant 1 : i32
        %shift_right_arithmetic3A_387 = vector.broadcast %shift_right_arithmetic3A_386 : i32 to vector<16xi32>
        %shift_right_arithmetic3A_388 = arith.shrsi %bitcast3A_385, %shift_right_arithmetic3A_387 : vector<16xi32>
        %add3A_389 = arith.constant 532487669 : i32
        %add3A_390 = vector.broadcast %add3A_389 : i32 to vector<16xi32>
        %add3A_391 = arith.addi %shift_right_arithmetic3A_388, %add3A_390 : vector<16xi32>
        %bitcast3A_392 = vector.bitcast %add3A_391 : vector<16xi32> to vector<16xf32>
        %div3A_393 = arith.divf %add3A_378, %bitcast3A_392 : vector<16xf32>
        %add3A_394 = arith.addf %bitcast3A_392, %div3A_393 : vector<16xf32>
        %mul3A_395 = arith.constant 5.000000e-01 : f32
        %mul3A_396 = vector.broadcast %mul3A_395 : f32 to vector<16xf32>
        %mul3A_397 = arith.mulf %mul3A_396, %add3A_394 : vector<16xf32>
        %div3A_398 = arith.divf %add3A_378, %mul3A_397 : vector<16xf32>
        %add3A_399 = arith.addf %mul3A_397, %div3A_398 : vector<16xf32>
        %mul3A_400 = arith.constant 5.000000e-01 : f32
        %mul3A_401 = vector.broadcast %mul3A_400 : f32 to vector<16xf32>
        %mul3A_402 = arith.mulf %mul3A_401, %add3A_399 : vector<16xf32>
        %div3A_403 = arith.divf %add3A_378, %mul3A_402 : vector<16xf32>
        %add3A_404 = arith.addf %mul3A_402, %div3A_403 : vector<16xf32>
        %mul3A_405 = arith.constant 5.000000e-01 : f32
        %mul3A_406 = vector.broadcast %mul3A_405 : f32 to vector<16xf32>
        %mul3A_407 = arith.mulf %mul3A_406, %add3A_404 : vector<16xf32>
        %add3A_408 = arith.constant 9.99999997E-7 : f32
        %add3A_409 = vector.broadcast %add3A_408 : f32 to vector<16xf32>
        %add3A_410 = arith.addf %mul3A_407, %add3A_409 : vector<16xf32>
        %mul3A_411 = arith.mulf %add3A_410, %add3A_410 : vector<16xf32>
        %div3A_412 = arith.divf %max3A_384, %mul3A_411 : vector<16xf32>
        %mul3A_413 = arith.mulf %div3A_412, %gather3A_371 : vector<16xf32>
        %get3A_414 = arith.constant 32 : index
        %get3A_415 = tpu.vector_load %arg14[%get3A_414] {strides = array<i32>} : memref<128xi32, #tpu.memory_space<vmem>>, vector<16xi32>,
        %get3A_416 = arith.constant 32 : index
        %get3A_417 = tpu.vector_load %arg8[%get3A_416] {strides = array<i32>} : memref<128xi32, #tpu.memory_space<vmem>>, vector<16xi32>,
        tpu.vector_store_idx %arg29[%get3A_415], %mul3A_413 {add = true} : memref<100096xf32, #tpu.memory_space<vmem>>[vector<16xi32>], vector<16xf32>,
        %neg3A_418 = arith.constant 0.000000e+00 : f32
        %neg3A_419 = vector.broadcast %neg3A_418 : f32 to vector<16xf32>
        %neg3A_420 = arith.subf %neg3A_419, %mul3A_413 : vector<16xf32>
        tpu.vector_store_idx %arg29[%get3A_417], %neg3A_420 {add = true} : memref<100096xf32, #tpu.memory_space<vmem>>[vector<16xi32>], vector<16xf32>,
        %add3A_421 = arith.constant 48 : i32
        %add3A_422 = vector.broadcast %add3A_421 : i32 to vector<16xi32>
        %add3A_423 = arith.addi %iota3A, %add3A_422 : vector<16xi32>
        %gather3A_424 = tpu.vector_load_idx %arg20[%add3A_423, %broadcast_in_dim3A_16] : memref<128x8xf32, #tpu.memory_space<vmem>>[vector<16xi32>, vector<16xi32>], vector<16xf32>,
        %gather3A_425 = tpu.vector_load_idx %arg20[%add3A_423, %broadcast_in_dim3A_18] : memref<128x8xf32, #tpu.memory_space<vmem>>[vector<16xi32>, vector<16xi32>], vector<16xf32>,
        %gather3A_426 = tpu.vector_load_idx %arg20[%add3A_423, %broadcast_in_dim3A_20] : memref<128x8xf32, #tpu.memory_space<vmem>>[vector<16xi32>, vector<16xi32>], vector<16xf32>,
        %gather3A_427 = tpu.vector_load_idx %arg20[%add3A_423, %broadcast_in_dim3A_22] : memref<128x8xf32, #tpu.memory_space<vmem>>[vector<16xi32>, vector<16xi32>], vector<16xf32>,
        %gather3A_428 = tpu.vector_load_idx %arg20[%add3A_423, %broadcast_in_dim3A_24] : memref<128x8xf32, #tpu.memory_space<vmem>>[vector<16xi32>, vector<16xi32>], vector<16xf32>,
        %gather3A_429 = tpu.vector_load_idx %arg26[%add3A_423, %broadcast_in_dim3A_16] : memref<128x8xf32, #tpu.memory_space<vmem>>[vector<16xi32>, vector<16xi32>], vector<16xf32>,
        %gather3A_430 = tpu.vector_load_idx %arg26[%add3A_423, %broadcast_in_dim3A_18] : memref<128x8xf32, #tpu.memory_space<vmem>>[vector<16xi32>, vector<16xi32>], vector<16xf32>,
        %sub3A_431 = arith.subf %gather3A_429, %gather3A_424 : vector<16xf32>
        %sub3A_432 = arith.subf %gather3A_430, %gather3A_425 : vector<16xf32>
        %mul3A_433 = arith.mulf %sub3A_431, %sub3A_431 : vector<16xf32>
        %mul3A_434 = arith.mulf %sub3A_432, %sub3A_432 : vector<16xf32>
        %add3A_435 = arith.addf %mul3A_433, %mul3A_434 : vector<16xf32>
        %mul3A_436 = arith.mulf %gather3A_426, %sub3A_431 : vector<16xf32>
        %mul3A_437 = arith.mulf %gather3A_427, %sub3A_432 : vector<16xf32>
        %add3A_438 = arith.addf %mul3A_436, %mul3A_437 : vector<16xf32>
        %max3A_439 = arith.constant 0.000000e+00 : f32
        %max3A_440 = vector.broadcast %max3A_439 : f32 to vector<16xf32>
        %max3A_441 = arith.maximumf %add3A_438, %max3A_440 : vector<16xf32>
        %bitcast3A_442 = vector.bitcast %add3A_435 : vector<16xf32> to vector<16xi32>
        %shift_right_arithmetic3A_443 = arith.constant 1 : i32
        %shift_right_arithmetic3A_444 = vector.broadcast %shift_right_arithmetic3A_443 : i32 to vector<16xi32>
        %shift_right_arithmetic3A_445 = arith.shrsi %bitcast3A_442, %shift_right_arithmetic3A_444 : vector<16xi32>
        %add3A_446 = arith.constant 532487669 : i32
        %add3A_447 = vector.broadcast %add3A_446 : i32 to vector<16xi32>
        %add3A_448 = arith.addi %shift_right_arithmetic3A_445, %add3A_447 : vector<16xi32>
        %bitcast3A_449 = vector.bitcast %add3A_448 : vector<16xi32> to vector<16xf32>
        %div3A_450 = arith.divf %add3A_435, %bitcast3A_449 : vector<16xf32>
        %add3A_451 = arith.addf %bitcast3A_449, %div3A_450 : vector<16xf32>
        %mul3A_452 = arith.constant 5.000000e-01 : f32
        %mul3A_453 = vector.broadcast %mul3A_452 : f32 to vector<16xf32>
        %mul3A_454 = arith.mulf %mul3A_453, %add3A_451 : vector<16xf32>
        %div3A_455 = arith.divf %add3A_435, %mul3A_454 : vector<16xf32>
        %add3A_456 = arith.addf %mul3A_454, %div3A_455 : vector<16xf32>
        %mul3A_457 = arith.constant 5.000000e-01 : f32
        %mul3A_458 = vector.broadcast %mul3A_457 : f32 to vector<16xf32>
        %mul3A_459 = arith.mulf %mul3A_458, %add3A_456 : vector<16xf32>
        %div3A_460 = arith.divf %add3A_435, %mul3A_459 : vector<16xf32>
        %add3A_461 = arith.addf %mul3A_459, %div3A_460 : vector<16xf32>
        %mul3A_462 = arith.constant 5.000000e-01 : f32
        %mul3A_463 = vector.broadcast %mul3A_462 : f32 to vector<16xf32>
        %mul3A_464 = arith.mulf %mul3A_463, %add3A_461 : vector<16xf32>
        %add3A_465 = arith.constant 9.99999997E-7 : f32
        %add3A_466 = vector.broadcast %add3A_465 : f32 to vector<16xf32>
        %add3A_467 = arith.addf %mul3A_464, %add3A_466 : vector<16xf32>
        %mul3A_468 = arith.mulf %add3A_467, %add3A_467 : vector<16xf32>
        %div3A_469 = arith.divf %max3A_441, %mul3A_468 : vector<16xf32>
        %mul3A_470 = arith.mulf %div3A_469, %gather3A_428 : vector<16xf32>
        %get3A_471 = arith.constant 48 : index
        %get3A_472 = tpu.vector_load %arg14[%get3A_471] {strides = array<i32>} : memref<128xi32, #tpu.memory_space<vmem>>, vector<16xi32>,
        %get3A_473 = arith.constant 48 : index
        %get3A_474 = tpu.vector_load %arg8[%get3A_473] {strides = array<i32>} : memref<128xi32, #tpu.memory_space<vmem>>, vector<16xi32>,
        tpu.vector_store_idx %arg29[%get3A_472], %mul3A_470 {add = true} : memref<100096xf32, #tpu.memory_space<vmem>>[vector<16xi32>], vector<16xf32>,
        %neg3A_475 = arith.constant 0.000000e+00 : f32
        %neg3A_476 = vector.broadcast %neg3A_475 : f32 to vector<16xf32>
        %neg3A_477 = arith.subf %neg3A_476, %mul3A_470 : vector<16xf32>
        tpu.vector_store_idx %arg29[%get3A_474], %neg3A_477 {add = true} : memref<100096xf32, #tpu.memory_space<vmem>>[vector<16xi32>], vector<16xf32>,
        %add3A_478 = arith.constant 64 : i32
        %add3A_479 = vector.broadcast %add3A_478 : i32 to vector<16xi32>
        %add3A_480 = arith.addi %iota3A, %add3A_479 : vector<16xi32>
        %gather3A_481 = tpu.vector_load_idx %arg20[%add3A_480, %broadcast_in_dim3A_16] : memref<128x8xf32, #tpu.memory_space<vmem>>[vector<16xi32>, vector<16xi32>], vector<16xf32>,
        %gather3A_482 = tpu.vector_load_idx %arg20[%add3A_480, %broadcast_in_dim3A_18] : memref<128x8xf32, #tpu.memory_space<vmem>>[vector<16xi32>, vector<16xi32>], vector<16xf32>,
        %gather3A_483 = tpu.vector_load_idx %arg20[%add3A_480, %broadcast_in_dim3A_20] : memref<128x8xf32, #tpu.memory_space<vmem>>[vector<16xi32>, vector<16xi32>], vector<16xf32>,
        %gather3A_484 = tpu.vector_load_idx %arg20[%add3A_480, %broadcast_in_dim3A_22] : memref<128x8xf32, #tpu.memory_space<vmem>>[vector<16xi32>, vector<16xi32>], vector<16xf32>,
        %gather3A_485 = tpu.vector_load_idx %arg20[%add3A_480, %broadcast_in_dim3A_24] : memref<128x8xf32, #tpu.memory_space<vmem>>[vector<16xi32>, vector<16xi32>], vector<16xf32>,
        %gather3A_486 = tpu.vector_load_idx %arg26[%add3A_480, %broadcast_in_dim3A_16] : memref<128x8xf32, #tpu.memory_space<vmem>>[vector<16xi32>, vector<16xi32>], vector<16xf32>,
        %gather3A_487 = tpu.vector_load_idx %arg26[%add3A_480, %broadcast_in_dim3A_18] : memref<128x8xf32, #tpu.memory_space<vmem>>[vector<16xi32>, vector<16xi32>], vector<16xf32>,
        %sub3A_488 = arith.subf %gather3A_486, %gather3A_481 : vector<16xf32>
        %sub3A_489 = arith.subf %gather3A_487, %gather3A_482 : vector<16xf32>
        %mul3A_490 = arith.mulf %sub3A_488, %sub3A_488 : vector<16xf32>
        %mul3A_491 = arith.mulf %sub3A_489, %sub3A_489 : vector<16xf32>
        %add3A_492 = arith.addf %mul3A_490, %mul3A_491 : vector<16xf32>
        %mul3A_493 = arith.mulf %gather3A_483, %sub3A_488 : vector<16xf32>
        %mul3A_494 = arith.mulf %gather3A_484, %sub3A_489 : vector<16xf32>
        %add3A_495 = arith.addf %mul3A_493, %mul3A_494 : vector<16xf32>
        %max3A_496 = arith.constant 0.000000e+00 : f32
        %max3A_497 = vector.broadcast %max3A_496 : f32 to vector<16xf32>
        %max3A_498 = arith.maximumf %add3A_495, %max3A_497 : vector<16xf32>
        %bitcast3A_499 = vector.bitcast %add3A_492 : vector<16xf32> to vector<16xi32>
        %shift_right_arithmetic3A_500 = arith.constant 1 : i32
        %shift_right_arithmetic3A_501 = vector.broadcast %shift_right_arithmetic3A_500 : i32 to vector<16xi32>
        %shift_right_arithmetic3A_502 = arith.shrsi %bitcast3A_499, %shift_right_arithmetic3A_501 : vector<16xi32>
        %add3A_503 = arith.constant 532487669 : i32
        %add3A_504 = vector.broadcast %add3A_503 : i32 to vector<16xi32>
        %add3A_505 = arith.addi %shift_right_arithmetic3A_502, %add3A_504 : vector<16xi32>
        %bitcast3A_506 = vector.bitcast %add3A_505 : vector<16xi32> to vector<16xf32>
        %div3A_507 = arith.divf %add3A_492, %bitcast3A_506 : vector<16xf32>
        %add3A_508 = arith.addf %bitcast3A_506, %div3A_507 : vector<16xf32>
        %mul3A_509 = arith.constant 5.000000e-01 : f32
        %mul3A_510 = vector.broadcast %mul3A_509 : f32 to vector<16xf32>
        %mul3A_511 = arith.mulf %mul3A_510, %add3A_508 : vector<16xf32>
        %div3A_512 = arith.divf %add3A_492, %mul3A_511 : vector<16xf32>
        %add3A_513 = arith.addf %mul3A_511, %div3A_512 : vector<16xf32>
        %mul3A_514 = arith.constant 5.000000e-01 : f32
        %mul3A_515 = vector.broadcast %mul3A_514 : f32 to vector<16xf32>
        %mul3A_516 = arith.mulf %mul3A_515, %add3A_513 : vector<16xf32>
        %div3A_517 = arith.divf %add3A_492, %mul3A_516 : vector<16xf32>
        %add3A_518 = arith.addf %mul3A_516, %div3A_517 : vector<16xf32>
        %mul3A_519 = arith.constant 5.000000e-01 : f32
        %mul3A_520 = vector.broadcast %mul3A_519 : f32 to vector<16xf32>
        %mul3A_521 = arith.mulf %mul3A_520, %add3A_518 : vector<16xf32>
        %add3A_522 = arith.constant 9.99999997E-7 : f32
        %add3A_523 = vector.broadcast %add3A_522 : f32 to vector<16xf32>
        %add3A_524 = arith.addf %mul3A_521, %add3A_523 : vector<16xf32>
        %mul3A_525 = arith.mulf %add3A_524, %add3A_524 : vector<16xf32>
        %div3A_526 = arith.divf %max3A_498, %mul3A_525 : vector<16xf32>
        %mul3A_527 = arith.mulf %div3A_526, %gather3A_485 : vector<16xf32>
        %get3A_528 = arith.constant 64 : index
        %get3A_529 = tpu.vector_load %arg14[%get3A_528] {strides = array<i32>} : memref<128xi32, #tpu.memory_space<vmem>>, vector<16xi32>,
        %get3A_530 = arith.constant 64 : index
        %get3A_531 = tpu.vector_load %arg8[%get3A_530] {strides = array<i32>} : memref<128xi32, #tpu.memory_space<vmem>>, vector<16xi32>,
        tpu.vector_store_idx %arg29[%get3A_529], %mul3A_527 {add = true} : memref<100096xf32, #tpu.memory_space<vmem>>[vector<16xi32>], vector<16xf32>,
        %neg3A_532 = arith.constant 0.000000e+00 : f32
        %neg3A_533 = vector.broadcast %neg3A_532 : f32 to vector<16xf32>
        %neg3A_534 = arith.subf %neg3A_533, %mul3A_527 : vector<16xf32>
        tpu.vector_store_idx %arg29[%get3A_531], %neg3A_534 {add = true} : memref<100096xf32, #tpu.memory_space<vmem>>[vector<16xi32>], vector<16xf32>,
        %add3A_535 = arith.constant 80 : i32
        %add3A_536 = vector.broadcast %add3A_535 : i32 to vector<16xi32>
        %add3A_537 = arith.addi %iota3A, %add3A_536 : vector<16xi32>
        %gather3A_538 = tpu.vector_load_idx %arg20[%add3A_537, %broadcast_in_dim3A_16] : memref<128x8xf32, #tpu.memory_space<vmem>>[vector<16xi32>, vector<16xi32>], vector<16xf32>,
        %gather3A_539 = tpu.vector_load_idx %arg20[%add3A_537, %broadcast_in_dim3A_18] : memref<128x8xf32, #tpu.memory_space<vmem>>[vector<16xi32>, vector<16xi32>], vector<16xf32>,
        %gather3A_540 = tpu.vector_load_idx %arg20[%add3A_537, %broadcast_in_dim3A_20] : memref<128x8xf32, #tpu.memory_space<vmem>>[vector<16xi32>, vector<16xi32>], vector<16xf32>,
        %gather3A_541 = tpu.vector_load_idx %arg20[%add3A_537, %broadcast_in_dim3A_22] : memref<128x8xf32, #tpu.memory_space<vmem>>[vector<16xi32>, vector<16xi32>], vector<16xf32>,
        %gather3A_542 = tpu.vector_load_idx %arg20[%add3A_537, %broadcast_in_dim3A_24] : memref<128x8xf32, #tpu.memory_space<vmem>>[vector<16xi32>, vector<16xi32>], vector<16xf32>,
        %gather3A_543 = tpu.vector_load_idx %arg26[%add3A_537, %broadcast_in_dim3A_16] : memref<128x8xf32, #tpu.memory_space<vmem>>[vector<16xi32>, vector<16xi32>], vector<16xf32>,
        %gather3A_544 = tpu.vector_load_idx %arg26[%add3A_537, %broadcast_in_dim3A_18] : memref<128x8xf32, #tpu.memory_space<vmem>>[vector<16xi32>, vector<16xi32>], vector<16xf32>,
        %sub3A_545 = arith.subf %gather3A_543, %gather3A_538 : vector<16xf32>
        %sub3A_546 = arith.subf %gather3A_544, %gather3A_539 : vector<16xf32>
        %mul3A_547 = arith.mulf %sub3A_545, %sub3A_545 : vector<16xf32>
        %mul3A_548 = arith.mulf %sub3A_546, %sub3A_546 : vector<16xf32>
        %add3A_549 = arith.addf %mul3A_547, %mul3A_548 : vector<16xf32>
        %mul3A_550 = arith.mulf %gather3A_540, %sub3A_545 : vector<16xf32>
        %mul3A_551 = arith.mulf %gather3A_541, %sub3A_546 : vector<16xf32>
        %add3A_552 = arith.addf %mul3A_550, %mul3A_551 : vector<16xf32>
        %max3A_553 = arith.constant 0.000000e+00 : f32
        %max3A_554 = vector.broadcast %max3A_553 : f32 to vector<16xf32>
        %max3A_555 = arith.maximumf %add3A_552, %max3A_554 : vector<16xf32>
        %bitcast3A_556 = vector.bitcast %add3A_549 : vector<16xf32> to vector<16xi32>
        %shift_right_arithmetic3A_557 = arith.constant 1 : i32
        %shift_right_arithmetic3A_558 = vector.broadcast %shift_right_arithmetic3A_557 : i32 to vector<16xi32>
        %shift_right_arithmetic3A_559 = arith.shrsi %bitcast3A_556, %shift_right_arithmetic3A_558 : vector<16xi32>
        %add3A_560 = arith.constant 532487669 : i32
        %add3A_561 = vector.broadcast %add3A_560 : i32 to vector<16xi32>
        %add3A_562 = arith.addi %shift_right_arithmetic3A_559, %add3A_561 : vector<16xi32>
        %bitcast3A_563 = vector.bitcast %add3A_562 : vector<16xi32> to vector<16xf32>
        %div3A_564 = arith.divf %add3A_549, %bitcast3A_563 : vector<16xf32>
        %add3A_565 = arith.addf %bitcast3A_563, %div3A_564 : vector<16xf32>
        %mul3A_566 = arith.constant 5.000000e-01 : f32
        %mul3A_567 = vector.broadcast %mul3A_566 : f32 to vector<16xf32>
        %mul3A_568 = arith.mulf %mul3A_567, %add3A_565 : vector<16xf32>
        %div3A_569 = arith.divf %add3A_549, %mul3A_568 : vector<16xf32>
        %add3A_570 = arith.addf %mul3A_568, %div3A_569 : vector<16xf32>
        %mul3A_571 = arith.constant 5.000000e-01 : f32
        %mul3A_572 = vector.broadcast %mul3A_571 : f32 to vector<16xf32>
        %mul3A_573 = arith.mulf %mul3A_572, %add3A_570 : vector<16xf32>
        %div3A_574 = arith.divf %add3A_549, %mul3A_573 : vector<16xf32>
        %add3A_575 = arith.addf %mul3A_573, %div3A_574 : vector<16xf32>
        %mul3A_576 = arith.constant 5.000000e-01 : f32
        %mul3A_577 = vector.broadcast %mul3A_576 : f32 to vector<16xf32>
        %mul3A_578 = arith.mulf %mul3A_577, %add3A_575 : vector<16xf32>
        %add3A_579 = arith.constant 9.99999997E-7 : f32
        %add3A_580 = vector.broadcast %add3A_579 : f32 to vector<16xf32>
        %add3A_581 = arith.addf %mul3A_578, %add3A_580 : vector<16xf32>
        %mul3A_582 = arith.mulf %add3A_581, %add3A_581 : vector<16xf32>
        %div3A_583 = arith.divf %max3A_555, %mul3A_582 : vector<16xf32>
        %mul3A_584 = arith.mulf %div3A_583, %gather3A_542 : vector<16xf32>
        %get3A_585 = arith.constant 80 : index
        %get3A_586 = tpu.vector_load %arg14[%get3A_585] {strides = array<i32>} : memref<128xi32, #tpu.memory_space<vmem>>, vector<16xi32>,
        %get3A_587 = arith.constant 80 : index
        %get3A_588 = tpu.vector_load %arg8[%get3A_587] {strides = array<i32>} : memref<128xi32, #tpu.memory_space<vmem>>, vector<16xi32>,
        tpu.vector_store_idx %arg29[%get3A_586], %mul3A_584 {add = true} : memref<100096xf32, #tpu.memory_space<vmem>>[vector<16xi32>], vector<16xf32>,
        %neg3A_589 = arith.constant 0.000000e+00 : f32
        %neg3A_590 = vector.broadcast %neg3A_589 : f32 to vector<16xf32>
        %neg3A_591 = arith.subf %neg3A_590, %mul3A_584 : vector<16xf32>
        tpu.vector_store_idx %arg29[%get3A_588], %neg3A_591 {add = true} : memref<100096xf32, #tpu.memory_space<vmem>>[vector<16xi32>], vector<16xf32>,
        %add3A_592 = arith.constant 96 : i32
        %add3A_593 = vector.broadcast %add3A_592 : i32 to vector<16xi32>
        %add3A_594 = arith.addi %iota3A, %add3A_593 : vector<16xi32>
        %gather3A_595 = tpu.vector_load_idx %arg20[%add3A_594, %broadcast_in_dim3A_16] : memref<128x8xf32, #tpu.memory_space<vmem>>[vector<16xi32>, vector<16xi32>], vector<16xf32>,
        %gather3A_596 = tpu.vector_load_idx %arg20[%add3A_594, %broadcast_in_dim3A_18] : memref<128x8xf32, #tpu.memory_space<vmem>>[vector<16xi32>, vector<16xi32>], vector<16xf32>,
        %gather3A_597 = tpu.vector_load_idx %arg20[%add3A_594, %broadcast_in_dim3A_20] : memref<128x8xf32, #tpu.memory_space<vmem>>[vector<16xi32>, vector<16xi32>], vector<16xf32>,
        %gather3A_598 = tpu.vector_load_idx %arg20[%add3A_594, %broadcast_in_dim3A_22] : memref<128x8xf32, #tpu.memory_space<vmem>>[vector<16xi32>, vector<16xi32>], vector<16xf32>,
        %gather3A_599 = tpu.vector_load_idx %arg20[%add3A_594, %broadcast_in_dim3A_24] : memref<128x8xf32, #tpu.memory_space<vmem>>[vector<16xi32>, vector<16xi32>], vector<16xf32>,
        %gather3A_600 = tpu.vector_load_idx %arg26[%add3A_594, %broadcast_in_dim3A_16] : memref<128x8xf32, #tpu.memory_space<vmem>>[vector<16xi32>, vector<16xi32>], vector<16xf32>,
        %gather3A_601 = tpu.vector_load_idx %arg26[%add3A_594, %broadcast_in_dim3A_18] : memref<128x8xf32, #tpu.memory_space<vmem>>[vector<16xi32>, vector<16xi32>], vector<16xf32>,
        %sub3A_602 = arith.subf %gather3A_600, %gather3A_595 : vector<16xf32>
        %sub3A_603 = arith.subf %gather3A_601, %gather3A_596 : vector<16xf32>
        %mul3A_604 = arith.mulf %sub3A_602, %sub3A_602 : vector<16xf32>
        %mul3A_605 = arith.mulf %sub3A_603, %sub3A_603 : vector<16xf32>
        %add3A_606 = arith.addf %mul3A_604, %mul3A_605 : vector<16xf32>
        %mul3A_607 = arith.mulf %gather3A_597, %sub3A_602 : vector<16xf32>
        %mul3A_608 = arith.mulf %gather3A_598, %sub3A_603 : vector<16xf32>
        %add3A_609 = arith.addf %mul3A_607, %mul3A_608 : vector<16xf32>
        %max3A_610 = arith.constant 0.000000e+00 : f32
        %max3A_611 = vector.broadcast %max3A_610 : f32 to vector<16xf32>
        %max3A_612 = arith.maximumf %add3A_609, %max3A_611 : vector<16xf32>
        %bitcast3A_613 = vector.bitcast %add3A_606 : vector<16xf32> to vector<16xi32>
        %shift_right_arithmetic3A_614 = arith.constant 1 : i32
        %shift_right_arithmetic3A_615 = vector.broadcast %shift_right_arithmetic3A_614 : i32 to vector<16xi32>
        %shift_right_arithmetic3A_616 = arith.shrsi %bitcast3A_613, %shift_right_arithmetic3A_615 : vector<16xi32>
        %add3A_617 = arith.constant 532487669 : i32
        %add3A_618 = vector.broadcast %add3A_617 : i32 to vector<16xi32>
        %add3A_619 = arith.addi %shift_right_arithmetic3A_616, %add3A_618 : vector<16xi32>
        %bitcast3A_620 = vector.bitcast %add3A_619 : vector<16xi32> to vector<16xf32>
        %div3A_621 = arith.divf %add3A_606, %bitcast3A_620 : vector<16xf32>
        %add3A_622 = arith.addf %bitcast3A_620, %div3A_621 : vector<16xf32>
        %mul3A_623 = arith.constant 5.000000e-01 : f32
        %mul3A_624 = vector.broadcast %mul3A_623 : f32 to vector<16xf32>
        %mul3A_625 = arith.mulf %mul3A_624, %add3A_622 : vector<16xf32>
        %div3A_626 = arith.divf %add3A_606, %mul3A_625 : vector<16xf32>
        %add3A_627 = arith.addf %mul3A_625, %div3A_626 : vector<16xf32>
        %mul3A_628 = arith.constant 5.000000e-01 : f32
        %mul3A_629 = vector.broadcast %mul3A_628 : f32 to vector<16xf32>
        %mul3A_630 = arith.mulf %mul3A_629, %add3A_627 : vector<16xf32>
        %div3A_631 = arith.divf %add3A_606, %mul3A_630 : vector<16xf32>
        %add3A_632 = arith.addf %mul3A_630, %div3A_631 : vector<16xf32>
        %mul3A_633 = arith.constant 5.000000e-01 : f32
        %mul3A_634 = vector.broadcast %mul3A_633 : f32 to vector<16xf32>
        %mul3A_635 = arith.mulf %mul3A_634, %add3A_632 : vector<16xf32>
        %add3A_636 = arith.constant 9.99999997E-7 : f32
        %add3A_637 = vector.broadcast %add3A_636 : f32 to vector<16xf32>
        %add3A_638 = arith.addf %mul3A_635, %add3A_637 : vector<16xf32>
        %mul3A_639 = arith.mulf %add3A_638, %add3A_638 : vector<16xf32>
        %div3A_640 = arith.divf %max3A_612, %mul3A_639 : vector<16xf32>
        %mul3A_641 = arith.mulf %div3A_640, %gather3A_599 : vector<16xf32>
        %get3A_642 = arith.constant 96 : index
        %get3A_643 = tpu.vector_load %arg14[%get3A_642] {strides = array<i32>} : memref<128xi32, #tpu.memory_space<vmem>>, vector<16xi32>,
        %get3A_644 = arith.constant 96 : index
        %get3A_645 = tpu.vector_load %arg8[%get3A_644] {strides = array<i32>} : memref<128xi32, #tpu.memory_space<vmem>>, vector<16xi32>,
        tpu.vector_store_idx %arg29[%get3A_643], %mul3A_641 {add = true} : memref<100096xf32, #tpu.memory_space<vmem>>[vector<16xi32>], vector<16xf32>,
        %neg3A_646 = arith.constant 0.000000e+00 : f32
        %neg3A_647 = vector.broadcast %neg3A_646 : f32 to vector<16xf32>
        %neg3A_648 = arith.subf %neg3A_647, %mul3A_641 : vector<16xf32>
        tpu.vector_store_idx %arg29[%get3A_645], %neg3A_648 {add = true} : memref<100096xf32, #tpu.memory_space<vmem>>[vector<16xi32>], vector<16xf32>,
        %add3A_649 = arith.constant 112 : i32
        %add3A_650 = vector.broadcast %add3A_649 : i32 to vector<16xi32>
        %add3A_651 = arith.addi %iota3A, %add3A_650 : vector<16xi32>
        %gather3A_652 = tpu.vector_load_idx %arg20[%add3A_651, %broadcast_in_dim3A_16] : memref<128x8xf32, #tpu.memory_space<vmem>>[vector<16xi32>, vector<16xi32>], vector<16xf32>,
        %gather3A_653 = tpu.vector_load_idx %arg20[%add3A_651, %broadcast_in_dim3A_18] : memref<128x8xf32, #tpu.memory_space<vmem>>[vector<16xi32>, vector<16xi32>], vector<16xf32>,
        %gather3A_654 = tpu.vector_load_idx %arg20[%add3A_651, %broadcast_in_dim3A_20] : memref<128x8xf32, #tpu.memory_space<vmem>>[vector<16xi32>, vector<16xi32>], vector<16xf32>,
        %gather3A_655 = tpu.vector_load_idx %arg20[%add3A_651, %broadcast_in_dim3A_22] : memref<128x8xf32, #tpu.memory_space<vmem>>[vector<16xi32>, vector<16xi32>], vector<16xf32>,
        %gather3A_656 = tpu.vector_load_idx %arg20[%add3A_651, %broadcast_in_dim3A_24] : memref<128x8xf32, #tpu.memory_space<vmem>>[vector<16xi32>, vector<16xi32>], vector<16xf32>,
        %gather3A_657 = tpu.vector_load_idx %arg26[%add3A_651, %broadcast_in_dim3A_16] : memref<128x8xf32, #tpu.memory_space<vmem>>[vector<16xi32>, vector<16xi32>], vector<16xf32>,
        %gather3A_658 = tpu.vector_load_idx %arg26[%add3A_651, %broadcast_in_dim3A_18] : memref<128x8xf32, #tpu.memory_space<vmem>>[vector<16xi32>, vector<16xi32>], vector<16xf32>,
        %sub3A_659 = arith.subf %gather3A_657, %gather3A_652 : vector<16xf32>
        %sub3A_660 = arith.subf %gather3A_658, %gather3A_653 : vector<16xf32>
        %mul3A_661 = arith.mulf %sub3A_659, %sub3A_659 : vector<16xf32>
        %mul3A_662 = arith.mulf %sub3A_660, %sub3A_660 : vector<16xf32>
        %add3A_663 = arith.addf %mul3A_661, %mul3A_662 : vector<16xf32>
        %mul3A_664 = arith.mulf %gather3A_654, %sub3A_659 : vector<16xf32>
        %mul3A_665 = arith.mulf %gather3A_655, %sub3A_660 : vector<16xf32>
        %add3A_666 = arith.addf %mul3A_664, %mul3A_665 : vector<16xf32>
        %max3A_667 = arith.constant 0.000000e+00 : f32
        %max3A_668 = vector.broadcast %max3A_667 : f32 to vector<16xf32>
        %max3A_669 = arith.maximumf %add3A_666, %max3A_668 : vector<16xf32>
        %bitcast3A_670 = vector.bitcast %add3A_663 : vector<16xf32> to vector<16xi32>
        %shift_right_arithmetic3A_671 = arith.constant 1 : i32
        %shift_right_arithmetic3A_672 = vector.broadcast %shift_right_arithmetic3A_671 : i32 to vector<16xi32>
        %shift_right_arithmetic3A_673 = arith.shrsi %bitcast3A_670, %shift_right_arithmetic3A_672 : vector<16xi32>
        %add3A_674 = arith.constant 532487669 : i32
        %add3A_675 = vector.broadcast %add3A_674 : i32 to vector<16xi32>
        %add3A_676 = arith.addi %shift_right_arithmetic3A_673, %add3A_675 : vector<16xi32>
        %bitcast3A_677 = vector.bitcast %add3A_676 : vector<16xi32> to vector<16xf32>
        %div3A_678 = arith.divf %add3A_663, %bitcast3A_677 : vector<16xf32>
        %add3A_679 = arith.addf %bitcast3A_677, %div3A_678 : vector<16xf32>
        %mul3A_680 = arith.constant 5.000000e-01 : f32
        %mul3A_681 = vector.broadcast %mul3A_680 : f32 to vector<16xf32>
        %mul3A_682 = arith.mulf %mul3A_681, %add3A_679 : vector<16xf32>
        %div3A_683 = arith.divf %add3A_663, %mul3A_682 : vector<16xf32>
        %add3A_684 = arith.addf %mul3A_682, %div3A_683 : vector<16xf32>
        %mul3A_685 = arith.constant 5.000000e-01 : f32
        %mul3A_686 = vector.broadcast %mul3A_685 : f32 to vector<16xf32>
        %mul3A_687 = arith.mulf %mul3A_686, %add3A_684 : vector<16xf32>
        %div3A_688 = arith.divf %add3A_663, %mul3A_687 : vector<16xf32>
        %add3A_689 = arith.addf %mul3A_687, %div3A_688 : vector<16xf32>
        %mul3A_690 = arith.constant 5.000000e-01 : f32
        %mul3A_691 = vector.broadcast %mul3A_690 : f32 to vector<16xf32>
        %mul3A_692 = arith.mulf %mul3A_691, %add3A_689 : vector<16xf32>
        %add3A_693 = arith.constant 9.99999997E-7 : f32
        %add3A_694 = vector.broadcast %add3A_693 : f32 to vector<16xf32>
        %add3A_695 = arith.addf %mul3A_692, %add3A_694 : vector<16xf32>
        %mul3A_696 = arith.mulf %add3A_695, %add3A_695 : vector<16xf32>
        %div3A_697 = arith.divf %max3A_669, %mul3A_696 : vector<16xf32>
        %mul3A_698 = arith.mulf %div3A_697, %gather3A_656 : vector<16xf32>
        %get3A_699 = arith.constant 112 : index
        %get3A_700 = tpu.vector_load %arg14[%get3A_699] {strides = array<i32>} : memref<128xi32, #tpu.memory_space<vmem>>, vector<16xi32>,
        %get3A_701 = arith.constant 112 : index
        %get3A_702 = tpu.vector_load %arg8[%get3A_701] {strides = array<i32>} : memref<128xi32, #tpu.memory_space<vmem>>, vector<16xi32>,
        tpu.vector_store_idx %arg29[%get3A_700], %mul3A_698 {add = true} : memref<100096xf32, #tpu.memory_space<vmem>>[vector<16xi32>], vector<16xf32>,
        %neg3A_703 = arith.constant 0.000000e+00 : f32
        %neg3A_704 = vector.broadcast %neg3A_703 : f32 to vector<16xf32>
        %neg3A_705 = arith.subf %neg3A_704, %mul3A_698 : vector<16xf32>
        tpu.vector_store_idx %arg29[%get3A_702], %neg3A_705 {add = true} : memref<100096xf32, #tpu.memory_space<vmem>>[vector<16xi32>], vector<16xf32>,
      } else {
      }
      %mul3A_212 = arith.constant 6 : i32
      %mul3A_213 = arith.muli %scan3A_133, %mul3A_212 : i32
      %add3A_214 = arith.constant 4 : i32
      %add3A_215 = arith.addi %mul3A_213, %add3A_214 : i32
      %add3A_216 = arith.constant 2 : i32
      %add3A_217 = arith.addi %add3A_215, %add3A_216 : i32
      %lt3A_218 = arith.cmpi slt, %add3A_217, %add3A_4 : i32
      %convert_element_type3A_219 = arith.extui %lt3A_218 : i1 to i32
      %cond3A_220 = arith.constant 0 : i32
      %cond3A_221 = arith.cmpi ne, %convert_element_type3A_219, %cond3A_220 : i32
      scf.if %cond3A_221 {
        %dma_wait3A_252 = arith.constant 0 : i32
        %dma_wait3A_253 = arith.constant 0 : i32
        %dma_wait3A_254 = tpu.memref_slice %arg3[%dma_wait3A_252, %dma_wait3A_253] : memref<25000x128xi32, #tpu.memory_space<hbm>> -> memref<1x128xi32, #tpu.memory_space<hbm>>
        %dma_wait3A_255 = tpu.memref_squeeze %dma_wait3A_254 : memref<1x128xi32, #tpu.memory_space<hbm>> -> memref<128xi32, #tpu.memory_space<hbm>>
        %dma_wait3A_256 = arith.constant 0 : i32
        %dma_wait3A_257 = tpu.memref_slice %arg3[%dma_wait3A_252, %dma_wait3A_256] : memref<25000x128xi32, #tpu.memory_space<hbm>> -> memref<1x128xi32, #tpu.memory_space<hbm>>
        %dma_wait3A_258 = tpu.memref_squeeze %dma_wait3A_257 : memref<1x128xi32, #tpu.memory_space<hbm>> -> memref<128xi32, #tpu.memory_space<hbm>>
        tpu.wait_dma2 semaphore(%arg30 : memref<!tpu.dma_semaphore, #tpu.memory_space<semaphore_mem>>) src(%dma_wait3A_258 : memref<128xi32, #tpu.memory_space<hbm>>) dst(%arg5 : memref<128xi32, #tpu.memory_space<vmem>>)
        %dma_wait3A_259 = arith.constant 0 : i32
        %dma_wait3A_260 = arith.constant 0 : i32
        %dma_wait3A_261 = tpu.memref_slice %arg3[%dma_wait3A_259, %dma_wait3A_260] : memref<25000x128xi32, #tpu.memory_space<hbm>> -> memref<1x128xi32, #tpu.memory_space<hbm>>
        %dma_wait3A_262 = tpu.memref_squeeze %dma_wait3A_261 : memref<1x128xi32, #tpu.memory_space<hbm>> -> memref<128xi32, #tpu.memory_space<hbm>>
        %dma_wait3A_263 = arith.constant 0 : i32
        %dma_wait3A_264 = tpu.memref_slice %arg3[%dma_wait3A_259, %dma_wait3A_263] : memref<25000x128xi32, #tpu.memory_space<hbm>> -> memref<1x128xi32, #tpu.memory_space<hbm>>
        %dma_wait3A_265 = tpu.memref_squeeze %dma_wait3A_264 : memref<1x128xi32, #tpu.memory_space<hbm>> -> memref<128xi32, #tpu.memory_space<hbm>>
        tpu.wait_dma2 semaphore(%arg30 : memref<!tpu.dma_semaphore, #tpu.memory_space<semaphore_mem>>) src(%dma_wait3A_265 : memref<128xi32, #tpu.memory_space<hbm>>) dst(%arg11 : memref<128xi32, #tpu.memory_space<vmem>>)
        %dma_start3A_266 = arith.constant 0 : i32
        %dma_start3A_267 = arith.constant 0 : i32
        %dma_start3A_268 = tpu.memref_slice %arg2[%dma_start3A_266, %dma_start3A_267] : memref<100000x8xf32, #tpu.memory_space<hbm>> -> memref<100000x8xf32, #tpu.memory_space<hbm>>
        tpu.enqueue_indirect_dma source(%dma_start3A_268 : memref<100000x8xf32, #tpu.memory_space<hbm>>) target(%arg17 : memref<128x8xf32, #tpu.memory_space<vmem>>) offsets(%arg5 : memref<128xi32, #tpu.memory_space<vmem>>) semaphore(%arg36 : memref<!tpu.dma_semaphore, #tpu.memory_space<semaphore_mem>>)
        %dma_start3A_269 = arith.constant 0 : i32
        %dma_start3A_270 = arith.constant 0 : i32
        %dma_start3A_271 = tpu.memref_slice %arg2[%dma_start3A_269, %dma_start3A_270] : memref<100000x8xf32, #tpu.memory_space<hbm>> -> memref<100000x8xf32, #tpu.memory_space<hbm>>
        tpu.enqueue_indirect_dma source(%dma_start3A_271 : memref<100000x8xf32, #tpu.memory_space<hbm>>) target(%arg23 : memref<128x8xf32, #tpu.memory_space<vmem>>) offsets(%arg11 : memref<128xi32, #tpu.memory_space<vmem>>) semaphore(%arg36 : memref<!tpu.dma_semaphore, #tpu.memory_space<semaphore_mem>>)
      } else {
      }
      %add3A_222 = arith.constant 4 : i32
      %add3A_223 = arith.addi %add3A_215, %add3A_222 : i32
      %lt3A_224 = arith.cmpi slt, %add3A_223, %add3A_4 : i32
      %convert_element_type3A_225 = arith.extui %lt3A_224 : i1 to i32
      %cond3A_226 = arith.constant 0 : i32
      %cond3A_227 = arith.cmpi ne, %convert_element_type3A_225, %cond3A_226 : i32
      scf.if %cond3A_227 {
        %add3A_252 = arith.constant 4 : i32
        %add3A_253 = arith.addi %add3A_215, %add3A_252 : i32
        %add3A_254 = arith.addi %add3A_8, %add3A_253 : i32
        %dma_start3A_255 = arith.constant 0 : i32
        %dma_start3A_256 = tpu.memref_slice %arg3[%add3A_254, %dma_start3A_255] : memref<25000x128xi32, #tpu.memory_space<hbm>> -> memref<1x128xi32, #tpu.memory_space<hbm>>
        %dma_start3A_257 = tpu.memref_squeeze %dma_start3A_256 : memref<1x128xi32, #tpu.memory_space<hbm>> -> memref<128xi32, #tpu.memory_space<hbm>>
        %dma_start3A_258 = arith.constant 0 : i32
        %dma_start3A_259 = tpu.memref_slice %arg3[%add3A_254, %dma_start3A_258] : memref<25000x128xi32, #tpu.memory_space<hbm>> -> memref<1x128xi32, #tpu.memory_space<hbm>>
        %dma_start3A_260 = tpu.memref_squeeze %dma_start3A_259 : memref<1x128xi32, #tpu.memory_space<hbm>> -> memref<128xi32, #tpu.memory_space<hbm>>
        tpu.enqueue_dma source(%dma_start3A_260 : memref<128xi32, #tpu.memory_space<hbm>>) target(%arg7 : memref<128xi32, #tpu.memory_space<vmem>>) target_semaphore(%arg32 : memref<!tpu.dma_semaphore, #tpu.memory_space<semaphore_mem>>)
        %add3A_261 = arith.constant 12500 : i32
        %add3A_262 = arith.addi %add3A_261, %add3A_254 : i32
        %dma_start3A_263 = arith.constant 0 : i32
        %dma_start3A_264 = tpu.memref_slice %arg3[%add3A_262, %dma_start3A_263] : memref<25000x128xi32, #tpu.memory_space<hbm>> -> memref<1x128xi32, #tpu.memory_space<hbm>>
        %dma_start3A_265 = tpu.memref_squeeze %dma_start3A_264 : memref<1x128xi32, #tpu.memory_space<hbm>> -> memref<128xi32, #tpu.memory_space<hbm>>
        %dma_start3A_266 = arith.constant 0 : i32
        %dma_start3A_267 = tpu.memref_slice %arg3[%add3A_262, %dma_start3A_266] : memref<25000x128xi32, #tpu.memory_space<hbm>> -> memref<1x128xi32, #tpu.memory_space<hbm>>
        %dma_start3A_268 = tpu.memref_squeeze %dma_start3A_267 : memref<1x128xi32, #tpu.memory_space<hbm>> -> memref<128xi32, #tpu.memory_space<hbm>>
        tpu.enqueue_dma source(%dma_start3A_268 : memref<128xi32, #tpu.memory_space<hbm>>) target(%arg13 : memref<128xi32, #tpu.memory_space<vmem>>) target_semaphore(%arg32 : memref<!tpu.dma_semaphore, #tpu.memory_space<semaphore_mem>>)
      } else {
      }
      %lt3A_228 = arith.cmpi slt, %add3A_215, %add3A_4 : i32
      %convert_element_type3A_229 = arith.extui %lt3A_228 : i1 to i32
      %cond3A_230 = arith.constant 0 : i32
      %cond3A_231 = arith.cmpi ne, %convert_element_type3A_229, %cond3A_230 : i32
      scf.if %cond3A_231 {
        %dma_wait3A_252 = arith.constant 0 : i32
        %dma_wait3A_253 = arith.constant 0 : i32
        %dma_wait3A_254 = tpu.memref_slice %arg2[%dma_wait3A_252, %dma_wait3A_253] : memref<100000x8xf32, #tpu.memory_space<hbm>> -> memref<100000x8xf32, #tpu.memory_space<hbm>>
        tpu.wait_indirect_dma semaphore(%arg40 : memref<!tpu.dma_semaphore, #tpu.memory_space<semaphore_mem>>) src(%dma_wait3A_254 : memref<100000x8xf32, #tpu.memory_space<hbm>>) dst(%arg21 : memref<128x8xf32, #tpu.memory_space<vmem>>)
        %dma_wait3A_255 = arith.constant 0 : i32
        %dma_wait3A_256 = arith.constant 0 : i32
        %dma_wait3A_257 = tpu.memref_slice %arg2[%dma_wait3A_255, %dma_wait3A_256] : memref<100000x8xf32, #tpu.memory_space<hbm>> -> memref<100000x8xf32, #tpu.memory_space<hbm>>
        tpu.wait_indirect_dma semaphore(%arg40 : memref<!tpu.dma_semaphore, #tpu.memory_space<semaphore_mem>>) src(%dma_wait3A_257 : memref<100000x8xf32, #tpu.memory_space<hbm>>) dst(%arg27 : memref<128x8xf32, #tpu.memory_space<vmem>>)
        %add3A_258 = arith.constant 0 : i32
        %add3A_259 = vector.broadcast %add3A_258 : i32 to vector<16xi32>
        %add3A_260 = arith.addi %iota3A, %add3A_259 : vector<16xi32>
        %gather3A = tpu.vector_load_idx %arg21[%add3A_260, %broadcast_in_dim3A_16] : memref<128x8xf32, #tpu.memory_space<vmem>>[vector<16xi32>, vector<16xi32>], vector<16xf32>,
        %gather3A_261 = tpu.vector_load_idx %arg21[%add3A_260, %broadcast_in_dim3A_18] : memref<128x8xf32, #tpu.memory_space<vmem>>[vector<16xi32>, vector<16xi32>], vector<16xf32>,
        %gather3A_262 = tpu.vector_load_idx %arg21[%add3A_260, %broadcast_in_dim3A_20] : memref<128x8xf32, #tpu.memory_space<vmem>>[vector<16xi32>, vector<16xi32>], vector<16xf32>,
        %gather3A_263 = tpu.vector_load_idx %arg21[%add3A_260, %broadcast_in_dim3A_22] : memref<128x8xf32, #tpu.memory_space<vmem>>[vector<16xi32>, vector<16xi32>], vector<16xf32>,
        %gather3A_264 = tpu.vector_load_idx %arg21[%add3A_260, %broadcast_in_dim3A_24] : memref<128x8xf32, #tpu.memory_space<vmem>>[vector<16xi32>, vector<16xi32>], vector<16xf32>,
        %gather3A_265 = tpu.vector_load_idx %arg27[%add3A_260, %broadcast_in_dim3A_16] : memref<128x8xf32, #tpu.memory_space<vmem>>[vector<16xi32>, vector<16xi32>], vector<16xf32>,
        %gather3A_266 = tpu.vector_load_idx %arg27[%add3A_260, %broadcast_in_dim3A_18] : memref<128x8xf32, #tpu.memory_space<vmem>>[vector<16xi32>, vector<16xi32>], vector<16xf32>,
        %sub3A = arith.subf %gather3A_265, %gather3A : vector<16xf32>
        %sub3A_267 = arith.subf %gather3A_266, %gather3A_261 : vector<16xf32>
        %mul3A_268 = arith.mulf %sub3A, %sub3A : vector<16xf32>
        %mul3A_269 = arith.mulf %sub3A_267, %sub3A_267 : vector<16xf32>
        %add3A_270 = arith.addf %mul3A_268, %mul3A_269 : vector<16xf32>
        %mul3A_271 = arith.mulf %gather3A_262, %sub3A : vector<16xf32>
        %mul3A_272 = arith.mulf %gather3A_263, %sub3A_267 : vector<16xf32>
        %add3A_273 = arith.addf %mul3A_271, %mul3A_272 : vector<16xf32>
        %max3A = arith.constant 0.000000e+00 : f32
        %max3A_274 = vector.broadcast %max3A : f32 to vector<16xf32>
        %max3A_275 = arith.maximumf %add3A_273, %max3A_274 : vector<16xf32>
        %bitcast3A = vector.bitcast %add3A_270 : vector<16xf32> to vector<16xi32>
        %shift_right_arithmetic3A = arith.constant 1 : i32
        %shift_right_arithmetic3A_276 = vector.broadcast %shift_right_arithmetic3A : i32 to vector<16xi32>
        %shift_right_arithmetic3A_277 = arith.shrsi %bitcast3A, %shift_right_arithmetic3A_276 : vector<16xi32>
        %add3A_278 = arith.constant 532487669 : i32
        %add3A_279 = vector.broadcast %add3A_278 : i32 to vector<16xi32>
        %add3A_280 = arith.addi %shift_right_arithmetic3A_277, %add3A_279 : vector<16xi32>
        %bitcast3A_281 = vector.bitcast %add3A_280 : vector<16xi32> to vector<16xf32>
        %div3A = arith.divf %add3A_270, %bitcast3A_281 : vector<16xf32>
        %add3A_282 = arith.addf %bitcast3A_281, %div3A : vector<16xf32>
        %mul3A_283 = arith.constant 5.000000e-01 : f32
        %mul3A_284 = vector.broadcast %mul3A_283 : f32 to vector<16xf32>
        %mul3A_285 = arith.mulf %mul3A_284, %add3A_282 : vector<16xf32>
        %div3A_286 = arith.divf %add3A_270, %mul3A_285 : vector<16xf32>
        %add3A_287 = arith.addf %mul3A_285, %div3A_286 : vector<16xf32>
        %mul3A_288 = arith.constant 5.000000e-01 : f32
        %mul3A_289 = vector.broadcast %mul3A_288 : f32 to vector<16xf32>
        %mul3A_290 = arith.mulf %mul3A_289, %add3A_287 : vector<16xf32>
        %div3A_291 = arith.divf %add3A_270, %mul3A_290 : vector<16xf32>
        %add3A_292 = arith.addf %mul3A_290, %div3A_291 : vector<16xf32>
        %mul3A_293 = arith.constant 5.000000e-01 : f32
        %mul3A_294 = vector.broadcast %mul3A_293 : f32 to vector<16xf32>
        %mul3A_295 = arith.mulf %mul3A_294, %add3A_292 : vector<16xf32>
        %add3A_296 = arith.constant 9.99999997E-7 : f32
        %add3A_297 = vector.broadcast %add3A_296 : f32 to vector<16xf32>
        %add3A_298 = arith.addf %mul3A_295, %add3A_297 : vector<16xf32>
        %mul3A_299 = arith.mulf %add3A_298, %add3A_298 : vector<16xf32>
        %div3A_300 = arith.divf %max3A_275, %mul3A_299 : vector<16xf32>
        %mul3A_301 = arith.mulf %div3A_300, %gather3A_264 : vector<16xf32>
        %get3A = arith.constant 0 : index
        %get3A_302 = tpu.vector_load %arg15[%get3A] {strides = array<i32>} : memref<128xi32, #tpu.memory_space<vmem>>, vector<16xi32>,
        %get3A_303 = arith.constant 0 : index
        %get3A_304 = tpu.vector_load %arg9[%get3A_303] {strides = array<i32>} : memref<128xi32, #tpu.memory_space<vmem>>, vector<16xi32>,
        tpu.vector_store_idx %arg29[%get3A_302], %mul3A_301 {add = true} : memref<100096xf32, #tpu.memory_space<vmem>>[vector<16xi32>], vector<16xf32>,
        %neg3A = arith.constant 0.000000e+00 : f32
        %neg3A_305 = vector.broadcast %neg3A : f32 to vector<16xf32>
        %neg3A_306 = arith.subf %neg3A_305, %mul3A_301 : vector<16xf32>
        tpu.vector_store_idx %arg29[%get3A_304], %neg3A_306 {add = true} : memref<100096xf32, #tpu.memory_space<vmem>>[vector<16xi32>], vector<16xf32>,
        %add3A_307 = arith.constant 16 : i32
        %add3A_308 = vector.broadcast %add3A_307 : i32 to vector<16xi32>
        %add3A_309 = arith.addi %iota3A, %add3A_308 : vector<16xi32>
        %gather3A_310 = tpu.vector_load_idx %arg21[%add3A_309, %broadcast_in_dim3A_16] : memref<128x8xf32, #tpu.memory_space<vmem>>[vector<16xi32>, vector<16xi32>], vector<16xf32>,
        %gather3A_311 = tpu.vector_load_idx %arg21[%add3A_309, %broadcast_in_dim3A_18] : memref<128x8xf32, #tpu.memory_space<vmem>>[vector<16xi32>, vector<16xi32>], vector<16xf32>,
        %gather3A_312 = tpu.vector_load_idx %arg21[%add3A_309, %broadcast_in_dim3A_20] : memref<128x8xf32, #tpu.memory_space<vmem>>[vector<16xi32>, vector<16xi32>], vector<16xf32>,
        %gather3A_313 = tpu.vector_load_idx %arg21[%add3A_309, %broadcast_in_dim3A_22] : memref<128x8xf32, #tpu.memory_space<vmem>>[vector<16xi32>, vector<16xi32>], vector<16xf32>,
        %gather3A_314 = tpu.vector_load_idx %arg21[%add3A_309, %broadcast_in_dim3A_24] : memref<128x8xf32, #tpu.memory_space<vmem>>[vector<16xi32>, vector<16xi32>], vector<16xf32>,
        %gather3A_315 = tpu.vector_load_idx %arg27[%add3A_309, %broadcast_in_dim3A_16] : memref<128x8xf32, #tpu.memory_space<vmem>>[vector<16xi32>, vector<16xi32>], vector<16xf32>,
        %gather3A_316 = tpu.vector_load_idx %arg27[%add3A_309, %broadcast_in_dim3A_18] : memref<128x8xf32, #tpu.memory_space<vmem>>[vector<16xi32>, vector<16xi32>], vector<16xf32>,
        %sub3A_317 = arith.subf %gather3A_315, %gather3A_310 : vector<16xf32>
        %sub3A_318 = arith.subf %gather3A_316, %gather3A_311 : vector<16xf32>
        %mul3A_319 = arith.mulf %sub3A_317, %sub3A_317 : vector<16xf32>
        %mul3A_320 = arith.mulf %sub3A_318, %sub3A_318 : vector<16xf32>
        %add3A_321 = arith.addf %mul3A_319, %mul3A_320 : vector<16xf32>
        %mul3A_322 = arith.mulf %gather3A_312, %sub3A_317 : vector<16xf32>
        %mul3A_323 = arith.mulf %gather3A_313, %sub3A_318 : vector<16xf32>
        %add3A_324 = arith.addf %mul3A_322, %mul3A_323 : vector<16xf32>
        %max3A_325 = arith.constant 0.000000e+00 : f32
        %max3A_326 = vector.broadcast %max3A_325 : f32 to vector<16xf32>
        %max3A_327 = arith.maximumf %add3A_324, %max3A_326 : vector<16xf32>
        %bitcast3A_328 = vector.bitcast %add3A_321 : vector<16xf32> to vector<16xi32>
        %shift_right_arithmetic3A_329 = arith.constant 1 : i32
        %shift_right_arithmetic3A_330 = vector.broadcast %shift_right_arithmetic3A_329 : i32 to vector<16xi32>
        %shift_right_arithmetic3A_331 = arith.shrsi %bitcast3A_328, %shift_right_arithmetic3A_330 : vector<16xi32>
        %add3A_332 = arith.constant 532487669 : i32
        %add3A_333 = vector.broadcast %add3A_332 : i32 to vector<16xi32>
        %add3A_334 = arith.addi %shift_right_arithmetic3A_331, %add3A_333 : vector<16xi32>
        %bitcast3A_335 = vector.bitcast %add3A_334 : vector<16xi32> to vector<16xf32>
        %div3A_336 = arith.divf %add3A_321, %bitcast3A_335 : vector<16xf32>
        %add3A_337 = arith.addf %bitcast3A_335, %div3A_336 : vector<16xf32>
        %mul3A_338 = arith.constant 5.000000e-01 : f32
        %mul3A_339 = vector.broadcast %mul3A_338 : f32 to vector<16xf32>
        %mul3A_340 = arith.mulf %mul3A_339, %add3A_337 : vector<16xf32>
        %div3A_341 = arith.divf %add3A_321, %mul3A_340 : vector<16xf32>
        %add3A_342 = arith.addf %mul3A_340, %div3A_341 : vector<16xf32>
        %mul3A_343 = arith.constant 5.000000e-01 : f32
        %mul3A_344 = vector.broadcast %mul3A_343 : f32 to vector<16xf32>
        %mul3A_345 = arith.mulf %mul3A_344, %add3A_342 : vector<16xf32>
        %div3A_346 = arith.divf %add3A_321, %mul3A_345 : vector<16xf32>
        %add3A_347 = arith.addf %mul3A_345, %div3A_346 : vector<16xf32>
        %mul3A_348 = arith.constant 5.000000e-01 : f32
        %mul3A_349 = vector.broadcast %mul3A_348 : f32 to vector<16xf32>
        %mul3A_350 = arith.mulf %mul3A_349, %add3A_347 : vector<16xf32>
        %add3A_351 = arith.constant 9.99999997E-7 : f32
        %add3A_352 = vector.broadcast %add3A_351 : f32 to vector<16xf32>
        %add3A_353 = arith.addf %mul3A_350, %add3A_352 : vector<16xf32>
        %mul3A_354 = arith.mulf %add3A_353, %add3A_353 : vector<16xf32>
        %div3A_355 = arith.divf %max3A_327, %mul3A_354 : vector<16xf32>
        %mul3A_356 = arith.mulf %div3A_355, %gather3A_314 : vector<16xf32>
        %get3A_357 = arith.constant 16 : index
        %get3A_358 = tpu.vector_load %arg15[%get3A_357] {strides = array<i32>} : memref<128xi32, #tpu.memory_space<vmem>>, vector<16xi32>,
        %get3A_359 = arith.constant 16 : index
        %get3A_360 = tpu.vector_load %arg9[%get3A_359] {strides = array<i32>} : memref<128xi32, #tpu.memory_space<vmem>>, vector<16xi32>,
        tpu.vector_store_idx %arg29[%get3A_358], %mul3A_356 {add = true} : memref<100096xf32, #tpu.memory_space<vmem>>[vector<16xi32>], vector<16xf32>,
        %neg3A_361 = arith.constant 0.000000e+00 : f32
        %neg3A_362 = vector.broadcast %neg3A_361 : f32 to vector<16xf32>
        %neg3A_363 = arith.subf %neg3A_362, %mul3A_356 : vector<16xf32>
        tpu.vector_store_idx %arg29[%get3A_360], %neg3A_363 {add = true} : memref<100096xf32, #tpu.memory_space<vmem>>[vector<16xi32>], vector<16xf32>,
        %add3A_364 = arith.constant 32 : i32
        %add3A_365 = vector.broadcast %add3A_364 : i32 to vector<16xi32>
        %add3A_366 = arith.addi %iota3A, %add3A_365 : vector<16xi32>
        %gather3A_367 = tpu.vector_load_idx %arg21[%add3A_366, %broadcast_in_dim3A_16] : memref<128x8xf32, #tpu.memory_space<vmem>>[vector<16xi32>, vector<16xi32>], vector<16xf32>,
        %gather3A_368 = tpu.vector_load_idx %arg21[%add3A_366, %broadcast_in_dim3A_18] : memref<128x8xf32, #tpu.memory_space<vmem>>[vector<16xi32>, vector<16xi32>], vector<16xf32>,
        %gather3A_369 = tpu.vector_load_idx %arg21[%add3A_366, %broadcast_in_dim3A_20] : memref<128x8xf32, #tpu.memory_space<vmem>>[vector<16xi32>, vector<16xi32>], vector<16xf32>,
        %gather3A_370 = tpu.vector_load_idx %arg21[%add3A_366, %broadcast_in_dim3A_22] : memref<128x8xf32, #tpu.memory_space<vmem>>[vector<16xi32>, vector<16xi32>], vector<16xf32>,
        %gather3A_371 = tpu.vector_load_idx %arg21[%add3A_366, %broadcast_in_dim3A_24] : memref<128x8xf32, #tpu.memory_space<vmem>>[vector<16xi32>, vector<16xi32>], vector<16xf32>,
        %gather3A_372 = tpu.vector_load_idx %arg27[%add3A_366, %broadcast_in_dim3A_16] : memref<128x8xf32, #tpu.memory_space<vmem>>[vector<16xi32>, vector<16xi32>], vector<16xf32>,
        %gather3A_373 = tpu.vector_load_idx %arg27[%add3A_366, %broadcast_in_dim3A_18] : memref<128x8xf32, #tpu.memory_space<vmem>>[vector<16xi32>, vector<16xi32>], vector<16xf32>,
        %sub3A_374 = arith.subf %gather3A_372, %gather3A_367 : vector<16xf32>
        %sub3A_375 = arith.subf %gather3A_373, %gather3A_368 : vector<16xf32>
        %mul3A_376 = arith.mulf %sub3A_374, %sub3A_374 : vector<16xf32>
        %mul3A_377 = arith.mulf %sub3A_375, %sub3A_375 : vector<16xf32>
        %add3A_378 = arith.addf %mul3A_376, %mul3A_377 : vector<16xf32>
        %mul3A_379 = arith.mulf %gather3A_369, %sub3A_374 : vector<16xf32>
        %mul3A_380 = arith.mulf %gather3A_370, %sub3A_375 : vector<16xf32>
        %add3A_381 = arith.addf %mul3A_379, %mul3A_380 : vector<16xf32>
        %max3A_382 = arith.constant 0.000000e+00 : f32
        %max3A_383 = vector.broadcast %max3A_382 : f32 to vector<16xf32>
        %max3A_384 = arith.maximumf %add3A_381, %max3A_383 : vector<16xf32>
        %bitcast3A_385 = vector.bitcast %add3A_378 : vector<16xf32> to vector<16xi32>
        %shift_right_arithmetic3A_386 = arith.constant 1 : i32
        %shift_right_arithmetic3A_387 = vector.broadcast %shift_right_arithmetic3A_386 : i32 to vector<16xi32>
        %shift_right_arithmetic3A_388 = arith.shrsi %bitcast3A_385, %shift_right_arithmetic3A_387 : vector<16xi32>
        %add3A_389 = arith.constant 532487669 : i32
        %add3A_390 = vector.broadcast %add3A_389 : i32 to vector<16xi32>
        %add3A_391 = arith.addi %shift_right_arithmetic3A_388, %add3A_390 : vector<16xi32>
        %bitcast3A_392 = vector.bitcast %add3A_391 : vector<16xi32> to vector<16xf32>
        %div3A_393 = arith.divf %add3A_378, %bitcast3A_392 : vector<16xf32>
        %add3A_394 = arith.addf %bitcast3A_392, %div3A_393 : vector<16xf32>
        %mul3A_395 = arith.constant 5.000000e-01 : f32
        %mul3A_396 = vector.broadcast %mul3A_395 : f32 to vector<16xf32>
        %mul3A_397 = arith.mulf %mul3A_396, %add3A_394 : vector<16xf32>
        %div3A_398 = arith.divf %add3A_378, %mul3A_397 : vector<16xf32>
        %add3A_399 = arith.addf %mul3A_397, %div3A_398 : vector<16xf32>
        %mul3A_400 = arith.constant 5.000000e-01 : f32
        %mul3A_401 = vector.broadcast %mul3A_400 : f32 to vector<16xf32>
        %mul3A_402 = arith.mulf %mul3A_401, %add3A_399 : vector<16xf32>
        %div3A_403 = arith.divf %add3A_378, %mul3A_402 : vector<16xf32>
        %add3A_404 = arith.addf %mul3A_402, %div3A_403 : vector<16xf32>
        %mul3A_405 = arith.constant 5.000000e-01 : f32
        %mul3A_406 = vector.broadcast %mul3A_405 : f32 to vector<16xf32>
        %mul3A_407 = arith.mulf %mul3A_406, %add3A_404 : vector<16xf32>
        %add3A_408 = arith.constant 9.99999997E-7 : f32
        %add3A_409 = vector.broadcast %add3A_408 : f32 to vector<16xf32>
        %add3A_410 = arith.addf %mul3A_407, %add3A_409 : vector<16xf32>
        %mul3A_411 = arith.mulf %add3A_410, %add3A_410 : vector<16xf32>
        %div3A_412 = arith.divf %max3A_384, %mul3A_411 : vector<16xf32>
        %mul3A_413 = arith.mulf %div3A_412, %gather3A_371 : vector<16xf32>
        %get3A_414 = arith.constant 32 : index
        %get3A_415 = tpu.vector_load %arg15[%get3A_414] {strides = array<i32>} : memref<128xi32, #tpu.memory_space<vmem>>, vector<16xi32>,
        %get3A_416 = arith.constant 32 : index
        %get3A_417 = tpu.vector_load %arg9[%get3A_416] {strides = array<i32>} : memref<128xi32, #tpu.memory_space<vmem>>, vector<16xi32>,
        tpu.vector_store_idx %arg29[%get3A_415], %mul3A_413 {add = true} : memref<100096xf32, #tpu.memory_space<vmem>>[vector<16xi32>], vector<16xf32>,
        %neg3A_418 = arith.constant 0.000000e+00 : f32
        %neg3A_419 = vector.broadcast %neg3A_418 : f32 to vector<16xf32>
        %neg3A_420 = arith.subf %neg3A_419, %mul3A_413 : vector<16xf32>
        tpu.vector_store_idx %arg29[%get3A_417], %neg3A_420 {add = true} : memref<100096xf32, #tpu.memory_space<vmem>>[vector<16xi32>], vector<16xf32>,
        %add3A_421 = arith.constant 48 : i32
        %add3A_422 = vector.broadcast %add3A_421 : i32 to vector<16xi32>
        %add3A_423 = arith.addi %iota3A, %add3A_422 : vector<16xi32>
        %gather3A_424 = tpu.vector_load_idx %arg21[%add3A_423, %broadcast_in_dim3A_16] : memref<128x8xf32, #tpu.memory_space<vmem>>[vector<16xi32>, vector<16xi32>], vector<16xf32>,
        %gather3A_425 = tpu.vector_load_idx %arg21[%add3A_423, %broadcast_in_dim3A_18] : memref<128x8xf32, #tpu.memory_space<vmem>>[vector<16xi32>, vector<16xi32>], vector<16xf32>,
        %gather3A_426 = tpu.vector_load_idx %arg21[%add3A_423, %broadcast_in_dim3A_20] : memref<128x8xf32, #tpu.memory_space<vmem>>[vector<16xi32>, vector<16xi32>], vector<16xf32>,
        %gather3A_427 = tpu.vector_load_idx %arg21[%add3A_423, %broadcast_in_dim3A_22] : memref<128x8xf32, #tpu.memory_space<vmem>>[vector<16xi32>, vector<16xi32>], vector<16xf32>,
        %gather3A_428 = tpu.vector_load_idx %arg21[%add3A_423, %broadcast_in_dim3A_24] : memref<128x8xf32, #tpu.memory_space<vmem>>[vector<16xi32>, vector<16xi32>], vector<16xf32>,
        %gather3A_429 = tpu.vector_load_idx %arg27[%add3A_423, %broadcast_in_dim3A_16] : memref<128x8xf32, #tpu.memory_space<vmem>>[vector<16xi32>, vector<16xi32>], vector<16xf32>,
        %gather3A_430 = tpu.vector_load_idx %arg27[%add3A_423, %broadcast_in_dim3A_18] : memref<128x8xf32, #tpu.memory_space<vmem>>[vector<16xi32>, vector<16xi32>], vector<16xf32>,
        %sub3A_431 = arith.subf %gather3A_429, %gather3A_424 : vector<16xf32>
        %sub3A_432 = arith.subf %gather3A_430, %gather3A_425 : vector<16xf32>
        %mul3A_433 = arith.mulf %sub3A_431, %sub3A_431 : vector<16xf32>
        %mul3A_434 = arith.mulf %sub3A_432, %sub3A_432 : vector<16xf32>
        %add3A_435 = arith.addf %mul3A_433, %mul3A_434 : vector<16xf32>
        %mul3A_436 = arith.mulf %gather3A_426, %sub3A_431 : vector<16xf32>
        %mul3A_437 = arith.mulf %gather3A_427, %sub3A_432 : vector<16xf32>
        %add3A_438 = arith.addf %mul3A_436, %mul3A_437 : vector<16xf32>
        %max3A_439 = arith.constant 0.000000e+00 : f32
        %max3A_440 = vector.broadcast %max3A_439 : f32 to vector<16xf32>
        %max3A_441 = arith.maximumf %add3A_438, %max3A_440 : vector<16xf32>
        %bitcast3A_442 = vector.bitcast %add3A_435 : vector<16xf32> to vector<16xi32>
        %shift_right_arithmetic3A_443 = arith.constant 1 : i32
        %shift_right_arithmetic3A_444 = vector.broadcast %shift_right_arithmetic3A_443 : i32 to vector<16xi32>
        %shift_right_arithmetic3A_445 = arith.shrsi %bitcast3A_442, %shift_right_arithmetic3A_444 : vector<16xi32>
        %add3A_446 = arith.constant 532487669 : i32
        %add3A_447 = vector.broadcast %add3A_446 : i32 to vector<16xi32>
        %add3A_448 = arith.addi %shift_right_arithmetic3A_445, %add3A_447 : vector<16xi32>
        %bitcast3A_449 = vector.bitcast %add3A_448 : vector<16xi32> to vector<16xf32>
        %div3A_450 = arith.divf %add3A_435, %bitcast3A_449 : vector<16xf32>
        %add3A_451 = arith.addf %bitcast3A_449, %div3A_450 : vector<16xf32>
        %mul3A_452 = arith.constant 5.000000e-01 : f32
        %mul3A_453 = vector.broadcast %mul3A_452 : f32 to vector<16xf32>
        %mul3A_454 = arith.mulf %mul3A_453, %add3A_451 : vector<16xf32>
        %div3A_455 = arith.divf %add3A_435, %mul3A_454 : vector<16xf32>
        %add3A_456 = arith.addf %mul3A_454, %div3A_455 : vector<16xf32>
        %mul3A_457 = arith.constant 5.000000e-01 : f32
        %mul3A_458 = vector.broadcast %mul3A_457 : f32 to vector<16xf32>
        %mul3A_459 = arith.mulf %mul3A_458, %add3A_456 : vector<16xf32>
        %div3A_460 = arith.divf %add3A_435, %mul3A_459 : vector<16xf32>
        %add3A_461 = arith.addf %mul3A_459, %div3A_460 : vector<16xf32>
        %mul3A_462 = arith.constant 5.000000e-01 : f32
        %mul3A_463 = vector.broadcast %mul3A_462 : f32 to vector<16xf32>
        %mul3A_464 = arith.mulf %mul3A_463, %add3A_461 : vector<16xf32>
        %add3A_465 = arith.constant 9.99999997E-7 : f32
        %add3A_466 = vector.broadcast %add3A_465 : f32 to vector<16xf32>
        %add3A_467 = arith.addf %mul3A_464, %add3A_466 : vector<16xf32>
        %mul3A_468 = arith.mulf %add3A_467, %add3A_467 : vector<16xf32>
        %div3A_469 = arith.divf %max3A_441, %mul3A_468 : vector<16xf32>
        %mul3A_470 = arith.mulf %div3A_469, %gather3A_428 : vector<16xf32>
        %get3A_471 = arith.constant 48 : index
        %get3A_472 = tpu.vector_load %arg15[%get3A_471] {strides = array<i32>} : memref<128xi32, #tpu.memory_space<vmem>>, vector<16xi32>,
        %get3A_473 = arith.constant 48 : index
        %get3A_474 = tpu.vector_load %arg9[%get3A_473] {strides = array<i32>} : memref<128xi32, #tpu.memory_space<vmem>>, vector<16xi32>,
        tpu.vector_store_idx %arg29[%get3A_472], %mul3A_470 {add = true} : memref<100096xf32, #tpu.memory_space<vmem>>[vector<16xi32>], vector<16xf32>,
        %neg3A_475 = arith.constant 0.000000e+00 : f32
        %neg3A_476 = vector.broadcast %neg3A_475 : f32 to vector<16xf32>
        %neg3A_477 = arith.subf %neg3A_476, %mul3A_470 : vector<16xf32>
        tpu.vector_store_idx %arg29[%get3A_474], %neg3A_477 {add = true} : memref<100096xf32, #tpu.memory_space<vmem>>[vector<16xi32>], vector<16xf32>,
        %add3A_478 = arith.constant 64 : i32
        %add3A_479 = vector.broadcast %add3A_478 : i32 to vector<16xi32>
        %add3A_480 = arith.addi %iota3A, %add3A_479 : vector<16xi32>
        %gather3A_481 = tpu.vector_load_idx %arg21[%add3A_480, %broadcast_in_dim3A_16] : memref<128x8xf32, #tpu.memory_space<vmem>>[vector<16xi32>, vector<16xi32>], vector<16xf32>,
        %gather3A_482 = tpu.vector_load_idx %arg21[%add3A_480, %broadcast_in_dim3A_18] : memref<128x8xf32, #tpu.memory_space<vmem>>[vector<16xi32>, vector<16xi32>], vector<16xf32>,
        %gather3A_483 = tpu.vector_load_idx %arg21[%add3A_480, %broadcast_in_dim3A_20] : memref<128x8xf32, #tpu.memory_space<vmem>>[vector<16xi32>, vector<16xi32>], vector<16xf32>,
        %gather3A_484 = tpu.vector_load_idx %arg21[%add3A_480, %broadcast_in_dim3A_22] : memref<128x8xf32, #tpu.memory_space<vmem>>[vector<16xi32>, vector<16xi32>], vector<16xf32>,
        %gather3A_485 = tpu.vector_load_idx %arg21[%add3A_480, %broadcast_in_dim3A_24] : memref<128x8xf32, #tpu.memory_space<vmem>>[vector<16xi32>, vector<16xi32>], vector<16xf32>,
        %gather3A_486 = tpu.vector_load_idx %arg27[%add3A_480, %broadcast_in_dim3A_16] : memref<128x8xf32, #tpu.memory_space<vmem>>[vector<16xi32>, vector<16xi32>], vector<16xf32>,
        %gather3A_487 = tpu.vector_load_idx %arg27[%add3A_480, %broadcast_in_dim3A_18] : memref<128x8xf32, #tpu.memory_space<vmem>>[vector<16xi32>, vector<16xi32>], vector<16xf32>,
        %sub3A_488 = arith.subf %gather3A_486, %gather3A_481 : vector<16xf32>
        %sub3A_489 = arith.subf %gather3A_487, %gather3A_482 : vector<16xf32>
        %mul3A_490 = arith.mulf %sub3A_488, %sub3A_488 : vector<16xf32>
        %mul3A_491 = arith.mulf %sub3A_489, %sub3A_489 : vector<16xf32>
        %add3A_492 = arith.addf %mul3A_490, %mul3A_491 : vector<16xf32>
        %mul3A_493 = arith.mulf %gather3A_483, %sub3A_488 : vector<16xf32>
        %mul3A_494 = arith.mulf %gather3A_484, %sub3A_489 : vector<16xf32>
        %add3A_495 = arith.addf %mul3A_493, %mul3A_494 : vector<16xf32>
        %max3A_496 = arith.constant 0.000000e+00 : f32
        %max3A_497 = vector.broadcast %max3A_496 : f32 to vector<16xf32>
        %max3A_498 = arith.maximumf %add3A_495, %max3A_497 : vector<16xf32>
        %bitcast3A_499 = vector.bitcast %add3A_492 : vector<16xf32> to vector<16xi32>
        %shift_right_arithmetic3A_500 = arith.constant 1 : i32
        %shift_right_arithmetic3A_501 = vector.broadcast %shift_right_arithmetic3A_500 : i32 to vector<16xi32>
        %shift_right_arithmetic3A_502 = arith.shrsi %bitcast3A_499, %shift_right_arithmetic3A_501 : vector<16xi32>
        %add3A_503 = arith.constant 532487669 : i32
        %add3A_504 = vector.broadcast %add3A_503 : i32 to vector<16xi32>
        %add3A_505 = arith.addi %shift_right_arithmetic3A_502, %add3A_504 : vector<16xi32>
        %bitcast3A_506 = vector.bitcast %add3A_505 : vector<16xi32> to vector<16xf32>
        %div3A_507 = arith.divf %add3A_492, %bitcast3A_506 : vector<16xf32>
        %add3A_508 = arith.addf %bitcast3A_506, %div3A_507 : vector<16xf32>
        %mul3A_509 = arith.constant 5.000000e-01 : f32
        %mul3A_510 = vector.broadcast %mul3A_509 : f32 to vector<16xf32>
        %mul3A_511 = arith.mulf %mul3A_510, %add3A_508 : vector<16xf32>
        %div3A_512 = arith.divf %add3A_492, %mul3A_511 : vector<16xf32>
        %add3A_513 = arith.addf %mul3A_511, %div3A_512 : vector<16xf32>
        %mul3A_514 = arith.constant 5.000000e-01 : f32
        %mul3A_515 = vector.broadcast %mul3A_514 : f32 to vector<16xf32>
        %mul3A_516 = arith.mulf %mul3A_515, %add3A_513 : vector<16xf32>
        %div3A_517 = arith.divf %add3A_492, %mul3A_516 : vector<16xf32>
        %add3A_518 = arith.addf %mul3A_516, %div3A_517 : vector<16xf32>
        %mul3A_519 = arith.constant 5.000000e-01 : f32
        %mul3A_520 = vector.broadcast %mul3A_519 : f32 to vector<16xf32>
        %mul3A_521 = arith.mulf %mul3A_520, %add3A_518 : vector<16xf32>
        %add3A_522 = arith.constant 9.99999997E-7 : f32
        %add3A_523 = vector.broadcast %add3A_522 : f32 to vector<16xf32>
        %add3A_524 = arith.addf %mul3A_521, %add3A_523 : vector<16xf32>
        %mul3A_525 = arith.mulf %add3A_524, %add3A_524 : vector<16xf32>
        %div3A_526 = arith.divf %max3A_498, %mul3A_525 : vector<16xf32>
        %mul3A_527 = arith.mulf %div3A_526, %gather3A_485 : vector<16xf32>
        %get3A_528 = arith.constant 64 : index
        %get3A_529 = tpu.vector_load %arg15[%get3A_528] {strides = array<i32>} : memref<128xi32, #tpu.memory_space<vmem>>, vector<16xi32>,
        %get3A_530 = arith.constant 64 : index
        %get3A_531 = tpu.vector_load %arg9[%get3A_530] {strides = array<i32>} : memref<128xi32, #tpu.memory_space<vmem>>, vector<16xi32>,
        tpu.vector_store_idx %arg29[%get3A_529], %mul3A_527 {add = true} : memref<100096xf32, #tpu.memory_space<vmem>>[vector<16xi32>], vector<16xf32>,
        %neg3A_532 = arith.constant 0.000000e+00 : f32
        %neg3A_533 = vector.broadcast %neg3A_532 : f32 to vector<16xf32>
        %neg3A_534 = arith.subf %neg3A_533, %mul3A_527 : vector<16xf32>
        tpu.vector_store_idx %arg29[%get3A_531], %neg3A_534 {add = true} : memref<100096xf32, #tpu.memory_space<vmem>>[vector<16xi32>], vector<16xf32>,
        %add3A_535 = arith.constant 80 : i32
        %add3A_536 = vector.broadcast %add3A_535 : i32 to vector<16xi32>
        %add3A_537 = arith.addi %iota3A, %add3A_536 : vector<16xi32>
        %gather3A_538 = tpu.vector_load_idx %arg21[%add3A_537, %broadcast_in_dim3A_16] : memref<128x8xf32, #tpu.memory_space<vmem>>[vector<16xi32>, vector<16xi32>], vector<16xf32>,
        %gather3A_539 = tpu.vector_load_idx %arg21[%add3A_537, %broadcast_in_dim3A_18] : memref<128x8xf32, #tpu.memory_space<vmem>>[vector<16xi32>, vector<16xi32>], vector<16xf32>,
        %gather3A_540 = tpu.vector_load_idx %arg21[%add3A_537, %broadcast_in_dim3A_20] : memref<128x8xf32, #tpu.memory_space<vmem>>[vector<16xi32>, vector<16xi32>], vector<16xf32>,
        %gather3A_541 = tpu.vector_load_idx %arg21[%add3A_537, %broadcast_in_dim3A_22] : memref<128x8xf32, #tpu.memory_space<vmem>>[vector<16xi32>, vector<16xi32>], vector<16xf32>,
        %gather3A_542 = tpu.vector_load_idx %arg21[%add3A_537, %broadcast_in_dim3A_24] : memref<128x8xf32, #tpu.memory_space<vmem>>[vector<16xi32>, vector<16xi32>], vector<16xf32>,
        %gather3A_543 = tpu.vector_load_idx %arg27[%add3A_537, %broadcast_in_dim3A_16] : memref<128x8xf32, #tpu.memory_space<vmem>>[vector<16xi32>, vector<16xi32>], vector<16xf32>,
        %gather3A_544 = tpu.vector_load_idx %arg27[%add3A_537, %broadcast_in_dim3A_18] : memref<128x8xf32, #tpu.memory_space<vmem>>[vector<16xi32>, vector<16xi32>], vector<16xf32>,
        %sub3A_545 = arith.subf %gather3A_543, %gather3A_538 : vector<16xf32>
        %sub3A_546 = arith.subf %gather3A_544, %gather3A_539 : vector<16xf32>
        %mul3A_547 = arith.mulf %sub3A_545, %sub3A_545 : vector<16xf32>
        %mul3A_548 = arith.mulf %sub3A_546, %sub3A_546 : vector<16xf32>
        %add3A_549 = arith.addf %mul3A_547, %mul3A_548 : vector<16xf32>
        %mul3A_550 = arith.mulf %gather3A_540, %sub3A_545 : vector<16xf32>
        %mul3A_551 = arith.mulf %gather3A_541, %sub3A_546 : vector<16xf32>
        %add3A_552 = arith.addf %mul3A_550, %mul3A_551 : vector<16xf32>
        %max3A_553 = arith.constant 0.000000e+00 : f32
        %max3A_554 = vector.broadcast %max3A_553 : f32 to vector<16xf32>
        %max3A_555 = arith.maximumf %add3A_552, %max3A_554 : vector<16xf32>
        %bitcast3A_556 = vector.bitcast %add3A_549 : vector<16xf32> to vector<16xi32>
        %shift_right_arithmetic3A_557 = arith.constant 1 : i32
        %shift_right_arithmetic3A_558 = vector.broadcast %shift_right_arithmetic3A_557 : i32 to vector<16xi32>
        %shift_right_arithmetic3A_559 = arith.shrsi %bitcast3A_556, %shift_right_arithmetic3A_558 : vector<16xi32>
        %add3A_560 = arith.constant 532487669 : i32
        %add3A_561 = vector.broadcast %add3A_560 : i32 to vector<16xi32>
        %add3A_562 = arith.addi %shift_right_arithmetic3A_559, %add3A_561 : vector<16xi32>
        %bitcast3A_563 = vector.bitcast %add3A_562 : vector<16xi32> to vector<16xf32>
        %div3A_564 = arith.divf %add3A_549, %bitcast3A_563 : vector<16xf32>
        %add3A_565 = arith.addf %bitcast3A_563, %div3A_564 : vector<16xf32>
        %mul3A_566 = arith.constant 5.000000e-01 : f32
        %mul3A_567 = vector.broadcast %mul3A_566 : f32 to vector<16xf32>
        %mul3A_568 = arith.mulf %mul3A_567, %add3A_565 : vector<16xf32>
        %div3A_569 = arith.divf %add3A_549, %mul3A_568 : vector<16xf32>
        %add3A_570 = arith.addf %mul3A_568, %div3A_569 : vector<16xf32>
        %mul3A_571 = arith.constant 5.000000e-01 : f32
        %mul3A_572 = vector.broadcast %mul3A_571 : f32 to vector<16xf32>
        %mul3A_573 = arith.mulf %mul3A_572, %add3A_570 : vector<16xf32>
        %div3A_574 = arith.divf %add3A_549, %mul3A_573 : vector<16xf32>
        %add3A_575 = arith.addf %mul3A_573, %div3A_574 : vector<16xf32>
        %mul3A_576 = arith.constant 5.000000e-01 : f32
        %mul3A_577 = vector.broadcast %mul3A_576 : f32 to vector<16xf32>
        %mul3A_578 = arith.mulf %mul3A_577, %add3A_575 : vector<16xf32>
        %add3A_579 = arith.constant 9.99999997E-7 : f32
        %add3A_580 = vector.broadcast %add3A_579 : f32 to vector<16xf32>
        %add3A_581 = arith.addf %mul3A_578, %add3A_580 : vector<16xf32>
        %mul3A_582 = arith.mulf %add3A_581, %add3A_581 : vector<16xf32>
        %div3A_583 = arith.divf %max3A_555, %mul3A_582 : vector<16xf32>
        %mul3A_584 = arith.mulf %div3A_583, %gather3A_542 : vector<16xf32>
        %get3A_585 = arith.constant 80 : index
        %get3A_586 = tpu.vector_load %arg15[%get3A_585] {strides = array<i32>} : memref<128xi32, #tpu.memory_space<vmem>>, vector<16xi32>,
        %get3A_587 = arith.constant 80 : index
        %get3A_588 = tpu.vector_load %arg9[%get3A_587] {strides = array<i32>} : memref<128xi32, #tpu.memory_space<vmem>>, vector<16xi32>,
        tpu.vector_store_idx %arg29[%get3A_586], %mul3A_584 {add = true} : memref<100096xf32, #tpu.memory_space<vmem>>[vector<16xi32>], vector<16xf32>,
        %neg3A_589 = arith.constant 0.000000e+00 : f32
        %neg3A_590 = vector.broadcast %neg3A_589 : f32 to vector<16xf32>
        %neg3A_591 = arith.subf %neg3A_590, %mul3A_584 : vector<16xf32>
        tpu.vector_store_idx %arg29[%get3A_588], %neg3A_591 {add = true} : memref<100096xf32, #tpu.memory_space<vmem>>[vector<16xi32>], vector<16xf32>,
        %add3A_592 = arith.constant 96 : i32
        %add3A_593 = vector.broadcast %add3A_592 : i32 to vector<16xi32>
        %add3A_594 = arith.addi %iota3A, %add3A_593 : vector<16xi32>
        %gather3A_595 = tpu.vector_load_idx %arg21[%add3A_594, %broadcast_in_dim3A_16] : memref<128x8xf32, #tpu.memory_space<vmem>>[vector<16xi32>, vector<16xi32>], vector<16xf32>,
        %gather3A_596 = tpu.vector_load_idx %arg21[%add3A_594, %broadcast_in_dim3A_18] : memref<128x8xf32, #tpu.memory_space<vmem>>[vector<16xi32>, vector<16xi32>], vector<16xf32>,
        %gather3A_597 = tpu.vector_load_idx %arg21[%add3A_594, %broadcast_in_dim3A_20] : memref<128x8xf32, #tpu.memory_space<vmem>>[vector<16xi32>, vector<16xi32>], vector<16xf32>,
        %gather3A_598 = tpu.vector_load_idx %arg21[%add3A_594, %broadcast_in_dim3A_22] : memref<128x8xf32, #tpu.memory_space<vmem>>[vector<16xi32>, vector<16xi32>], vector<16xf32>,
        %gather3A_599 = tpu.vector_load_idx %arg21[%add3A_594, %broadcast_in_dim3A_24] : memref<128x8xf32, #tpu.memory_space<vmem>>[vector<16xi32>, vector<16xi32>], vector<16xf32>,
        %gather3A_600 = tpu.vector_load_idx %arg27[%add3A_594, %broadcast_in_dim3A_16] : memref<128x8xf32, #tpu.memory_space<vmem>>[vector<16xi32>, vector<16xi32>], vector<16xf32>,
        %gather3A_601 = tpu.vector_load_idx %arg27[%add3A_594, %broadcast_in_dim3A_18] : memref<128x8xf32, #tpu.memory_space<vmem>>[vector<16xi32>, vector<16xi32>], vector<16xf32>,
        %sub3A_602 = arith.subf %gather3A_600, %gather3A_595 : vector<16xf32>
        %sub3A_603 = arith.subf %gather3A_601, %gather3A_596 : vector<16xf32>
        %mul3A_604 = arith.mulf %sub3A_602, %sub3A_602 : vector<16xf32>
        %mul3A_605 = arith.mulf %sub3A_603, %sub3A_603 : vector<16xf32>
        %add3A_606 = arith.addf %mul3A_604, %mul3A_605 : vector<16xf32>
        %mul3A_607 = arith.mulf %gather3A_597, %sub3A_602 : vector<16xf32>
        %mul3A_608 = arith.mulf %gather3A_598, %sub3A_603 : vector<16xf32>
        %add3A_609 = arith.addf %mul3A_607, %mul3A_608 : vector<16xf32>
        %max3A_610 = arith.constant 0.000000e+00 : f32
        %max3A_611 = vector.broadcast %max3A_610 : f32 to vector<16xf32>
        %max3A_612 = arith.maximumf %add3A_609, %max3A_611 : vector<16xf32>
        %bitcast3A_613 = vector.bitcast %add3A_606 : vector<16xf32> to vector<16xi32>
        %shift_right_arithmetic3A_614 = arith.constant 1 : i32
        %shift_right_arithmetic3A_615 = vector.broadcast %shift_right_arithmetic3A_614 : i32 to vector<16xi32>
        %shift_right_arithmetic3A_616 = arith.shrsi %bitcast3A_613, %shift_right_arithmetic3A_615 : vector<16xi32>
        %add3A_617 = arith.constant 532487669 : i32
        %add3A_618 = vector.broadcast %add3A_617 : i32 to vector<16xi32>
        %add3A_619 = arith.addi %shift_right_arithmetic3A_616, %add3A_618 : vector<16xi32>
        %bitcast3A_620 = vector.bitcast %add3A_619 : vector<16xi32> to vector<16xf32>
        %div3A_621 = arith.divf %add3A_606, %bitcast3A_620 : vector<16xf32>
        %add3A_622 = arith.addf %bitcast3A_620, %div3A_621 : vector<16xf32>
        %mul3A_623 = arith.constant 5.000000e-01 : f32
        %mul3A_624 = vector.broadcast %mul3A_623 : f32 to vector<16xf32>
        %mul3A_625 = arith.mulf %mul3A_624, %add3A_622 : vector<16xf32>
        %div3A_626 = arith.divf %add3A_606, %mul3A_625 : vector<16xf32>
        %add3A_627 = arith.addf %mul3A_625, %div3A_626 : vector<16xf32>
        %mul3A_628 = arith.constant 5.000000e-01 : f32
        %mul3A_629 = vector.broadcast %mul3A_628 : f32 to vector<16xf32>
        %mul3A_630 = arith.mulf %mul3A_629, %add3A_627 : vector<16xf32>
        %div3A_631 = arith.divf %add3A_606, %mul3A_630 : vector<16xf32>
        %add3A_632 = arith.addf %mul3A_630, %div3A_631 : vector<16xf32>
        %mul3A_633 = arith.constant 5.000000e-01 : f32
        %mul3A_634 = vector.broadcast %mul3A_633 : f32 to vector<16xf32>
        %mul3A_635 = arith.mulf %mul3A_634, %add3A_632 : vector<16xf32>
        %add3A_636 = arith.constant 9.99999997E-7 : f32
        %add3A_637 = vector.broadcast %add3A_636 : f32 to vector<16xf32>
        %add3A_638 = arith.addf %mul3A_635, %add3A_637 : vector<16xf32>
        %mul3A_639 = arith.mulf %add3A_638, %add3A_638 : vector<16xf32>
        %div3A_640 = arith.divf %max3A_612, %mul3A_639 : vector<16xf32>
        %mul3A_641 = arith.mulf %div3A_640, %gather3A_599 : vector<16xf32>
        %get3A_642 = arith.constant 96 : index
        %get3A_643 = tpu.vector_load %arg15[%get3A_642] {strides = array<i32>} : memref<128xi32, #tpu.memory_space<vmem>>, vector<16xi32>,
        %get3A_644 = arith.constant 96 : index
        %get3A_645 = tpu.vector_load %arg9[%get3A_644] {strides = array<i32>} : memref<128xi32, #tpu.memory_space<vmem>>, vector<16xi32>,
        tpu.vector_store_idx %arg29[%get3A_643], %mul3A_641 {add = true} : memref<100096xf32, #tpu.memory_space<vmem>>[vector<16xi32>], vector<16xf32>,
        %neg3A_646 = arith.constant 0.000000e+00 : f32
        %neg3A_647 = vector.broadcast %neg3A_646 : f32 to vector<16xf32>
        %neg3A_648 = arith.subf %neg3A_647, %mul3A_641 : vector<16xf32>
        tpu.vector_store_idx %arg29[%get3A_645], %neg3A_648 {add = true} : memref<100096xf32, #tpu.memory_space<vmem>>[vector<16xi32>], vector<16xf32>,
        %add3A_649 = arith.constant 112 : i32
        %add3A_650 = vector.broadcast %add3A_649 : i32 to vector<16xi32>
        %add3A_651 = arith.addi %iota3A, %add3A_650 : vector<16xi32>
        %gather3A_652 = tpu.vector_load_idx %arg21[%add3A_651, %broadcast_in_dim3A_16] : memref<128x8xf32, #tpu.memory_space<vmem>>[vector<16xi32>, vector<16xi32>], vector<16xf32>,
        %gather3A_653 = tpu.vector_load_idx %arg21[%add3A_651, %broadcast_in_dim3A_18] : memref<128x8xf32, #tpu.memory_space<vmem>>[vector<16xi32>, vector<16xi32>], vector<16xf32>,
        %gather3A_654 = tpu.vector_load_idx %arg21[%add3A_651, %broadcast_in_dim3A_20] : memref<128x8xf32, #tpu.memory_space<vmem>>[vector<16xi32>, vector<16xi32>], vector<16xf32>,
        %gather3A_655 = tpu.vector_load_idx %arg21[%add3A_651, %broadcast_in_dim3A_22] : memref<128x8xf32, #tpu.memory_space<vmem>>[vector<16xi32>, vector<16xi32>], vector<16xf32>,
        %gather3A_656 = tpu.vector_load_idx %arg21[%add3A_651, %broadcast_in_dim3A_24] : memref<128x8xf32, #tpu.memory_space<vmem>>[vector<16xi32>, vector<16xi32>], vector<16xf32>,
        %gather3A_657 = tpu.vector_load_idx %arg27[%add3A_651, %broadcast_in_dim3A_16] : memref<128x8xf32, #tpu.memory_space<vmem>>[vector<16xi32>, vector<16xi32>], vector<16xf32>,
        %gather3A_658 = tpu.vector_load_idx %arg27[%add3A_651, %broadcast_in_dim3A_18] : memref<128x8xf32, #tpu.memory_space<vmem>>[vector<16xi32>, vector<16xi32>], vector<16xf32>,
        %sub3A_659 = arith.subf %gather3A_657, %gather3A_652 : vector<16xf32>
        %sub3A_660 = arith.subf %gather3A_658, %gather3A_653 : vector<16xf32>
        %mul3A_661 = arith.mulf %sub3A_659, %sub3A_659 : vector<16xf32>
        %mul3A_662 = arith.mulf %sub3A_660, %sub3A_660 : vector<16xf32>
        %add3A_663 = arith.addf %mul3A_661, %mul3A_662 : vector<16xf32>
        %mul3A_664 = arith.mulf %gather3A_654, %sub3A_659 : vector<16xf32>
        %mul3A_665 = arith.mulf %gather3A_655, %sub3A_660 : vector<16xf32>
        %add3A_666 = arith.addf %mul3A_664, %mul3A_665 : vector<16xf32>
        %max3A_667 = arith.constant 0.000000e+00 : f32
        %max3A_668 = vector.broadcast %max3A_667 : f32 to vector<16xf32>
        %max3A_669 = arith.maximumf %add3A_666, %max3A_668 : vector<16xf32>
        %bitcast3A_670 = vector.bitcast %add3A_663 : vector<16xf32> to vector<16xi32>
        %shift_right_arithmetic3A_671 = arith.constant 1 : i32
        %shift_right_arithmetic3A_672 = vector.broadcast %shift_right_arithmetic3A_671 : i32 to vector<16xi32>
        %shift_right_arithmetic3A_673 = arith.shrsi %bitcast3A_670, %shift_right_arithmetic3A_672 : vector<16xi32>
        %add3A_674 = arith.constant 532487669 : i32
        %add3A_675 = vector.broadcast %add3A_674 : i32 to vector<16xi32>
        %add3A_676 = arith.addi %shift_right_arithmetic3A_673, %add3A_675 : vector<16xi32>
        %bitcast3A_677 = vector.bitcast %add3A_676 : vector<16xi32> to vector<16xf32>
        %div3A_678 = arith.divf %add3A_663, %bitcast3A_677 : vector<16xf32>
        %add3A_679 = arith.addf %bitcast3A_677, %div3A_678 : vector<16xf32>
        %mul3A_680 = arith.constant 5.000000e-01 : f32
        %mul3A_681 = vector.broadcast %mul3A_680 : f32 to vector<16xf32>
        %mul3A_682 = arith.mulf %mul3A_681, %add3A_679 : vector<16xf32>
        %div3A_683 = arith.divf %add3A_663, %mul3A_682 : vector<16xf32>
        %add3A_684 = arith.addf %mul3A_682, %div3A_683 : vector<16xf32>
        %mul3A_685 = arith.constant 5.000000e-01 : f32
        %mul3A_686 = vector.broadcast %mul3A_685 : f32 to vector<16xf32>
        %mul3A_687 = arith.mulf %mul3A_686, %add3A_684 : vector<16xf32>
        %div3A_688 = arith.divf %add3A_663, %mul3A_687 : vector<16xf32>
        %add3A_689 = arith.addf %mul3A_687, %div3A_688 : vector<16xf32>
        %mul3A_690 = arith.constant 5.000000e-01 : f32
        %mul3A_691 = vector.broadcast %mul3A_690 : f32 to vector<16xf32>
        %mul3A_692 = arith.mulf %mul3A_691, %add3A_689 : vector<16xf32>
        %add3A_693 = arith.constant 9.99999997E-7 : f32
        %add3A_694 = vector.broadcast %add3A_693 : f32 to vector<16xf32>
        %add3A_695 = arith.addf %mul3A_692, %add3A_694 : vector<16xf32>
        %mul3A_696 = arith.mulf %add3A_695, %add3A_695 : vector<16xf32>
        %div3A_697 = arith.divf %max3A_669, %mul3A_696 : vector<16xf32>
        %mul3A_698 = arith.mulf %div3A_697, %gather3A_656 : vector<16xf32>
        %get3A_699 = arith.constant 112 : index
        %get3A_700 = tpu.vector_load %arg15[%get3A_699] {strides = array<i32>} : memref<128xi32, #tpu.memory_space<vmem>>, vector<16xi32>,
        %get3A_701 = arith.constant 112 : index
        %get3A_702 = tpu.vector_load %arg9[%get3A_701] {strides = array<i32>} : memref<128xi32, #tpu.memory_space<vmem>>, vector<16xi32>,
        tpu.vector_store_idx %arg29[%get3A_700], %mul3A_698 {add = true} : memref<100096xf32, #tpu.memory_space<vmem>>[vector<16xi32>], vector<16xf32>,
        %neg3A_703 = arith.constant 0.000000e+00 : f32
        %neg3A_704 = vector.broadcast %neg3A_703 : f32 to vector<16xf32>
        %neg3A_705 = arith.subf %neg3A_704, %mul3A_698 : vector<16xf32>
        tpu.vector_store_idx %arg29[%get3A_702], %neg3A_705 {add = true} : memref<100096xf32, #tpu.memory_space<vmem>>[vector<16xi32>], vector<16xf32>,
      } else {
      }
      %mul3A_232 = arith.constant 6 : i32
      %mul3A_233 = arith.muli %scan3A_133, %mul3A_232 : i32
      %add3A_234 = arith.constant 5 : i32
      %add3A_235 = arith.addi %mul3A_233, %add3A_234 : i32
      %add3A_236 = arith.constant 2 : i32
      %add3A_237 = arith.addi %add3A_235, %add3A_236 : i32
      %lt3A_238 = arith.cmpi slt, %add3A_237, %add3A_4 : i32
      %convert_element_type3A_239 = arith.extui %lt3A_238 : i1 to i32
      %cond3A_240 = arith.constant 0 : i32
      %cond3A_241 = arith.cmpi ne, %convert_element_type3A_239, %cond3A_240 : i32
      scf.if %cond3A_241 {
        %dma_wait3A_252 = arith.constant 0 : i32
        %dma_wait3A_253 = arith.constant 0 : i32
        %dma_wait3A_254 = tpu.memref_slice %arg3[%dma_wait3A_252, %dma_wait3A_253] : memref<25000x128xi32, #tpu.memory_space<hbm>> -> memref<1x128xi32, #tpu.memory_space<hbm>>
        %dma_wait3A_255 = tpu.memref_squeeze %dma_wait3A_254 : memref<1x128xi32, #tpu.memory_space<hbm>> -> memref<128xi32, #tpu.memory_space<hbm>>
        %dma_wait3A_256 = arith.constant 0 : i32
        %dma_wait3A_257 = tpu.memref_slice %arg3[%dma_wait3A_252, %dma_wait3A_256] : memref<25000x128xi32, #tpu.memory_space<hbm>> -> memref<1x128xi32, #tpu.memory_space<hbm>>
        %dma_wait3A_258 = tpu.memref_squeeze %dma_wait3A_257 : memref<1x128xi32, #tpu.memory_space<hbm>> -> memref<128xi32, #tpu.memory_space<hbm>>
        tpu.wait_dma2 semaphore(%arg31 : memref<!tpu.dma_semaphore, #tpu.memory_space<semaphore_mem>>) src(%dma_wait3A_258 : memref<128xi32, #tpu.memory_space<hbm>>) dst(%arg6 : memref<128xi32, #tpu.memory_space<vmem>>)
        %dma_wait3A_259 = arith.constant 0 : i32
        %dma_wait3A_260 = arith.constant 0 : i32
        %dma_wait3A_261 = tpu.memref_slice %arg3[%dma_wait3A_259, %dma_wait3A_260] : memref<25000x128xi32, #tpu.memory_space<hbm>> -> memref<1x128xi32, #tpu.memory_space<hbm>>
        %dma_wait3A_262 = tpu.memref_squeeze %dma_wait3A_261 : memref<1x128xi32, #tpu.memory_space<hbm>> -> memref<128xi32, #tpu.memory_space<hbm>>
        %dma_wait3A_263 = arith.constant 0 : i32
        %dma_wait3A_264 = tpu.memref_slice %arg3[%dma_wait3A_259, %dma_wait3A_263] : memref<25000x128xi32, #tpu.memory_space<hbm>> -> memref<1x128xi32, #tpu.memory_space<hbm>>
        %dma_wait3A_265 = tpu.memref_squeeze %dma_wait3A_264 : memref<1x128xi32, #tpu.memory_space<hbm>> -> memref<128xi32, #tpu.memory_space<hbm>>
        tpu.wait_dma2 semaphore(%arg31 : memref<!tpu.dma_semaphore, #tpu.memory_space<semaphore_mem>>) src(%dma_wait3A_265 : memref<128xi32, #tpu.memory_space<hbm>>) dst(%arg12 : memref<128xi32, #tpu.memory_space<vmem>>)
        %dma_start3A_266 = arith.constant 0 : i32
        %dma_start3A_267 = arith.constant 0 : i32
        %dma_start3A_268 = tpu.memref_slice %arg2[%dma_start3A_266, %dma_start3A_267] : memref<100000x8xf32, #tpu.memory_space<hbm>> -> memref<100000x8xf32, #tpu.memory_space<hbm>>
        tpu.enqueue_indirect_dma source(%dma_start3A_268 : memref<100000x8xf32, #tpu.memory_space<hbm>>) target(%arg18 : memref<128x8xf32, #tpu.memory_space<vmem>>) offsets(%arg6 : memref<128xi32, #tpu.memory_space<vmem>>) semaphore(%arg37 : memref<!tpu.dma_semaphore, #tpu.memory_space<semaphore_mem>>)
        %dma_start3A_269 = arith.constant 0 : i32
        %dma_start3A_270 = arith.constant 0 : i32
        %dma_start3A_271 = tpu.memref_slice %arg2[%dma_start3A_269, %dma_start3A_270] : memref<100000x8xf32, #tpu.memory_space<hbm>> -> memref<100000x8xf32, #tpu.memory_space<hbm>>
        tpu.enqueue_indirect_dma source(%dma_start3A_271 : memref<100000x8xf32, #tpu.memory_space<hbm>>) target(%arg24 : memref<128x8xf32, #tpu.memory_space<vmem>>) offsets(%arg12 : memref<128xi32, #tpu.memory_space<vmem>>) semaphore(%arg37 : memref<!tpu.dma_semaphore, #tpu.memory_space<semaphore_mem>>)
      } else {
      }
      %add3A_242 = arith.constant 4 : i32
      %add3A_243 = arith.addi %add3A_235, %add3A_242 : i32
      %lt3A_244 = arith.cmpi slt, %add3A_243, %add3A_4 : i32
      %convert_element_type3A_245 = arith.extui %lt3A_244 : i1 to i32
      %cond3A_246 = arith.constant 0 : i32
      %cond3A_247 = arith.cmpi ne, %convert_element_type3A_245, %cond3A_246 : i32
      scf.if %cond3A_247 {
        %add3A_252 = arith.constant 4 : i32
        %add3A_253 = arith.addi %add3A_235, %add3A_252 : i32
        %add3A_254 = arith.addi %add3A_8, %add3A_253 : i32
        %dma_start3A_255 = arith.constant 0 : i32
        %dma_start3A_256 = tpu.memref_slice %arg3[%add3A_254, %dma_start3A_255] : memref<25000x128xi32, #tpu.memory_space<hbm>> -> memref<1x128xi32, #tpu.memory_space<hbm>>
        %dma_start3A_257 = tpu.memref_squeeze %dma_start3A_256 : memref<1x128xi32, #tpu.memory_space<hbm>> -> memref<128xi32, #tpu.memory_space<hbm>>
        %dma_start3A_258 = arith.constant 0 : i32
        %dma_start3A_259 = tpu.memref_slice %arg3[%add3A_254, %dma_start3A_258] : memref<25000x128xi32, #tpu.memory_space<hbm>> -> memref<1x128xi32, #tpu.memory_space<hbm>>
        %dma_start3A_260 = tpu.memref_squeeze %dma_start3A_259 : memref<1x128xi32, #tpu.memory_space<hbm>> -> memref<128xi32, #tpu.memory_space<hbm>>
        tpu.enqueue_dma source(%dma_start3A_260 : memref<128xi32, #tpu.memory_space<hbm>>) target(%arg8 : memref<128xi32, #tpu.memory_space<vmem>>) target_semaphore(%arg33 : memref<!tpu.dma_semaphore, #tpu.memory_space<semaphore_mem>>)
        %add3A_261 = arith.constant 12500 : i32
        %add3A_262 = arith.addi %add3A_261, %add3A_254 : i32
        %dma_start3A_263 = arith.constant 0 : i32
        %dma_start3A_264 = tpu.memref_slice %arg3[%add3A_262, %dma_start3A_263] : memref<25000x128xi32, #tpu.memory_space<hbm>> -> memref<1x128xi32, #tpu.memory_space<hbm>>
        %dma_start3A_265 = tpu.memref_squeeze %dma_start3A_264 : memref<1x128xi32, #tpu.memory_space<hbm>> -> memref<128xi32, #tpu.memory_space<hbm>>
        %dma_start3A_266 = arith.constant 0 : i32
        %dma_start3A_267 = tpu.memref_slice %arg3[%add3A_262, %dma_start3A_266] : memref<25000x128xi32, #tpu.memory_space<hbm>> -> memref<1x128xi32, #tpu.memory_space<hbm>>
        %dma_start3A_268 = tpu.memref_squeeze %dma_start3A_267 : memref<1x128xi32, #tpu.memory_space<hbm>> -> memref<128xi32, #tpu.memory_space<hbm>>
        tpu.enqueue_dma source(%dma_start3A_268 : memref<128xi32, #tpu.memory_space<hbm>>) target(%arg14 : memref<128xi32, #tpu.memory_space<vmem>>) target_semaphore(%arg33 : memref<!tpu.dma_semaphore, #tpu.memory_space<semaphore_mem>>)
      } else {
      }
      %lt3A_248 = arith.cmpi slt, %add3A_235, %add3A_4 : i32
      %convert_element_type3A_249 = arith.extui %lt3A_248 : i1 to i32
      %cond3A_250 = arith.constant 0 : i32
      %cond3A_251 = arith.cmpi ne, %convert_element_type3A_249, %cond3A_250 : i32
      scf.if %cond3A_251 {
        %dma_wait3A_252 = arith.constant 0 : i32
        %dma_wait3A_253 = arith.constant 0 : i32
        %dma_wait3A_254 = tpu.memref_slice %arg2[%dma_wait3A_252, %dma_wait3A_253] : memref<100000x8xf32, #tpu.memory_space<hbm>> -> memref<100000x8xf32, #tpu.memory_space<hbm>>
        tpu.wait_indirect_dma semaphore(%arg41 : memref<!tpu.dma_semaphore, #tpu.memory_space<semaphore_mem>>) src(%dma_wait3A_254 : memref<100000x8xf32, #tpu.memory_space<hbm>>) dst(%arg22 : memref<128x8xf32, #tpu.memory_space<vmem>>)
        %dma_wait3A_255 = arith.constant 0 : i32
        %dma_wait3A_256 = arith.constant 0 : i32
        %dma_wait3A_257 = tpu.memref_slice %arg2[%dma_wait3A_255, %dma_wait3A_256] : memref<100000x8xf32, #tpu.memory_space<hbm>> -> memref<100000x8xf32, #tpu.memory_space<hbm>>
        tpu.wait_indirect_dma semaphore(%arg41 : memref<!tpu.dma_semaphore, #tpu.memory_space<semaphore_mem>>) src(%dma_wait3A_257 : memref<100000x8xf32, #tpu.memory_space<hbm>>) dst(%arg28 : memref<128x8xf32, #tpu.memory_space<vmem>>)
        %add3A_258 = arith.constant 0 : i32
        %add3A_259 = vector.broadcast %add3A_258 : i32 to vector<16xi32>
        %add3A_260 = arith.addi %iota3A, %add3A_259 : vector<16xi32>
        %gather3A = tpu.vector_load_idx %arg22[%add3A_260, %broadcast_in_dim3A_16] : memref<128x8xf32, #tpu.memory_space<vmem>>[vector<16xi32>, vector<16xi32>], vector<16xf32>,
        %gather3A_261 = tpu.vector_load_idx %arg22[%add3A_260, %broadcast_in_dim3A_18] : memref<128x8xf32, #tpu.memory_space<vmem>>[vector<16xi32>, vector<16xi32>], vector<16xf32>,
        %gather3A_262 = tpu.vector_load_idx %arg22[%add3A_260, %broadcast_in_dim3A_20] : memref<128x8xf32, #tpu.memory_space<vmem>>[vector<16xi32>, vector<16xi32>], vector<16xf32>,
        %gather3A_263 = tpu.vector_load_idx %arg22[%add3A_260, %broadcast_in_dim3A_22] : memref<128x8xf32, #tpu.memory_space<vmem>>[vector<16xi32>, vector<16xi32>], vector<16xf32>,
        %gather3A_264 = tpu.vector_load_idx %arg22[%add3A_260, %broadcast_in_dim3A_24] : memref<128x8xf32, #tpu.memory_space<vmem>>[vector<16xi32>, vector<16xi32>], vector<16xf32>,
        %gather3A_265 = tpu.vector_load_idx %arg28[%add3A_260, %broadcast_in_dim3A_16] : memref<128x8xf32, #tpu.memory_space<vmem>>[vector<16xi32>, vector<16xi32>], vector<16xf32>,
        %gather3A_266 = tpu.vector_load_idx %arg28[%add3A_260, %broadcast_in_dim3A_18] : memref<128x8xf32, #tpu.memory_space<vmem>>[vector<16xi32>, vector<16xi32>], vector<16xf32>,
        %sub3A = arith.subf %gather3A_265, %gather3A : vector<16xf32>
        %sub3A_267 = arith.subf %gather3A_266, %gather3A_261 : vector<16xf32>
        %mul3A_268 = arith.mulf %sub3A, %sub3A : vector<16xf32>
        %mul3A_269 = arith.mulf %sub3A_267, %sub3A_267 : vector<16xf32>
        %add3A_270 = arith.addf %mul3A_268, %mul3A_269 : vector<16xf32>
        %mul3A_271 = arith.mulf %gather3A_262, %sub3A : vector<16xf32>
        %mul3A_272 = arith.mulf %gather3A_263, %sub3A_267 : vector<16xf32>
        %add3A_273 = arith.addf %mul3A_271, %mul3A_272 : vector<16xf32>
        %max3A = arith.constant 0.000000e+00 : f32
        %max3A_274 = vector.broadcast %max3A : f32 to vector<16xf32>
        %max3A_275 = arith.maximumf %add3A_273, %max3A_274 : vector<16xf32>
        %bitcast3A = vector.bitcast %add3A_270 : vector<16xf32> to vector<16xi32>
        %shift_right_arithmetic3A = arith.constant 1 : i32
        %shift_right_arithmetic3A_276 = vector.broadcast %shift_right_arithmetic3A : i32 to vector<16xi32>
        %shift_right_arithmetic3A_277 = arith.shrsi %bitcast3A, %shift_right_arithmetic3A_276 : vector<16xi32>
        %add3A_278 = arith.constant 532487669 : i32
        %add3A_279 = vector.broadcast %add3A_278 : i32 to vector<16xi32>
        %add3A_280 = arith.addi %shift_right_arithmetic3A_277, %add3A_279 : vector<16xi32>
        %bitcast3A_281 = vector.bitcast %add3A_280 : vector<16xi32> to vector<16xf32>
        %div3A = arith.divf %add3A_270, %bitcast3A_281 : vector<16xf32>
        %add3A_282 = arith.addf %bitcast3A_281, %div3A : vector<16xf32>
        %mul3A_283 = arith.constant 5.000000e-01 : f32
        %mul3A_284 = vector.broadcast %mul3A_283 : f32 to vector<16xf32>
        %mul3A_285 = arith.mulf %mul3A_284, %add3A_282 : vector<16xf32>
        %div3A_286 = arith.divf %add3A_270, %mul3A_285 : vector<16xf32>
        %add3A_287 = arith.addf %mul3A_285, %div3A_286 : vector<16xf32>
        %mul3A_288 = arith.constant 5.000000e-01 : f32
        %mul3A_289 = vector.broadcast %mul3A_288 : f32 to vector<16xf32>
        %mul3A_290 = arith.mulf %mul3A_289, %add3A_287 : vector<16xf32>
        %div3A_291 = arith.divf %add3A_270, %mul3A_290 : vector<16xf32>
        %add3A_292 = arith.addf %mul3A_290, %div3A_291 : vector<16xf32>
        %mul3A_293 = arith.constant 5.000000e-01 : f32
        %mul3A_294 = vector.broadcast %mul3A_293 : f32 to vector<16xf32>
        %mul3A_295 = arith.mulf %mul3A_294, %add3A_292 : vector<16xf32>
        %add3A_296 = arith.constant 9.99999997E-7 : f32
        %add3A_297 = vector.broadcast %add3A_296 : f32 to vector<16xf32>
        %add3A_298 = arith.addf %mul3A_295, %add3A_297 : vector<16xf32>
        %mul3A_299 = arith.mulf %add3A_298, %add3A_298 : vector<16xf32>
        %div3A_300 = arith.divf %max3A_275, %mul3A_299 : vector<16xf32>
        %mul3A_301 = arith.mulf %div3A_300, %gather3A_264 : vector<16xf32>
        %get3A = arith.constant 0 : index
        %get3A_302 = tpu.vector_load %arg16[%get3A] {strides = array<i32>} : memref<128xi32, #tpu.memory_space<vmem>>, vector<16xi32>,
        %get3A_303 = arith.constant 0 : index
        %get3A_304 = tpu.vector_load %arg10[%get3A_303] {strides = array<i32>} : memref<128xi32, #tpu.memory_space<vmem>>, vector<16xi32>,
        tpu.vector_store_idx %arg29[%get3A_302], %mul3A_301 {add = true} : memref<100096xf32, #tpu.memory_space<vmem>>[vector<16xi32>], vector<16xf32>,
        %neg3A = arith.constant 0.000000e+00 : f32
        %neg3A_305 = vector.broadcast %neg3A : f32 to vector<16xf32>
        %neg3A_306 = arith.subf %neg3A_305, %mul3A_301 : vector<16xf32>
        tpu.vector_store_idx %arg29[%get3A_304], %neg3A_306 {add = true} : memref<100096xf32, #tpu.memory_space<vmem>>[vector<16xi32>], vector<16xf32>,
        %add3A_307 = arith.constant 16 : i32
        %add3A_308 = vector.broadcast %add3A_307 : i32 to vector<16xi32>
        %add3A_309 = arith.addi %iota3A, %add3A_308 : vector<16xi32>
        %gather3A_310 = tpu.vector_load_idx %arg22[%add3A_309, %broadcast_in_dim3A_16] : memref<128x8xf32, #tpu.memory_space<vmem>>[vector<16xi32>, vector<16xi32>], vector<16xf32>,
        %gather3A_311 = tpu.vector_load_idx %arg22[%add3A_309, %broadcast_in_dim3A_18] : memref<128x8xf32, #tpu.memory_space<vmem>>[vector<16xi32>, vector<16xi32>], vector<16xf32>,
        %gather3A_312 = tpu.vector_load_idx %arg22[%add3A_309, %broadcast_in_dim3A_20] : memref<128x8xf32, #tpu.memory_space<vmem>>[vector<16xi32>, vector<16xi32>], vector<16xf32>,
        %gather3A_313 = tpu.vector_load_idx %arg22[%add3A_309, %broadcast_in_dim3A_22] : memref<128x8xf32, #tpu.memory_space<vmem>>[vector<16xi32>, vector<16xi32>], vector<16xf32>,
        %gather3A_314 = tpu.vector_load_idx %arg22[%add3A_309, %broadcast_in_dim3A_24] : memref<128x8xf32, #tpu.memory_space<vmem>>[vector<16xi32>, vector<16xi32>], vector<16xf32>,
        %gather3A_315 = tpu.vector_load_idx %arg28[%add3A_309, %broadcast_in_dim3A_16] : memref<128x8xf32, #tpu.memory_space<vmem>>[vector<16xi32>, vector<16xi32>], vector<16xf32>,
        %gather3A_316 = tpu.vector_load_idx %arg28[%add3A_309, %broadcast_in_dim3A_18] : memref<128x8xf32, #tpu.memory_space<vmem>>[vector<16xi32>, vector<16xi32>], vector<16xf32>,
        %sub3A_317 = arith.subf %gather3A_315, %gather3A_310 : vector<16xf32>
        %sub3A_318 = arith.subf %gather3A_316, %gather3A_311 : vector<16xf32>
        %mul3A_319 = arith.mulf %sub3A_317, %sub3A_317 : vector<16xf32>
        %mul3A_320 = arith.mulf %sub3A_318, %sub3A_318 : vector<16xf32>
        %add3A_321 = arith.addf %mul3A_319, %mul3A_320 : vector<16xf32>
        %mul3A_322 = arith.mulf %gather3A_312, %sub3A_317 : vector<16xf32>
        %mul3A_323 = arith.mulf %gather3A_313, %sub3A_318 : vector<16xf32>
        %add3A_324 = arith.addf %mul3A_322, %mul3A_323 : vector<16xf32>
        %max3A_325 = arith.constant 0.000000e+00 : f32
        %max3A_326 = vector.broadcast %max3A_325 : f32 to vector<16xf32>
        %max3A_327 = arith.maximumf %add3A_324, %max3A_326 : vector<16xf32>
        %bitcast3A_328 = vector.bitcast %add3A_321 : vector<16xf32> to vector<16xi32>
        %shift_right_arithmetic3A_329 = arith.constant 1 : i32
        %shift_right_arithmetic3A_330 = vector.broadcast %shift_right_arithmetic3A_329 : i32 to vector<16xi32>
        %shift_right_arithmetic3A_331 = arith.shrsi %bitcast3A_328, %shift_right_arithmetic3A_330 : vector<16xi32>
        %add3A_332 = arith.constant 532487669 : i32
        %add3A_333 = vector.broadcast %add3A_332 : i32 to vector<16xi32>
        %add3A_334 = arith.addi %shift_right_arithmetic3A_331, %add3A_333 : vector<16xi32>
        %bitcast3A_335 = vector.bitcast %add3A_334 : vector<16xi32> to vector<16xf32>
        %div3A_336 = arith.divf %add3A_321, %bitcast3A_335 : vector<16xf32>
        %add3A_337 = arith.addf %bitcast3A_335, %div3A_336 : vector<16xf32>
        %mul3A_338 = arith.constant 5.000000e-01 : f32
        %mul3A_339 = vector.broadcast %mul3A_338 : f32 to vector<16xf32>
        %mul3A_340 = arith.mulf %mul3A_339, %add3A_337 : vector<16xf32>
        %div3A_341 = arith.divf %add3A_321, %mul3A_340 : vector<16xf32>
        %add3A_342 = arith.addf %mul3A_340, %div3A_341 : vector<16xf32>
        %mul3A_343 = arith.constant 5.000000e-01 : f32
        %mul3A_344 = vector.broadcast %mul3A_343 : f32 to vector<16xf32>
        %mul3A_345 = arith.mulf %mul3A_344, %add3A_342 : vector<16xf32>
        %div3A_346 = arith.divf %add3A_321, %mul3A_345 : vector<16xf32>
        %add3A_347 = arith.addf %mul3A_345, %div3A_346 : vector<16xf32>
        %mul3A_348 = arith.constant 5.000000e-01 : f32
        %mul3A_349 = vector.broadcast %mul3A_348 : f32 to vector<16xf32>
        %mul3A_350 = arith.mulf %mul3A_349, %add3A_347 : vector<16xf32>
        %add3A_351 = arith.constant 9.99999997E-7 : f32
        %add3A_352 = vector.broadcast %add3A_351 : f32 to vector<16xf32>
        %add3A_353 = arith.addf %mul3A_350, %add3A_352 : vector<16xf32>
        %mul3A_354 = arith.mulf %add3A_353, %add3A_353 : vector<16xf32>
        %div3A_355 = arith.divf %max3A_327, %mul3A_354 : vector<16xf32>
        %mul3A_356 = arith.mulf %div3A_355, %gather3A_314 : vector<16xf32>
        %get3A_357 = arith.constant 16 : index
        %get3A_358 = tpu.vector_load %arg16[%get3A_357] {strides = array<i32>} : memref<128xi32, #tpu.memory_space<vmem>>, vector<16xi32>,
        %get3A_359 = arith.constant 16 : index
        %get3A_360 = tpu.vector_load %arg10[%get3A_359] {strides = array<i32>} : memref<128xi32, #tpu.memory_space<vmem>>, vector<16xi32>,
        tpu.vector_store_idx %arg29[%get3A_358], %mul3A_356 {add = true} : memref<100096xf32, #tpu.memory_space<vmem>>[vector<16xi32>], vector<16xf32>,
        %neg3A_361 = arith.constant 0.000000e+00 : f32
        %neg3A_362 = vector.broadcast %neg3A_361 : f32 to vector<16xf32>
        %neg3A_363 = arith.subf %neg3A_362, %mul3A_356 : vector<16xf32>
        tpu.vector_store_idx %arg29[%get3A_360], %neg3A_363 {add = true} : memref<100096xf32, #tpu.memory_space<vmem>>[vector<16xi32>], vector<16xf32>,
        %add3A_364 = arith.constant 32 : i32
        %add3A_365 = vector.broadcast %add3A_364 : i32 to vector<16xi32>
        %add3A_366 = arith.addi %iota3A, %add3A_365 : vector<16xi32>
        %gather3A_367 = tpu.vector_load_idx %arg22[%add3A_366, %broadcast_in_dim3A_16] : memref<128x8xf32, #tpu.memory_space<vmem>>[vector<16xi32>, vector<16xi32>], vector<16xf32>,
        %gather3A_368 = tpu.vector_load_idx %arg22[%add3A_366, %broadcast_in_dim3A_18] : memref<128x8xf32, #tpu.memory_space<vmem>>[vector<16xi32>, vector<16xi32>], vector<16xf32>,
        %gather3A_369 = tpu.vector_load_idx %arg22[%add3A_366, %broadcast_in_dim3A_20] : memref<128x8xf32, #tpu.memory_space<vmem>>[vector<16xi32>, vector<16xi32>], vector<16xf32>,
        %gather3A_370 = tpu.vector_load_idx %arg22[%add3A_366, %broadcast_in_dim3A_22] : memref<128x8xf32, #tpu.memory_space<vmem>>[vector<16xi32>, vector<16xi32>], vector<16xf32>,
        %gather3A_371 = tpu.vector_load_idx %arg22[%add3A_366, %broadcast_in_dim3A_24] : memref<128x8xf32, #tpu.memory_space<vmem>>[vector<16xi32>, vector<16xi32>], vector<16xf32>,
        %gather3A_372 = tpu.vector_load_idx %arg28[%add3A_366, %broadcast_in_dim3A_16] : memref<128x8xf32, #tpu.memory_space<vmem>>[vector<16xi32>, vector<16xi32>], vector<16xf32>,
        %gather3A_373 = tpu.vector_load_idx %arg28[%add3A_366, %broadcast_in_dim3A_18] : memref<128x8xf32, #tpu.memory_space<vmem>>[vector<16xi32>, vector<16xi32>], vector<16xf32>,
        %sub3A_374 = arith.subf %gather3A_372, %gather3A_367 : vector<16xf32>
        %sub3A_375 = arith.subf %gather3A_373, %gather3A_368 : vector<16xf32>
        %mul3A_376 = arith.mulf %sub3A_374, %sub3A_374 : vector<16xf32>
        %mul3A_377 = arith.mulf %sub3A_375, %sub3A_375 : vector<16xf32>
        %add3A_378 = arith.addf %mul3A_376, %mul3A_377 : vector<16xf32>
        %mul3A_379 = arith.mulf %gather3A_369, %sub3A_374 : vector<16xf32>
        %mul3A_380 = arith.mulf %gather3A_370, %sub3A_375 : vector<16xf32>
        %add3A_381 = arith.addf %mul3A_379, %mul3A_380 : vector<16xf32>
        %max3A_382 = arith.constant 0.000000e+00 : f32
        %max3A_383 = vector.broadcast %max3A_382 : f32 to vector<16xf32>
        %max3A_384 = arith.maximumf %add3A_381, %max3A_383 : vector<16xf32>
        %bitcast3A_385 = vector.bitcast %add3A_378 : vector<16xf32> to vector<16xi32>
        %shift_right_arithmetic3A_386 = arith.constant 1 : i32
        %shift_right_arithmetic3A_387 = vector.broadcast %shift_right_arithmetic3A_386 : i32 to vector<16xi32>
        %shift_right_arithmetic3A_388 = arith.shrsi %bitcast3A_385, %shift_right_arithmetic3A_387 : vector<16xi32>
        %add3A_389 = arith.constant 532487669 : i32
        %add3A_390 = vector.broadcast %add3A_389 : i32 to vector<16xi32>
        %add3A_391 = arith.addi %shift_right_arithmetic3A_388, %add3A_390 : vector<16xi32>
        %bitcast3A_392 = vector.bitcast %add3A_391 : vector<16xi32> to vector<16xf32>
        %div3A_393 = arith.divf %add3A_378, %bitcast3A_392 : vector<16xf32>
        %add3A_394 = arith.addf %bitcast3A_392, %div3A_393 : vector<16xf32>
        %mul3A_395 = arith.constant 5.000000e-01 : f32
        %mul3A_396 = vector.broadcast %mul3A_395 : f32 to vector<16xf32>
        %mul3A_397 = arith.mulf %mul3A_396, %add3A_394 : vector<16xf32>
        %div3A_398 = arith.divf %add3A_378, %mul3A_397 : vector<16xf32>
        %add3A_399 = arith.addf %mul3A_397, %div3A_398 : vector<16xf32>
        %mul3A_400 = arith.constant 5.000000e-01 : f32
        %mul3A_401 = vector.broadcast %mul3A_400 : f32 to vector<16xf32>
        %mul3A_402 = arith.mulf %mul3A_401, %add3A_399 : vector<16xf32>
        %div3A_403 = arith.divf %add3A_378, %mul3A_402 : vector<16xf32>
        %add3A_404 = arith.addf %mul3A_402, %div3A_403 : vector<16xf32>
        %mul3A_405 = arith.constant 5.000000e-01 : f32
        %mul3A_406 = vector.broadcast %mul3A_405 : f32 to vector<16xf32>
        %mul3A_407 = arith.mulf %mul3A_406, %add3A_404 : vector<16xf32>
        %add3A_408 = arith.constant 9.99999997E-7 : f32
        %add3A_409 = vector.broadcast %add3A_408 : f32 to vector<16xf32>
        %add3A_410 = arith.addf %mul3A_407, %add3A_409 : vector<16xf32>
        %mul3A_411 = arith.mulf %add3A_410, %add3A_410 : vector<16xf32>
        %div3A_412 = arith.divf %max3A_384, %mul3A_411 : vector<16xf32>
        %mul3A_413 = arith.mulf %div3A_412, %gather3A_371 : vector<16xf32>
        %get3A_414 = arith.constant 32 : index
        %get3A_415 = tpu.vector_load %arg16[%get3A_414] {strides = array<i32>} : memref<128xi32, #tpu.memory_space<vmem>>, vector<16xi32>,
        %get3A_416 = arith.constant 32 : index
        %get3A_417 = tpu.vector_load %arg10[%get3A_416] {strides = array<i32>} : memref<128xi32, #tpu.memory_space<vmem>>, vector<16xi32>,
        tpu.vector_store_idx %arg29[%get3A_415], %mul3A_413 {add = true} : memref<100096xf32, #tpu.memory_space<vmem>>[vector<16xi32>], vector<16xf32>,
        %neg3A_418 = arith.constant 0.000000e+00 : f32
        %neg3A_419 = vector.broadcast %neg3A_418 : f32 to vector<16xf32>
        %neg3A_420 = arith.subf %neg3A_419, %mul3A_413 : vector<16xf32>
        tpu.vector_store_idx %arg29[%get3A_417], %neg3A_420 {add = true} : memref<100096xf32, #tpu.memory_space<vmem>>[vector<16xi32>], vector<16xf32>,
        %add3A_421 = arith.constant 48 : i32
        %add3A_422 = vector.broadcast %add3A_421 : i32 to vector<16xi32>
        %add3A_423 = arith.addi %iota3A, %add3A_422 : vector<16xi32>
        %gather3A_424 = tpu.vector_load_idx %arg22[%add3A_423, %broadcast_in_dim3A_16] : memref<128x8xf32, #tpu.memory_space<vmem>>[vector<16xi32>, vector<16xi32>], vector<16xf32>,
        %gather3A_425 = tpu.vector_load_idx %arg22[%add3A_423, %broadcast_in_dim3A_18] : memref<128x8xf32, #tpu.memory_space<vmem>>[vector<16xi32>, vector<16xi32>], vector<16xf32>,
        %gather3A_426 = tpu.vector_load_idx %arg22[%add3A_423, %broadcast_in_dim3A_20] : memref<128x8xf32, #tpu.memory_space<vmem>>[vector<16xi32>, vector<16xi32>], vector<16xf32>,
        %gather3A_427 = tpu.vector_load_idx %arg22[%add3A_423, %broadcast_in_dim3A_22] : memref<128x8xf32, #tpu.memory_space<vmem>>[vector<16xi32>, vector<16xi32>], vector<16xf32>,
        %gather3A_428 = tpu.vector_load_idx %arg22[%add3A_423, %broadcast_in_dim3A_24] : memref<128x8xf32, #tpu.memory_space<vmem>>[vector<16xi32>, vector<16xi32>], vector<16xf32>,
        %gather3A_429 = tpu.vector_load_idx %arg28[%add3A_423, %broadcast_in_dim3A_16] : memref<128x8xf32, #tpu.memory_space<vmem>>[vector<16xi32>, vector<16xi32>], vector<16xf32>,
        %gather3A_430 = tpu.vector_load_idx %arg28[%add3A_423, %broadcast_in_dim3A_18] : memref<128x8xf32, #tpu.memory_space<vmem>>[vector<16xi32>, vector<16xi32>], vector<16xf32>,
        %sub3A_431 = arith.subf %gather3A_429, %gather3A_424 : vector<16xf32>
        %sub3A_432 = arith.subf %gather3A_430, %gather3A_425 : vector<16xf32>
        %mul3A_433 = arith.mulf %sub3A_431, %sub3A_431 : vector<16xf32>
        %mul3A_434 = arith.mulf %sub3A_432, %sub3A_432 : vector<16xf32>
        %add3A_435 = arith.addf %mul3A_433, %mul3A_434 : vector<16xf32>
        %mul3A_436 = arith.mulf %gather3A_426, %sub3A_431 : vector<16xf32>
        %mul3A_437 = arith.mulf %gather3A_427, %sub3A_432 : vector<16xf32>
        %add3A_438 = arith.addf %mul3A_436, %mul3A_437 : vector<16xf32>
        %max3A_439 = arith.constant 0.000000e+00 : f32
        %max3A_440 = vector.broadcast %max3A_439 : f32 to vector<16xf32>
        %max3A_441 = arith.maximumf %add3A_438, %max3A_440 : vector<16xf32>
        %bitcast3A_442 = vector.bitcast %add3A_435 : vector<16xf32> to vector<16xi32>
        %shift_right_arithmetic3A_443 = arith.constant 1 : i32
        %shift_right_arithmetic3A_444 = vector.broadcast %shift_right_arithmetic3A_443 : i32 to vector<16xi32>
        %shift_right_arithmetic3A_445 = arith.shrsi %bitcast3A_442, %shift_right_arithmetic3A_444 : vector<16xi32>
        %add3A_446 = arith.constant 532487669 : i32
        %add3A_447 = vector.broadcast %add3A_446 : i32 to vector<16xi32>
        %add3A_448 = arith.addi %shift_right_arithmetic3A_445, %add3A_447 : vector<16xi32>
        %bitcast3A_449 = vector.bitcast %add3A_448 : vector<16xi32> to vector<16xf32>
        %div3A_450 = arith.divf %add3A_435, %bitcast3A_449 : vector<16xf32>
        %add3A_451 = arith.addf %bitcast3A_449, %div3A_450 : vector<16xf32>
        %mul3A_452 = arith.constant 5.000000e-01 : f32
        %mul3A_453 = vector.broadcast %mul3A_452 : f32 to vector<16xf32>
        %mul3A_454 = arith.mulf %mul3A_453, %add3A_451 : vector<16xf32>
        %div3A_455 = arith.divf %add3A_435, %mul3A_454 : vector<16xf32>
        %add3A_456 = arith.addf %mul3A_454, %div3A_455 : vector<16xf32>
        %mul3A_457 = arith.constant 5.000000e-01 : f32
        %mul3A_458 = vector.broadcast %mul3A_457 : f32 to vector<16xf32>
        %mul3A_459 = arith.mulf %mul3A_458, %add3A_456 : vector<16xf32>
        %div3A_460 = arith.divf %add3A_435, %mul3A_459 : vector<16xf32>
        %add3A_461 = arith.addf %mul3A_459, %div3A_460 : vector<16xf32>
        %mul3A_462 = arith.constant 5.000000e-01 : f32
        %mul3A_463 = vector.broadcast %mul3A_462 : f32 to vector<16xf32>
        %mul3A_464 = arith.mulf %mul3A_463, %add3A_461 : vector<16xf32>
        %add3A_465 = arith.constant 9.99999997E-7 : f32
        %add3A_466 = vector.broadcast %add3A_465 : f32 to vector<16xf32>
        %add3A_467 = arith.addf %mul3A_464, %add3A_466 : vector<16xf32>
        %mul3A_468 = arith.mulf %add3A_467, %add3A_467 : vector<16xf32>
        %div3A_469 = arith.divf %max3A_441, %mul3A_468 : vector<16xf32>
        %mul3A_470 = arith.mulf %div3A_469, %gather3A_428 : vector<16xf32>
        %get3A_471 = arith.constant 48 : index
        %get3A_472 = tpu.vector_load %arg16[%get3A_471] {strides = array<i32>} : memref<128xi32, #tpu.memory_space<vmem>>, vector<16xi32>,
        %get3A_473 = arith.constant 48 : index
        %get3A_474 = tpu.vector_load %arg10[%get3A_473] {strides = array<i32>} : memref<128xi32, #tpu.memory_space<vmem>>, vector<16xi32>,
        tpu.vector_store_idx %arg29[%get3A_472], %mul3A_470 {add = true} : memref<100096xf32, #tpu.memory_space<vmem>>[vector<16xi32>], vector<16xf32>,
        %neg3A_475 = arith.constant 0.000000e+00 : f32
        %neg3A_476 = vector.broadcast %neg3A_475 : f32 to vector<16xf32>
        %neg3A_477 = arith.subf %neg3A_476, %mul3A_470 : vector<16xf32>
        tpu.vector_store_idx %arg29[%get3A_474], %neg3A_477 {add = true} : memref<100096xf32, #tpu.memory_space<vmem>>[vector<16xi32>], vector<16xf32>,
        %add3A_478 = arith.constant 64 : i32
        %add3A_479 = vector.broadcast %add3A_478 : i32 to vector<16xi32>
        %add3A_480 = arith.addi %iota3A, %add3A_479 : vector<16xi32>
        %gather3A_481 = tpu.vector_load_idx %arg22[%add3A_480, %broadcast_in_dim3A_16] : memref<128x8xf32, #tpu.memory_space<vmem>>[vector<16xi32>, vector<16xi32>], vector<16xf32>,
        %gather3A_482 = tpu.vector_load_idx %arg22[%add3A_480, %broadcast_in_dim3A_18] : memref<128x8xf32, #tpu.memory_space<vmem>>[vector<16xi32>, vector<16xi32>], vector<16xf32>,
        %gather3A_483 = tpu.vector_load_idx %arg22[%add3A_480, %broadcast_in_dim3A_20] : memref<128x8xf32, #tpu.memory_space<vmem>>[vector<16xi32>, vector<16xi32>], vector<16xf32>,
        %gather3A_484 = tpu.vector_load_idx %arg22[%add3A_480, %broadcast_in_dim3A_22] : memref<128x8xf32, #tpu.memory_space<vmem>>[vector<16xi32>, vector<16xi32>], vector<16xf32>,
        %gather3A_485 = tpu.vector_load_idx %arg22[%add3A_480, %broadcast_in_dim3A_24] : memref<128x8xf32, #tpu.memory_space<vmem>>[vector<16xi32>, vector<16xi32>], vector<16xf32>,
        %gather3A_486 = tpu.vector_load_idx %arg28[%add3A_480, %broadcast_in_dim3A_16] : memref<128x8xf32, #tpu.memory_space<vmem>>[vector<16xi32>, vector<16xi32>], vector<16xf32>,
        %gather3A_487 = tpu.vector_load_idx %arg28[%add3A_480, %broadcast_in_dim3A_18] : memref<128x8xf32, #tpu.memory_space<vmem>>[vector<16xi32>, vector<16xi32>], vector<16xf32>,
        %sub3A_488 = arith.subf %gather3A_486, %gather3A_481 : vector<16xf32>
        %sub3A_489 = arith.subf %gather3A_487, %gather3A_482 : vector<16xf32>
        %mul3A_490 = arith.mulf %sub3A_488, %sub3A_488 : vector<16xf32>
        %mul3A_491 = arith.mulf %sub3A_489, %sub3A_489 : vector<16xf32>
        %add3A_492 = arith.addf %mul3A_490, %mul3A_491 : vector<16xf32>
        %mul3A_493 = arith.mulf %gather3A_483, %sub3A_488 : vector<16xf32>
        %mul3A_494 = arith.mulf %gather3A_484, %sub3A_489 : vector<16xf32>
        %add3A_495 = arith.addf %mul3A_493, %mul3A_494 : vector<16xf32>
        %max3A_496 = arith.constant 0.000000e+00 : f32
        %max3A_497 = vector.broadcast %max3A_496 : f32 to vector<16xf32>
        %max3A_498 = arith.maximumf %add3A_495, %max3A_497 : vector<16xf32>
        %bitcast3A_499 = vector.bitcast %add3A_492 : vector<16xf32> to vector<16xi32>
        %shift_right_arithmetic3A_500 = arith.constant 1 : i32
        %shift_right_arithmetic3A_501 = vector.broadcast %shift_right_arithmetic3A_500 : i32 to vector<16xi32>
        %shift_right_arithmetic3A_502 = arith.shrsi %bitcast3A_499, %shift_right_arithmetic3A_501 : vector<16xi32>
        %add3A_503 = arith.constant 532487669 : i32
        %add3A_504 = vector.broadcast %add3A_503 : i32 to vector<16xi32>
        %add3A_505 = arith.addi %shift_right_arithmetic3A_502, %add3A_504 : vector<16xi32>
        %bitcast3A_506 = vector.bitcast %add3A_505 : vector<16xi32> to vector<16xf32>
        %div3A_507 = arith.divf %add3A_492, %bitcast3A_506 : vector<16xf32>
        %add3A_508 = arith.addf %bitcast3A_506, %div3A_507 : vector<16xf32>
        %mul3A_509 = arith.constant 5.000000e-01 : f32
        %mul3A_510 = vector.broadcast %mul3A_509 : f32 to vector<16xf32>
        %mul3A_511 = arith.mulf %mul3A_510, %add3A_508 : vector<16xf32>
        %div3A_512 = arith.divf %add3A_492, %mul3A_511 : vector<16xf32>
        %add3A_513 = arith.addf %mul3A_511, %div3A_512 : vector<16xf32>
        %mul3A_514 = arith.constant 5.000000e-01 : f32
        %mul3A_515 = vector.broadcast %mul3A_514 : f32 to vector<16xf32>
        %mul3A_516 = arith.mulf %mul3A_515, %add3A_513 : vector<16xf32>
        %div3A_517 = arith.divf %add3A_492, %mul3A_516 : vector<16xf32>
        %add3A_518 = arith.addf %mul3A_516, %div3A_517 : vector<16xf32>
        %mul3A_519 = arith.constant 5.000000e-01 : f32
        %mul3A_520 = vector.broadcast %mul3A_519 : f32 to vector<16xf32>
        %mul3A_521 = arith.mulf %mul3A_520, %add3A_518 : vector<16xf32>
        %add3A_522 = arith.constant 9.99999997E-7 : f32
        %add3A_523 = vector.broadcast %add3A_522 : f32 to vector<16xf32>
        %add3A_524 = arith.addf %mul3A_521, %add3A_523 : vector<16xf32>
        %mul3A_525 = arith.mulf %add3A_524, %add3A_524 : vector<16xf32>
        %div3A_526 = arith.divf %max3A_498, %mul3A_525 : vector<16xf32>
        %mul3A_527 = arith.mulf %div3A_526, %gather3A_485 : vector<16xf32>
        %get3A_528 = arith.constant 64 : index
        %get3A_529 = tpu.vector_load %arg16[%get3A_528] {strides = array<i32>} : memref<128xi32, #tpu.memory_space<vmem>>, vector<16xi32>,
        %get3A_530 = arith.constant 64 : index
        %get3A_531 = tpu.vector_load %arg10[%get3A_530] {strides = array<i32>} : memref<128xi32, #tpu.memory_space<vmem>>, vector<16xi32>,
        tpu.vector_store_idx %arg29[%get3A_529], %mul3A_527 {add = true} : memref<100096xf32, #tpu.memory_space<vmem>>[vector<16xi32>], vector<16xf32>,
        %neg3A_532 = arith.constant 0.000000e+00 : f32
        %neg3A_533 = vector.broadcast %neg3A_532 : f32 to vector<16xf32>
        %neg3A_534 = arith.subf %neg3A_533, %mul3A_527 : vector<16xf32>
        tpu.vector_store_idx %arg29[%get3A_531], %neg3A_534 {add = true} : memref<100096xf32, #tpu.memory_space<vmem>>[vector<16xi32>], vector<16xf32>,
        %add3A_535 = arith.constant 80 : i32
        %add3A_536 = vector.broadcast %add3A_535 : i32 to vector<16xi32>
        %add3A_537 = arith.addi %iota3A, %add3A_536 : vector<16xi32>
        %gather3A_538 = tpu.vector_load_idx %arg22[%add3A_537, %broadcast_in_dim3A_16] : memref<128x8xf32, #tpu.memory_space<vmem>>[vector<16xi32>, vector<16xi32>], vector<16xf32>,
        %gather3A_539 = tpu.vector_load_idx %arg22[%add3A_537, %broadcast_in_dim3A_18] : memref<128x8xf32, #tpu.memory_space<vmem>>[vector<16xi32>, vector<16xi32>], vector<16xf32>,
        %gather3A_540 = tpu.vector_load_idx %arg22[%add3A_537, %broadcast_in_dim3A_20] : memref<128x8xf32, #tpu.memory_space<vmem>>[vector<16xi32>, vector<16xi32>], vector<16xf32>,
        %gather3A_541 = tpu.vector_load_idx %arg22[%add3A_537, %broadcast_in_dim3A_22] : memref<128x8xf32, #tpu.memory_space<vmem>>[vector<16xi32>, vector<16xi32>], vector<16xf32>,
        %gather3A_542 = tpu.vector_load_idx %arg22[%add3A_537, %broadcast_in_dim3A_24] : memref<128x8xf32, #tpu.memory_space<vmem>>[vector<16xi32>, vector<16xi32>], vector<16xf32>,
        %gather3A_543 = tpu.vector_load_idx %arg28[%add3A_537, %broadcast_in_dim3A_16] : memref<128x8xf32, #tpu.memory_space<vmem>>[vector<16xi32>, vector<16xi32>], vector<16xf32>,
        %gather3A_544 = tpu.vector_load_idx %arg28[%add3A_537, %broadcast_in_dim3A_18] : memref<128x8xf32, #tpu.memory_space<vmem>>[vector<16xi32>, vector<16xi32>], vector<16xf32>,
        %sub3A_545 = arith.subf %gather3A_543, %gather3A_538 : vector<16xf32>
        %sub3A_546 = arith.subf %gather3A_544, %gather3A_539 : vector<16xf32>
        %mul3A_547 = arith.mulf %sub3A_545, %sub3A_545 : vector<16xf32>
        %mul3A_548 = arith.mulf %sub3A_546, %sub3A_546 : vector<16xf32>
        %add3A_549 = arith.addf %mul3A_547, %mul3A_548 : vector<16xf32>
        %mul3A_550 = arith.mulf %gather3A_540, %sub3A_545 : vector<16xf32>
        %mul3A_551 = arith.mulf %gather3A_541, %sub3A_546 : vector<16xf32>
        %add3A_552 = arith.addf %mul3A_550, %mul3A_551 : vector<16xf32>
        %max3A_553 = arith.constant 0.000000e+00 : f32
        %max3A_554 = vector.broadcast %max3A_553 : f32 to vector<16xf32>
        %max3A_555 = arith.maximumf %add3A_552, %max3A_554 : vector<16xf32>
        %bitcast3A_556 = vector.bitcast %add3A_549 : vector<16xf32> to vector<16xi32>
        %shift_right_arithmetic3A_557 = arith.constant 1 : i32
        %shift_right_arithmetic3A_558 = vector.broadcast %shift_right_arithmetic3A_557 : i32 to vector<16xi32>
        %shift_right_arithmetic3A_559 = arith.shrsi %bitcast3A_556, %shift_right_arithmetic3A_558 : vector<16xi32>
        %add3A_560 = arith.constant 532487669 : i32
        %add3A_561 = vector.broadcast %add3A_560 : i32 to vector<16xi32>
        %add3A_562 = arith.addi %shift_right_arithmetic3A_559, %add3A_561 : vector<16xi32>
        %bitcast3A_563 = vector.bitcast %add3A_562 : vector<16xi32> to vector<16xf32>
        %div3A_564 = arith.divf %add3A_549, %bitcast3A_563 : vector<16xf32>
        %add3A_565 = arith.addf %bitcast3A_563, %div3A_564 : vector<16xf32>
        %mul3A_566 = arith.constant 5.000000e-01 : f32
        %mul3A_567 = vector.broadcast %mul3A_566 : f32 to vector<16xf32>
        %mul3A_568 = arith.mulf %mul3A_567, %add3A_565 : vector<16xf32>
        %div3A_569 = arith.divf %add3A_549, %mul3A_568 : vector<16xf32>
        %add3A_570 = arith.addf %mul3A_568, %div3A_569 : vector<16xf32>
        %mul3A_571 = arith.constant 5.000000e-01 : f32
        %mul3A_572 = vector.broadcast %mul3A_571 : f32 to vector<16xf32>
        %mul3A_573 = arith.mulf %mul3A_572, %add3A_570 : vector<16xf32>
        %div3A_574 = arith.divf %add3A_549, %mul3A_573 : vector<16xf32>
        %add3A_575 = arith.addf %mul3A_573, %div3A_574 : vector<16xf32>
        %mul3A_576 = arith.constant 5.000000e-01 : f32
        %mul3A_577 = vector.broadcast %mul3A_576 : f32 to vector<16xf32>
        %mul3A_578 = arith.mulf %mul3A_577, %add3A_575 : vector<16xf32>
        %add3A_579 = arith.constant 9.99999997E-7 : f32
        %add3A_580 = vector.broadcast %add3A_579 : f32 to vector<16xf32>
        %add3A_581 = arith.addf %mul3A_578, %add3A_580 : vector<16xf32>
        %mul3A_582 = arith.mulf %add3A_581, %add3A_581 : vector<16xf32>
        %div3A_583 = arith.divf %max3A_555, %mul3A_582 : vector<16xf32>
        %mul3A_584 = arith.mulf %div3A_583, %gather3A_542 : vector<16xf32>
        %get3A_585 = arith.constant 80 : index
        %get3A_586 = tpu.vector_load %arg16[%get3A_585] {strides = array<i32>} : memref<128xi32, #tpu.memory_space<vmem>>, vector<16xi32>,
        %get3A_587 = arith.constant 80 : index
        %get3A_588 = tpu.vector_load %arg10[%get3A_587] {strides = array<i32>} : memref<128xi32, #tpu.memory_space<vmem>>, vector<16xi32>,
        tpu.vector_store_idx %arg29[%get3A_586], %mul3A_584 {add = true} : memref<100096xf32, #tpu.memory_space<vmem>>[vector<16xi32>], vector<16xf32>,
        %neg3A_589 = arith.constant 0.000000e+00 : f32
        %neg3A_590 = vector.broadcast %neg3A_589 : f32 to vector<16xf32>
        %neg3A_591 = arith.subf %neg3A_590, %mul3A_584 : vector<16xf32>
        tpu.vector_store_idx %arg29[%get3A_588], %neg3A_591 {add = true} : memref<100096xf32, #tpu.memory_space<vmem>>[vector<16xi32>], vector<16xf32>,
        %add3A_592 = arith.constant 96 : i32
        %add3A_593 = vector.broadcast %add3A_592 : i32 to vector<16xi32>
        %add3A_594 = arith.addi %iota3A, %add3A_593 : vector<16xi32>
        %gather3A_595 = tpu.vector_load_idx %arg22[%add3A_594, %broadcast_in_dim3A_16] : memref<128x8xf32, #tpu.memory_space<vmem>>[vector<16xi32>, vector<16xi32>], vector<16xf32>,
        %gather3A_596 = tpu.vector_load_idx %arg22[%add3A_594, %broadcast_in_dim3A_18] : memref<128x8xf32, #tpu.memory_space<vmem>>[vector<16xi32>, vector<16xi32>], vector<16xf32>,
        %gather3A_597 = tpu.vector_load_idx %arg22[%add3A_594, %broadcast_in_dim3A_20] : memref<128x8xf32, #tpu.memory_space<vmem>>[vector<16xi32>, vector<16xi32>], vector<16xf32>,
        %gather3A_598 = tpu.vector_load_idx %arg22[%add3A_594, %broadcast_in_dim3A_22] : memref<128x8xf32, #tpu.memory_space<vmem>>[vector<16xi32>, vector<16xi32>], vector<16xf32>,
        %gather3A_599 = tpu.vector_load_idx %arg22[%add3A_594, %broadcast_in_dim3A_24] : memref<128x8xf32, #tpu.memory_space<vmem>>[vector<16xi32>, vector<16xi32>], vector<16xf32>,
        %gather3A_600 = tpu.vector_load_idx %arg28[%add3A_594, %broadcast_in_dim3A_16] : memref<128x8xf32, #tpu.memory_space<vmem>>[vector<16xi32>, vector<16xi32>], vector<16xf32>,
        %gather3A_601 = tpu.vector_load_idx %arg28[%add3A_594, %broadcast_in_dim3A_18] : memref<128x8xf32, #tpu.memory_space<vmem>>[vector<16xi32>, vector<16xi32>], vector<16xf32>,
        %sub3A_602 = arith.subf %gather3A_600, %gather3A_595 : vector<16xf32>
        %sub3A_603 = arith.subf %gather3A_601, %gather3A_596 : vector<16xf32>
        %mul3A_604 = arith.mulf %sub3A_602, %sub3A_602 : vector<16xf32>
        %mul3A_605 = arith.mulf %sub3A_603, %sub3A_603 : vector<16xf32>
        %add3A_606 = arith.addf %mul3A_604, %mul3A_605 : vector<16xf32>
        %mul3A_607 = arith.mulf %gather3A_597, %sub3A_602 : vector<16xf32>
        %mul3A_608 = arith.mulf %gather3A_598, %sub3A_603 : vector<16xf32>
        %add3A_609 = arith.addf %mul3A_607, %mul3A_608 : vector<16xf32>
        %max3A_610 = arith.constant 0.000000e+00 : f32
        %max3A_611 = vector.broadcast %max3A_610 : f32 to vector<16xf32>
        %max3A_612 = arith.maximumf %add3A_609, %max3A_611 : vector<16xf32>
        %bitcast3A_613 = vector.bitcast %add3A_606 : vector<16xf32> to vector<16xi32>
        %shift_right_arithmetic3A_614 = arith.constant 1 : i32
        %shift_right_arithmetic3A_615 = vector.broadcast %shift_right_arithmetic3A_614 : i32 to vector<16xi32>
        %shift_right_arithmetic3A_616 = arith.shrsi %bitcast3A_613, %shift_right_arithmetic3A_615 : vector<16xi32>
        %add3A_617 = arith.constant 532487669 : i32
        %add3A_618 = vector.broadcast %add3A_617 : i32 to vector<16xi32>
        %add3A_619 = arith.addi %shift_right_arithmetic3A_616, %add3A_618 : vector<16xi32>
        %bitcast3A_620 = vector.bitcast %add3A_619 : vector<16xi32> to vector<16xf32>
        %div3A_621 = arith.divf %add3A_606, %bitcast3A_620 : vector<16xf32>
        %add3A_622 = arith.addf %bitcast3A_620, %div3A_621 : vector<16xf32>
        %mul3A_623 = arith.constant 5.000000e-01 : f32
        %mul3A_624 = vector.broadcast %mul3A_623 : f32 to vector<16xf32>
        %mul3A_625 = arith.mulf %mul3A_624, %add3A_622 : vector<16xf32>
        %div3A_626 = arith.divf %add3A_606, %mul3A_625 : vector<16xf32>
        %add3A_627 = arith.addf %mul3A_625, %div3A_626 : vector<16xf32>
        %mul3A_628 = arith.constant 5.000000e-01 : f32
        %mul3A_629 = vector.broadcast %mul3A_628 : f32 to vector<16xf32>
        %mul3A_630 = arith.mulf %mul3A_629, %add3A_627 : vector<16xf32>
        %div3A_631 = arith.divf %add3A_606, %mul3A_630 : vector<16xf32>
        %add3A_632 = arith.addf %mul3A_630, %div3A_631 : vector<16xf32>
        %mul3A_633 = arith.constant 5.000000e-01 : f32
        %mul3A_634 = vector.broadcast %mul3A_633 : f32 to vector<16xf32>
        %mul3A_635 = arith.mulf %mul3A_634, %add3A_632 : vector<16xf32>
        %add3A_636 = arith.constant 9.99999997E-7 : f32
        %add3A_637 = vector.broadcast %add3A_636 : f32 to vector<16xf32>
        %add3A_638 = arith.addf %mul3A_635, %add3A_637 : vector<16xf32>
        %mul3A_639 = arith.mulf %add3A_638, %add3A_638 : vector<16xf32>
        %div3A_640 = arith.divf %max3A_612, %mul3A_639 : vector<16xf32>
        %mul3A_641 = arith.mulf %div3A_640, %gather3A_599 : vector<16xf32>
        %get3A_642 = arith.constant 96 : index
        %get3A_643 = tpu.vector_load %arg16[%get3A_642] {strides = array<i32>} : memref<128xi32, #tpu.memory_space<vmem>>, vector<16xi32>,
        %get3A_644 = arith.constant 96 : index
        %get3A_645 = tpu.vector_load %arg10[%get3A_644] {strides = array<i32>} : memref<128xi32, #tpu.memory_space<vmem>>, vector<16xi32>,
        tpu.vector_store_idx %arg29[%get3A_643], %mul3A_641 {add = true} : memref<100096xf32, #tpu.memory_space<vmem>>[vector<16xi32>], vector<16xf32>,
        %neg3A_646 = arith.constant 0.000000e+00 : f32
        %neg3A_647 = vector.broadcast %neg3A_646 : f32 to vector<16xf32>
        %neg3A_648 = arith.subf %neg3A_647, %mul3A_641 : vector<16xf32>
        tpu.vector_store_idx %arg29[%get3A_645], %neg3A_648 {add = true} : memref<100096xf32, #tpu.memory_space<vmem>>[vector<16xi32>], vector<16xf32>,
        %add3A_649 = arith.constant 112 : i32
        %add3A_650 = vector.broadcast %add3A_649 : i32 to vector<16xi32>
        %add3A_651 = arith.addi %iota3A, %add3A_650 : vector<16xi32>
        %gather3A_652 = tpu.vector_load_idx %arg22[%add3A_651, %broadcast_in_dim3A_16] : memref<128x8xf32, #tpu.memory_space<vmem>>[vector<16xi32>, vector<16xi32>], vector<16xf32>,
        %gather3A_653 = tpu.vector_load_idx %arg22[%add3A_651, %broadcast_in_dim3A_18] : memref<128x8xf32, #tpu.memory_space<vmem>>[vector<16xi32>, vector<16xi32>], vector<16xf32>,
        %gather3A_654 = tpu.vector_load_idx %arg22[%add3A_651, %broadcast_in_dim3A_20] : memref<128x8xf32, #tpu.memory_space<vmem>>[vector<16xi32>, vector<16xi32>], vector<16xf32>,
        %gather3A_655 = tpu.vector_load_idx %arg22[%add3A_651, %broadcast_in_dim3A_22] : memref<128x8xf32, #tpu.memory_space<vmem>>[vector<16xi32>, vector<16xi32>], vector<16xf32>,
        %gather3A_656 = tpu.vector_load_idx %arg22[%add3A_651, %broadcast_in_dim3A_24] : memref<128x8xf32, #tpu.memory_space<vmem>>[vector<16xi32>, vector<16xi32>], vector<16xf32>,
        %gather3A_657 = tpu.vector_load_idx %arg28[%add3A_651, %broadcast_in_dim3A_16] : memref<128x8xf32, #tpu.memory_space<vmem>>[vector<16xi32>, vector<16xi32>], vector<16xf32>,
        %gather3A_658 = tpu.vector_load_idx %arg28[%add3A_651, %broadcast_in_dim3A_18] : memref<128x8xf32, #tpu.memory_space<vmem>>[vector<16xi32>, vector<16xi32>], vector<16xf32>,
        %sub3A_659 = arith.subf %gather3A_657, %gather3A_652 : vector<16xf32>
        %sub3A_660 = arith.subf %gather3A_658, %gather3A_653 : vector<16xf32>
        %mul3A_661 = arith.mulf %sub3A_659, %sub3A_659 : vector<16xf32>
        %mul3A_662 = arith.mulf %sub3A_660, %sub3A_660 : vector<16xf32>
        %add3A_663 = arith.addf %mul3A_661, %mul3A_662 : vector<16xf32>
        %mul3A_664 = arith.mulf %gather3A_654, %sub3A_659 : vector<16xf32>
        %mul3A_665 = arith.mulf %gather3A_655, %sub3A_660 : vector<16xf32>
        %add3A_666 = arith.addf %mul3A_664, %mul3A_665 : vector<16xf32>
        %max3A_667 = arith.constant 0.000000e+00 : f32
        %max3A_668 = vector.broadcast %max3A_667 : f32 to vector<16xf32>
        %max3A_669 = arith.maximumf %add3A_666, %max3A_668 : vector<16xf32>
        %bitcast3A_670 = vector.bitcast %add3A_663 : vector<16xf32> to vector<16xi32>
        %shift_right_arithmetic3A_671 = arith.constant 1 : i32
        %shift_right_arithmetic3A_672 = vector.broadcast %shift_right_arithmetic3A_671 : i32 to vector<16xi32>
        %shift_right_arithmetic3A_673 = arith.shrsi %bitcast3A_670, %shift_right_arithmetic3A_672 : vector<16xi32>
        %add3A_674 = arith.constant 532487669 : i32
        %add3A_675 = vector.broadcast %add3A_674 : i32 to vector<16xi32>
        %add3A_676 = arith.addi %shift_right_arithmetic3A_673, %add3A_675 : vector<16xi32>
        %bitcast3A_677 = vector.bitcast %add3A_676 : vector<16xi32> to vector<16xf32>
        %div3A_678 = arith.divf %add3A_663, %bitcast3A_677 : vector<16xf32>
        %add3A_679 = arith.addf %bitcast3A_677, %div3A_678 : vector<16xf32>
        %mul3A_680 = arith.constant 5.000000e-01 : f32
        %mul3A_681 = vector.broadcast %mul3A_680 : f32 to vector<16xf32>
        %mul3A_682 = arith.mulf %mul3A_681, %add3A_679 : vector<16xf32>
        %div3A_683 = arith.divf %add3A_663, %mul3A_682 : vector<16xf32>
        %add3A_684 = arith.addf %mul3A_682, %div3A_683 : vector<16xf32>
        %mul3A_685 = arith.constant 5.000000e-01 : f32
        %mul3A_686 = vector.broadcast %mul3A_685 : f32 to vector<16xf32>
        %mul3A_687 = arith.mulf %mul3A_686, %add3A_684 : vector<16xf32>
        %div3A_688 = arith.divf %add3A_663, %mul3A_687 : vector<16xf32>
        %add3A_689 = arith.addf %mul3A_687, %div3A_688 : vector<16xf32>
        %mul3A_690 = arith.constant 5.000000e-01 : f32
        %mul3A_691 = vector.broadcast %mul3A_690 : f32 to vector<16xf32>
        %mul3A_692 = arith.mulf %mul3A_691, %add3A_689 : vector<16xf32>
        %add3A_693 = arith.constant 9.99999997E-7 : f32
        %add3A_694 = vector.broadcast %add3A_693 : f32 to vector<16xf32>
        %add3A_695 = arith.addf %mul3A_692, %add3A_694 : vector<16xf32>
        %mul3A_696 = arith.mulf %add3A_695, %add3A_695 : vector<16xf32>
        %div3A_697 = arith.divf %max3A_669, %mul3A_696 : vector<16xf32>
        %mul3A_698 = arith.mulf %div3A_697, %gather3A_656 : vector<16xf32>
        %get3A_699 = arith.constant 112 : index
        %get3A_700 = tpu.vector_load %arg16[%get3A_699] {strides = array<i32>} : memref<128xi32, #tpu.memory_space<vmem>>, vector<16xi32>,
        %get3A_701 = arith.constant 112 : index
        %get3A_702 = tpu.vector_load %arg10[%get3A_701] {strides = array<i32>} : memref<128xi32, #tpu.memory_space<vmem>>, vector<16xi32>,
        tpu.vector_store_idx %arg29[%get3A_700], %mul3A_698 {add = true} : memref<100096xf32, #tpu.memory_space<vmem>>[vector<16xi32>], vector<16xf32>,
        %neg3A_703 = arith.constant 0.000000e+00 : f32
        %neg3A_704 = vector.broadcast %neg3A_703 : f32 to vector<16xf32>
        %neg3A_705 = arith.subf %neg3A_704, %mul3A_698 : vector<16xf32>
        tpu.vector_store_idx %arg29[%get3A_702], %neg3A_705 {add = true} : memref<100096xf32, #tpu.memory_space<vmem>>[vector<16xi32>], vector<16xf32>,
      } else {
      }
    }
    %scan3A_132 = arith.constant 66 : i32
    "tpu.region"() ({
      %run_scoped3A = tpu.sem_alloc : memref<!tpu.dma_semaphore, #tpu.memory_space<semaphore_mem>>
      %dma_start3A_133 = arith.constant 0 : i32
      %dma_start3A_134 = tpu.memref_slice %arg4[%add3A, %dma_start3A_133] : memref<32x100096xf32, #tpu.memory_space<hbm>> -> memref<1x100096xf32, #tpu.memory_space<hbm>>
      %dma_start3A_135 = tpu.memref_squeeze %dma_start3A_134 : memref<1x100096xf32, #tpu.memory_space<hbm>> -> memref<100096xf32, #tpu.memory_space<hbm>>
      %dma_start3A_136 = arith.constant 0 : i32
      %dma_start3A_137 = tpu.memref_slice %arg4[%add3A, %dma_start3A_136] : memref<32x100096xf32, #tpu.memory_space<hbm>> -> memref<1x100096xf32, #tpu.memory_space<hbm>>
      %dma_start3A_138 = tpu.memref_squeeze %dma_start3A_137 : memref<1x100096xf32, #tpu.memory_space<hbm>> -> memref<100096xf32, #tpu.memory_space<hbm>>
      tpu.enqueue_dma source(%arg29 : memref<100096xf32, #tpu.memory_space<vmem>>) target(%dma_start3A_138 : memref<100096xf32, #tpu.memory_space<hbm>>) target_semaphore(%run_scoped3A : memref<!tpu.dma_semaphore, #tpu.memory_space<semaphore_mem>>)
      %dma_wait3A_139 = arith.constant 0 : i32
      %dma_wait3A_140 = tpu.memref_slice %arg4[%add3A, %dma_wait3A_139] : memref<32x100096xf32, #tpu.memory_space<hbm>> -> memref<1x100096xf32, #tpu.memory_space<hbm>>
      %dma_wait3A_141 = tpu.memref_squeeze %dma_wait3A_140 : memref<1x100096xf32, #tpu.memory_space<hbm>> -> memref<100096xf32, #tpu.memory_space<hbm>>
      %dma_wait3A_142 = arith.constant 0 : i32
      %dma_wait3A_143 = tpu.memref_slice %arg4[%add3A, %dma_wait3A_142] : memref<32x100096xf32, #tpu.memory_space<hbm>> -> memref<1x100096xf32, #tpu.memory_space<hbm>>
      %dma_wait3A_144 = tpu.memref_squeeze %dma_wait3A_143 : memref<1x100096xf32, #tpu.memory_space<hbm>> -> memref<100096xf32, #tpu.memory_space<hbm>>
      tpu.wait_dma2 semaphore(%run_scoped3A : memref<!tpu.dma_semaphore, #tpu.memory_space<semaphore_mem>>) src(%arg29 : memref<100096xf32, #tpu.memory_space<vmem>>) dst(%dma_wait3A_144 : memref<100096xf32, #tpu.memory_space<hbm>>)
      tpu.yield
    }) : () -> ()
    return
  }
}

module attributes {stable_mosaic.version = 14 : i64} {
  func.func @body(%arg0: memref<3125x128xf32, #tpu.memory_space<vmem>>, %arg1: memref<3125x64xf32, #tpu.memory_space<vmem>>, %arg2: memref<4x64xf32, #tpu.memory_space<vmem>>, %arg3: memref<1x64xf32, #tpu.memory_space<vmem>>, %arg4: memref<64x1xf32, #tpu.memory_space<vmem>>, %arg5: memref<64x256xf32, #tpu.memory_space<vmem>>, %arg6: memref<128x256xf32, #tpu.memory_space<vmem>>, %arg7: memref<128x256xf32, #tpu.memory_space<vmem>>, %arg8: memref<1x256xf32, #tpu.memory_space<vmem>>, %arg9: memref<3125x256xf32, #tpu.memory_space<vmem>>) attributes {dimension_semantics = [], scalar_prefetch = 0 : i64, scratch_operands = 0 : i64, tpu.core_type = #tpu.core_type<tc>} {
    %get3A = arith.constant 0 : index
    %get3A_0 = arith.constant 0 : index
    %get3A_1 = vector.load %arg2[%get3A, %get3A_0] : memref<4x64xf32, #tpu.memory_space<vmem>>, vector<4x64xf32>
    %get3A_2 = arith.constant 0 : index
    %get3A_3 = arith.constant 0 : index
    %get3A_4 = vector.load %arg4[%get3A_2, %get3A_3] : memref<64x1xf32, #tpu.memory_space<vmem>>, vector<64x1xf32>
    %dot_general3A = arith.constant dense<0.000000e+00> : vector<4x1xf32>
    %dot_general3A_5 = tpu.matmul %get3A_1, %get3A_4, %dot_general3A {dimension_numbers = #tpu.dot_dimension_numbers<[1], [0], [0], [1], [0, 0, 1, 1], [], []>, precision = #tpu.contract_precision<fp32>, transpose_lhs_hint = false} : vector<4x64xf32>, vector<64x1xf32>, vector<4x1xf32> -> vector<4x1xf32>
    %get3A_6 = arith.constant 0 : index
    %get3A_7 = arith.constant 0 : index
    %get3A_8 = vector.load %arg3[%get3A_6, %get3A_7] : memref<1x64xf32, #tpu.memory_space<vmem>>, vector<1x64xf32>
    %get3A_9 = arith.constant 0 : index
    %get3A_10 = arith.constant 0 : index
    %get3A_11 = vector.load %arg4[%get3A_9, %get3A_10] : memref<64x1xf32, #tpu.memory_space<vmem>>, vector<64x1xf32>
    %dot_general3A_12 = arith.constant dense<0.000000e+00> : vector<1x1xf32>
    %dot_general3A_13 = tpu.matmul %get3A_8, %get3A_11, %dot_general3A_12 {dimension_numbers = #tpu.dot_dimension_numbers<[1], [0], [0], [1], [0, 0, 1, 1], [], []>, precision = #tpu.contract_precision<fp32>, transpose_lhs_hint = false} : vector<1x64xf32>, vector<64x1xf32>, vector<1x1xf32> -> vector<1x1xf32>
    %get3A_14 = arith.constant 0 : index
    %get3A_15 = arith.constant 0 : index
    %get3A_16 = vector.load %arg6[%get3A_14, %get3A_15] : memref<128x256xf32, #tpu.memory_space<vmem>>, vector<128x256xf32>
    %get3A_17 = arith.constant 0 : index
    %get3A_18 = arith.constant 0 : index
    %get3A_19 = vector.load %arg7[%get3A_17, %get3A_18] : memref<128x256xf32, #tpu.memory_space<vmem>>, vector<128x256xf32>
    %tile3A = tpu.concatenate %dot_general3A_5, %dot_general3A_5, %dot_general3A_5, %dot_general3A_5, %dot_general3A_5, %dot_general3A_5, %dot_general3A_5, %dot_general3A_5, %dot_general3A_5, %dot_general3A_5, %dot_general3A_5, %dot_general3A_5, %dot_general3A_5, %dot_general3A_5, %dot_general3A_5, %dot_general3A_5, %dot_general3A_5, %dot_general3A_5, %dot_general3A_5, %dot_general3A_5, %dot_general3A_5, %dot_general3A_5, %dot_general3A_5, %dot_general3A_5, %dot_general3A_5, %dot_general3A_5, %dot_general3A_5, %dot_general3A_5, %dot_general3A_5, %dot_general3A_5, %dot_general3A_5, %dot_general3A_5 in 0 : vector<4x1xf32>, vector<4x1xf32>, vector<4x1xf32>, vector<4x1xf32>, vector<4x1xf32>, vector<4x1xf32>, vector<4x1xf32>, vector<4x1xf32>, vector<4x1xf32>, vector<4x1xf32>, vector<4x1xf32>, vector<4x1xf32>, vector<4x1xf32>, vector<4x1xf32>, vector<4x1xf32>, vector<4x1xf32>, vector<4x1xf32>, vector<4x1xf32>, vector<4x1xf32>, vector<4x1xf32>, vector<4x1xf32>, vector<4x1xf32>, vector<4x1xf32>, vector<4x1xf32>, vector<4x1xf32>, vector<4x1xf32>, vector<4x1xf32>, vector<4x1xf32>, vector<4x1xf32>, vector<4x1xf32>, vector<4x1xf32>, vector<4x1xf32> -> vector<128x1xf32>
    %mul3A = vector.broadcast %tile3A : vector<128x1xf32> to vector<128x256xf32>
    %mul3A_20 = arith.mulf %get3A_19, %mul3A : vector<128x256xf32>
    %add3A = arith.addf %get3A_16, %mul3A_20 : vector<128x256xf32>
    %get3A_21 = arith.constant 0 : index
    %get3A_22 = arith.constant 0 : index
    %get3A_23 = vector.load %arg1[%get3A_21, %get3A_22] : memref<3125x64xf32, #tpu.memory_space<vmem>>, vector<3125x64xf32>
    %get3A_24 = arith.constant 0 : index
    %get3A_25 = arith.constant 0 : index
    %get3A_26 = vector.load %arg5[%get3A_24, %get3A_25] : memref<64x256xf32, #tpu.memory_space<vmem>>, vector<64x256xf32>
    %dot_general3A_27 = arith.constant dense<0.000000e+00> : vector<3125x256xf32>
    %dot_general3A_28 = tpu.matmul %get3A_23, %get3A_26, %dot_general3A_27 {dimension_numbers = #tpu.dot_dimension_numbers<[1], [0], [0], [1], [0, 0, 1, 1], [], []>, precision = #tpu.contract_precision<fp32>, transpose_lhs_hint = false} : vector<3125x64xf32>, vector<64x256xf32>, vector<3125x256xf32> -> vector<3125x256xf32>
    %get3A_29 = arith.constant 0 : index
    %get3A_30 = arith.constant 0 : index
    %get3A_31 = vector.load %arg0[%get3A_29, %get3A_30] : memref<3125x128xf32, #tpu.memory_space<vmem>>, vector<3125x128xf32>
    %dot_general3A_32 = arith.constant dense<0.000000e+00> : vector<3125x256xf32>
    %dot_general3A_33 = tpu.matmul %get3A_31, %add3A, %dot_general3A_32 {dimension_numbers = #tpu.dot_dimension_numbers<[1], [0], [0], [1], [0, 0, 1, 1], [], []>, precision = #tpu.contract_precision<fp32>, transpose_lhs_hint = false} : vector<3125x128xf32>, vector<128x256xf32>, vector<3125x256xf32> -> vector<3125x256xf32>
    %add3A_34 = arith.addf %dot_general3A_28, %dot_general3A_33 : vector<3125x256xf32>
    %get3A_35 = arith.constant 0 : index
    %get3A_36 = arith.constant 0 : index
    %get3A_37 = vector.load %arg8[%get3A_35, %get3A_36] : memref<1x256xf32, #tpu.memory_space<vmem>>, vector<1x256xf32>
    %mul3A_38 = vector.broadcast %dot_general3A_13 : vector<1x1xf32> to vector<1x256xf32>
    %mul3A_39 = arith.mulf %mul3A_38, %get3A_37 : vector<1x256xf32>
    %add3A_40 = vector.broadcast %mul3A_39 : vector<1x256xf32> to vector<3125x256xf32>
    %add3A_41 = arith.addf %add3A_34, %add3A_40 : vector<3125x256xf32>
    %swap3A = arith.constant 0 : index
    %swap3A_42 = arith.constant 0 : index
    %swap3A_43 = vector.load %arg9[%swap3A, %swap3A_42] : memref<3125x256xf32, #tpu.memory_space<vmem>>, vector<3125x256xf32>
    tpu.vector_store %arg9[%swap3A, %swap3A_42], %add3A_41 {strides = array<i32>} : memref<3125x256xf32, #tpu.memory_space<vmem>>, vector<3125x256xf32>,
    return
  }
}

module attributes {stable_mosaic.version = 14 : i64} {
  func.func @body(%arg0: memref<32x100096xf32, #tpu.memory_space<vmem>>, %arg1: memref<1x100096xf32, #tpu.memory_space<vmem>>, %arg2: memref<1x1xf32, #tpu.memory_space<vmem>>, %arg3: memref<1x100096xf32, #tpu.memory_space<vmem>>, %arg4: memref<1x100096xf32, #tpu.memory_space<vmem>>) attributes {dimension_semantics = [], scalar_prefetch = 0 : i64, scratch_operands = 0 : i64, tpu.core_type = #tpu.core_type<tc>} {
    %get3A = arith.constant 0 : index
    %get3A_0 = arith.constant 0 : index
    %get3A_1 = vector.load %arg0[%get3A, %get3A_0] : memref<32x100096xf32, #tpu.memory_space<vmem>>, vector<32x100096xf32>
    %reduce_sum3A = arith.constant dense<0.000000e+00> : vector<100096xf32>
    %reduce_sum3A_2 = vector.multi_reduction <add>, %get3A_1, %reduce_sum3A [0] : vector<32x100096xf32> to vector<100096xf32>
    %broadcast_in_dim3A = vector.shape_cast %reduce_sum3A_2 : vector<100096xf32> to vector<1x100096xf32>
    %get3A_3 = arith.constant 0 : index
    %get3A_4 = arith.constant 0 : index
    %get3A_5 = vector.load %arg2[%get3A_3, %get3A_4] : memref<1x1xf32, #tpu.memory_space<vmem>>, vector<1x1xf32>
    %add3A = vector.broadcast %get3A_5 : vector<1x1xf32> to vector<1x100096xf32>
    %add3A_6 = arith.addf %broadcast_in_dim3A, %add3A : vector<1x100096xf32>
    %swap3A = arith.constant 0 : index
    %swap3A_7 = arith.constant 0 : index
    %swap3A_8 = vector.load %arg4[%swap3A, %swap3A_7] : memref<1x100096xf32, #tpu.memory_space<vmem>>, vector<1x100096xf32>
    tpu.vector_store %arg4[%swap3A, %swap3A_7], %add3A_6 {strides = array<i32>} : memref<1x100096xf32, #tpu.memory_space<vmem>>, vector<1x100096xf32>,
    %get3A_9 = arith.constant 0 : index
    %get3A_10 = arith.constant 0 : index
    %get3A_11 = vector.load %arg1[%get3A_9, %get3A_10] : memref<1x100096xf32, #tpu.memory_space<vmem>>, vector<1x100096xf32>
    %add3A_12 = arith.addf %get3A_11, %add3A_6 : vector<1x100096xf32>
    %custom_jvp_call3A = arith.constant 0.000000e+00 : f32
    %max3A = vector.broadcast %custom_jvp_call3A : f32 to vector<1x100096xf32>
    %max3A_13 = arith.maximumf %add3A_12, %max3A : vector<1x100096xf32>
    %sub3A = vector.broadcast %custom_jvp_call3A : f32 to vector<1x100096xf32>
    %sub3A_14 = arith.subf %add3A_12, %sub3A : vector<1x100096xf32>
    %ne3A = arith.cmpf one, %sub3A_14, %sub3A_14 : vector<1x100096xf32>
    %add3A_15 = vector.broadcast %custom_jvp_call3A : f32 to vector<1x100096xf32>
    %add3A_16 = arith.addf %add3A_12, %add3A_15 : vector<1x100096xf32>
    %abs3A = math.absf %sub3A_14 : vector<1x100096xf32>
    %neg3A = arith.constant 0.000000e+00 : f32
    %neg3A_17 = vector.broadcast %neg3A : f32 to vector<1x100096xf32>
    %neg3A_18 = arith.subf %neg3A_17, %abs3A : vector<1x100096xf32>
    %exp3A = math.exp %neg3A_18 : vector<1x100096xf32>
    %log1p3A = math.log1p %exp3A : vector<1x100096xf32>
    %add3A_19 = arith.addf %max3A_13, %log1p3A : vector<1x100096xf32>
    %select_n3A = arith.select %ne3A, %add3A_16, %add3A_19 : vector<1x100096xi1>, vector<1x100096xf32>
    %swap3A_20 = arith.constant 0 : index
    %swap3A_21 = arith.constant 0 : index
    %swap3A_22 = vector.load %arg3[%swap3A_20, %swap3A_21] : memref<1x100096xf32, #tpu.memory_space<vmem>>, vector<1x100096xf32>
    tpu.vector_store %arg3[%swap3A_20, %swap3A_21], %select_n3A {strides = array<i32>} : memref<1x100096xf32, #tpu.memory_space<vmem>>, vector<1x100096xf32>,
    return
  }
}

</mosaic_0001>

<sc_bundles>
// kernel: kernel.5.cloned.1.call-start
scs
__scs_entry_jumppad:
0x0: {  	(pc) =	sbr.rel $0x88, $3  }
0x1: {  	(tag) =	ssettag $0x0;
	lr =	simm.s32 $0x1  }
0x2: {  	[smem:$0x3F9A] =	sst lr;
	_ =	strace $0xD0000000  }
0x3: {  	_ = 	snop  }
0x4: {  	_ = 	snop  }
0x5: {  	_ = 	snop  }
0x6: {  	_ = 	snop  }
0x7: {  	_ = 	snop  }
__scs_overlays_trampoline_lowered:
0x8: {  	[smem:$0x3FA9] =	sst s0  }
0x9: {  	[smem:$0x3FAA] =	sst s1  }
0xa: {  	[smem:$0x3FAB] =	sst s2  }
0xb: {  	[smem:$0x3FAC] =	sst s3  }
0xc: {  	[smem:$0x3FAD] =	sst s4  }
0xd: {  	[smem:$0x3FAE] =	sst s5  }
0xe: {  	[smem:$0x3FAF] =	sst s6  }
0xf: {  	[smem:$0x3FB0] =	sst s7  }
0x10: {  	[smem:$0x3FB1] =	sst s8  }
0x11: {  	[smem:$0x3FB2] =	sst s9;
	s0 =	simm.s32 @!p0 $0x0  }
0x12: {  	s1 =	sld [smem:$0x3F98];
	s0 =	simm.s32 @p0 $0x1  }
0x13: {  	[smem:$0x3FB3] =	sst s0;
	s0 =	simm.s32 @!p1 $0x0  }
0x14: {  	s2 =	sld [smem:$0x3F97];
	s0 =	simm.s32 @p1 $0x1  }
0x15: {  	[smem:$0x3FB4] =	sst s0;
	s0 =	simm.s32 @!p2 $0x0  }
0x16: {  	s3 =	sld [smem:$0x3FDB];
	s0 =	simm.s32 @p2 $0x1  }
0x17: {  	s4 =	simm.s32 $0x1BF5;
	[smem:$0x3FB6] =	sst s0  }
0x18: {  	s0 =	sld [smem:$0x3F99];
	_ =	swait.ge [sflag:s4], $0x0  }
0x19: {  	s7 =	sld [smem:$0x3F9A]  }
0x1a: {  	s8 =	sadd.s32 $0xFFFFE003, lr  }
0x1b: {  	s9 =	sadd.s32 $0xFFFFFEF7, lr;
	s5 =	simm.s32 $0xFFFFFFFF;
	p2 =	slt.u32 s8, $0xFFFFF086  }
0x1c: {  	p1 =	slt.u32 s9, $0xF7A;
	s5 =	simm.s32 @!p2 $0x0  }
0x1d: {  	s5 =	simm.s32 @p1 $0x1;
	p0 =	seq.s32 s7, s2  }
0x1e: {  	s7 =	smul.u32 @!p0 $0xF7A, s2;
	p2 =	seq.s32 @!p0 s5, $0x0  }
0x1f: {  	s9 =	smul.u32 $0xF7A, s1;
	s8 =	simm.s32 @!p0 $0x1BF5;
	p2 =	por !p2, p0  }
0x20: {  	[sflag:s8] =	ssyncset.s32 @!p0 $0xFFFFF086;
	s6 =	sadd.s32 @!p0 s3, s7;
	s7 =	simm.s32 @!p0 $0x108  }
0x21: {  	s3 =	sadd.s32 s3, s9;
	s6 =	sadd.s32 @!p0 $0x88, s6;
	s7 =	simm.s32 @p2 $0x1082  }
0x22: {  	[simem:s7], [sflag:s8] =	dma.local @!p0 [hbm:s6], $0xF7A  }
0x23: {  	s9 =	sor.u32 $0xD0000000, s2;
	s6 =	simm.s32 $0x108;
	_ =	swait.ge @!p0 [sflag:s8], $0x0  }
0x24: {  	s3 =	sadd.s32 $0x88, s3;
	s6 =	simm.s32 @!p1 $0x1082;
	[sflag:s4] =	ssyncset.s32 $0xFFFFF086  }
0x25: {  	[simem:s6], [sflag:s4] =	dma.local [hbm:s3], $0xF7A  }
0x26: {  	[smem:$0x3F9A] =	sst s1;
	(tag) =	ssettag s2;
	_ =	strace s9  }
0x27: {  	s1 =	sld [smem:$0x3FAA]  }
0x28: {  	s2 =	sld [smem:$0x3FAB]  }
0x29: {  	s4 =	sld [smem:$0x3FAD]  }
0x2a: {  	p0 =	seq.s32 s5, $0x0;
	s5 =	sld [smem:$0x3FAE]  }
0x2b: {  	s6 =	sld [smem:$0x3FAF]  }
0x2c: {  	s7 =	sld [smem:$0x3FB0]  }
0x2d: {  	s3 =	simm.s32 $0x108;
	s8 =	sld [smem:$0x3FB1]  }
0x2e: {  	s3 =	simm.s32 @!p0 $0x1082;
	s9 =	sld [smem:$0x3FB2]  }
0x2f: {  	lr =	sadd.s32 s0, s3;
	s0 =	sld [smem:$0x3FA9]  }
0x30: {  	s3 =	sld [smem:$0x3FAC]  }
0x31: {  	[smem:$0x3FB5] =	sst s10  }
0x32: {  	s10 =	sld [smem:$0x3FB3];
	_ =	sdelay $0x3  }
0x33: {  	p0 =	seq.s32 s10, $0x1;
	s10 =	sld [smem:$0x3FB5];
	_ =	sdelay $0x3  }
0x34: {  	[smem:$0x3FB5] =	sst s10  }
0x35: {  	s10 =	sld [smem:$0x3FB4];
	_ =	sdelay $0x3  }
0x36: {  	p1 =	seq.s32 s10, $0x1;
	s10 =	sld [smem:$0x3FB5];
	_ =	sdelay $0x3  }
0x37: {  	[smem:$0x3FB5] =	sst s10  }
0x38: {  	s10 =	sld [smem:$0x3FB6]  }
0x39: {  	_ = 	snop;
	(pc) =	sbr.ind lr, $3  }
0x3a: {  	_ = 	snop  }
0x3b: {  	_ = 	snop  }
0x3c: {  	p2 =	seq.s32 s10, $0x1;
	s10 =	sld [smem:$0x3FB5]  }
0x3d: {  	_ =	shalt  }
0x3e: {  	_ =	shalt  }
0x3f: {  	_ =	shalt  }
0x40: {  	_ =	shalt  }
0x41: {  	_ =	shalt  }
0x42: {  	_ =	shalt  }
0x43: {  	_ =	shalt  }
0x44: {  	_ =	shalt  }
0x45: {  	_ =	shalt  }
0x46: {  	_ =	shalt  }
0x47: {  	_ =	shalt  }
0x48: {  	_ =	shalt  }
0x49: {  	_ =	shalt  }
0x4a: {  	_ =	shalt  }
0x4b: {  	_ =	shalt  }
0x4c: {  	_ =	shalt  }
0x4d: {  	_ =	shalt  }
0x4e: {  	_ =	shalt  }
0x4f: {  	_ =	shalt  }
0x50: {  	_ =	shalt  }
0x51: {  	_ =	shalt  }
0x52: {  	_ =	shalt  }
0x53: {  	_ =	shalt  }
0x54: {  	_ =	shalt  }
0x55: {  	_ =	shalt  }
0x56: {  	_ =	shalt  }
0x57: {  	_ =	shalt  }
0x58: {  	_ =	shalt  }
0x59: {  	_ =	shalt  }
0x5a: {  	_ =	shalt  }
0x5b: {  	_ =	shalt  }
0x5c: {  	_ =	shalt  }
0x5d: {  	_ =	shalt  }
0x5e: {  	_ =	shalt  }
0x5f: {  	_ =	shalt  }
0x60: {  	_ =	shalt  }
0x61: {  	_ =	shalt  }
0x62: {  	_ =	shalt  }
0x63: {  	_ =	shalt  }
0x64: {  	_ =	shalt  }
0x65: {  	_ =	shalt  }
0x66: {  	_ =	shalt  }
0x67: {  	_ =	shalt  }
0x68: {  	_ =	shalt  }
0x69: {  	_ =	shalt  }
0x6a: {  	_ =	shalt  }
0x6b: {  	_ =	shalt  }
0x6c: {  	_ =	shalt  }
0x6d: {  	_ =	shalt  }
0x6e: {  	_ =	shalt  }
0x6f: {  	_ =	shalt  }
0x70: {  	_ =	shalt  }
0x71: {  	_ =	shalt  }
0x72: {  	_ =	shalt  }
0x73: {  	_ =	shalt  }
0x74: {  	_ =	shalt  }
0x75: {  	_ =	shalt  }
0x76: {  	_ =	shalt  }
0x77: {  	_ =	shalt  }
0x78: {  	_ =	shalt  }
0x79: {  	_ =	shalt  }
0x7a: {  	_ =	shalt  }
0x7b: {  	_ =	shalt  }
0x7c: {  	_ =	shalt  }
0x7d: {  	_ =	shalt  }
0x7e: {  	_ =	shalt  }
0x7f: {  	_ =	shalt  }
0x80: {  	_ =	shalt  }
0x81: {  	_ =	shalt  }
0x82: {  	_ =	shalt  }
0x83: {  	_ =	shalt  }
0x84: {  	_ =	shalt  }
0x85: {  	_ =	shalt  }
0x86: {  	_ =	shalt  }
0x87: {  	_ =	shalt  }
.Lfunc_end0:
.L_simem_size_0:
called_computation_lowered:
.L_overlay_start_0:
0x88: {  	s2 =	sld [smem:$0x3FD9]  }
0x89: {  	s3 =	sld [smem:$0x3FFE];
	_ =	sdelay $0x1  }
0x8a: {  	s1 =	srdreg.scid  }
0x8b: {  	s0 =	sand.u32 $0x1, s1  }
0x8c: {  	s16 =	sshll.u32 s0, $0xA;
	s2 =	sadd.s32 s3, s2  }
0x8d: {  	s2 =	sadd.s32 s2, s16  }
0x8e: {  	[smem:$0x3FC1] =	sst s2  }
0x8f: {  	_ = 	snop  }
0x90: {  	(tm) =	ssettm $0x1  }
0x91: {  	s17 =	sld [smem:$0x3FFB];
	_ =	sdelay $0x3  }
0x92: {  	_ =	strace s17  }
0x93: {  	s2 =	sld [smem:$0x3FFC];
	_ =	sdelay $0x3  }
0x94: {  	_ =	strace s2  }
0x95: {  	s2 =	sld [smem:$0x3FFD];
	_ =	sdelay $0x3  }
0x96: {  	_ =	strace s2  }
0x97: {  	_ =	strace $0x8FFFFFFF  }
0x98: {  	s18 =	sld [smem:$0x3FDB];
	_ =	sdelay $0x1  }
0x99: {  	s19 =	simm.s32 $_scs_section_size  }
0x9a: {  	s4 =	simm.s32 $_size__tile_overlayer_lowered;
	s5 =	simm.s32 $_tile_overlayer_lowered  }
0x9b: {  	s22 =	simm.s32 $0x1BFF;
	s21 =	sshll.u32 s5, $0x1;
	s2 =	sadd.s32 s19, s18  }
0x9c: {  	s6 =	simm.s32 $0x0;
	s20 =	sshll.u32 s4, $0x1;
	s4 =	sadd.s32 s21, s2  }
0x9d: {  	[timem:s6], [sflag:s22] =	dma.local [hbm:s4], s20  }
0x9e: {  	_ =	swait.ge [sflag:s22], s20  }
0x9f: {  	s3 =	ssub.s32 $0x0, s20;
	[sflag:s22] =	ssyncset.done $0x0  }
0xa0: {  	[sflag:s22] =	ssyncadd.s32 s3;
	_ =	sdelay $0x1  }
0xa1: {  	s23 =	simm.s32 $0x1B8B  }
0xa2: {  	_ =	swait.ge [sflag:s23], $0x1  }
0xa3: {  	[sflag:s23] =	ssyncset.done $0x0  }
0xa4: {  	s25 =	simm.s32 $0x1B8E;
	s24 =	sld [smem:$0x3FFE];
	[sflag:s23] =	ssyncadd.s32 $0xFFFFFFFF  }
0xa5: {  	s26 =	simm.s32 $execute0_lowered;
	[smem:$0x3FD2] =	sst s25  }
0xa6: {  	s4 =	sshll.u32 s26, $0x1;
	_ =	strace $0x80000046;
	[dreg:$0x1] =	wrdreg $0xFFFFFFFF  }
0xa7: {  	s28 =	simm.s32 $_size_execute0_lowered;
	s2 =	sadd.s32 s2, s4;
	[dreg:$0x0] =	wrdreg $0x0  }
0xa8: {  	s4 =	sshll.u32 s28, $0x1;
	[dreg:$0x2] =	wrdreg s2  }
0xa9: {  	[dreg:$0x3] =	wrdreg s4  }
0xaa: {  	[dreg:$0x4] =	wrdreg $0xC0  }
0xab: {  	_ =	task [dreg:s6], $0x5FFFF  }
0xac: {  	[dreg:$0x1] =	wrdreg $0xFFFFFFFF  }
0xad: {  	[dreg:$0x0] =	wrdreg $0x60  }
0xae: {  	[dreg:$0x2] =	wrdreg s24  }
0xaf: {  	[dreg:$0x3] =	wrdreg $0x9  }
0xb0: {  	_ =	task.clear_ibuf [dreg:s6], $0x4FFFF;
	_ =	strace $0x90000046  }
0xb1: {  	s29 =	simm.s32 $0x9;
	_ =	strace $0x80000048  }
0xb2: {  	_ =	swait.ge [sflag:s29], $0x1  }
0xb3: {  	[sflag:s29] =	ssyncadd.s32 $0xFFFFFFFF  }
0xb4: {  	_ =	strace $0x90000048  }
0xb5: {  	_ =	sfence  }
0xb6: {  	s30 =	sld [smem:$0x0];
	_ =	sdelay $0x2  }
0xb7: {  	s31 =	sshll.u32 s1, $0xD;
	s1 =	sshrl.u32 s1, $0x2  }
0xb8: {  	s3 =	sand.u32 $0x4000, s31;
	s1 =	sadd.s32 s1, s30  }
0xb9: {  	s0 =	sor.u32 s3, s0;
	s1 =	sshll.u32 s1, $0x11  }
0xba: {  	s0 =	sor.u32 s1, s0  }
0xbb: {  	s0 =	sadd.s32 $0x8F2B, s0  }
0xbc: {  	[sflag:s0] =	ssyncadd.remote.s32 $0x1  }
0xbd: {  	_ =	sfence.sel $0xFFFF  }
0xbe: {  	[dreg:$0x0] =	wrdreg $0xFFFFFFFF;
	(pc) =	sbr.abs _section_cstart, $3  }
0xbf: {  	[dreg:$0x1] =	wrdreg $0xFFFFFFFF  }
0xc0: {  	_ =	task.clear_ibuf [dreg:s6], $0x2FFFF;
	_ =	strace $0x9FFFFFFF  }
0xc1: {  	(tm) =	ssettm $0x7FFFFFFF  }
tec
execute0_lowered:
.L_overlay_start_1:
0x0: {  	(tag) =	ssettag $0x1  }
0x1: {  	s0 =	srdreg.scid  }
0x2: {  	s1 =	rddreg [dreg:$0x0];
	s10 =	stileid.u32;
	s3 =	simm.s32 $0x0  }
0x3: {  	s29 =	simm.s32 $0x600;
	s30 =	simm.s32 $0x1E00;
	s28 =	simm.s32 $0x2A00  }
0x4: {  	s31 =	simm.s32 $0x3200;
	s0 =	sand.u32 $0x1, s0;
	[smem:$0x7FF] =	sst s3  }
0x5: {  	s3 =	sadd.s32 $0x2800, s1;
	s17 =	smul.u32 $0x186, s10;
	s2 =	sshll.u32 s0, $0x4  }
0x6: {  	s6 =	sadd.s32 $0x1B000, s1;
	s21 =	smul.u32 $0x1860, s10;
	s2 =	sor.u32 s10, s2  }
0x7: {  	_ =	strace $0x80000047;
	s7 =	ssub.s32 $0x2, s0;
	s4 =	smul.u32 $0x30E0, s2  }
0x8: {  	s9 =	sshrl.u32 s7, $0x1;
	s5 =	smul.u32 $0x186, s2;
	s8 =	smin.u32 s2, $0x14  }
0x9: {  	p0 =	slt.u32 s2, $0x14;
	s25 =	ssub.s32 s7, s9;
	s1 =	sadd.s32 s4, s1  }
0xa: {  	s5 =	sadd.s32 s8, s5;
	s4 =	simm.s32 $0x187;
	s1 =	sadd.s32 $0x7CC00, s1  }
0xb: {  	s24 =	sshll.u32 s5, $0x4;
	s5 =	smax.u32 s25, $0x1;
	[dreg:$0xd] =	wrdreg s1  }
0xc: {  	s4 =	simm.s32 @!p0 $0x186;
	s26 =	sadd.s32 s6, s24;
	[dreg:$0xe] =	wrdreg s5  }
0xd: {  	s15 =	smul.u32 $0x1860, s0;
	s18 =	sadd.s32 $0xFFFFFFFE, s4;
	[dreg:$0x2] =	wrdreg s26  }
0xe: {  	s0 =	smul.u32 $0x18600, s0;
	s19 =	sadd.s32 $0xFFFFFFFD, s4;
	[dreg:$0xa] =	wrdreg s18  }
0xf: {  	s10 =	simm.s32 $0xE00;
	s20 =	sadd.s32 $0xFFFFFFFF, s4;
	[dreg:$0xb] =	wrdreg s19  }
0x10: {  	v0 =	vlaneseq.u32;
	s0 =	sadd.s32 s0, s6;
	s2 =	sadd.s32 $0x30D40, s26;
	[dreg:$0xc] =	wrdreg s20  }
0x11: {  	v0 =	vmul.u32 $0x8, v0;
	s9 =	simm.s32 $0x9;
	s11 =	sadd.s32 $0x10, s26;
	[dreg:$0x3] =	wrdreg s2  }
0x12: {  	v1 =	vimm.f32 $0.0e+00;
	s0 =	sadd.s32 s21, s0;
	s12 =	sadd.s32 $0x30D50, s26;
	[dreg:$0x4] =	wrdreg s11  }
0x13: {  	v2 =	vor.u32 $0x1, v0;
	v3 =	vor.u32 $0x2, v0;
	v4 =	vor.u32 $0x3, v0;
	s23 =	sshll.u32 s8, $0x4;
	s13 =	sadd.s32 $0x20, s26;
	[dreg:$0x5] =	wrdreg s12  }
0x14: {  	v5 =	vor.u32 $0x4, v0;
	v6 =	vor.u32 $0x80, v0;
	v7 =	vor.u32 $0x81, v0;
	s5 =	simm.s32 $0x2E00;
	s14 =	sadd.s32 $0x30D60, s26;
	[dreg:$0x6] =	wrdreg s13  }
0x15: {  	v8 =	vor.u32 $0x82, v0;
	v9 =	vor.u32 $0x83, v0;
	v10 =	vor.u32 $0x84, v0;
	s16 =	sadd.s32 $0x30, s26;
	s7 =	sadd.s32 $0x30D70, s26;
	[dreg:$0x7] =	wrdreg s14  }
0x16: {  	v11 =	vor.u32 $0x100, v0;
	v12 =	vor.u32 $0x101, v0;
	v13 =	vor.u32 $0x102, v0;
	s18 =	sadd.s32 s23, s0;
	s0 =	simm.s32 $0x2200;
	[dreg:$0x8] =	wrdreg s16  }
0x17: {  	v14 =	vor.u32 $0x103, v0;
	v15 =	vor.u32 $0x104, v0;
	v16 =	vor.u32 $0x180, v0;
	[dreg:$0x9] =	wrdreg s7;
	s2 =	sadd.s32 s17, s15;
	s7 =	simm.s32 $0x3600  }
0x18: {  	v17 =	vor.u32 $0x181, v0;
	v18 =	vor.u32 $0x182, v0;
	v19 =	vor.u32 $0x183, v0;
	s11 =	simm.s32 $0xA;
	s12 =	simm.s32 $0x1200;
	s22 =	sadd.s32 s8, s2  }
0x19: {  	v20 =	vor.u32 $0x184, v0;
	v21 =	vor.u32 $0x200, v0;
	v22 =	vor.u32 $0x201, v0;
	s16 =	simm.s32 $0xB;
	s17 =	simm.s32 $0x1600;
	s1 =	sshll.u32 s22, $0x4  }
0x1a: {  	v23 =	vor.u32 $0x202, v0;
	v24 =	vor.u32 $0x203, v0;
	v25 =	vor.u32 $0x204, v0;
	s15 =	simm.s32 $0x0;
	s2 =	simm.s32 $0xA00;
	s24 =	sadd.s32 s1, s6  }
.Ltmp0:
0x1b: {  	v26 =	vor.u32 $0x280, v0;
	v27 =	vor.u32 $0x281, v0;
	v28 =	vor.u32 $0x282, v0;
	s8 =	simm.s32 $0x8;
	s1 =	sadd.s32 $0x90, s24;
	(pc) =	sbr.rel .LBB2_1-.Ltmp0, $4  }
0x1c: {  	v29 =	vor.u32 $0x283, v0;
	v30 =	vor.u32 $0x284, v0;
	v31 =	vor.u32 $0x300, v0;
	s6 =	simm.s32 $0x7;
	s25 =	sadd.s32 $0x80, s24;
	[dreg:$0xf] =	wrdreg s1  }
0x1d: {  	v32 =	vor.u32 $0x301, v0;
	v33 =	vor.u32 $0x302, v0;
	v34 =	vor.u32 $0x303, v0;
	s26 =	sadd.s32 $0x70, s24;
	s22 =	sadd.s32 $0x60, s24;
	[dreg:$0x10] =	wrdreg s25  }
0x1e: {  	v35 =	vor.u32 $0x304, v0;
	v36 =	vor.u32 $0x380, v0;
	v37 =	vor.u32 $0x381, v0;
	s23 =	sadd.s32 $0x50, s24;
	s24 =	sadd.s32 $0x40, s24;
	[dreg:$0x11] =	wrdreg s26  }
0x1f: {  	v38 =	vor.u32 $0x382, v0;
	v39 =	vor.u32 $0x383, v0;
	v40 =	vor.u32 $0x384, v0;
	s25 =	simm.s32 $0x2600;
	s26 =	simm.s32 $0xC;
	s1 =	simm.s32 $0x1A00  }
.LBB2_17:
0x20: {  	s13 =	simm.s32 $0x0;
	s14 =	rddreg [dreg:$0xd];
	s20 =	simm.s32 $0xD  }
0x21: {  	[hbm4b:s14+s13] =	stream.linear.scatter [tilespmem:s7], [sflag:$0xD], $0x18700, $0x38;
	[tilespmem:$0x1BD00] =	vst v63  }
0x22: {  	_ =	swait.ge [sflag:s20], $0x18700  }
0x23: {  	s15 =	rddreg [dreg:$0x12]  }
0x24: {  	s21 =	rddreg [dreg:$0xe];
	s15 =	sadd.s32 $0x1, s15  }
0x25: {  	p0 =	sne.s32 s15, s21  }
.Ltmp1:
0x26: {  	_ = 	snop;
	(pc) =	sbr.rel @!p0 .LBB2_18-.Ltmp1, $3  }
0x27: {  	_ =	sdelay $0x1  }
0x28: {  	[sflag:s20] =	ssyncset.done $0x0  }
0x29: {  	[sflag:s20] =	ssyncadd.s32 $0xFFFE7900  }
.LBB2_1:
0x2a: {  	[dreg:$0x12] =	wrdreg s15;
	s14 =	simm.s32 $0x100;
	s13 =	simm.s32 $0x0  }
.LBB2_2:
0x2b: {  	p0 =	sne.s32 s14, $0x61B00;
	[tilespmem:s13+$0x3630] =	vst v1;
	s15 =	smov.u32 s14;
	s14 =	sadd.s32 $0x100, s14  }
.Ltmp2:
0x2c: {  	[tilespmem:s13+$0x3620] =	vst v1;
	(pc) =	sbr.rel @p0 .LBB2_2-.Ltmp2, $3  }
0x2d: {  	[tilespmem:s13+$0x3600] =	vst v1  }
0x2e: {  	[tilespmem:s13+$0x3610] =	vst v1;
	_ =	sdelay $0x1  }
0x2f: {  	s13 =	sshra.s32 s15, $0x2  }
0x30: {  	[tilespmem:s13+$0x3630] =	vst v1  }
0x31: {  	[tilespmem:s13+$0x3620] =	vst v1  }
0x32: {  	[tilespmem:s13+$0x3600] =	vst v1  }
0x33: {  	[tilespmem:s13+$0x3610] =	vst v1;
	s14 =	simm.s32 $0x0;
	s15 =	rddreg [dreg:$0x2]  }
0x34: {  	[tilespmem:s14], [sflag:$0x1] =	stream.linear.gather [hbm4b:s15+s14], $0x80, $0x38;
	[tilespmem:$0x1BD00] =	vst v63  }
0x35: {  	s19 =	rddreg [dreg:$0x3];
	s15 =	simm.s32 $0x300  }
0x36: {  	[tilespmem:s15], [sflag:$0x1] =	stream.linear.gather [hbm4b:s19+s14], $0x80, $0x38;
	[tilespmem:$0x1BD00] =	vst v63  }
0x37: {  	s20 =	rddreg [dreg:$0x4];
	s19 =	simm.s32 $0x80  }
0x38: {  	[tilespmem:s19], [sflag:$0x2] =	stream.linear.gather [hbm4b:s20+s14], $0x80, $0x38;
	[tilespmem:$0x1BD00] =	vst v63  }
0x39: {  	s21 =	rddreg [dreg:$0x5];
	s20 =	simm.s32 $0x380  }
0x3a: {  	[tilespmem:s20], [sflag:$0x2] =	stream.linear.gather [hbm4b:s21+s14], $0x80, $0x38;
	[tilespmem:$0x1BD00] =	vst v63  }
0x3b: {  	s13 =	rddreg [dreg:$0x6];
	s21 =	simm.s32 $0x100  }
0x3c: {  	[tilespmem:s21], [sflag:$0x3] =	stream.linear.gather [hbm4b:s13+s14], $0x80, $0x38;
	[tilespmem:$0x1BD00] =	vst v63  }
0x3d: {  	s13 =	rddreg [dreg:$0x7];
	s21 =	simm.s32 $0x400  }
0x3e: {  	[tilespmem:s21], [sflag:$0x3] =	stream.linear.gather [hbm4b:s13+s14], $0x80, $0x38;
	[tilespmem:$0x1BD00] =	vst v63  }
0x3f: {  	s13 =	rddreg [dreg:$0x8];
	s21 =	simm.s32 $0x180  }
0x40: {  	[tilespmem:s21], [sflag:$0x4] =	stream.linear.gather [hbm4b:s13+s14], $0x80, $0x38;
	[tilespmem:$0x1BD00] =	vst v63  }
0x41: {  	s13 =	rddreg [dreg:$0x9];
	s21 =	simm.s32 $0x480  }
0x42: {  	[tilespmem:s21], [sflag:$0x4] =	stream.linear.gather [hbm4b:s13+s14], $0x80, $0x38;
	[tilespmem:$0x1BD00] =	vst v63  }
0x43: {  	s21 =	simm.s32 $0x1  }
0x44: {  	_ =	swait.ge [sflag:s21], $0x80  }
0x45: {  	[sflag:s21] =	ssyncset.done $0x0  }
0x46: {  	[sflag:s21] =	ssyncadd.s32 $0xFFFFFF80  }
0x47: {  	_ =	swait.ge [sflag:s21], $0x80  }
0x48: {  	[sflag:s21] =	ssyncset.done $0x0  }
0x49: {  	[sflag:s21] =	ssyncadd.s32 $0xFFFFFF80  }
0x4a: {  	[tilespmem:s29], [sflag:$0x7] =	stream.indirect.gather [hbm4b:s3+s19], $0x8, s14, s19, $0xb8;
	[tilespmem:$0x1BD00] =	vst v63  }
0x4b: {  	s21 =	simm.s32 $0x2  }
0x4c: {  	[tilespmem:s30], [sflag:$0x7] =	stream.indirect.gather [hbm4b:s3+s19], $0x8, s15, s19, $0xb8;
	[tilespmem:$0x1BD00] =	vst v63  }
0x4d: {  	_ =	swait.ge [sflag:s21], $0x80  }
0x4e: {  	[sflag:s21] =	ssyncset.done $0x0  }
0x4f: {  	[sflag:s21] =	ssyncadd.s32 $0xFFFFFF80  }
0x50: {  	_ =	swait.ge [sflag:s21], $0x80  }
.Ltmp3:
0x51: {  	[sflag:s21] =	ssyncset.done $0x0;
	(pc) =	sbr.rel .LBB2_4-.Ltmp3, $4  }
0x52: {  	[sflag:s21] =	ssyncadd.s32 $0xFFFFFF80  }
0x53: {  	[tilespmem:s2], [sflag:$0x8] =	stream.indirect.gather [hbm4b:s3+s19], $0x8, s19, s19, $0xb8;
	[tilespmem:$0x1BD00] =	vst v63  }
0x54: {  	s13 =	simm.s32 $0x0  }
0x55: {  	[tilespmem:s0], [sflag:$0x8] =	stream.indirect.gather [hbm4b:s3+s19], $0x8, s20, s19, $0xb8;
	[tilespmem:$0x1BD00] =	vst v63  }
.LBB2_16:
0x56: {  	s13 =	sadd.s32 $0x60, s13  }
0x57: {  	p0 =	sne.s32 s13, $0x18C0  }
.Ltmp4:
0x58: {  	_ = 	snop;
	(pc) =	sbr.rel @!p0 .LBB2_17-.Ltmp4, $2  }
0x59: {  	_ =	sdelay $0x2  }
0x5a: {  	s14 =	smov.u32 s15  }
.LBB2_4:
0x5b: {  	s15 =	rddreg [dreg:$0xa]  }
0x5c: {  	p2 =	sge.u32 s14, s15  }
0x5d: {  	s15 =	simm.s32 @!p2 $0x3  }
0x5e: {  	_ =	swait.ge @!p2 [sflag:s15], $0x80  }
0x5f: {  	[sflag:s15] =	ssyncset.done @!p2 $0x0  }
0x60: {  	[sflag:s15] =	ssyncadd.s32 @!p2 $0xFFFFFF80  }
0x61: {  	_ =	swait.ge @!p2 [sflag:s15], $0x80  }
0x62: {  	s21 =	sadd.s32 $0x4, s14;
	s19 =	simm.s32 @!p2 $0x100;
	[sflag:s15] =	ssyncset.done @!p2 $0x0  }
0x63: {  	s20 =	simm.s32 @!p2 $0xE00;
	[sflag:s15] =	ssyncadd.s32 @!p2 $0xFFFFFF80;
	s15 =	simm.s32 @!p2 $0x80  }
0x64: {  	[tilespmem:s20], [sflag:$0x9] =	stream.indirect.gather @!p2 [hbm4b:s3+s15], $0x8, s19, s15, $0xb8;
	[tilespmem:$0x1BD00] =	vst v63  }
0x65: {  	p0 =	sge.u32 s21, s4;
	s19 =	simm.s32 @!p2 $0x400;
	s20 =	simm.s32 @!p2 $0x2600  }
0x66: {  	[tilespmem:s20], [sflag:$0x9] =	stream.indirect.gather @!p2 [hbm4b:s3+s15], $0x8, s19, s15, $0xb8;
	[tilespmem:$0x1BD00] =	vst v63  }
0x67: {  	p1 =	sge.u32 s14, s4;
	s15 =	sadd.s32 @!p0 s13, s24  }
.Ltmp5:
0x68: {  	s19 =	simm.s32 @!p0 $0x0;
	s20 =	simm.s32 @!p0 $0x200;
	(pc) =	sbr.rel @p1 .LBB2_6-.Ltmp5, $4  }
0x69: {  	[tilespmem:s20], [sflag:$0x5] =	stream.linear.gather @!p0 [hbm4b:s15+s19], $0x80, $0x38;
	[tilespmem:$0x1BD00] =	vst v63  }
0x6a: {  	s15 =	sadd.s32 @!p0 s13, s18  }
0x6b: {  	s20 =	simm.s32 @!p0 $0x500;
	s15 =	sadd.s32 @!p0 $0x30D80, s15  }
0x6c: {  	[tilespmem:s20], [sflag:$0x5] =	stream.linear.gather @!p0 [hbm4b:s15+s19], $0x80, $0x38;
	[tilespmem:$0x1BD00] =	vst v63  }
0x6d: {  	_ =	swait.ge [sflag:s6], $0x400  }
0x6e: {  	[sflag:s6] =	ssyncset.done $0x0  }
0x6f: {  	[sflag:s6] =	ssyncadd.s32 $0xFFFFFC00  }
0x70: {  	_ =	swait.ge [sflag:s6], $0x400  }
0x71: {  	[sflag:s6] =	ssyncset.done $0x0  }
0x72: {  	[sflag:s6] =	ssyncadd.s32 $0xFFFFFC00  }
0x73: {  	v41 =	vld.idx.msk [tilespmem:v0+s29+$0x0], $0xffff  }
0x74: {  	v42 =	vld.idx.msk [tilespmem:v2+s29+$0x0], $0xffff  }
0x75: {  	v43 =	vld.idx.msk [tilespmem:v0+s30+$0x0], $0xffff  }
0x76: {  	v44 =	vld.idx.msk [tilespmem:v2+s30+$0x0], $0xffff;
	_ =	sdelay $0x4  }
0x77: {  	v41 =	vsub.f32 v43, v41;
	v42 =	vsub.f32 v44, v42;
	_ =	sdelay $0x1  }
0x78: {  	v43 =	vmul.f32 v41, v41;
	v44 =	vmul.f32 v42, v42;
	_ =	sdelay $0x1  }
0x79: {  	v43 =	vadd.f32 v44, v43;
	_ =	sdelay $0x1  }
0x7a: {  	v44 =	vshra.s32 v43, $0x1  }
0x7b: {  	v44 =	vadd.s32 $0x1FBD1DF5, v44  }
0x7c: {  	(erf) = vrcp.f32 v44;
	_ =	sdelay $0x8  }
0x7d: {  	v45 =	vpop (erf)  }
0x7e: {  	v45 =	vmul.f32 v45, v43;
	_ =	sdelay $0x1  }
0x7f: {  	v44 =	vadd.f32 v44, v45;
	_ =	sdelay $0x1  }
0x80: {  	v44 =	vmul.f32 $5.000000000e-01, v44;
	_ =	sdelay $0x1  }
0x81: {  	(erf) = vrcp.f32 v44;
	_ =	sdelay $0x8  }
0x82: {  	v57 =	vpop (erf)  }
0x83: {  	v45 =	vmul.f32 v57, v43;
	_ =	sdelay $0x1  }
0x84: {  	v44 =	vadd.f32 v45, v44;
	_ =	sdelay $0x1  }
0x85: {  	v44 =	vmul.f32 $5.000000000e-01, v44;
	_ =	sdelay $0x1  }
0x86: {  	(erf) = vrcp.f32 v44;
	_ =	sdelay $0x8  }
0x87: {  	v58 =	vpop (erf)  }
0x88: {  	v43 =	vmul.f32 v58, v43;
	_ =	sdelay $0x1  }
0x89: {  	v43 =	vadd.f32 v43, v44;
	_ =	sdelay $0x1  }
0x8a: {  	v43 =	vmul.f32 $5.000000000e-01, v43;
	_ =	sdelay $0x1  }
0x8b: {  	v43 =	vadd.f32 $9.999999970e-07, v43;
	_ =	sdelay $0x1  }
0x8c: {  	v43 =	vmul.f32 v43, v43  }
0x8d: {  	v59 =	vld.idx.msk [tilespmem:v3+s29+$0x0], $0xffff  }
0x8e: {  	v60 =	vld.idx.msk [tilespmem:v4+s29+$0x0], $0xffff;
	(erf) = vrcp.f32 v43;
	_ =	sdelay $0x4  }
0x8f: {  	v41 =	vmul.f32 v41, v59;
	v42 =	vmul.f32 v42, v60  }
0x90: {  	v61 =	vld.idx.msk [tilespmem:v5+s29+$0x0], $0xffff  }
0x91: {  	v62 =	vld [tilespmem:$0x300];
	v41 =	vadd.f32 v42, v41  }
0x92: {  	v63 =	vld [tilespmem:$0x0]  }
0x93: {  	v41 =	vmax.f32 v41, $0.0e+00;
	v48 =	vpop (erf)  }
0x94: {  	v41 =	vmul.f32 v48, v41;
	_ =	sdelay $0x1  }
0x95: {  	v41 =	vmul.f32 v41, v61;
	_ =	sdelay $0x1  }
0x96: {  	v43 =	vsub.f32 $0.0e+00, v41  }
0x97: {  	[tilespmem:v62+s7+$0x0] =	vst.idx.add.f32.msk $0xffff, v41  }
0x98: {  	[tilespmem:v63+s7+$0x0] =	vst.idx.add.f32.msk $0xffff, v43  }
0x99: {  	v41 =	vld.idx.msk [tilespmem:v6+s29+$0x0], $0xffff  }
0x9a: {  	v42 =	vld.idx.msk [tilespmem:v7+s29+$0x0], $0xffff  }
0x9b: {  	v43 =	vld.idx.msk [tilespmem:v6+s30+$0x0], $0xffff  }
0x9c: {  	v44 =	vld.idx.msk [tilespmem:v7+s30+$0x0], $0xffff;
	_ =	sdelay $0x4  }
0x9d: {  	v41 =	vsub.f32 v43, v41;
	v42 =	vsub.f32 v44, v42;
	_ =	sdelay $0x1  }
0x9e: {  	v43 =	vmul.f32 v41, v41;
	v44 =	vmul.f32 v42, v42;
	_ =	sdelay $0x1  }
0x9f: {  	v43 =	vadd.f32 v44, v43;
	_ =	sdelay $0x1  }
0xa0: {  	v44 =	vshra.s32 v43, $0x1  }
0xa1: {  	v44 =	vadd.s32 $0x1FBD1DF5, v44  }
0xa2: {  	(erf) = vrcp.f32 v44;
	_ =	sdelay $0x8  }
0xa3: {  	v49 =	vpop (erf)  }
0xa4: {  	v45 =	vmul.f32 v49, v43;
	_ =	sdelay $0x1  }
0xa5: {  	v44 =	vadd.f32 v44, v45;
	_ =	sdelay $0x1  }
0xa6: {  	v44 =	vmul.f32 $5.000000000e-01, v44;
	_ =	sdelay $0x1  }
0xa7: {  	(erf) = vrcp.f32 v44;
	_ =	sdelay $0x8  }
0xa8: {  	v50 =	vpop (erf)  }
0xa9: {  	v45 =	vmul.f32 v50, v43;
	_ =	sdelay $0x1  }
0xaa: {  	v44 =	vadd.f32 v45, v44;
	_ =	sdelay $0x1  }
0xab: {  	v44 =	vmul.f32 $5.000000000e-01, v44;
	_ =	sdelay $0x1  }
0xac: {  	(erf) = vrcp.f32 v44;
	_ =	sdelay $0x8  }
0xad: {  	v51 =	vpop (erf)  }
0xae: {  	v43 =	vmul.f32 v51, v43;
	_ =	sdelay $0x1  }
0xaf: {  	v43 =	vadd.f32 v43, v44;
	_ =	sdelay $0x1  }
0xb0: {  	v43 =	vmul.f32 $5.000000000e-01, v43;
	_ =	sdelay $0x1  }
0xb1: {  	v43 =	vadd.f32 $9.999999970e-07, v43;
	_ =	sdelay $0x1  }
0xb2: {  	v43 =	vmul.f32 v43, v43  }
0xb3: {  	v52 =	vld.idx.msk [tilespmem:v8+s29+$0x0], $0xffff  }
0xb4: {  	v53 =	vld.idx.msk [tilespmem:v9+s29+$0x0], $0xffff;
	(erf) = vrcp.f32 v43;
	_ =	sdelay $0x4  }
0xb5: {  	v41 =	vmul.f32 v41, v52;
	v42 =	vmul.f32 v42, v53  }
0xb6: {  	v54 =	vld.idx.msk [tilespmem:v10+s29+$0x0], $0xffff  }
0xb7: {  	v55 =	vld [tilespmem:$0x310];
	v41 =	vadd.f32 v42, v41  }
0xb8: {  	v56 =	vld [tilespmem:$0x10]  }
0xb9: {  	v41 =	vmax.f32 v41, $0.0e+00;
	v57 =	vpop (erf)  }
0xba: {  	v41 =	vmul.f32 v57, v41;
	_ =	sdelay $0x1  }
0xbb: {  	v41 =	vmul.f32 v41, v54;
	_ =	sdelay $0x1  }
0xbc: {  	v43 =	vsub.f32 $0.0e+00, v41  }
0xbd: {  	[tilespmem:v55+s7+$0x0] =	vst.idx.add.f32.msk $0xffff, v41  }
0xbe: {  	[tilespmem:v56+s7+$0x0] =	vst.idx.add.f32.msk $0xffff, v43  }
0xbf: {  	v41 =	vld.idx.msk [tilespmem:v11+s29+$0x0], $0xffff  }
0xc0: {  	v42 =	vld.idx.msk [tilespmem:v12+s29+$0x0], $0xffff  }
0xc1: {  	v43 =	vld.idx.msk [tilespmem:v11+s30+$0x0], $0xffff  }
0xc2: {  	v44 =	vld.idx.msk [tilespmem:v12+s30+$0x0], $0xffff;
	_ =	sdelay $0x4  }
0xc3: {  	v41 =	vsub.f32 v43, v41;
	v42 =	vsub.f32 v44, v42;
	_ =	sdelay $0x1  }
0xc4: {  	v43 =	vmul.f32 v41, v41;
	v44 =	vmul.f32 v42, v42;
	_ =	sdelay $0x1  }
0xc5: {  	v43 =	vadd.f32 v44, v43;
	_ =	sdelay $0x1  }
0xc6: {  	v44 =	vshra.s32 v43, $0x1  }
0xc7: {  	v44 =	vadd.s32 $0x1FBD1DF5, v44  }
0xc8: {  	(erf) = vrcp.f32 v44;
	_ =	sdelay $0x8  }
0xc9: {  	v58 =	vpop (erf)  }
0xca: {  	v45 =	vmul.f32 v58, v43;
	_ =	sdelay $0x1  }
0xcb: {  	v44 =	vadd.f32 v44, v45;
	_ =	sdelay $0x1  }
0xcc: {  	v44 =	vmul.f32 $5.000000000e-01, v44;
	_ =	sdelay $0x1  }
0xcd: {  	(erf) = vrcp.f32 v44;
	_ =	sdelay $0x8  }
0xce: {  	v59 =	vpop (erf)  }
0xcf: {  	v45 =	vmul.f32 v59, v43;
	_ =	sdelay $0x1  }
0xd0: {  	v44 =	vadd.f32 v45, v44;
	_ =	sdelay $0x1  }
0xd1: {  	v44 =	vmul.f32 $5.000000000e-01, v44;
	_ =	sdelay $0x1  }
0xd2: {  	(erf) = vrcp.f32 v44;
	_ =	sdelay $0x8  }
0xd3: {  	v60 =	vpop (erf)  }
0xd4: {  	v43 =	vmul.f32 v60, v43;
	_ =	sdelay $0x1  }
0xd5: {  	v43 =	vadd.f32 v43, v44;
	_ =	sdelay $0x1  }
0xd6: {  	v43 =	vmul.f32 $5.000000000e-01, v43;
	_ =	sdelay $0x1  }
0xd7: {  	v43 =	vadd.f32 $9.999999970e-07, v43;
	_ =	sdelay $0x1  }
0xd8: {  	v43 =	vmul.f32 v43, v43  }
0xd9: {  	v61 =	vld.idx.msk [tilespmem:v13+s29+$0x0], $0xffff  }
0xda: {  	v62 =	vld.idx.msk [tilespmem:v14+s29+$0x0], $0xffff;
	(erf) = vrcp.f32 v43;
	_ =	sdelay $0x4  }
0xdb: {  	v41 =	vmul.f32 v41, v61;
	v42 =	vmul.f32 v42, v62  }
0xdc: {  	v63 =	vld.idx.msk [tilespmem:v15+s29+$0x0], $0xffff  }
0xdd: {  	v48 =	vld [tilespmem:$0x320];
	v41 =	vadd.f32 v42, v41  }
0xde: {  	v49 =	vld [tilespmem:$0x20]  }
0xdf: {  	v41 =	vmax.f32 v41, $0.0e+00;
	v50 =	vpop (erf)  }
0xe0: {  	v41 =	vmul.f32 v50, v41;
	_ =	sdelay $0x1  }
0xe1: {  	v41 =	vmul.f32 v41, v63;
	_ =	sdelay $0x1  }
0xe2: {  	v43 =	vsub.f32 $0.0e+00, v41  }
0xe3: {  	[tilespmem:v48+s7+$0x0] =	vst.idx.add.f32.msk $0xffff, v41  }
0xe4: {  	[tilespmem:v49+s7+$0x0] =	vst.idx.add.f32.msk $0xffff, v43  }
0xe5: {  	v41 =	vld.idx.msk [tilespmem:v16+s29+$0x0], $0xffff  }
0xe6: {  	v42 =	vld.idx.msk [tilespmem:v17+s29+$0x0], $0xffff  }
0xe7: {  	v43 =	vld.idx.msk [tilespmem:v16+s30+$0x0], $0xffff  }
0xe8: {  	v44 =	vld.idx.msk [tilespmem:v17+s30+$0x0], $0xffff;
	_ =	sdelay $0x4  }
0xe9: {  	v41 =	vsub.f32 v43, v41;
	v42 =	vsub.f32 v44, v42;
	_ =	sdelay $0x1  }
0xea: {  	v43 =	vmul.f32 v41, v41;
	v44 =	vmul.f32 v42, v42;
	_ =	sdelay $0x1  }
0xeb: {  	v43 =	vadd.f32 v44, v43;
	_ =	sdelay $0x1  }
0xec: {  	v44 =	vshra.s32 v43, $0x1  }
0xed: {  	v44 =	vadd.s32 $0x1FBD1DF5, v44  }
0xee: {  	(erf) = vrcp.f32 v44;
	_ =	sdelay $0x8  }
0xef: {  	v51 =	vpop (erf)  }
0xf0: {  	v45 =	vmul.f32 v51, v43;
	_ =	sdelay $0x1  }
0xf1: {  	v44 =	vadd.f32 v44, v45;
	_ =	sdelay $0x1  }
0xf2: {  	v44 =	vmul.f32 $5.000000000e-01, v44;
	_ =	sdelay $0x1  }
0xf3: {  	(erf) = vrcp.f32 v44;
	_ =	sdelay $0x8  }
0xf4: {  	v52 =	vpop (erf)  }
0xf5: {  	v45 =	vmul.f32 v52, v43;
	_ =	sdelay $0x1  }
0xf6: {  	v44 =	vadd.f32 v45, v44;
	_ =	sdelay $0x1  }
0xf7: {  	v44 =	vmul.f32 $5.000000000e-01, v44;
	_ =	sdelay $0x1  }
0xf8: {  	(erf) = vrcp.f32 v44;
	_ =	sdelay $0x8  }
0xf9: {  	v53 =	vpop (erf)  }
0xfa: {  	v43 =	vmul.f32 v53, v43;
	_ =	sdelay $0x1  }
0xfb: {  	v43 =	vadd.f32 v43, v44;
	_ =	sdelay $0x1  }
0xfc: {  	v43 =	vmul.f32 $5.000000000e-01, v43;
	_ =	sdelay $0x1  }
0xfd: {  	v43 =	vadd.f32 $9.999999970e-07, v43;
	_ =	sdelay $0x1  }
0xfe: {  	v43 =	vmul.f32 v43, v43  }
0xff: {  	v54 =	vld.idx.msk [tilespmem:v18+s29+$0x0], $0xffff  }
0x100: {  	v55 =	vld.idx.msk [tilespmem:v19+s29+$0x0], $0xffff;
	(erf) = vrcp.f32 v43;
	_ =	sdelay $0x4  }
0x101: {  	v41 =	vmul.f32 v41, v54;
	v42 =	vmul.f32 v42, v55  }
0x102: {  	v56 =	vld.idx.msk [tilespmem:v20+s29+$0x0], $0xffff  }
0x103: {  	v57 =	vld [tilespmem:$0x330];
	v41 =	vadd.f32 v42, v41  }
0x104: {  	v58 =	vld [tilespmem:$0x30]  }
0x105: {  	v41 =	vmax.f32 v41, $0.0e+00;
	v59 =	vpop (erf)  }
0x106: {  	v41 =	vmul.f32 v59, v41;
	_ =	sdelay $0x1  }
0x107: {  	v41 =	vmul.f32 v41, v56;
	_ =	sdelay $0x1  }
0x108: {  	v43 =	vsub.f32 $0.0e+00, v41  }
0x109: {  	[tilespmem:v57+s7+$0x0] =	vst.idx.add.f32.msk $0xffff, v41  }
0x10a: {  	[tilespmem:v58+s7+$0x0] =	vst.idx.add.f32.msk $0xffff, v43  }
0x10b: {  	v41 =	vld.idx.msk [tilespmem:v21+s29+$0x0], $0xffff  }
0x10c: {  	v42 =	vld.idx.msk [tilespmem:v22+s29+$0x0], $0xffff  }
0x10d: {  	v43 =	vld.idx.msk [tilespmem:v21+s30+$0x0], $0xffff  }
0x10e: {  	v44 =	vld.idx.msk [tilespmem:v22+s30+$0x0], $0xffff;
	_ =	sdelay $0x4  }
0x10f: {  	v41 =	vsub.f32 v43, v41;
	v42 =	vsub.f32 v44, v42;
	_ =	sdelay $0x1  }
0x110: {  	v43 =	vmul.f32 v41, v41;
	v44 =	vmul.f32 v42, v42;
	_ =	sdelay $0x1  }
0x111: {  	v43 =	vadd.f32 v44, v43;
	_ =	sdelay $0x1  }
0x112: {  	v44 =	vshra.s32 v43, $0x1  }
0x113: {  	v44 =	vadd.s32 $0x1FBD1DF5, v44  }
0x114: {  	(erf) = vrcp.f32 v44;
	_ =	sdelay $0x8  }
0x115: {  	v60 =	vpop (erf)  }
0x116: {  	v45 =	vmul.f32 v60, v43;
	_ =	sdelay $0x1  }
0x117: {  	v44 =	vadd.f32 v44, v45;
	_ =	sdelay $0x1  }
0x118: {  	v44 =	vmul.f32 $5.000000000e-01, v44;
	_ =	sdelay $0x1  }
0x119: {  	(erf) = vrcp.f32 v44;
	_ =	sdelay $0x8  }
0x11a: {  	v61 =	vpop (erf)  }
0x11b: {  	v45 =	vmul.f32 v61, v43;
	_ =	sdelay $0x1  }
0x11c: {  	v44 =	vadd.f32 v45, v44;
	_ =	sdelay $0x1  }
0x11d: {  	v44 =	vmul.f32 $5.000000000e-01, v44;
	_ =	sdelay $0x1  }
0x11e: {  	(erf) = vrcp.f32 v44;
	_ =	sdelay $0x8  }
0x11f: {  	v62 =	vpop (erf)  }
0x120: {  	v43 =	vmul.f32 v62, v43;
	_ =	sdelay $0x1  }
0x121: {  	v43 =	vadd.f32 v43, v44;
	_ =	sdelay $0x1  }
0x122: {  	v43 =	vmul.f32 $5.000000000e-01, v43;
	_ =	sdelay $0x1  }
0x123: {  	v43 =	vadd.f32 $9.999999970e-07, v43;
	_ =	sdelay $0x1  }
0x124: {  	v43 =	vmul.f32 v43, v43  }
0x125: {  	v63 =	vld.idx.msk [tilespmem:v23+s29+$0x0], $0xffff  }
0x126: {  	v48 =	vld.idx.msk [tilespmem:v24+s29+$0x0], $0xffff;
	(erf) = vrcp.f32 v43;
	_ =	sdelay $0x4  }
0x127: {  	v41 =	vmul.f32 v41, v63;
	v42 =	vmul.f32 v42, v48  }
0x128: {  	v49 =	vld.idx.msk [tilespmem:v25+s29+$0x0], $0xffff  }
0x129: {  	v50 =	vld [tilespmem:$0x340];
	v41 =	vadd.f32 v42, v41  }
0x12a: {  	v51 =	vld [tilespmem:$0x40]  }
0x12b: {  	v41 =	vmax.f32 v41, $0.0e+00;
	v52 =	vpop (erf)  }
0x12c: {  	v41 =	vmul.f32 v52, v41;
	_ =	sdelay $0x1  }
0x12d: {  	v41 =	vmul.f32 v41, v49;
	_ =	sdelay $0x1  }
0x12e: {  	v43 =	vsub.f32 $0.0e+00, v41  }
0x12f: {  	[tilespmem:v50+s7+$0x0] =	vst.idx.add.f32.msk $0xffff, v41  }
0x130: {  	[tilespmem:v51+s7+$0x0] =	vst.idx.add.f32.msk $0xffff, v43  }
0x131: {  	v41 =	vld.idx.msk [tilespmem:v26+s29+$0x0], $0xffff  }
0x132: {  	v42 =	vld.idx.msk [tilespmem:v27+s29+$0x0], $0xffff  }
0x133: {  	v43 =	vld.idx.msk [tilespmem:v26+s30+$0x0], $0xffff  }
0x134: {  	v44 =	vld.idx.msk [tilespmem:v27+s30+$0x0], $0xffff;
	_ =	sdelay $0x4  }
0x135: {  	v41 =	vsub.f32 v43, v41;
	v42 =	vsub.f32 v44, v42;
	_ =	sdelay $0x1  }
0x136: {  	v43 =	vmul.f32 v41, v41;
	v44 =	vmul.f32 v42, v42;
	_ =	sdelay $0x1  }
0x137: {  	v43 =	vadd.f32 v44, v43;
	_ =	sdelay $0x1  }
0x138: {  	v44 =	vshra.s32 v43, $0x1  }
0x139: {  	v44 =	vadd.s32 $0x1FBD1DF5, v44  }
0x13a: {  	(erf) = vrcp.f32 v44;
	_ =	sdelay $0x8  }
0x13b: {  	v53 =	vpop (erf)  }
0x13c: {  	v45 =	vmul.f32 v53, v43;
	_ =	sdelay $0x1  }
0x13d: {  	v44 =	vadd.f32 v44, v45;
	_ =	sdelay $0x1  }
0x13e: {  	v44 =	vmul.f32 $5.000000000e-01, v44;
	_ =	sdelay $0x1  }
0x13f: {  	(erf) = vrcp.f32 v44;
	_ =	sdelay $0x8  }
0x140: {  	v54 =	vpop (erf)  }
0x141: {  	v45 =	vmul.f32 v54, v43;
	_ =	sdelay $0x1  }
0x142: {  	v44 =	vadd.f32 v45, v44;
	_ =	sdelay $0x1  }
0x143: {  	v44 =	vmul.f32 $5.000000000e-01, v44;
	_ =	sdelay $0x1  }
0x144: {  	(erf) = vrcp.f32 v44;
	_ =	sdelay $0x8  }
0x145: {  	v55 =	vpop (erf)  }
0x146: {  	v43 =	vmul.f32 v55, v43;
	_ =	sdelay $0x1  }
0x147: {  	v43 =	vadd.f32 v43, v44;
	_ =	sdelay $0x1  }
0x148: {  	v43 =	vmul.f32 $5.000000000e-01, v43;
	_ =	sdelay $0x1  }
0x149: {  	v43 =	vadd.f32 $9.999999970e-07, v43;
	_ =	sdelay $0x1  }
0x14a: {  	v43 =	vmul.f32 v43, v43  }
0x14b: {  	v56 =	vld.idx.msk [tilespmem:v28+s29+$0x0], $0xffff  }
0x14c: {  	v57 =	vld.idx.msk [tilespmem:v29+s29+$0x0], $0xffff;
	(erf) = vrcp.f32 v43;
	_ =	sdelay $0x4  }
0x14d: {  	v41 =	vmul.f32 v41, v56;
	v42 =	vmul.f32 v42, v57  }
0x14e: {  	v58 =	vld.idx.msk [tilespmem:v30+s29+$0x0], $0xffff  }
0x14f: {  	v59 =	vld [tilespmem:$0x350];
	v41 =	vadd.f32 v42, v41  }
0x150: {  	v60 =	vld [tilespmem:$0x50]  }
0x151: {  	v41 =	vmax.f32 v41, $0.0e+00;
	v61 =	vpop (erf)  }
0x152: {  	v41 =	vmul.f32 v61, v41;
	_ =	sdelay $0x1  }
0x153: {  	v41 =	vmul.f32 v41, v58;
	_ =	sdelay $0x1  }
0x154: {  	v43 =	vsub.f32 $0.0e+00, v41  }
0x155: {  	[tilespmem:v59+s7+$0x0] =	vst.idx.add.f32.msk $0xffff, v41  }
0x156: {  	[tilespmem:v60+s7+$0x0] =	vst.idx.add.f32.msk $0xffff, v43  }
0x157: {  	v41 =	vld.idx.msk [tilespmem:v31+s29+$0x0], $0xffff  }
0x158: {  	v42 =	vld.idx.msk [tilespmem:v32+s29+$0x0], $0xffff  }
0x159: {  	v43 =	vld.idx.msk [tilespmem:v31+s30+$0x0], $0xffff  }
0x15a: {  	v44 =	vld.idx.msk [tilespmem:v32+s30+$0x0], $0xffff;
	_ =	sdelay $0x4  }
0x15b: {  	v41 =	vsub.f32 v43, v41;
	v42 =	vsub.f32 v44, v42;
	_ =	sdelay $0x1  }
0x15c: {  	v43 =	vmul.f32 v41, v41;
	v44 =	vmul.f32 v42, v42;
	_ =	sdelay $0x1  }
0x15d: {  	v43 =	vadd.f32 v44, v43;
	_ =	sdelay $0x1  }
0x15e: {  	v44 =	vshra.s32 v43, $0x1  }
0x15f: {  	v44 =	vadd.s32 $0x1FBD1DF5, v44  }
0x160: {  	(erf) = vrcp.f32 v44;
	_ =	sdelay $0x8  }
0x161: {  	v62 =	vpop (erf)  }
0x162: {  	v45 =	vmul.f32 v62, v43;
	_ =	sdelay $0x1  }
0x163: {  	v44 =	vadd.f32 v44, v45;
	_ =	sdelay $0x1  }
0x164: {  	v44 =	vmul.f32 $5.000000000e-01, v44;
	_ =	sdelay $0x1  }
0x165: {  	(erf) = vrcp.f32 v44;
	_ =	sdelay $0x8  }
0x166: {  	v63 =	vpop (erf)  }
0x167: {  	v45 =	vmul.f32 v63, v43;
	_ =	sdelay $0x1  }
0x168: {  	v44 =	vadd.f32 v45, v44;
	_ =	sdelay $0x1  }
0x169: {  	v44 =	vmul.f32 $5.000000000e-01, v44;
	_ =	sdelay $0x1  }
0x16a: {  	(erf) = vrcp.f32 v44;
	_ =	sdelay $0x8  }
0x16b: {  	v48 =	vpop (erf)  }
0x16c: {  	v43 =	vmul.f32 v48, v43;
	_ =	sdelay $0x1  }
0x16d: {  	v43 =	vadd.f32 v43, v44;
	_ =	sdelay $0x1  }
0x16e: {  	v43 =	vmul.f32 $5.000000000e-01, v43;
	_ =	sdelay $0x1  }
0x16f: {  	v43 =	vadd.f32 $9.999999970e-07, v43;
	_ =	sdelay $0x1  }
0x170: {  	v43 =	vmul.f32 v43, v43  }
0x171: {  	v49 =	vld.idx.msk [tilespmem:v33+s29+$0x0], $0xffff  }
0x172: {  	v50 =	vld.idx.msk [tilespmem:v34+s29+$0x0], $0xffff;
	(erf) = vrcp.f32 v43;
	_ =	sdelay $0x4  }
0x173: {  	v41 =	vmul.f32 v41, v49;
	v42 =	vmul.f32 v42, v50  }
0x174: {  	v51 =	vld.idx.msk [tilespmem:v35+s29+$0x0], $0xffff  }
0x175: {  	v52 =	vld [tilespmem:$0x360];
	v41 =	vadd.f32 v42, v41  }
0x176: {  	v53 =	vld [tilespmem:$0x60]  }
0x177: {  	v41 =	vmax.f32 v41, $0.0e+00;
	v54 =	vpop (erf)  }
0x178: {  	v41 =	vmul.f32 v54, v41;
	_ =	sdelay $0x1  }
0x179: {  	v41 =	vmul.f32 v41, v51;
	_ =	sdelay $0x1  }
0x17a: {  	v43 =	vsub.f32 $0.0e+00, v41  }
0x17b: {  	[tilespmem:v52+s7+$0x0] =	vst.idx.add.f32.msk $0xffff, v41  }
0x17c: {  	[tilespmem:v53+s7+$0x0] =	vst.idx.add.f32.msk $0xffff, v43  }
0x17d: {  	v41 =	vld.idx.msk [tilespmem:v36+s29+$0x0], $0xffff  }
0x17e: {  	v42 =	vld.idx.msk [tilespmem:v37+s29+$0x0], $0xffff  }
0x17f: {  	v43 =	vld.idx.msk [tilespmem:v36+s30+$0x0], $0xffff  }
0x180: {  	v44 =	vld.idx.msk [tilespmem:v37+s30+$0x0], $0xffff;
	_ =	sdelay $0x4  }
0x181: {  	v41 =	vsub.f32 v43, v41;
	v42 =	vsub.f32 v44, v42;
	_ =	sdelay $0x1  }
0x182: {  	v43 =	vmul.f32 v41, v41;
	v44 =	vmul.f32 v42, v42;
	_ =	sdelay $0x1  }
0x183: {  	v43 =	vadd.f32 v44, v43;
	_ =	sdelay $0x1  }
0x184: {  	v44 =	vshra.s32 v43, $0x1  }
0x185: {  	v44 =	vadd.s32 $0x1FBD1DF5, v44  }
0x186: {  	(erf) = vrcp.f32 v44;
	_ =	sdelay $0x8  }
0x187: {  	v55 =	vpop (erf)  }
0x188: {  	v45 =	vmul.f32 v55, v43;
	_ =	sdelay $0x1  }
0x189: {  	v44 =	vadd.f32 v44, v45;
	_ =	sdelay $0x1  }
0x18a: {  	v44 =	vmul.f32 $5.000000000e-01, v44;
	_ =	sdelay $0x1  }
0x18b: {  	(erf) = vrcp.f32 v44;
	_ =	sdelay $0x8  }
0x18c: {  	v56 =	vpop (erf)  }
0x18d: {  	v45 =	vmul.f32 v56, v43;
	_ =	sdelay $0x1  }
0x18e: {  	v44 =	vadd.f32 v45, v44;
	_ =	sdelay $0x1  }
0x18f: {  	v44 =	vmul.f32 $5.000000000e-01, v44;
	_ =	sdelay $0x1  }
0x190: {  	(erf) = vrcp.f32 v44;
	_ =	sdelay $0x8  }
0x191: {  	v57 =	vpop (erf)  }
0x192: {  	v43 =	vmul.f32 v57, v43;
	_ =	sdelay $0x1  }
0x193: {  	v43 =	vadd.f32 v43, v44;
	_ =	sdelay $0x1  }
0x194: {  	v43 =	vmul.f32 $5.000000000e-01, v43;
	_ =	sdelay $0x1  }
0x195: {  	v43 =	vadd.f32 $9.999999970e-07, v43;
	_ =	sdelay $0x1  }
0x196: {  	v43 =	vmul.f32 v43, v43  }
0x197: {  	v58 =	vld.idx.msk [tilespmem:v38+s29+$0x0], $0xffff  }
0x198: {  	v59 =	vld.idx.msk [tilespmem:v39+s29+$0x0], $0xffff;
	(erf) = vrcp.f32 v43;
	_ =	sdelay $0x4  }
0x199: {  	v41 =	vmul.f32 v41, v58;
	v42 =	vmul.f32 v42, v59  }
0x19a: {  	v60 =	vld.idx.msk [tilespmem:v40+s29+$0x0], $0xffff  }
0x19b: {  	v61 =	vld [tilespmem:$0x370];
	v41 =	vadd.f32 v42, v41  }
0x19c: {  	v62 =	vld [tilespmem:$0x70]  }
0x19d: {  	v41 =	vmax.f32 v41, $0.0e+00;
	v63 =	vpop (erf)  }
0x19e: {  	v41 =	vmul.f32 v63, v41;
	_ =	sdelay $0x1  }
0x19f: {  	v41 =	vmul.f32 v41, v60;
	_ =	sdelay $0x1  }
0x1a0: {  	v43 =	vsub.f32 $0.0e+00, v41  }
0x1a1: {  	[tilespmem:v61+s7+$0x0] =	vst.idx.add.f32.msk $0xffff, v41  }
0x1a2: {  	[tilespmem:v62+s7+$0x0] =	vst.idx.add.f32.msk $0xffff, v43  }
.LBB2_6:
0x1a3: {  	s15 =	rddreg [dreg:$0xb]  }
0x1a4: {  	p3 =	sge.u32 s14, s15  }
0x1a5: {  	s15 =	simm.s32 @!p3 $0x4  }
0x1a6: {  	_ =	swait.ge @!p3 [sflag:s15], $0x80  }
0x1a7: {  	[sflag:s15] =	ssyncset.done @!p3 $0x0  }
0x1a8: {  	[sflag:s15] =	ssyncadd.s32 @!p3 $0xFFFFFF80  }
0x1a9: {  	_ =	swait.ge @!p3 [sflag:s15], $0x80  }
0x1aa: {  	s19 =	simm.s32 @!p3 $0x180;
	[sflag:s15] =	ssyncset.done @!p3 $0x0  }
0x1ab: {  	s20 =	simm.s32 @!p3 $0x1200;
	[sflag:s15] =	ssyncadd.s32 @!p3 $0xFFFFFF80;
	s15 =	simm.s32 @!p3 $0x80  }
0x1ac: {  	[tilespmem:s20], [sflag:$0xA] =	stream.indirect.gather @!p3 [hbm4b:s3+s15], $0x8, s19, s15, $0xb8;
	[tilespmem:$0x1BD00] =	vst v63  }
0x1ad: {  	s19 =	simm.s32 @!p3 $0x480;
	s20 =	simm.s32 @!p3 $0x2A00  }
0x1ae: {  	[tilespmem:s20], [sflag:$0xA] =	stream.indirect.gather @!p3 [hbm4b:s3+s15], $0x8, s19, s15, $0xb8;
	[tilespmem:$0x1BD00] =	vst v63  }
0x1af: {  	s20 =	sadd.s32 $0x5, s14  }
0x1b0: {  	s21 =	rddreg [dreg:$0xc];
	p1 =	sge.u32 s20, s4  }
0x1b1: {  	p4 =	sge.u32 s14, s21;
	s15 =	sadd.s32 @!p1 s13, s23  }
.Ltmp6:
0x1b2: {  	s19 =	simm.s32 @!p1 $0x0;
	s20 =	simm.s32 @!p1 $0x280;
	(pc) =	sbr.rel @p4 .LBB2_8-.Ltmp6, $4  }
0x1b3: {  	[tilespmem:s20], [sflag:$0x6] =	stream.linear.gather @!p1 [hbm4b:s15+s19], $0x80, $0x38;
	[tilespmem:$0x1BD00] =	vst v63  }
0x1b4: {  	s15 =	sadd.s32 @!p1 s13, s18  }
0x1b5: {  	s20 =	simm.s32 @!p1 $0x580;
	s15 =	sadd.s32 @!p1 $0x30D90, s15  }
0x1b6: {  	[tilespmem:s20], [sflag:$0x6] =	stream.linear.gather @!p1 [hbm4b:s15+s19], $0x80, $0x38;
	[tilespmem:$0x1BD00] =	vst v63  }
0x1b7: {  	_ =	swait.ge [sflag:s8], $0x400  }
0x1b8: {  	[sflag:s8] =	ssyncset.done $0x0  }
0x1b9: {  	[sflag:s8] =	ssyncadd.s32 $0xFFFFFC00  }
0x1ba: {  	_ =	swait.ge [sflag:s8], $0x400  }
0x1bb: {  	[sflag:s8] =	ssyncset.done $0x0  }
0x1bc: {  	[sflag:s8] =	ssyncadd.s32 $0xFFFFFC00  }
0x1bd: {  	v41 =	vld.idx.msk [tilespmem:v0+s2+$0x0], $0xffff  }
0x1be: {  	v42 =	vld.idx.msk [tilespmem:v2+s2+$0x0], $0xffff  }
0x1bf: {  	v43 =	vld.idx.msk [tilespmem:v0+s0+$0x0], $0xffff  }
0x1c0: {  	v44 =	vld.idx.msk [tilespmem:v2+s0+$0x0], $0xffff;
	_ =	sdelay $0x4  }
0x1c1: {  	v41 =	vsub.f32 v43, v41;
	v42 =	vsub.f32 v44, v42;
	_ =	sdelay $0x1  }
0x1c2: {  	v43 =	vmul.f32 v41, v41;
	v44 =	vmul.f32 v42, v42;
	_ =	sdelay $0x1  }
0x1c3: {  	v43 =	vadd.f32 v44, v43;
	_ =	sdelay $0x1  }
0x1c4: {  	v44 =	vshra.s32 v43, $0x1  }
0x1c5: {  	v44 =	vadd.s32 $0x1FBD1DF5, v44  }
0x1c6: {  	(erf) = vrcp.f32 v44;
	_ =	sdelay $0x8  }
0x1c7: {  	v45 =	vpop (erf)  }
0x1c8: {  	v45 =	vmul.f32 v45, v43;
	_ =	sdelay $0x1  }
0x1c9: {  	v44 =	vadd.f32 v44, v45;
	_ =	sdelay $0x1  }
0x1ca: {  	v44 =	vmul.f32 $5.000000000e-01, v44;
	_ =	sdelay $0x1  }
0x1cb: {  	(erf) = vrcp.f32 v44;
	_ =	sdelay $0x8  }
0x1cc: {  	v57 =	vpop (erf)  }
0x1cd: {  	v45 =	vmul.f32 v57, v43;
	_ =	sdelay $0x1  }
0x1ce: {  	v44 =	vadd.f32 v45, v44;
	_ =	sdelay $0x1  }
0x1cf: {  	v44 =	vmul.f32 $5.000000000e-01, v44;
	_ =	sdelay $0x1  }
0x1d0: {  	(erf) = vrcp.f32 v44;
	_ =	sdelay $0x8  }
0x1d1: {  	v58 =	vpop (erf)  }
0x1d2: {  	v43 =	vmul.f32 v58, v43;
	_ =	sdelay $0x1  }
0x1d3: {  	v43 =	vadd.f32 v43, v44;
	_ =	sdelay $0x1  }
0x1d4: {  	v43 =	vmul.f32 $5.000000000e-01, v43;
	_ =	sdelay $0x1  }
0x1d5: {  	v43 =	vadd.f32 $9.999999970e-07, v43;
	_ =	sdelay $0x1  }
0x1d6: {  	v43 =	vmul.f32 v43, v43  }
0x1d7: {  	v59 =	vld.idx.msk [tilespmem:v3+s2+$0x0], $0xffff  }
0x1d8: {  	v60 =	vld.idx.msk [tilespmem:v4+s2+$0x0], $0xffff;
	(erf) = vrcp.f32 v43;
	_ =	sdelay $0x4  }
0x1d9: {  	v41 =	vmul.f32 v41, v59;
	v42 =	vmul.f32 v42, v60  }
0x1da: {  	v61 =	vld.idx.msk [tilespmem:v5+s2+$0x0], $0xffff  }
0x1db: {  	v62 =	vld [tilespmem:$0x380];
	v41 =	vadd.f32 v42, v41  }
0x1dc: {  	v63 =	vld [tilespmem:$0x80]  }
0x1dd: {  	v41 =	vmax.f32 v41, $0.0e+00;
	v48 =	vpop (erf)  }
0x1de: {  	v41 =	vmul.f32 v48, v41;
	_ =	sdelay $0x1  }
0x1df: {  	v41 =	vmul.f32 v41, v61;
	_ =	sdelay $0x1  }
0x1e0: {  	v43 =	vsub.f32 $0.0e+00, v41  }
0x1e1: {  	[tilespmem:v62+s7+$0x0] =	vst.idx.add.f32.msk $0xffff, v41  }
0x1e2: {  	[tilespmem:v63+s7+$0x0] =	vst.idx.add.f32.msk $0xffff, v43  }
0x1e3: {  	v41 =	vld.idx.msk [tilespmem:v6+s2+$0x0], $0xffff  }
0x1e4: {  	v42 =	vld.idx.msk [tilespmem:v7+s2+$0x0], $0xffff  }
0x1e5: {  	v43 =	vld.idx.msk [tilespmem:v6+s0+$0x0], $0xffff  }
0x1e6: {  	v44 =	vld.idx.msk [tilespmem:v7+s0+$0x0], $0xffff;
	_ =	sdelay $0x4  }
0x1e7: {  	v41 =	vsub.f32 v43, v41;
	v42 =	vsub.f32 v44, v42;
	_ =	sdelay $0x1  }
0x1e8: {  	v43 =	vmul.f32 v41, v41;
	v44 =	vmul.f32 v42, v42;
	_ =	sdelay $0x1  }
0x1e9: {  	v43 =	vadd.f32 v44, v43;
	_ =	sdelay $0x1  }
0x1ea: {  	v44 =	vshra.s32 v43, $0x1  }
0x1eb: {  	v44 =	vadd.s32 $0x1FBD1DF5, v44  }
0x1ec: {  	(erf) = vrcp.f32 v44;
	_ =	sdelay $0x8  }
0x1ed: {  	v49 =	vpop (erf)  }
0x1ee: {  	v45 =	vmul.f32 v49, v43;
	_ =	sdelay $0x1  }
0x1ef: {  	v44 =	vadd.f32 v44, v45;
	_ =	sdelay $0x1  }
0x1f0: {  	v44 =	vmul.f32 $5.000000000e-01, v44;
	_ =	sdelay $0x1  }
0x1f1: {  	(erf) = vrcp.f32 v44;
	_ =	sdelay $0x8  }
0x1f2: {  	v50 =	vpop (erf)  }
0x1f3: {  	v45 =	vmul.f32 v50, v43;
	_ =	sdelay $0x1  }
0x1f4: {  	v44 =	vadd.f32 v45, v44;
	_ =	sdelay $0x1  }
0x1f5: {  	v44 =	vmul.f32 $5.000000000e-01, v44;
	_ =	sdelay $0x1  }
0x1f6: {  	(erf) = vrcp.f32 v44;
	_ =	sdelay $0x8  }
0x1f7: {  	v51 =	vpop (erf)  }
0x1f8: {  	v43 =	vmul.f32 v51, v43;
	_ =	sdelay $0x1  }
0x1f9: {  	v43 =	vadd.f32 v43, v44;
	_ =	sdelay $0x1  }
0x1fa: {  	v43 =	vmul.f32 $5.000000000e-01, v43;
	_ =	sdelay $0x1  }
0x1fb: {  	v43 =	vadd.f32 $9.999999970e-07, v43;
	_ =	sdelay $0x1  }
0x1fc: {  	v43 =	vmul.f32 v43, v43  }
0x1fd: {  	v52 =	vld.idx.msk [tilespmem:v8+s2+$0x0], $0xffff  }
0x1fe: {  	v53 =	vld.idx.msk [tilespmem:v9+s2+$0x0], $0xffff;
	(erf) = vrcp.f32 v43;
	_ =	sdelay $0x4  }
0x1ff: {  	v41 =	vmul.f32 v41, v52;
	v42 =	vmul.f32 v42, v53  }
0x200: {  	v54 =	vld.idx.msk [tilespmem:v10+s2+$0x0], $0xffff  }
0x201: {  	v55 =	vld [tilespmem:$0x390];
	v41 =	vadd.f32 v42, v41  }
0x202: {  	v56 =	vld [tilespmem:$0x90]  }
0x203: {  	v41 =	vmax.f32 v41, $0.0e+00;
	v57 =	vpop (erf)  }
0x204: {  	v41 =	vmul.f32 v57, v41;
	_ =	sdelay $0x1  }
0x205: {  	v41 =	vmul.f32 v41, v54;
	_ =	sdelay $0x1  }
0x206: {  	v43 =	vsub.f32 $0.0e+00, v41  }
0x207: {  	[tilespmem:v55+s7+$0x0] =	vst.idx.add.f32.msk $0xffff, v41  }
0x208: {  	[tilespmem:v56+s7+$0x0] =	vst.idx.add.f32.msk $0xffff, v43  }
0x209: {  	v41 =	vld.idx.msk [tilespmem:v11+s2+$0x0], $0xffff  }
0x20a: {  	v42 =	vld.idx.msk [tilespmem:v12+s2+$0x0], $0xffff  }
0x20b: {  	v43 =	vld.idx.msk [tilespmem:v11+s0+$0x0], $0xffff  }
0x20c: {  	v44 =	vld.idx.msk [tilespmem:v12+s0+$0x0], $0xffff;
	_ =	sdelay $0x4  }
0x20d: {  	v41 =	vsub.f32 v43, v41;
	v42 =	vsub.f32 v44, v42;
	_ =	sdelay $0x1  }
0x20e: {  	v43 =	vmul.f32 v41, v41;
	v44 =	vmul.f32 v42, v42;
	_ =	sdelay $0x1  }
0x20f: {  	v43 =	vadd.f32 v44, v43;
	_ =	sdelay $0x1  }
0x210: {  	v44 =	vshra.s32 v43, $0x1  }
0x211: {  	v44 =	vadd.s32 $0x1FBD1DF5, v44  }
0x212: {  	(erf) = vrcp.f32 v44;
	_ =	sdelay $0x8  }
0x213: {  	v58 =	vpop (erf)  }
0x214: {  	v45 =	vmul.f32 v58, v43;
	_ =	sdelay $0x1  }
0x215: {  	v44 =	vadd.f32 v44, v45;
	_ =	sdelay $0x1  }
0x216: {  	v44 =	vmul.f32 $5.000000000e-01, v44;
	_ =	sdelay $0x1  }
0x217: {  	(erf) = vrcp.f32 v44;
	_ =	sdelay $0x8  }
0x218: {  	v59 =	vpop (erf)  }
0x219: {  	v45 =	vmul.f32 v59, v43;
	_ =	sdelay $0x1  }
0x21a: {  	v44 =	vadd.f32 v45, v44;
	_ =	sdelay $0x1  }
0x21b: {  	v44 =	vmul.f32 $5.000000000e-01, v44;
	_ =	sdelay $0x1  }
0x21c: {  	(erf) = vrcp.f32 v44;
	_ =	sdelay $0x8  }
0x21d: {  	v60 =	vpop (erf)  }
0x21e: {  	v43 =	vmul.f32 v60, v43;
	_ =	sdelay $0x1  }
0x21f: {  	v43 =	vadd.f32 v43, v44;
	_ =	sdelay $0x1  }
0x220: {  	v43 =	vmul.f32 $5.000000000e-01, v43;
	_ =	sdelay $0x1  }
0x221: {  	v43 =	vadd.f32 $9.999999970e-07, v43;
	_ =	sdelay $0x1  }
0x222: {  	v43 =	vmul.f32 v43, v43  }
0x223: {  	v61 =	vld.idx.msk [tilespmem:v13+s2+$0x0], $0xffff  }
0x224: {  	v62 =	vld.idx.msk [tilespmem:v14+s2+$0x0], $0xffff;
	(erf) = vrcp.f32 v43;
	_ =	sdelay $0x4  }
0x225: {  	v41 =	vmul.f32 v41, v61;
	v42 =	vmul.f32 v42, v62  }
0x226: {  	v63 =	vld.idx.msk [tilespmem:v15+s2+$0x0], $0xffff  }
0x227: {  	v48 =	vld [tilespmem:$0x3A0];
	v41 =	vadd.f32 v42, v41  }
0x228: {  	v49 =	vld [tilespmem:$0xA0]  }
0x229: {  	v41 =	vmax.f32 v41, $0.0e+00;
	v50 =	vpop (erf)  }
0x22a: {  	v41 =	vmul.f32 v50, v41;
	_ =	sdelay $0x1  }
0x22b: {  	v41 =	vmul.f32 v41, v63;
	_ =	sdelay $0x1  }
0x22c: {  	v43 =	vsub.f32 $0.0e+00, v41  }
0x22d: {  	[tilespmem:v48+s7+$0x0] =	vst.idx.add.f32.msk $0xffff, v41  }
0x22e: {  	[tilespmem:v49+s7+$0x0] =	vst.idx.add.f32.msk $0xffff, v43  }
0x22f: {  	v41 =	vld.idx.msk [tilespmem:v16+s2+$0x0], $0xffff  }
0x230: {  	v42 =	vld.idx.msk [tilespmem:v17+s2+$0x0], $0xffff  }
0x231: {  	v43 =	vld.idx.msk [tilespmem:v16+s0+$0x0], $0xffff  }
0x232: {  	v44 =	vld.idx.msk [tilespmem:v17+s0+$0x0], $0xffff;
	_ =	sdelay $0x4  }
0x233: {  	v41 =	vsub.f32 v43, v41;
	v42 =	vsub.f32 v44, v42;
	_ =	sdelay $0x1  }
0x234: {  	v43 =	vmul.f32 v41, v41;
	v44 =	vmul.f32 v42, v42;
	_ =	sdelay $0x1  }
0x235: {  	v43 =	vadd.f32 v44, v43;
	_ =	sdelay $0x1  }
0x236: {  	v44 =	vshra.s32 v43, $0x1  }
0x237: {  	v44 =	vadd.s32 $0x1FBD1DF5, v44  }
0x238: {  	(erf) = vrcp.f32 v44;
	_ =	sdelay $0x8  }
0x239: {  	v51 =	vpop (erf)  }
0x23a: {  	v45 =	vmul.f32 v51, v43;
	_ =	sdelay $0x1  }
0x23b: {  	v44 =	vadd.f32 v44, v45;
	_ =	sdelay $0x1  }
0x23c: {  	v44 =	vmul.f32 $5.000000000e-01, v44;
	_ =	sdelay $0x1  }
0x23d: {  	(erf) = vrcp.f32 v44;
	_ =	sdelay $0x8  }
0x23e: {  	v52 =	vpop (erf)  }
0x23f: {  	v45 =	vmul.f32 v52, v43;
	_ =	sdelay $0x1  }
0x240: {  	v44 =	vadd.f32 v45, v44;
	_ =	sdelay $0x1  }
0x241: {  	v44 =	vmul.f32 $5.000000000e-01, v44;
	_ =	sdelay $0x1  }
0x242: {  	(erf) = vrcp.f32 v44;
	_ =	sdelay $0x8  }
0x243: {  	v53 =	vpop (erf)  }
0x244: {  	v43 =	vmul.f32 v53, v43;
	_ =	sdelay $0x1  }
0x245: {  	v43 =	vadd.f32 v43, v44;
	_ =	sdelay $0x1  }
0x246: {  	v43 =	vmul.f32 $5.000000000e-01, v43;
	_ =	sdelay $0x1  }
0x247: {  	v43 =	vadd.f32 $9.999999970e-07, v43;
	_ =	sdelay $0x1  }
0x248: {  	v43 =	vmul.f32 v43, v43  }
0x249: {  	v54 =	vld.idx.msk [tilespmem:v18+s2+$0x0], $0xffff  }
0x24a: {  	v55 =	vld.idx.msk [tilespmem:v19+s2+$0x0], $0xffff;
	(erf) = vrcp.f32 v43;
	_ =	sdelay $0x4  }
0x24b: {  	v41 =	vmul.f32 v41, v54;
	v42 =	vmul.f32 v42, v55  }
0x24c: {  	v56 =	vld.idx.msk [tilespmem:v20+s2+$0x0], $0xffff  }
0x24d: {  	v57 =	vld [tilespmem:$0x3B0];
	v41 =	vadd.f32 v42, v41  }
0x24e: {  	v58 =	vld [tilespmem:$0xB0]  }
0x24f: {  	v41 =	vmax.f32 v41, $0.0e+00;
	v59 =	vpop (erf)  }
0x250: {  	v41 =	vmul.f32 v59, v41;
	_ =	sdelay $0x1  }
0x251: {  	v41 =	vmul.f32 v41, v56;
	_ =	sdelay $0x1  }
0x252: {  	v43 =	vsub.f32 $0.0e+00, v41  }
0x253: {  	[tilespmem:v57+s7+$0x0] =	vst.idx.add.f32.msk $0xffff, v41  }
0x254: {  	[tilespmem:v58+s7+$0x0] =	vst.idx.add.f32.msk $0xffff, v43  }
0x255: {  	v41 =	vld.idx.msk [tilespmem:v21+s2+$0x0], $0xffff  }
0x256: {  	v42 =	vld.idx.msk [tilespmem:v22+s2+$0x0], $0xffff  }
0x257: {  	v43 =	vld.idx.msk [tilespmem:v21+s0+$0x0], $0xffff  }
0x258: {  	v44 =	vld.idx.msk [tilespmem:v22+s0+$0x0], $0xffff;
	_ =	sdelay $0x4  }
0x259: {  	v41 =	vsub.f32 v43, v41;
	v42 =	vsub.f32 v44, v42;
	_ =	sdelay $0x1  }
0x25a: {  	v43 =	vmul.f32 v41, v41;
	v44 =	vmul.f32 v42, v42;
	_ =	sdelay $0x1  }
0x25b: {  	v43 =	vadd.f32 v44, v43;
	_ =	sdelay $0x1  }
0x25c: {  	v44 =	vshra.s32 v43, $0x1  }
0x25d: {  	v44 =	vadd.s32 $0x1FBD1DF5, v44  }
0x25e: {  	(erf) = vrcp.f32 v44;
	_ =	sdelay $0x8  }
0x25f: {  	v60 =	vpop (erf)  }
0x260: {  	v45 =	vmul.f32 v60, v43;
	_ =	sdelay $0x1  }
0x261: {  	v44 =	vadd.f32 v44, v45;
	_ =	sdelay $0x1  }
0x262: {  	v44 =	vmul.f32 $5.000000000e-01, v44;
	_ =	sdelay $0x1  }
0x263: {  	(erf) = vrcp.f32 v44;
	_ =	sdelay $0x8  }
0x264: {  	v61 =	vpop (erf)  }
0x265: {  	v45 =	vmul.f32 v61, v43;
	_ =	sdelay $0x1  }
0x266: {  	v44 =	vadd.f32 v45, v44;
	_ =	sdelay $0x1  }
0x267: {  	v44 =	vmul.f32 $5.000000000e-01, v44;
	_ =	sdelay $0x1  }
0x268: {  	(erf) = vrcp.f32 v44;
	_ =	sdelay $0x8  }
0x269: {  	v62 =	vpop (erf)  }
0x26a: {  	v43 =	vmul.f32 v62, v43;
	_ =	sdelay $0x1  }
0x26b: {  	v43 =	vadd.f32 v43, v44;
	_ =	sdelay $0x1  }
0x26c: {  	v43 =	vmul.f32 $5.000000000e-01, v43;
	_ =	sdelay $0x1  }
0x26d: {  	v43 =	vadd.f32 $9.999999970e-07, v43;
	_ =	sdelay $0x1  }
0x26e: {  	v43 =	vmul.f32 v43, v43  }
0x26f: {  	v63 =	vld.idx.msk [tilespmem:v23+s2+$0x0], $0xffff  }
0x270: {  	v48 =	vld.idx.msk [tilespmem:v24+s2+$0x0], $0xffff;
	(erf) = vrcp.f32 v43;
	_ =	sdelay $0x4  }
0x271: {  	v41 =	vmul.f32 v41, v63;
	v42 =	vmul.f32 v42, v48  }
0x272: {  	v49 =	vld.idx.msk [tilespmem:v25+s2+$0x0], $0xffff  }
0x273: {  	v50 =	vld [tilespmem:$0x3C0];
	v41 =	vadd.f32 v42, v41  }
0x274: {  	v51 =	vld [tilespmem:$0xC0]  }
0x275: {  	v41 =	vmax.f32 v41, $0.0e+00;
	v52 =	vpop (erf)  }
0x276: {  	v41 =	vmul.f32 v52, v41;
	_ =	sdelay $0x1  }
0x277: {  	v41 =	vmul.f32 v41, v49;
	_ =	sdelay $0x1  }
0x278: {  	v43 =	vsub.f32 $0.0e+00, v41  }
0x279: {  	[tilespmem:v50+s7+$0x0] =	vst.idx.add.f32.msk $0xffff, v41  }
0x27a: {  	[tilespmem:v51+s7+$0x0] =	vst.idx.add.f32.msk $0xffff, v43  }
0x27b: {  	v41 =	vld.idx.msk [tilespmem:v26+s2+$0x0], $0xffff  }
0x27c: {  	v42 =	vld.idx.msk [tilespmem:v27+s2+$0x0], $0xffff  }
0x27d: {  	v43 =	vld.idx.msk [tilespmem:v26+s0+$0x0], $0xffff  }
0x27e: {  	v44 =	vld.idx.msk [tilespmem:v27+s0+$0x0], $0xffff;
	_ =	sdelay $0x4  }
0x27f: {  	v41 =	vsub.f32 v43, v41;
	v42 =	vsub.f32 v44, v42;
	_ =	sdelay $0x1  }
0x280: {  	v43 =	vmul.f32 v41, v41;
	v44 =	vmul.f32 v42, v42;
	_ =	sdelay $0x1  }
0x281: {  	v43 =	vadd.f32 v44, v43;
	_ =	sdelay $0x1  }
0x282: {  	v44 =	vshra.s32 v43, $0x1  }
0x283: {  	v44 =	vadd.s32 $0x1FBD1DF5, v44  }
0x284: {  	(erf) = vrcp.f32 v44;
	_ =	sdelay $0x8  }
0x285: {  	v53 =	vpop (erf)  }
0x286: {  	v45 =	vmul.f32 v53, v43;
	_ =	sdelay $0x1  }
0x287: {  	v44 =	vadd.f32 v44, v45;
	_ =	sdelay $0x1  }
0x288: {  	v44 =	vmul.f32 $5.000000000e-01, v44;
	_ =	sdelay $0x1  }
0x289: {  	(erf) = vrcp.f32 v44;
	_ =	sdelay $0x8  }
0x28a: {  	v54 =	vpop (erf)  }
0x28b: {  	v45 =	vmul.f32 v54, v43;
	_ =	sdelay $0x1  }
0x28c: {  	v44 =	vadd.f32 v45, v44;
	_ =	sdelay $0x1  }
0x28d: {  	v44 =	vmul.f32 $5.000000000e-01, v44;
	_ =	sdelay $0x1  }
0x28e: {  	(erf) = vrcp.f32 v44;
	_ =	sdelay $0x8  }
0x28f: {  	v55 =	vpop (erf)  }
0x290: {  	v43 =	vmul.f32 v55, v43;
	_ =	sdelay $0x1  }
0x291: {  	v43 =	vadd.f32 v43, v44;
	_ =	sdelay $0x1  }
0x292: {  	v43 =	vmul.f32 $5.000000000e-01, v43;
	_ =	sdelay $0x1  }
0x293: {  	v43 =	vadd.f32 $9.999999970e-07, v43;
	_ =	sdelay $0x1  }
0x294: {  	v43 =	vmul.f32 v43, v43  }
0x295: {  	v56 =	vld.idx.msk [tilespmem:v28+s2+$0x0], $0xffff  }
0x296: {  	v57 =	vld.idx.msk [tilespmem:v29+s2+$0x0], $0xffff;
	(erf) = vrcp.f32 v43;
	_ =	sdelay $0x4  }
0x297: {  	v41 =	vmul.f32 v41, v56;
	v42 =	vmul.f32 v42, v57  }
0x298: {  	v58 =	vld.idx.msk [tilespmem:v30+s2+$0x0], $0xffff  }
0x299: {  	v59 =	vld [tilespmem:$0x3D0];
	v41 =	vadd.f32 v42, v41  }
0x29a: {  	v60 =	vld [tilespmem:$0xD0]  }
0x29b: {  	v41 =	vmax.f32 v41, $0.0e+00;
	v61 =	vpop (erf)  }
0x29c: {  	v41 =	vmul.f32 v61, v41;
	_ =	sdelay $0x1  }
0x29d: {  	v41 =	vmul.f32 v41, v58;
	_ =	sdelay $0x1  }
0x29e: {  	v43 =	vsub.f32 $0.0e+00, v41  }
0x29f: {  	[tilespmem:v59+s7+$0x0] =	vst.idx.add.f32.msk $0xffff, v41  }
0x2a0: {  	[tilespmem:v60+s7+$0x0] =	vst.idx.add.f32.msk $0xffff, v43  }
0x2a1: {  	v41 =	vld.idx.msk [tilespmem:v31+s2+$0x0], $0xffff  }
0x2a2: {  	v42 =	vld.idx.msk [tilespmem:v32+s2+$0x0], $0xffff  }
0x2a3: {  	v43 =	vld.idx.msk [tilespmem:v31+s0+$0x0], $0xffff  }
0x2a4: {  	v44 =	vld.idx.msk [tilespmem:v32+s0+$0x0], $0xffff;
	_ =	sdelay $0x4  }
0x2a5: {  	v41 =	vsub.f32 v43, v41;
	v42 =	vsub.f32 v44, v42;
	_ =	sdelay $0x1  }
0x2a6: {  	v43 =	vmul.f32 v41, v41;
	v44 =	vmul.f32 v42, v42;
	_ =	sdelay $0x1  }
0x2a7: {  	v43 =	vadd.f32 v44, v43;
	_ =	sdelay $0x1  }
0x2a8: {  	v44 =	vshra.s32 v43, $0x1  }
0x2a9: {  	v44 =	vadd.s32 $0x1FBD1DF5, v44  }
0x2aa: {  	(erf) = vrcp.f32 v44;
	_ =	sdelay $0x8  }
0x2ab: {  	v62 =	vpop (erf)  }
0x2ac: {  	v45 =	vmul.f32 v62, v43;
	_ =	sdelay $0x1  }
0x2ad: {  	v44 =	vadd.f32 v44, v45;
	_ =	sdelay $0x1  }
0x2ae: {  	v44 =	vmul.f32 $5.000000000e-01, v44;
	_ =	sdelay $0x1  }
0x2af: {  	(erf) = vrcp.f32 v44;
	_ =	sdelay $0x8  }
0x2b0: {  	v63 =	vpop (erf)  }
0x2b1: {  	v45 =	vmul.f32 v63, v43;
	_ =	sdelay $0x1  }
0x2b2: {  	v44 =	vadd.f32 v45, v44;
	_ =	sdelay $0x1  }
0x2b3: {  	v44 =	vmul.f32 $5.000000000e-01, v44;
	_ =	sdelay $0x1  }
0x2b4: {  	(erf) = vrcp.f32 v44;
	_ =	sdelay $0x8  }
0x2b5: {  	v48 =	vpop (erf)  }
0x2b6: {  	v43 =	vmul.f32 v48, v43;
	_ =	sdelay $0x1  }
0x2b7: {  	v43 =	vadd.f32 v43, v44;
	_ =	sdelay $0x1  }
0x2b8: {  	v43 =	vmul.f32 $5.000000000e-01, v43;
	_ =	sdelay $0x1  }
0x2b9: {  	v43 =	vadd.f32 $9.999999970e-07, v43;
	_ =	sdelay $0x1  }
0x2ba: {  	v43 =	vmul.f32 v43, v43  }
0x2bb: {  	v49 =	vld.idx.msk [tilespmem:v33+s2+$0x0], $0xffff  }
0x2bc: {  	v50 =	vld.idx.msk [tilespmem:v34+s2+$0x0], $0xffff;
	(erf) = vrcp.f32 v43;
	_ =	sdelay $0x4  }
0x2bd: {  	v41 =	vmul.f32 v41, v49;
	v42 =	vmul.f32 v42, v50  }
0x2be: {  	v51 =	vld.idx.msk [tilespmem:v35+s2+$0x0], $0xffff  }
0x2bf: {  	v52 =	vld [tilespmem:$0x3E0];
	v41 =	vadd.f32 v42, v41  }
0x2c0: {  	v53 =	vld [tilespmem:$0xE0]  }
0x2c1: {  	v41 =	vmax.f32 v41, $0.0e+00;
	v54 =	vpop (erf)  }
0x2c2: {  	v41 =	vmul.f32 v54, v41;
	_ =	sdelay $0x1  }
0x2c3: {  	v41 =	vmul.f32 v41, v51;
	_ =	sdelay $0x1  }
0x2c4: {  	v43 =	vsub.f32 $0.0e+00, v41  }
0x2c5: {  	[tilespmem:v52+s7+$0x0] =	vst.idx.add.f32.msk $0xffff, v41  }
0x2c6: {  	[tilespmem:v53+s7+$0x0] =	vst.idx.add.f32.msk $0xffff, v43  }
0x2c7: {  	v41 =	vld.idx.msk [tilespmem:v36+s2+$0x0], $0xffff  }
0x2c8: {  	v42 =	vld.idx.msk [tilespmem:v37+s2+$0x0], $0xffff  }
0x2c9: {  	v43 =	vld.idx.msk [tilespmem:v36+s0+$0x0], $0xffff  }
0x2ca: {  	v44 =	vld.idx.msk [tilespmem:v37+s0+$0x0], $0xffff;
	_ =	sdelay $0x4  }
0x2cb: {  	v41 =	vsub.f32 v43, v41;
	v42 =	vsub.f32 v44, v42;
	_ =	sdelay $0x1  }
0x2cc: {  	v43 =	vmul.f32 v41, v41;
	v44 =	vmul.f32 v42, v42;
	_ =	sdelay $0x1  }
0x2cd: {  	v43 =	vadd.f32 v44, v43;
	_ =	sdelay $0x1  }
0x2ce: {  	v44 =	vshra.s32 v43, $0x1  }
0x2cf: {  	v44 =	vadd.s32 $0x1FBD1DF5, v44  }
0x2d0: {  	(erf) = vrcp.f32 v44;
	_ =	sdelay $0x8  }
0x2d1: {  	v55 =	vpop (erf)  }
0x2d2: {  	v45 =	vmul.f32 v55, v43;
	_ =	sdelay $0x1  }
0x2d3: {  	v44 =	vadd.f32 v44, v45;
	_ =	sdelay $0x1  }
0x2d4: {  	v44 =	vmul.f32 $5.000000000e-01, v44;
	_ =	sdelay $0x1  }
0x2d5: {  	(erf) = vrcp.f32 v44;
	_ =	sdelay $0x8  }
0x2d6: {  	v56 =	vpop (erf)  }
0x2d7: {  	v45 =	vmul.f32 v56, v43;
	_ =	sdelay $0x1  }
0x2d8: {  	v44 =	vadd.f32 v45, v44;
	_ =	sdelay $0x1  }
0x2d9: {  	v44 =	vmul.f32 $5.000000000e-01, v44;
	_ =	sdelay $0x1  }
0x2da: {  	(erf) = vrcp.f32 v44;
	_ =	sdelay $0x8  }
0x2db: {  	v57 =	vpop (erf)  }
0x2dc: {  	v43 =	vmul.f32 v57, v43;
	_ =	sdelay $0x1  }
0x2dd: {  	v43 =	vadd.f32 v43, v44;
	_ =	sdelay $0x1  }
0x2de: {  	v43 =	vmul.f32 $5.000000000e-01, v43;
	_ =	sdelay $0x1  }
0x2df: {  	v43 =	vadd.f32 $9.999999970e-07, v43;
	_ =	sdelay $0x1  }
0x2e0: {  	v43 =	vmul.f32 v43, v43  }
0x2e1: {  	v58 =	vld.idx.msk [tilespmem:v38+s2+$0x0], $0xffff  }
0x2e2: {  	v59 =	vld.idx.msk [tilespmem:v39+s2+$0x0], $0xffff;
	(erf) = vrcp.f32 v43;
	_ =	sdelay $0x4  }
0x2e3: {  	v41 =	vmul.f32 v41, v58;
	v42 =	vmul.f32 v42, v59  }
0x2e4: {  	v60 =	vld.idx.msk [tilespmem:v40+s2+$0x0], $0xffff  }
0x2e5: {  	v61 =	vld [tilespmem:$0x3F0];
	v41 =	vadd.f32 v42, v41  }
0x2e6: {  	v62 =	vld [tilespmem:$0xF0]  }
0x2e7: {  	v41 =	vmax.f32 v41, $0.0e+00;
	v63 =	vpop (erf)  }
0x2e8: {  	v41 =	vmul.f32 v63, v41;
	_ =	sdelay $0x1  }
0x2e9: {  	v41 =	vmul.f32 v41, v60;
	_ =	sdelay $0x1  }
0x2ea: {  	v43 =	vsub.f32 $0.0e+00, v41  }
0x2eb: {  	[tilespmem:v61+s7+$0x0] =	vst.idx.add.f32.msk $0xffff, v41  }
0x2ec: {  	[tilespmem:v62+s7+$0x0] =	vst.idx.add.f32.msk $0xffff, v43  }
.LBB2_8:
0x2ed: {  	s15 =	simm.s32 @!p0 $0x5  }
0x2ee: {  	_ =	swait.ge @!p0 [sflag:s15], $0x80  }
0x2ef: {  	[sflag:s15] =	ssyncset.done @!p0 $0x0  }
0x2f0: {  	[sflag:s15] =	ssyncadd.s32 @!p0 $0xFFFFFF80  }
0x2f1: {  	_ =	swait.ge @!p0 [sflag:s15], $0x80  }
0x2f2: {  	s19 =	simm.s32 @!p0 $0x200;
	[sflag:s15] =	ssyncset.done @!p0 $0x0  }
0x2f3: {  	s20 =	simm.s32 @!p0 $0x1600;
	[sflag:s15] =	ssyncadd.s32 @!p0 $0xFFFFFF80;
	s15 =	simm.s32 @!p0 $0x80  }
0x2f4: {  	[tilespmem:s20], [sflag:$0xB] =	stream.indirect.gather @!p0 [hbm4b:s3+s15], $0x8, s19, s15, $0xb8;
	[tilespmem:$0x1BD00] =	vst v63  }
0x2f5: {  	s19 =	simm.s32 @!p0 $0x500;
	s20 =	simm.s32 @!p0 $0x2E00  }
0x2f6: {  	[tilespmem:s20], [sflag:$0xB] =	stream.indirect.gather @!p0 [hbm4b:s3+s15], $0x8, s19, s15, $0xb8;
	[tilespmem:$0x1BD00] =	vst v63  }
0x2f7: {  	s15 =	sadd.s32 $0x6, s14  }
0x2f8: {  	p4 =	sge.u32 s15, s4  }
.Ltmp7:
0x2f9: {  	s19 =	sadd.s32 @!p4 s13, s22;
	s20 =	simm.s32 @!p4 $0x0;
	(pc) =	sbr.rel @p2 .LBB2_10-.Ltmp7, $4  }
0x2fa: {  	[tilespmem:s20], [sflag:$0x1] =	stream.linear.gather @!p4 [hbm4b:s19+s20], $0x80, $0x38;
	[tilespmem:$0x1BD00] =	vst v63  }
0x2fb: {  	s19 =	sadd.s32 @!p4 s13, s18  }
0x2fc: {  	s21 =	simm.s32 @!p4 $0x300;
	s19 =	sadd.s32 @!p4 $0x30DA0, s19  }
0x2fd: {  	[tilespmem:s21], [sflag:$0x1] =	stream.linear.gather @!p4 [hbm4b:s19+s20], $0x80, $0x38;
	[tilespmem:$0x1BD00] =	vst v63  }
0x2fe: {  	_ =	swait.ge [sflag:s9], $0x400  }
0x2ff: {  	[sflag:s9] =	ssyncset.done $0x0  }
0x300: {  	[sflag:s9] =	ssyncadd.s32 $0xFFFFFC00  }
0x301: {  	_ =	swait.ge [sflag:s9], $0x400  }
0x302: {  	[sflag:s9] =	ssyncset.done $0x0  }
0x303: {  	[sflag:s9] =	ssyncadd.s32 $0xFFFFFC00  }
0x304: {  	v41 =	vld.idx.msk [tilespmem:v0+s10+$0x0], $0xffff  }
0x305: {  	v42 =	vld.idx.msk [tilespmem:v2+s10+$0x0], $0xffff  }
0x306: {  	v43 =	vld.idx.msk [tilespmem:v0+s25+$0x0], $0xffff  }
0x307: {  	v44 =	vld.idx.msk [tilespmem:v2+s25+$0x0], $0xffff;
	_ =	sdelay $0x4  }
0x308: {  	v41 =	vsub.f32 v43, v41;
	v42 =	vsub.f32 v44, v42;
	_ =	sdelay $0x1  }
0x309: {  	v43 =	vmul.f32 v41, v41;
	v44 =	vmul.f32 v42, v42;
	_ =	sdelay $0x1  }
0x30a: {  	v43 =	vadd.f32 v44, v43;
	_ =	sdelay $0x1  }
0x30b: {  	v44 =	vshra.s32 v43, $0x1  }
0x30c: {  	v44 =	vadd.s32 $0x1FBD1DF5, v44  }
0x30d: {  	(erf) = vrcp.f32 v44;
	_ =	sdelay $0x8  }
0x30e: {  	v45 =	vpop (erf)  }
0x30f: {  	v45 =	vmul.f32 v45, v43;
	_ =	sdelay $0x1  }
0x310: {  	v44 =	vadd.f32 v44, v45;
	_ =	sdelay $0x1  }
0x311: {  	v44 =	vmul.f32 $5.000000000e-01, v44;
	_ =	sdelay $0x1  }
0x312: {  	(erf) = vrcp.f32 v44;
	_ =	sdelay $0x8  }
0x313: {  	v57 =	vpop (erf)  }
0x314: {  	v45 =	vmul.f32 v57, v43;
	_ =	sdelay $0x1  }
0x315: {  	v44 =	vadd.f32 v45, v44;
	_ =	sdelay $0x1  }
0x316: {  	v44 =	vmul.f32 $5.000000000e-01, v44;
	_ =	sdelay $0x1  }
0x317: {  	(erf) = vrcp.f32 v44;
	_ =	sdelay $0x8  }
0x318: {  	v58 =	vpop (erf)  }
0x319: {  	v43 =	vmul.f32 v58, v43;
	_ =	sdelay $0x1  }
0x31a: {  	v43 =	vadd.f32 v43, v44;
	_ =	sdelay $0x1  }
0x31b: {  	v43 =	vmul.f32 $5.000000000e-01, v43;
	_ =	sdelay $0x1  }
0x31c: {  	v43 =	vadd.f32 $9.999999970e-07, v43;
	_ =	sdelay $0x1  }
0x31d: {  	v43 =	vmul.f32 v43, v43  }
0x31e: {  	v59 =	vld.idx.msk [tilespmem:v3+s10+$0x0], $0xffff  }
0x31f: {  	v60 =	vld.idx.msk [tilespmem:v4+s10+$0x0], $0xffff;
	(erf) = vrcp.f32 v43;
	_ =	sdelay $0x4  }
0x320: {  	v41 =	vmul.f32 v41, v59;
	v42 =	vmul.f32 v42, v60  }
0x321: {  	v61 =	vld.idx.msk [tilespmem:v5+s10+$0x0], $0xffff  }
0x322: {  	v62 =	vld [tilespmem:$0x400];
	v41 =	vadd.f32 v42, v41  }
0x323: {  	v63 =	vld [tilespmem:$0x100]  }
0x324: {  	v41 =	vmax.f32 v41, $0.0e+00;
	v48 =	vpop (erf)  }
0x325: {  	v41 =	vmul.f32 v48, v41;
	_ =	sdelay $0x1  }
0x326: {  	v41 =	vmul.f32 v41, v61;
	_ =	sdelay $0x1  }
0x327: {  	v43 =	vsub.f32 $0.0e+00, v41  }
0x328: {  	[tilespmem:v62+s7+$0x0] =	vst.idx.add.f32.msk $0xffff, v41  }
0x329: {  	[tilespmem:v63+s7+$0x0] =	vst.idx.add.f32.msk $0xffff, v43  }
0x32a: {  	v41 =	vld.idx.msk [tilespmem:v6+s10+$0x0], $0xffff  }
0x32b: {  	v42 =	vld.idx.msk [tilespmem:v7+s10+$0x0], $0xffff  }
0x32c: {  	v43 =	vld.idx.msk [tilespmem:v6+s25+$0x0], $0xffff  }
0x32d: {  	v44 =	vld.idx.msk [tilespmem:v7+s25+$0x0], $0xffff;
	_ =	sdelay $0x4  }
0x32e: {  	v41 =	vsub.f32 v43, v41;
	v42 =	vsub.f32 v44, v42;
	_ =	sdelay $0x1  }
0x32f: {  	v43 =	vmul.f32 v41, v41;
	v44 =	vmul.f32 v42, v42;
	_ =	sdelay $0x1  }
0x330: {  	v43 =	vadd.f32 v44, v43;
	_ =	sdelay $0x1  }
0x331: {  	v44 =	vshra.s32 v43, $0x1  }
0x332: {  	v44 =	vadd.s32 $0x1FBD1DF5, v44  }
0x333: {  	(erf) = vrcp.f32 v44;
	_ =	sdelay $0x8  }
0x334: {  	v49 =	vpop (erf)  }
0x335: {  	v45 =	vmul.f32 v49, v43;
	_ =	sdelay $0x1  }
0x336: {  	v44 =	vadd.f32 v44, v45;
	_ =	sdelay $0x1  }
0x337: {  	v44 =	vmul.f32 $5.000000000e-01, v44;
	_ =	sdelay $0x1  }
0x338: {  	(erf) = vrcp.f32 v44;
	_ =	sdelay $0x8  }
0x339: {  	v50 =	vpop (erf)  }
0x33a: {  	v45 =	vmul.f32 v50, v43;
	_ =	sdelay $0x1  }
0x33b: {  	v44 =	vadd.f32 v45, v44;
	_ =	sdelay $0x1  }
0x33c: {  	v44 =	vmul.f32 $5.000000000e-01, v44;
	_ =	sdelay $0x1  }
0x33d: {  	(erf) = vrcp.f32 v44;
	_ =	sdelay $0x8  }
0x33e: {  	v51 =	vpop (erf)  }
0x33f: {  	v43 =	vmul.f32 v51, v43;
	_ =	sdelay $0x1  }
0x340: {  	v43 =	vadd.f32 v43, v44;
	_ =	sdelay $0x1  }
0x341: {  	v43 =	vmul.f32 $5.000000000e-01, v43;
	_ =	sdelay $0x1  }
0x342: {  	v43 =	vadd.f32 $9.999999970e-07, v43;
	_ =	sdelay $0x1  }
0x343: {  	v43 =	vmul.f32 v43, v43  }
0x344: {  	v52 =	vld.idx.msk [tilespmem:v8+s10+$0x0], $0xffff  }
0x345: {  	v53 =	vld.idx.msk [tilespmem:v9+s10+$0x0], $0xffff;
	(erf) = vrcp.f32 v43;
	_ =	sdelay $0x4  }
0x346: {  	v41 =	vmul.f32 v41, v52;
	v42 =	vmul.f32 v42, v53  }
0x347: {  	v54 =	vld.idx.msk [tilespmem:v10+s10+$0x0], $0xffff  }
0x348: {  	v55 =	vld [tilespmem:$0x410];
	v41 =	vadd.f32 v42, v41  }
0x349: {  	v56 =	vld [tilespmem:$0x110]  }
0x34a: {  	v41 =	vmax.f32 v41, $0.0e+00;
	v57 =	vpop (erf)  }
0x34b: {  	v41 =	vmul.f32 v57, v41;
	_ =	sdelay $0x1  }
0x34c: {  	v41 =	vmul.f32 v41, v54;
	_ =	sdelay $0x1  }
0x34d: {  	v43 =	vsub.f32 $0.0e+00, v41  }
0x34e: {  	[tilespmem:v55+s7+$0x0] =	vst.idx.add.f32.msk $0xffff, v41  }
0x34f: {  	[tilespmem:v56+s7+$0x0] =	vst.idx.add.f32.msk $0xffff, v43  }
0x350: {  	v41 =	vld.idx.msk [tilespmem:v11+s10+$0x0], $0xffff  }
0x351: {  	v42 =	vld.idx.msk [tilespmem:v12+s10+$0x0], $0xffff  }
0x352: {  	v43 =	vld.idx.msk [tilespmem:v11+s25+$0x0], $0xffff  }
0x353: {  	v44 =	vld.idx.msk [tilespmem:v12+s25+$0x0], $0xffff;
	_ =	sdelay $0x4  }
0x354: {  	v41 =	vsub.f32 v43, v41;
	v42 =	vsub.f32 v44, v42;
	_ =	sdelay $0x1  }
0x355: {  	v43 =	vmul.f32 v41, v41;
	v44 =	vmul.f32 v42, v42;
	_ =	sdelay $0x1  }
0x356: {  	v43 =	vadd.f32 v44, v43;
	_ =	sdelay $0x1  }
0x357: {  	v44 =	vshra.s32 v43, $0x1  }
0x358: {  	v44 =	vadd.s32 $0x1FBD1DF5, v44  }
0x359: {  	(erf) = vrcp.f32 v44;
	_ =	sdelay $0x8  }
0x35a: {  	v58 =	vpop (erf)  }
0x35b: {  	v45 =	vmul.f32 v58, v43;
	_ =	sdelay $0x1  }
0x35c: {  	v44 =	vadd.f32 v44, v45;
	_ =	sdelay $0x1  }
0x35d: {  	v44 =	vmul.f32 $5.000000000e-01, v44;
	_ =	sdelay $0x1  }
0x35e: {  	(erf) = vrcp.f32 v44;
	_ =	sdelay $0x8  }
0x35f: {  	v59 =	vpop (erf)  }
0x360: {  	v45 =	vmul.f32 v59, v43;
	_ =	sdelay $0x1  }
0x361: {  	v44 =	vadd.f32 v45, v44;
	_ =	sdelay $0x1  }
0x362: {  	v44 =	vmul.f32 $5.000000000e-01, v44;
	_ =	sdelay $0x1  }
0x363: {  	(erf) = vrcp.f32 v44;
	_ =	sdelay $0x8  }
0x364: {  	v60 =	vpop (erf)  }
0x365: {  	v43 =	vmul.f32 v60, v43;
	_ =	sdelay $0x1  }
0x366: {  	v43 =	vadd.f32 v43, v44;
	_ =	sdelay $0x1  }
0x367: {  	v43 =	vmul.f32 $5.000000000e-01, v43;
	_ =	sdelay $0x1  }
0x368: {  	v43 =	vadd.f32 $9.999999970e-07, v43;
	_ =	sdelay $0x1  }
0x369: {  	v43 =	vmul.f32 v43, v43  }
0x36a: {  	v61 =	vld.idx.msk [tilespmem:v13+s10+$0x0], $0xffff  }
0x36b: {  	v62 =	vld.idx.msk [tilespmem:v14+s10+$0x0], $0xffff;
	(erf) = vrcp.f32 v43;
	_ =	sdelay $0x4  }
0x36c: {  	v41 =	vmul.f32 v41, v61;
	v42 =	vmul.f32 v42, v62  }
0x36d: {  	v63 =	vld.idx.msk [tilespmem:v15+s10+$0x0], $0xffff  }
0x36e: {  	v48 =	vld [tilespmem:$0x420];
	v41 =	vadd.f32 v42, v41  }
0x36f: {  	v49 =	vld [tilespmem:$0x120]  }
0x370: {  	v41 =	vmax.f32 v41, $0.0e+00;
	v50 =	vpop (erf)  }
0x371: {  	v41 =	vmul.f32 v50, v41;
	_ =	sdelay $0x1  }
0x372: {  	v41 =	vmul.f32 v41, v63;
	_ =	sdelay $0x1  }
0x373: {  	v43 =	vsub.f32 $0.0e+00, v41  }
0x374: {  	[tilespmem:v48+s7+$0x0] =	vst.idx.add.f32.msk $0xffff, v41  }
0x375: {  	[tilespmem:v49+s7+$0x0] =	vst.idx.add.f32.msk $0xffff, v43  }
0x376: {  	v41 =	vld.idx.msk [tilespmem:v16+s10+$0x0], $0xffff  }
0x377: {  	v42 =	vld.idx.msk [tilespmem:v17+s10+$0x0], $0xffff  }
0x378: {  	v43 =	vld.idx.msk [tilespmem:v16+s25+$0x0], $0xffff  }
0x379: {  	v44 =	vld.idx.msk [tilespmem:v17+s25+$0x0], $0xffff;
	_ =	sdelay $0x4  }
0x37a: {  	v41 =	vsub.f32 v43, v41;
	v42 =	vsub.f32 v44, v42;
	_ =	sdelay $0x1  }
0x37b: {  	v43 =	vmul.f32 v41, v41;
	v44 =	vmul.f32 v42, v42;
	_ =	sdelay $0x1  }
0x37c: {  	v43 =	vadd.f32 v44, v43;
	_ =	sdelay $0x1  }
0x37d: {  	v44 =	vshra.s32 v43, $0x1  }
0x37e: {  	v44 =	vadd.s32 $0x1FBD1DF5, v44  }
0x37f: {  	(erf) = vrcp.f32 v44;
	_ =	sdelay $0x8  }
0x380: {  	v51 =	vpop (erf)  }
0x381: {  	v45 =	vmul.f32 v51, v43;
	_ =	sdelay $0x1  }
0x382: {  	v44 =	vadd.f32 v44, v45;
	_ =	sdelay $0x1  }
0x383: {  	v44 =	vmul.f32 $5.000000000e-01, v44;
	_ =	sdelay $0x1  }
0x384: {  	(erf) = vrcp.f32 v44;
	_ =	sdelay $0x8  }
0x385: {  	v52 =	vpop (erf)  }
0x386: {  	v45 =	vmul.f32 v52, v43;
	_ =	sdelay $0x1  }
0x387: {  	v44 =	vadd.f32 v45, v44;
	_ =	sdelay $0x1  }
0x388: {  	v44 =	vmul.f32 $5.000000000e-01, v44;
	_ =	sdelay $0x1  }
0x389: {  	(erf) = vrcp.f32 v44;
	_ =	sdelay $0x8  }
0x38a: {  	v53 =	vpop (erf)  }
0x38b: {  	v43 =	vmul.f32 v53, v43;
	_ =	sdelay $0x1  }
0x38c: {  	v43 =	vadd.f32 v43, v44;
	_ =	sdelay $0x1  }
0x38d: {  	v43 =	vmul.f32 $5.000000000e-01, v43;
	_ =	sdelay $0x1  }
0x38e: {  	v43 =	vadd.f32 $9.999999970e-07, v43;
	_ =	sdelay $0x1  }
0x38f: {  	v43 =	vmul.f32 v43, v43  }
0x390: {  	v54 =	vld.idx.msk [tilespmem:v18+s10+$0x0], $0xffff  }
0x391: {  	v55 =	vld.idx.msk [tilespmem:v19+s10+$0x0], $0xffff;
	(erf) = vrcp.f32 v43;
	_ =	sdelay $0x4  }
0x392: {  	v41 =	vmul.f32 v41, v54;
	v42 =	vmul.f32 v42, v55  }
0x393: {  	v56 =	vld.idx.msk [tilespmem:v20+s10+$0x0], $0xffff  }
0x394: {  	v57 =	vld [tilespmem:$0x430];
	v41 =	vadd.f32 v42, v41  }
0x395: {  	v58 =	vld [tilespmem:$0x130]  }
0x396: {  	v41 =	vmax.f32 v41, $0.0e+00;
	v59 =	vpop (erf)  }
0x397: {  	v41 =	vmul.f32 v59, v41;
	_ =	sdelay $0x1  }
0x398: {  	v41 =	vmul.f32 v41, v56;
	_ =	sdelay $0x1  }
0x399: {  	v43 =	vsub.f32 $0.0e+00, v41  }
0x39a: {  	[tilespmem:v57+s7+$0x0] =	vst.idx.add.f32.msk $0xffff, v41  }
0x39b: {  	[tilespmem:v58+s7+$0x0] =	vst.idx.add.f32.msk $0xffff, v43  }
0x39c: {  	v41 =	vld.idx.msk [tilespmem:v21+s10+$0x0], $0xffff  }
0x39d: {  	v42 =	vld.idx.msk [tilespmem:v22+s10+$0x0], $0xffff  }
0x39e: {  	v43 =	vld.idx.msk [tilespmem:v21+s25+$0x0], $0xffff  }
0x39f: {  	v44 =	vld.idx.msk [tilespmem:v22+s25+$0x0], $0xffff;
	_ =	sdelay $0x4  }
0x3a0: {  	v41 =	vsub.f32 v43, v41;
	v42 =	vsub.f32 v44, v42;
	_ =	sdelay $0x1  }
0x3a1: {  	v43 =	vmul.f32 v41, v41;
	v44 =	vmul.f32 v42, v42;
	_ =	sdelay $0x1  }
0x3a2: {  	v43 =	vadd.f32 v44, v43;
	_ =	sdelay $0x1  }
0x3a3: {  	v44 =	vshra.s32 v43, $0x1  }
0x3a4: {  	v44 =	vadd.s32 $0x1FBD1DF5, v44  }
0x3a5: {  	(erf) = vrcp.f32 v44;
	_ =	sdelay $0x8  }
0x3a6: {  	v60 =	vpop (erf)  }
0x3a7: {  	v45 =	vmul.f32 v60, v43;
	_ =	sdelay $0x1  }
0x3a8: {  	v44 =	vadd.f32 v44, v45;
	_ =	sdelay $0x1  }
0x3a9: {  	v44 =	vmul.f32 $5.000000000e-01, v44;
	_ =	sdelay $0x1  }
0x3aa: {  	(erf) = vrcp.f32 v44;
	_ =	sdelay $0x8  }
0x3ab: {  	v61 =	vpop (erf)  }
0x3ac: {  	v45 =	vmul.f32 v61, v43;
	_ =	sdelay $0x1  }
0x3ad: {  	v44 =	vadd.f32 v45, v44;
	_ =	sdelay $0x1  }
0x3ae: {  	v44 =	vmul.f32 $5.000000000e-01, v44;
	_ =	sdelay $0x1  }
0x3af: {  	(erf) = vrcp.f32 v44;
	_ =	sdelay $0x8  }
0x3b0: {  	v62 =	vpop (erf)  }
0x3b1: {  	v43 =	vmul.f32 v62, v43;
	_ =	sdelay $0x1  }
0x3b2: {  	v43 =	vadd.f32 v43, v44;
	_ =	sdelay $0x1  }
0x3b3: {  	v43 =	vmul.f32 $5.000000000e-01, v43;
	_ =	sdelay $0x1  }
0x3b4: {  	v43 =	vadd.f32 $9.999999970e-07, v43;
	_ =	sdelay $0x1  }
0x3b5: {  	v43 =	vmul.f32 v43, v43  }
0x3b6: {  	v63 =	vld.idx.msk [tilespmem:v23+s10+$0x0], $0xffff  }
0x3b7: {  	v48 =	vld.idx.msk [tilespmem:v24+s10+$0x0], $0xffff;
	(erf) = vrcp.f32 v43;
	_ =	sdelay $0x4  }
0x3b8: {  	v41 =	vmul.f32 v41, v63;
	v42 =	vmul.f32 v42, v48  }
0x3b9: {  	v49 =	vld.idx.msk [tilespmem:v25+s10+$0x0], $0xffff  }
0x3ba: {  	v50 =	vld [tilespmem:$0x440];
	v41 =	vadd.f32 v42, v41  }
0x3bb: {  	v51 =	vld [tilespmem:$0x140]  }
0x3bc: {  	v41 =	vmax.f32 v41, $0.0e+00;
	v52 =	vpop (erf)  }
0x3bd: {  	v41 =	vmul.f32 v52, v41;
	_ =	sdelay $0x1  }
0x3be: {  	v41 =	vmul.f32 v41, v49;
	_ =	sdelay $0x1  }
0x3bf: {  	v43 =	vsub.f32 $0.0e+00, v41  }
0x3c0: {  	[tilespmem:v50+s7+$0x0] =	vst.idx.add.f32.msk $0xffff, v41  }
0x3c1: {  	[tilespmem:v51+s7+$0x0] =	vst.idx.add.f32.msk $0xffff, v43  }
0x3c2: {  	v41 =	vld.idx.msk [tilespmem:v26+s10+$0x0], $0xffff  }
0x3c3: {  	v42 =	vld.idx.msk [tilespmem:v27+s10+$0x0], $0xffff  }
0x3c4: {  	v43 =	vld.idx.msk [tilespmem:v26+s25+$0x0], $0xffff  }
0x3c5: {  	v44 =	vld.idx.msk [tilespmem:v27+s25+$0x0], $0xffff;
	_ =	sdelay $0x4  }
0x3c6: {  	v41 =	vsub.f32 v43, v41;
	v42 =	vsub.f32 v44, v42;
	_ =	sdelay $0x1  }
0x3c7: {  	v43 =	vmul.f32 v41, v41;
	v44 =	vmul.f32 v42, v42;
	_ =	sdelay $0x1  }
0x3c8: {  	v43 =	vadd.f32 v44, v43;
	_ =	sdelay $0x1  }
0x3c9: {  	v44 =	vshra.s32 v43, $0x1  }
0x3ca: {  	v44 =	vadd.s32 $0x1FBD1DF5, v44  }
0x3cb: {  	(erf) = vrcp.f32 v44;
	_ =	sdelay $0x8  }
0x3cc: {  	v53 =	vpop (erf)  }
0x3cd: {  	v45 =	vmul.f32 v53, v43;
	_ =	sdelay $0x1  }
0x3ce: {  	v44 =	vadd.f32 v44, v45;
	_ =	sdelay $0x1  }
0x3cf: {  	v44 =	vmul.f32 $5.000000000e-01, v44;
	_ =	sdelay $0x1  }
0x3d0: {  	(erf) = vrcp.f32 v44;
	_ =	sdelay $0x8  }
0x3d1: {  	v54 =	vpop (erf)  }
0x3d2: {  	v45 =	vmul.f32 v54, v43;
	_ =	sdelay $0x1  }
0x3d3: {  	v44 =	vadd.f32 v45, v44;
	_ =	sdelay $0x1  }
0x3d4: {  	v44 =	vmul.f32 $5.000000000e-01, v44;
	_ =	sdelay $0x1  }
0x3d5: {  	(erf) = vrcp.f32 v44;
	_ =	sdelay $0x8  }
0x3d6: {  	v55 =	vpop (erf)  }
0x3d7: {  	v43 =	vmul.f32 v55, v43;
	_ =	sdelay $0x1  }
0x3d8: {  	v43 =	vadd.f32 v43, v44;
	_ =	sdelay $0x1  }
0x3d9: {  	v43 =	vmul.f32 $5.000000000e-01, v43;
	_ =	sdelay $0x1  }
0x3da: {  	v43 =	vadd.f32 $9.999999970e-07, v43;
	_ =	sdelay $0x1  }
0x3db: {  	v43 =	vmul.f32 v43, v43  }
0x3dc: {  	v56 =	vld.idx.msk [tilespmem:v28+s10+$0x0], $0xffff  }
0x3dd: {  	v57 =	vld.idx.msk [tilespmem:v29+s10+$0x0], $0xffff;
	(erf) = vrcp.f32 v43;
	_ =	sdelay $0x4  }
0x3de: {  	v41 =	vmul.f32 v41, v56;
	v42 =	vmul.f32 v42, v57  }
0x3df: {  	v58 =	vld.idx.msk [tilespmem:v30+s10+$0x0], $0xffff  }
0x3e0: {  	v59 =	vld [tilespmem:$0x450];
	v41 =	vadd.f32 v42, v41  }
0x3e1: {  	v60 =	vld [tilespmem:$0x150]  }
0x3e2: {  	v41 =	vmax.f32 v41, $0.0e+00;
	v61 =	vpop (erf)  }
0x3e3: {  	v41 =	vmul.f32 v61, v41;
	_ =	sdelay $0x1  }
0x3e4: {  	v41 =	vmul.f32 v41, v58;
	_ =	sdelay $0x1  }
0x3e5: {  	v43 =	vsub.f32 $0.0e+00, v41  }
0x3e6: {  	[tilespmem:v59+s7+$0x0] =	vst.idx.add.f32.msk $0xffff, v41  }
0x3e7: {  	[tilespmem:v60+s7+$0x0] =	vst.idx.add.f32.msk $0xffff, v43  }
0x3e8: {  	v41 =	vld.idx.msk [tilespmem:v31+s10+$0x0], $0xffff  }
0x3e9: {  	v42 =	vld.idx.msk [tilespmem:v32+s10+$0x0], $0xffff  }
0x3ea: {  	v43 =	vld.idx.msk [tilespmem:v31+s25+$0x0], $0xffff  }
0x3eb: {  	v44 =	vld.idx.msk [tilespmem:v32+s25+$0x0], $0xffff;
	_ =	sdelay $0x4  }
0x3ec: {  	v41 =	vsub.f32 v43, v41;
	v42 =	vsub.f32 v44, v42;
	_ =	sdelay $0x1  }
0x3ed: {  	v43 =	vmul.f32 v41, v41;
	v44 =	vmul.f32 v42, v42;
	_ =	sdelay $0x1  }
0x3ee: {  	v43 =	vadd.f32 v44, v43;
	_ =	sdelay $0x1  }
0x3ef: {  	v44 =	vshra.s32 v43, $0x1  }
0x3f0: {  	v44 =	vadd.s32 $0x1FBD1DF5, v44  }
0x3f1: {  	(erf) = vrcp.f32 v44;
	_ =	sdelay $0x8  }
0x3f2: {  	v62 =	vpop (erf)  }
0x3f3: {  	v45 =	vmul.f32 v62, v43;
	_ =	sdelay $0x1  }
0x3f4: {  	v44 =	vadd.f32 v44, v45;
	_ =	sdelay $0x1  }
0x3f5: {  	v44 =	vmul.f32 $5.000000000e-01, v44;
	_ =	sdelay $0x1  }
0x3f6: {  	(erf) = vrcp.f32 v44;
	_ =	sdelay $0x8  }
0x3f7: {  	v63 =	vpop (erf)  }
0x3f8: {  	v45 =	vmul.f32 v63, v43;
	_ =	sdelay $0x1  }
0x3f9: {  	v44 =	vadd.f32 v45, v44;
	_ =	sdelay $0x1  }
0x3fa: {  	v44 =	vmul.f32 $5.000000000e-01, v44;
	_ =	sdelay $0x1  }
0x3fb: {  	(erf) = vrcp.f32 v44;
	_ =	sdelay $0x8  }
0x3fc: {  	v48 =	vpop (erf)  }
0x3fd: {  	v43 =	vmul.f32 v48, v43;
	_ =	sdelay $0x1  }
0x3fe: {  	v43 =	vadd.f32 v43, v44;
	_ =	sdelay $0x1  }
0x3ff: {  	v43 =	vmul.f32 $5.000000000e-01, v43;
	_ =	sdelay $0x1  }
0x400: {  	v43 =	vadd.f32 $9.999999970e-07, v43;
	_ =	sdelay $0x1  }
0x401: {  	v43 =	vmul.f32 v43, v43  }
0x402: {  	v49 =	vld.idx.msk [tilespmem:v33+s10+$0x0], $0xffff  }
0x403: {  	v50 =	vld.idx.msk [tilespmem:v34+s10+$0x0], $0xffff;
	(erf) = vrcp.f32 v43;
	_ =	sdelay $0x4  }
0x404: {  	v41 =	vmul.f32 v41, v49;
	v42 =	vmul.f32 v42, v50  }
0x405: {  	v51 =	vld.idx.msk [tilespmem:v35+s10+$0x0], $0xffff  }
0x406: {  	v52 =	vld [tilespmem:$0x460];
	v41 =	vadd.f32 v42, v41  }
0x407: {  	v53 =	vld [tilespmem:$0x160]  }
0x408: {  	v41 =	vmax.f32 v41, $0.0e+00;
	v54 =	vpop (erf)  }
0x409: {  	v41 =	vmul.f32 v54, v41;
	_ =	sdelay $0x1  }
0x40a: {  	v41 =	vmul.f32 v41, v51;
	_ =	sdelay $0x1  }
0x40b: {  	v43 =	vsub.f32 $0.0e+00, v41  }
0x40c: {  	[tilespmem:v52+s7+$0x0] =	vst.idx.add.f32.msk $0xffff, v41  }
0x40d: {  	[tilespmem:v53+s7+$0x0] =	vst.idx.add.f32.msk $0xffff, v43  }
0x40e: {  	v41 =	vld.idx.msk [tilespmem:v36+s10+$0x0], $0xffff  }
0x40f: {  	v42 =	vld.idx.msk [tilespmem:v37+s10+$0x0], $0xffff  }
0x410: {  	v43 =	vld.idx.msk [tilespmem:v36+s25+$0x0], $0xffff  }
0x411: {  	v44 =	vld.idx.msk [tilespmem:v37+s25+$0x0], $0xffff;
	_ =	sdelay $0x4  }
0x412: {  	v41 =	vsub.f32 v43, v41;
	v42 =	vsub.f32 v44, v42;
	_ =	sdelay $0x1  }
0x413: {  	v43 =	vmul.f32 v41, v41;
	v44 =	vmul.f32 v42, v42;
	_ =	sdelay $0x1  }
0x414: {  	v43 =	vadd.f32 v44, v43;
	_ =	sdelay $0x1  }
0x415: {  	v44 =	vshra.s32 v43, $0x1  }
0x416: {  	v44 =	vadd.s32 $0x1FBD1DF5, v44  }
0x417: {  	(erf) = vrcp.f32 v44;
	_ =	sdelay $0x8  }
0x418: {  	v55 =	vpop (erf)  }
0x419: {  	v45 =	vmul.f32 v55, v43;
	_ =	sdelay $0x1  }
0x41a: {  	v44 =	vadd.f32 v44, v45;
	_ =	sdelay $0x1  }
0x41b: {  	v44 =	vmul.f32 $5.000000000e-01, v44;
	_ =	sdelay $0x1  }
0x41c: {  	(erf) = vrcp.f32 v44;
	_ =	sdelay $0x8  }
0x41d: {  	v56 =	vpop (erf)  }
0x41e: {  	v45 =	vmul.f32 v56, v43;
	_ =	sdelay $0x1  }
0x41f: {  	v44 =	vadd.f32 v45, v44;
	_ =	sdelay $0x1  }
0x420: {  	v44 =	vmul.f32 $5.000000000e-01, v44;
	_ =	sdelay $0x1  }
0x421: {  	(erf) = vrcp.f32 v44;
	_ =	sdelay $0x8  }
0x422: {  	v57 =	vpop (erf)  }
0x423: {  	v43 =	vmul.f32 v57, v43;
	_ =	sdelay $0x1  }
0x424: {  	v43 =	vadd.f32 v43, v44;
	_ =	sdelay $0x1  }
0x425: {  	v43 =	vmul.f32 $5.000000000e-01, v43;
	_ =	sdelay $0x1  }
0x426: {  	v43 =	vadd.f32 $9.999999970e-07, v43;
	_ =	sdelay $0x1  }
0x427: {  	v43 =	vmul.f32 v43, v43  }
0x428: {  	v58 =	vld.idx.msk [tilespmem:v38+s10+$0x0], $0xffff  }
0x429: {  	v59 =	vld.idx.msk [tilespmem:v39+s10+$0x0], $0xffff;
	(erf) = vrcp.f32 v43;
	_ =	sdelay $0x4  }
0x42a: {  	v41 =	vmul.f32 v41, v58;
	v42 =	vmul.f32 v42, v59  }
0x42b: {  	v60 =	vld.idx.msk [tilespmem:v40+s10+$0x0], $0xffff  }
0x42c: {  	v61 =	vld [tilespmem:$0x470];
	v41 =	vadd.f32 v42, v41  }
0x42d: {  	v62 =	vld [tilespmem:$0x170]  }
0x42e: {  	v41 =	vmax.f32 v41, $0.0e+00;
	v63 =	vpop (erf)  }
0x42f: {  	v41 =	vmul.f32 v63, v41;
	_ =	sdelay $0x1  }
0x430: {  	v41 =	vmul.f32 v41, v60;
	_ =	sdelay $0x1  }
0x431: {  	v43 =	vsub.f32 $0.0e+00, v41  }
0x432: {  	[tilespmem:v61+s7+$0x0] =	vst.idx.add.f32.msk $0xffff, v41  }
0x433: {  	[tilespmem:v62+s7+$0x0] =	vst.idx.add.f32.msk $0xffff, v43  }
.LBB2_10:
0x434: {  	s19 =	simm.s32 @!p1 $0x6  }
0x435: {  	_ =	swait.ge @!p1 [sflag:s19], $0x80  }
0x436: {  	[sflag:s19] =	ssyncset.done @!p1 $0x0  }
0x437: {  	[sflag:s19] =	ssyncadd.s32 @!p1 $0xFFFFFF80  }
0x438: {  	_ =	swait.ge @!p1 [sflag:s19], $0x80  }
0x439: {  	s20 =	simm.s32 @!p1 $0x280;
	[sflag:s19] =	ssyncset.done @!p1 $0x0  }
0x43a: {  	s21 =	simm.s32 @!p1 $0x1A00;
	[sflag:s19] =	ssyncadd.s32 @!p1 $0xFFFFFF80;
	s19 =	simm.s32 @!p1 $0x80  }
0x43b: {  	[tilespmem:s21], [sflag:$0xC] =	stream.indirect.gather @!p1 [hbm4b:s3+s19], $0x8, s20, s19, $0xb8;
	[tilespmem:$0x1BD00] =	vst v63  }
0x43c: {  	s20 =	simm.s32 @!p1 $0x580;
	s21 =	simm.s32 @!p1 $0x3200  }
0x43d: {  	[tilespmem:s21], [sflag:$0xC] =	stream.indirect.gather @!p1 [hbm4b:s3+s19], $0x8, s20, s19, $0xb8;
	[tilespmem:$0x1BD00] =	vst v63  }
0x43e: {  	s21 =	sadd.s32 $0x7, s14  }
0x43f: {  	s19 =	rddreg [dreg:$0x11];
	p2 =	sge.u32 s21, s4  }
0x440: {  	s19 =	sadd.s32 @!p2 s13, s19  }
.Ltmp8:
0x441: {  	s20 =	simm.s32 @!p2 $0x0;
	s21 =	simm.s32 @!p2 $0x80;
	(pc) =	sbr.rel @p3 .LBB2_12-.Ltmp8, $4  }
0x442: {  	[tilespmem:s21], [sflag:$0x2] =	stream.linear.gather @!p2 [hbm4b:s19+s20], $0x80, $0x38;
	[tilespmem:$0x1BD00] =	vst v63  }
0x443: {  	s19 =	sadd.s32 @!p2 s13, s18  }
0x444: {  	s21 =	simm.s32 @!p2 $0x380;
	s19 =	sadd.s32 @!p2 $0x30DB0, s19  }
0x445: {  	[tilespmem:s21], [sflag:$0x2] =	stream.linear.gather @!p2 [hbm4b:s19+s20], $0x80, $0x38;
	[tilespmem:$0x1BD00] =	vst v63  }
0x446: {  	_ =	swait.ge [sflag:s11], $0x400  }
0x447: {  	[sflag:s11] =	ssyncset.done $0x0  }
0x448: {  	[sflag:s11] =	ssyncadd.s32 $0xFFFFFC00  }
0x449: {  	_ =	swait.ge [sflag:s11], $0x400  }
0x44a: {  	[sflag:s11] =	ssyncset.done $0x0  }
0x44b: {  	[sflag:s11] =	ssyncadd.s32 $0xFFFFFC00  }
0x44c: {  	v41 =	vld.idx.msk [tilespmem:v0+s12+$0x0], $0xffff  }
0x44d: {  	v42 =	vld.idx.msk [tilespmem:v2+s12+$0x0], $0xffff  }
0x44e: {  	v43 =	vld.idx.msk [tilespmem:v0+s28+$0x0], $0xffff  }
0x44f: {  	v44 =	vld.idx.msk [tilespmem:v2+s28+$0x0], $0xffff;
	_ =	sdelay $0x4  }
0x450: {  	v41 =	vsub.f32 v43, v41;
	v42 =	vsub.f32 v44, v42;
	_ =	sdelay $0x1  }
0x451: {  	v43 =	vmul.f32 v41, v41;
	v44 =	vmul.f32 v42, v42;
	_ =	sdelay $0x1  }
0x452: {  	v43 =	vadd.f32 v44, v43;
	_ =	sdelay $0x1  }
0x453: {  	v44 =	vshra.s32 v43, $0x1  }
0x454: {  	v44 =	vadd.s32 $0x1FBD1DF5, v44  }
0x455: {  	(erf) = vrcp.f32 v44;
	_ =	sdelay $0x8  }
0x456: {  	v45 =	vpop (erf)  }
0x457: {  	v45 =	vmul.f32 v45, v43;
	_ =	sdelay $0x1  }
0x458: {  	v44 =	vadd.f32 v44, v45;
	_ =	sdelay $0x1  }
0x459: {  	v44 =	vmul.f32 $5.000000000e-01, v44;
	_ =	sdelay $0x1  }
0x45a: {  	(erf) = vrcp.f32 v44;
	_ =	sdelay $0x8  }
0x45b: {  	v57 =	vpop (erf)  }
0x45c: {  	v45 =	vmul.f32 v57, v43;
	_ =	sdelay $0x1  }
0x45d: {  	v44 =	vadd.f32 v45, v44;
	_ =	sdelay $0x1  }
0x45e: {  	v44 =	vmul.f32 $5.000000000e-01, v44;
	_ =	sdelay $0x1  }
0x45f: {  	(erf) = vrcp.f32 v44;
	_ =	sdelay $0x8  }
0x460: {  	v58 =	vpop (erf)  }
0x461: {  	v43 =	vmul.f32 v58, v43;
	_ =	sdelay $0x1  }
0x462: {  	v43 =	vadd.f32 v43, v44;
	_ =	sdelay $0x1  }
0x463: {  	v43 =	vmul.f32 $5.000000000e-01, v43;
	_ =	sdelay $0x1  }
0x464: {  	v43 =	vadd.f32 $9.999999970e-07, v43;
	_ =	sdelay $0x1  }
0x465: {  	v43 =	vmul.f32 v43, v43  }
0x466: {  	v59 =	vld.idx.msk [tilespmem:v3+s12+$0x0], $0xffff  }
0x467: {  	v60 =	vld.idx.msk [tilespmem:v4+s12+$0x0], $0xffff;
	(erf) = vrcp.f32 v43;
	_ =	sdelay $0x4  }
0x468: {  	v41 =	vmul.f32 v41, v59;
	v42 =	vmul.f32 v42, v60  }
0x469: {  	v61 =	vld.idx.msk [tilespmem:v5+s12+$0x0], $0xffff  }
0x46a: {  	v62 =	vld [tilespmem:$0x480];
	v41 =	vadd.f32 v42, v41  }
0x46b: {  	v63 =	vld [tilespmem:$0x180]  }
0x46c: {  	v41 =	vmax.f32 v41, $0.0e+00;
	v48 =	vpop (erf)  }
0x46d: {  	v41 =	vmul.f32 v48, v41;
	_ =	sdelay $0x1  }
0x46e: {  	v41 =	vmul.f32 v41, v61;
	_ =	sdelay $0x1  }
0x46f: {  	v43 =	vsub.f32 $0.0e+00, v41  }
0x470: {  	[tilespmem:v62+s7+$0x0] =	vst.idx.add.f32.msk $0xffff, v41  }
0x471: {  	[tilespmem:v63+s7+$0x0] =	vst.idx.add.f32.msk $0xffff, v43  }
0x472: {  	v41 =	vld.idx.msk [tilespmem:v6+s12+$0x0], $0xffff  }
0x473: {  	v42 =	vld.idx.msk [tilespmem:v7+s12+$0x0], $0xffff  }
0x474: {  	v43 =	vld.idx.msk [tilespmem:v6+s28+$0x0], $0xffff  }
0x475: {  	v44 =	vld.idx.msk [tilespmem:v7+s28+$0x0], $0xffff;
	_ =	sdelay $0x4  }
0x476: {  	v41 =	vsub.f32 v43, v41;
	v42 =	vsub.f32 v44, v42;
	_ =	sdelay $0x1  }
0x477: {  	v43 =	vmul.f32 v41, v41;
	v44 =	vmul.f32 v42, v42;
	_ =	sdelay $0x1  }
0x478: {  	v43 =	vadd.f32 v44, v43;
	_ =	sdelay $0x1  }
0x479: {  	v44 =	vshra.s32 v43, $0x1  }
0x47a: {  	v44 =	vadd.s32 $0x1FBD1DF5, v44  }
0x47b: {  	(erf) = vrcp.f32 v44;
	_ =	sdelay $0x8  }
0x47c: {  	v49 =	vpop (erf)  }
0x47d: {  	v45 =	vmul.f32 v49, v43;
	_ =	sdelay $0x1  }
0x47e: {  	v44 =	vadd.f32 v44, v45;
	_ =	sdelay $0x1  }
0x47f: {  	v44 =	vmul.f32 $5.000000000e-01, v44;
	_ =	sdelay $0x1  }
0x480: {  	(erf) = vrcp.f32 v44;
	_ =	sdelay $0x8  }
0x481: {  	v50 =	vpop (erf)  }
0x482: {  	v45 =	vmul.f32 v50, v43;
	_ =	sdelay $0x1  }
0x483: {  	v44 =	vadd.f32 v45, v44;
	_ =	sdelay $0x1  }
0x484: {  	v44 =	vmul.f32 $5.000000000e-01, v44;
	_ =	sdelay $0x1  }
0x485: {  	(erf) = vrcp.f32 v44;
	_ =	sdelay $0x8  }
0x486: {  	v51 =	vpop (erf)  }
0x487: {  	v43 =	vmul.f32 v51, v43;
	_ =	sdelay $0x1  }
0x488: {  	v43 =	vadd.f32 v43, v44;
	_ =	sdelay $0x1  }
0x489: {  	v43 =	vmul.f32 $5.000000000e-01, v43;
	_ =	sdelay $0x1  }
0x48a: {  	v43 =	vadd.f32 $9.999999970e-07, v43;
	_ =	sdelay $0x1  }
0x48b: {  	v43 =	vmul.f32 v43, v43  }
0x48c: {  	v52 =	vld.idx.msk [tilespmem:v8+s12+$0x0], $0xffff  }
0x48d: {  	v53 =	vld.idx.msk [tilespmem:v9+s12+$0x0], $0xffff;
	(erf) = vrcp.f32 v43;
	_ =	sdelay $0x4  }
0x48e: {  	v41 =	vmul.f32 v41, v52;
	v42 =	vmul.f32 v42, v53  }
0x48f: {  	v54 =	vld.idx.msk [tilespmem:v10+s12+$0x0], $0xffff  }
0x490: {  	v55 =	vld [tilespmem:$0x490];
	v41 =	vadd.f32 v42, v41  }
0x491: {  	v56 =	vld [tilespmem:$0x190]  }
0x492: {  	v41 =	vmax.f32 v41, $0.0e+00;
	v57 =	vpop (erf)  }
0x493: {  	v41 =	vmul.f32 v57, v41;
	_ =	sdelay $0x1  }
0x494: {  	v41 =	vmul.f32 v41, v54;
	_ =	sdelay $0x1  }
0x495: {  	v43 =	vsub.f32 $0.0e+00, v41  }
0x496: {  	[tilespmem:v55+s7+$0x0] =	vst.idx.add.f32.msk $0xffff, v41  }
0x497: {  	[tilespmem:v56+s7+$0x0] =	vst.idx.add.f32.msk $0xffff, v43  }
0x498: {  	v41 =	vld.idx.msk [tilespmem:v11+s12+$0x0], $0xffff  }
0x499: {  	v42 =	vld.idx.msk [tilespmem:v12+s12+$0x0], $0xffff  }
0x49a: {  	v43 =	vld.idx.msk [tilespmem:v11+s28+$0x0], $0xffff  }
0x49b: {  	v44 =	vld.idx.msk [tilespmem:v12+s28+$0x0], $0xffff;
	_ =	sdelay $0x4  }
0x49c: {  	v41 =	vsub.f32 v43, v41;
	v42 =	vsub.f32 v44, v42;
	_ =	sdelay $0x1  }
0x49d: {  	v43 =	vmul.f32 v41, v41;
	v44 =	vmul.f32 v42, v42;
	_ =	sdelay $0x1  }
0x49e: {  	v43 =	vadd.f32 v44, v43;
	_ =	sdelay $0x1  }
0x49f: {  	v44 =	vshra.s32 v43, $0x1  }
0x4a0: {  	v44 =	vadd.s32 $0x1FBD1DF5, v44  }
0x4a1: {  	(erf) = vrcp.f32 v44;
	_ =	sdelay $0x8  }
0x4a2: {  	v58 =	vpop (erf)  }
0x4a3: {  	v45 =	vmul.f32 v58, v43;
	_ =	sdelay $0x1  }
0x4a4: {  	v44 =	vadd.f32 v44, v45;
	_ =	sdelay $0x1  }
0x4a5: {  	v44 =	vmul.f32 $5.000000000e-01, v44;
	_ =	sdelay $0x1  }
0x4a6: {  	(erf) = vrcp.f32 v44;
	_ =	sdelay $0x8  }
0x4a7: {  	v59 =	vpop (erf)  }
0x4a8: {  	v45 =	vmul.f32 v59, v43;
	_ =	sdelay $0x1  }
0x4a9: {  	v44 =	vadd.f32 v45, v44;
	_ =	sdelay $0x1  }
0x4aa: {  	v44 =	vmul.f32 $5.000000000e-01, v44;
	_ =	sdelay $0x1  }
0x4ab: {  	(erf) = vrcp.f32 v44;
	_ =	sdelay $0x8  }
0x4ac: {  	v60 =	vpop (erf)  }
0x4ad: {  	v43 =	vmul.f32 v60, v43;
	_ =	sdelay $0x1  }
0x4ae: {  	v43 =	vadd.f32 v43, v44;
	_ =	sdelay $0x1  }
0x4af: {  	v43 =	vmul.f32 $5.000000000e-01, v43;
	_ =	sdelay $0x1  }
0x4b0: {  	v43 =	vadd.f32 $9.999999970e-07, v43;
	_ =	sdelay $0x1  }
0x4b1: {  	v43 =	vmul.f32 v43, v43  }
0x4b2: {  	v61 =	vld.idx.msk [tilespmem:v13+s12+$0x0], $0xffff  }
0x4b3: {  	v62 =	vld.idx.msk [tilespmem:v14+s12+$0x0], $0xffff;
	(erf) = vrcp.f32 v43;
	_ =	sdelay $0x4  }
0x4b4: {  	v41 =	vmul.f32 v41, v61;
	v42 =	vmul.f32 v42, v62  }
0x4b5: {  	v63 =	vld.idx.msk [tilespmem:v15+s12+$0x0], $0xffff  }
0x4b6: {  	v48 =	vld [tilespmem:$0x4A0];
	v41 =	vadd.f32 v42, v41  }
0x4b7: {  	v49 =	vld [tilespmem:$0x1A0]  }
0x4b8: {  	v41 =	vmax.f32 v41, $0.0e+00;
	v50 =	vpop (erf)  }
0x4b9: {  	v41 =	vmul.f32 v50, v41;
	_ =	sdelay $0x1  }
0x4ba: {  	v41 =	vmul.f32 v41, v63;
	_ =	sdelay $0x1  }
0x4bb: {  	v43 =	vsub.f32 $0.0e+00, v41  }
0x4bc: {  	[tilespmem:v48+s7+$0x0] =	vst.idx.add.f32.msk $0xffff, v41  }
0x4bd: {  	[tilespmem:v49+s7+$0x0] =	vst.idx.add.f32.msk $0xffff, v43  }
0x4be: {  	v41 =	vld.idx.msk [tilespmem:v16+s12+$0x0], $0xffff  }
0x4bf: {  	v42 =	vld.idx.msk [tilespmem:v17+s12+$0x0], $0xffff  }
0x4c0: {  	v43 =	vld.idx.msk [tilespmem:v16+s28+$0x0], $0xffff  }
0x4c1: {  	v44 =	vld.idx.msk [tilespmem:v17+s28+$0x0], $0xffff;
	_ =	sdelay $0x4  }
0x4c2: {  	v41 =	vsub.f32 v43, v41;
	v42 =	vsub.f32 v44, v42;
	_ =	sdelay $0x1  }
0x4c3: {  	v43 =	vmul.f32 v41, v41;
	v44 =	vmul.f32 v42, v42;
	_ =	sdelay $0x1  }
0x4c4: {  	v43 =	vadd.f32 v44, v43;
	_ =	sdelay $0x1  }
0x4c5: {  	v44 =	vshra.s32 v43, $0x1  }
0x4c6: {  	v44 =	vadd.s32 $0x1FBD1DF5, v44  }
0x4c7: {  	(erf) = vrcp.f32 v44;
	_ =	sdelay $0x8  }
0x4c8: {  	v51 =	vpop (erf)  }
0x4c9: {  	v45 =	vmul.f32 v51, v43;
	_ =	sdelay $0x1  }
0x4ca: {  	v44 =	vadd.f32 v44, v45;
	_ =	sdelay $0x1  }
0x4cb: {  	v44 =	vmul.f32 $5.000000000e-01, v44;
	_ =	sdelay $0x1  }
0x4cc: {  	(erf) = vrcp.f32 v44;
	_ =	sdelay $0x8  }
0x4cd: {  	v52 =	vpop (erf)  }
0x4ce: {  	v45 =	vmul.f32 v52, v43;
	_ =	sdelay $0x1  }
0x4cf: {  	v44 =	vadd.f32 v45, v44;
	_ =	sdelay $0x1  }
0x4d0: {  	v44 =	vmul.f32 $5.000000000e-01, v44;
	_ =	sdelay $0x1  }
0x4d1: {  	(erf) = vrcp.f32 v44;
	_ =	sdelay $0x8  }
0x4d2: {  	v53 =	vpop (erf)  }
0x4d3: {  	v43 =	vmul.f32 v53, v43;
	_ =	sdelay $0x1  }
0x4d4: {  	v43 =	vadd.f32 v43, v44;
	_ =	sdelay $0x1  }
0x4d5: {  	v43 =	vmul.f32 $5.000000000e-01, v43;
	_ =	sdelay $0x1  }
0x4d6: {  	v43 =	vadd.f32 $9.999999970e-07, v43;
	_ =	sdelay $0x1  }
0x4d7: {  	v43 =	vmul.f32 v43, v43  }
0x4d8: {  	v54 =	vld.idx.msk [tilespmem:v18+s12+$0x0], $0xffff  }
0x4d9: {  	v55 =	vld.idx.msk [tilespmem:v19+s12+$0x0], $0xffff;
	(erf) = vrcp.f32 v43;
	_ =	sdelay $0x4  }
0x4da: {  	v41 =	vmul.f32 v41, v54;
	v42 =	vmul.f32 v42, v55  }
0x4db: {  	v56 =	vld.idx.msk [tilespmem:v20+s12+$0x0], $0xffff  }
0x4dc: {  	v57 =	vld [tilespmem:$0x4B0];
	v41 =	vadd.f32 v42, v41  }
0x4dd: {  	v58 =	vld [tilespmem:$0x1B0]  }
0x4de: {  	v41 =	vmax.f32 v41, $0.0e+00;
	v59 =	vpop (erf)  }
0x4df: {  	v41 =	vmul.f32 v59, v41;
	_ =	sdelay $0x1  }
0x4e0: {  	v41 =	vmul.f32 v41, v56;
	_ =	sdelay $0x1  }
0x4e1: {  	v43 =	vsub.f32 $0.0e+00, v41  }
0x4e2: {  	[tilespmem:v57+s7+$0x0] =	vst.idx.add.f32.msk $0xffff, v41  }
0x4e3: {  	[tilespmem:v58+s7+$0x0] =	vst.idx.add.f32.msk $0xffff, v43  }
0x4e4: {  	v41 =	vld.idx.msk [tilespmem:v21+s12+$0x0], $0xffff  }
0x4e5: {  	v42 =	vld.idx.msk [tilespmem:v22+s12+$0x0], $0xffff  }
0x4e6: {  	v43 =	vld.idx.msk [tilespmem:v21+s28+$0x0], $0xffff  }
0x4e7: {  	v44 =	vld.idx.msk [tilespmem:v22+s28+$0x0], $0xffff;
	_ =	sdelay $0x4  }
0x4e8: {  	v41 =	vsub.f32 v43, v41;
	v42 =	vsub.f32 v44, v42;
	_ =	sdelay $0x1  }
0x4e9: {  	v43 =	vmul.f32 v41, v41;
	v44 =	vmul.f32 v42, v42;
	_ =	sdelay $0x1  }
0x4ea: {  	v43 =	vadd.f32 v44, v43;
	_ =	sdelay $0x1  }
0x4eb: {  	v44 =	vshra.s32 v43, $0x1  }
0x4ec: {  	v44 =	vadd.s32 $0x1FBD1DF5, v44  }
0x4ed: {  	(erf) = vrcp.f32 v44;
	_ =	sdelay $0x8  }
0x4ee: {  	v60 =	vpop (erf)  }
0x4ef: {  	v45 =	vmul.f32 v60, v43;
	_ =	sdelay $0x1  }
0x4f0: {  	v44 =	vadd.f32 v44, v45;
	_ =	sdelay $0x1  }
0x4f1: {  	v44 =	vmul.f32 $5.000000000e-01, v44;
	_ =	sdelay $0x1  }
0x4f2: {  	(erf) = vrcp.f32 v44;
	_ =	sdelay $0x8  }
0x4f3: {  	v61 =	vpop (erf)  }
0x4f4: {  	v45 =	vmul.f32 v61, v43;
	_ =	sdelay $0x1  }
0x4f5: {  	v44 =	vadd.f32 v45, v44;
	_ =	sdelay $0x1  }
0x4f6: {  	v44 =	vmul.f32 $5.000000000e-01, v44;
	_ =	sdelay $0x1  }
0x4f7: {  	(erf) = vrcp.f32 v44;
	_ =	sdelay $0x8  }
0x4f8: {  	v62 =	vpop (erf)  }
0x4f9: {  	v43 =	vmul.f32 v62, v43;
	_ =	sdelay $0x1  }
0x4fa: {  	v43 =	vadd.f32 v43, v44;
	_ =	sdelay $0x1  }
0x4fb: {  	v43 =	vmul.f32 $5.000000000e-01, v43;
	_ =	sdelay $0x1  }
0x4fc: {  	v43 =	vadd.f32 $9.999999970e-07, v43;
	_ =	sdelay $0x1  }
0x4fd: {  	v43 =	vmul.f32 v43, v43  }
0x4fe: {  	v63 =	vld.idx.msk [tilespmem:v23+s12+$0x0], $0xffff  }
0x4ff: {  	v48 =	vld.idx.msk [tilespmem:v24+s12+$0x0], $0xffff;
	(erf) = vrcp.f32 v43;
	_ =	sdelay $0x4  }
0x500: {  	v41 =	vmul.f32 v41, v63;
	v42 =	vmul.f32 v42, v48  }
0x501: {  	v49 =	vld.idx.msk [tilespmem:v25+s12+$0x0], $0xffff  }
0x502: {  	v50 =	vld [tilespmem:$0x4C0];
	v41 =	vadd.f32 v42, v41  }
0x503: {  	v51 =	vld [tilespmem:$0x1C0]  }
0x504: {  	v41 =	vmax.f32 v41, $0.0e+00;
	v52 =	vpop (erf)  }
0x505: {  	v41 =	vmul.f32 v52, v41;
	_ =	sdelay $0x1  }
0x506: {  	v41 =	vmul.f32 v41, v49;
	_ =	sdelay $0x1  }
0x507: {  	v43 =	vsub.f32 $0.0e+00, v41  }
0x508: {  	[tilespmem:v50+s7+$0x0] =	vst.idx.add.f32.msk $0xffff, v41  }
0x509: {  	[tilespmem:v51+s7+$0x0] =	vst.idx.add.f32.msk $0xffff, v43  }
0x50a: {  	v41 =	vld.idx.msk [tilespmem:v26+s12+$0x0], $0xffff  }
0x50b: {  	v42 =	vld.idx.msk [tilespmem:v27+s12+$0x0], $0xffff  }
0x50c: {  	v43 =	vld.idx.msk [tilespmem:v26+s28+$0x0], $0xffff  }
0x50d: {  	v44 =	vld.idx.msk [tilespmem:v27+s28+$0x0], $0xffff;
	_ =	sdelay $0x4  }
0x50e: {  	v41 =	vsub.f32 v43, v41;
	v42 =	vsub.f32 v44, v42;
	_ =	sdelay $0x1  }
0x50f: {  	v43 =	vmul.f32 v41, v41;
	v44 =	vmul.f32 v42, v42;
	_ =	sdelay $0x1  }
0x510: {  	v43 =	vadd.f32 v44, v43;
	_ =	sdelay $0x1  }
0x511: {  	v44 =	vshra.s32 v43, $0x1  }
0x512: {  	v44 =	vadd.s32 $0x1FBD1DF5, v44  }
0x513: {  	(erf) = vrcp.f32 v44;
	_ =	sdelay $0x8  }
0x514: {  	v53 =	vpop (erf)  }
0x515: {  	v45 =	vmul.f32 v53, v43;
	_ =	sdelay $0x1  }
0x516: {  	v44 =	vadd.f32 v44, v45;
	_ =	sdelay $0x1  }
0x517: {  	v44 =	vmul.f32 $5.000000000e-01, v44;
	_ =	sdelay $0x1  }
0x518: {  	(erf) = vrcp.f32 v44;
	_ =	sdelay $0x8  }
0x519: {  	v54 =	vpop (erf)  }
0x51a: {  	v45 =	vmul.f32 v54, v43;
	_ =	sdelay $0x1  }
0x51b: {  	v44 =	vadd.f32 v45, v44;
	_ =	sdelay $0x1  }
0x51c: {  	v44 =	vmul.f32 $5.000000000e-01, v44;
	_ =	sdelay $0x1  }
0x51d: {  	(erf) = vrcp.f32 v44;
	_ =	sdelay $0x8  }
0x51e: {  	v55 =	vpop (erf)  }
0x51f: {  	v43 =	vmul.f32 v55, v43;
	_ =	sdelay $0x1  }
0x520: {  	v43 =	vadd.f32 v43, v44;
	_ =	sdelay $0x1  }
0x521: {  	v43 =	vmul.f32 $5.000000000e-01, v43;
	_ =	sdelay $0x1  }
0x522: {  	v43 =	vadd.f32 $9.999999970e-07, v43;
	_ =	sdelay $0x1  }
0x523: {  	v43 =	vmul.f32 v43, v43  }
0x524: {  	v56 =	vld.idx.msk [tilespmem:v28+s12+$0x0], $0xffff  }
0x525: {  	v57 =	vld.idx.msk [tilespmem:v29+s12+$0x0], $0xffff;
	(erf) = vrcp.f32 v43;
	_ =	sdelay $0x4  }
0x526: {  	v41 =	vmul.f32 v41, v56;
	v42 =	vmul.f32 v42, v57  }
0x527: {  	v58 =	vld.idx.msk [tilespmem:v30+s12+$0x0], $0xffff  }
0x528: {  	v59 =	vld [tilespmem:$0x4D0];
	v41 =	vadd.f32 v42, v41  }
0x529: {  	v60 =	vld [tilespmem:$0x1D0]  }
0x52a: {  	v41 =	vmax.f32 v41, $0.0e+00;
	v61 =	vpop (erf)  }
0x52b: {  	v41 =	vmul.f32 v61, v41;
	_ =	sdelay $0x1  }
0x52c: {  	v41 =	vmul.f32 v41, v58;
	_ =	sdelay $0x1  }
0x52d: {  	v43 =	vsub.f32 $0.0e+00, v41  }
0x52e: {  	[tilespmem:v59+s7+$0x0] =	vst.idx.add.f32.msk $0xffff, v41  }
0x52f: {  	[tilespmem:v60+s7+$0x0] =	vst.idx.add.f32.msk $0xffff, v43  }
0x530: {  	v41 =	vld.idx.msk [tilespmem:v31+s12+$0x0], $0xffff  }
0x531: {  	v42 =	vld.idx.msk [tilespmem:v32+s12+$0x0], $0xffff  }
0x532: {  	v43 =	vld.idx.msk [tilespmem:v31+s28+$0x0], $0xffff  }
0x533: {  	v44 =	vld.idx.msk [tilespmem:v32+s28+$0x0], $0xffff;
	_ =	sdelay $0x4  }
0x534: {  	v41 =	vsub.f32 v43, v41;
	v42 =	vsub.f32 v44, v42;
	_ =	sdelay $0x1  }
0x535: {  	v43 =	vmul.f32 v41, v41;
	v44 =	vmul.f32 v42, v42;
	_ =	sdelay $0x1  }
0x536: {  	v43 =	vadd.f32 v44, v43;
	_ =	sdelay $0x1  }
0x537: {  	v44 =	vshra.s32 v43, $0x1  }
0x538: {  	v44 =	vadd.s32 $0x1FBD1DF5, v44  }
0x539: {  	(erf) = vrcp.f32 v44;
	_ =	sdelay $0x8  }
0x53a: {  	v62 =	vpop (erf)  }
0x53b: {  	v45 =	vmul.f32 v62, v43;
	_ =	sdelay $0x1  }
0x53c: {  	v44 =	vadd.f32 v44, v45;
	_ =	sdelay $0x1  }
0x53d: {  	v44 =	vmul.f32 $5.000000000e-01, v44;
	_ =	sdelay $0x1  }
0x53e: {  	(erf) = vrcp.f32 v44;
	_ =	sdelay $0x8  }
0x53f: {  	v63 =	vpop (erf)  }
0x540: {  	v45 =	vmul.f32 v63, v43;
	_ =	sdelay $0x1  }
0x541: {  	v44 =	vadd.f32 v45, v44;
	_ =	sdelay $0x1  }
0x542: {  	v44 =	vmul.f32 $5.000000000e-01, v44;
	_ =	sdelay $0x1  }
0x543: {  	(erf) = vrcp.f32 v44;
	_ =	sdelay $0x8  }
0x544: {  	v48 =	vpop (erf)  }
0x545: {  	v43 =	vmul.f32 v48, v43;
	_ =	sdelay $0x1  }
0x546: {  	v43 =	vadd.f32 v43, v44;
	_ =	sdelay $0x1  }
0x547: {  	v43 =	vmul.f32 $5.000000000e-01, v43;
	_ =	sdelay $0x1  }
0x548: {  	v43 =	vadd.f32 $9.999999970e-07, v43;
	_ =	sdelay $0x1  }
0x549: {  	v43 =	vmul.f32 v43, v43  }
0x54a: {  	v49 =	vld.idx.msk [tilespmem:v33+s12+$0x0], $0xffff  }
0x54b: {  	v50 =	vld.idx.msk [tilespmem:v34+s12+$0x0], $0xffff;
	(erf) = vrcp.f32 v43;
	_ =	sdelay $0x4  }
0x54c: {  	v41 =	vmul.f32 v41, v49;
	v42 =	vmul.f32 v42, v50  }
0x54d: {  	v51 =	vld.idx.msk [tilespmem:v35+s12+$0x0], $0xffff  }
0x54e: {  	v52 =	vld [tilespmem:$0x4E0];
	v41 =	vadd.f32 v42, v41  }
0x54f: {  	v53 =	vld [tilespmem:$0x1E0]  }
0x550: {  	v41 =	vmax.f32 v41, $0.0e+00;
	v54 =	vpop (erf)  }
0x551: {  	v41 =	vmul.f32 v54, v41;
	_ =	sdelay $0x1  }
0x552: {  	v41 =	vmul.f32 v41, v51;
	_ =	sdelay $0x1  }
0x553: {  	v43 =	vsub.f32 $0.0e+00, v41  }
0x554: {  	[tilespmem:v52+s7+$0x0] =	vst.idx.add.f32.msk $0xffff, v41  }
0x555: {  	[tilespmem:v53+s7+$0x0] =	vst.idx.add.f32.msk $0xffff, v43  }
0x556: {  	v41 =	vld.idx.msk [tilespmem:v36+s12+$0x0], $0xffff  }
0x557: {  	v42 =	vld.idx.msk [tilespmem:v37+s12+$0x0], $0xffff  }
0x558: {  	v43 =	vld.idx.msk [tilespmem:v36+s28+$0x0], $0xffff  }
0x559: {  	v44 =	vld.idx.msk [tilespmem:v37+s28+$0x0], $0xffff;
	_ =	sdelay $0x4  }
0x55a: {  	v41 =	vsub.f32 v43, v41;
	v42 =	vsub.f32 v44, v42;
	_ =	sdelay $0x1  }
0x55b: {  	v43 =	vmul.f32 v41, v41;
	v44 =	vmul.f32 v42, v42;
	_ =	sdelay $0x1  }
0x55c: {  	v43 =	vadd.f32 v44, v43;
	_ =	sdelay $0x1  }
0x55d: {  	v44 =	vshra.s32 v43, $0x1  }
0x55e: {  	v44 =	vadd.s32 $0x1FBD1DF5, v44  }
0x55f: {  	(erf) = vrcp.f32 v44;
	_ =	sdelay $0x8  }
0x560: {  	v55 =	vpop (erf)  }
0x561: {  	v45 =	vmul.f32 v55, v43;
	_ =	sdelay $0x1  }
0x562: {  	v44 =	vadd.f32 v44, v45;
	_ =	sdelay $0x1  }
0x563: {  	v44 =	vmul.f32 $5.000000000e-01, v44;
	_ =	sdelay $0x1  }
0x564: {  	(erf) = vrcp.f32 v44;
	_ =	sdelay $0x8  }
0x565: {  	v56 =	vpop (erf)  }
0x566: {  	v45 =	vmul.f32 v56, v43;
	_ =	sdelay $0x1  }
0x567: {  	v44 =	vadd.f32 v45, v44;
	_ =	sdelay $0x1  }
0x568: {  	v44 =	vmul.f32 $5.000000000e-01, v44;
	_ =	sdelay $0x1  }
0x569: {  	(erf) = vrcp.f32 v44;
	_ =	sdelay $0x8  }
0x56a: {  	v57 =	vpop (erf)  }
0x56b: {  	v43 =	vmul.f32 v57, v43;
	_ =	sdelay $0x1  }
0x56c: {  	v43 =	vadd.f32 v43, v44;
	_ =	sdelay $0x1  }
0x56d: {  	v43 =	vmul.f32 $5.000000000e-01, v43;
	_ =	sdelay $0x1  }
0x56e: {  	v43 =	vadd.f32 $9.999999970e-07, v43;
	_ =	sdelay $0x1  }
0x56f: {  	v43 =	vmul.f32 v43, v43  }
0x570: {  	v58 =	vld.idx.msk [tilespmem:v38+s12+$0x0], $0xffff  }
0x571: {  	v59 =	vld.idx.msk [tilespmem:v39+s12+$0x0], $0xffff;
	(erf) = vrcp.f32 v43;
	_ =	sdelay $0x4  }
0x572: {  	v41 =	vmul.f32 v41, v58;
	v42 =	vmul.f32 v42, v59  }
0x573: {  	v60 =	vld.idx.msk [tilespmem:v40+s12+$0x0], $0xffff  }
0x574: {  	v61 =	vld [tilespmem:$0x4F0];
	v41 =	vadd.f32 v42, v41  }
0x575: {  	v62 =	vld [tilespmem:$0x1F0]  }
0x576: {  	v41 =	vmax.f32 v41, $0.0e+00;
	v63 =	vpop (erf)  }
0x577: {  	v41 =	vmul.f32 v63, v41;
	_ =	sdelay $0x1  }
0x578: {  	v41 =	vmul.f32 v41, v60;
	_ =	sdelay $0x1  }
0x579: {  	v43 =	vsub.f32 $0.0e+00, v41  }
0x57a: {  	[tilespmem:v61+s7+$0x0] =	vst.idx.add.f32.msk $0xffff, v41  }
0x57b: {  	[tilespmem:v62+s7+$0x0] =	vst.idx.add.f32.msk $0xffff, v43  }
.LBB2_12:
0x57c: {  	s19 =	simm.s32 @!p4 $0x1  }
0x57d: {  	_ =	swait.ge @!p4 [sflag:s19], $0x80  }
0x57e: {  	[sflag:s19] =	ssyncset.done @!p4 $0x0  }
0x57f: {  	[sflag:s19] =	ssyncadd.s32 @!p4 $0xFFFFFF80  }
0x580: {  	_ =	swait.ge @!p4 [sflag:s19], $0x80  }
0x581: {  	s20 =	simm.s32 @!p4 $0x0;
	[sflag:s19] =	ssyncset.done @!p4 $0x0  }
0x582: {  	s21 =	simm.s32 @!p4 $0x600;
	[sflag:s19] =	ssyncadd.s32 @!p4 $0xFFFFFF80;
	s19 =	simm.s32 @!p4 $0x80  }
0x583: {  	[tilespmem:s21], [sflag:$0x7] =	stream.indirect.gather @!p4 [hbm4b:s3+s19], $0x8, s20, s19, $0xb8;
	[tilespmem:$0x1BD00] =	vst v63  }
0x584: {  	s20 =	simm.s32 @!p4 $0x300;
	s21 =	simm.s32 @!p4 $0x1E00  }
0x585: {  	[tilespmem:s21], [sflag:$0x7] =	stream.indirect.gather @!p4 [hbm4b:s3+s19], $0x8, s20, s19, $0xb8;
	[tilespmem:$0x1BD00] =	vst v63  }
0x586: {  	s21 =	sadd.s32 $0x8, s14  }
0x587: {  	s19 =	rddreg [dreg:$0x10];
	p3 =	sge.u32 s21, s4  }
0x588: {  	s19 =	sadd.s32 @!p3 s13, s19  }
.Ltmp9:
0x589: {  	s20 =	simm.s32 @!p3 $0x0;
	s21 =	simm.s32 @!p3 $0x100;
	(pc) =	sbr.rel @p0 .LBB2_14-.Ltmp9, $4  }
0x58a: {  	[tilespmem:s21], [sflag:$0x3] =	stream.linear.gather @!p3 [hbm4b:s19+s20], $0x80, $0x38;
	[tilespmem:$0x1BD00] =	vst v63  }
0x58b: {  	s19 =	sadd.s32 @!p3 s13, s18  }
0x58c: {  	s21 =	simm.s32 @!p3 $0x400;
	s19 =	sadd.s32 @!p3 $0x30DC0, s19  }
0x58d: {  	[tilespmem:s21], [sflag:$0x3] =	stream.linear.gather @!p3 [hbm4b:s19+s20], $0x80, $0x38;
	[tilespmem:$0x1BD00] =	vst v63  }
0x58e: {  	_ =	swait.ge [sflag:s16], $0x400  }
0x58f: {  	[sflag:s16] =	ssyncset.done $0x0  }
0x590: {  	[sflag:s16] =	ssyncadd.s32 $0xFFFFFC00  }
0x591: {  	_ =	swait.ge [sflag:s16], $0x400  }
0x592: {  	[sflag:s16] =	ssyncset.done $0x0  }
0x593: {  	[sflag:s16] =	ssyncadd.s32 $0xFFFFFC00  }
0x594: {  	v41 =	vld.idx.msk [tilespmem:v0+s17+$0x0], $0xffff  }
0x595: {  	v42 =	vld.idx.msk [tilespmem:v2+s17+$0x0], $0xffff  }
0x596: {  	v43 =	vld.idx.msk [tilespmem:v0+s5+$0x0], $0xffff  }
0x597: {  	v44 =	vld.idx.msk [tilespmem:v2+s5+$0x0], $0xffff;
	_ =	sdelay $0x4  }
0x598: {  	v41 =	vsub.f32 v43, v41;
	v42 =	vsub.f32 v44, v42;
	_ =	sdelay $0x1  }
0x599: {  	v43 =	vmul.f32 v41, v41;
	v44 =	vmul.f32 v42, v42;
	_ =	sdelay $0x1  }
0x59a: {  	v43 =	vadd.f32 v44, v43;
	_ =	sdelay $0x1  }
0x59b: {  	v44 =	vshra.s32 v43, $0x1  }
0x59c: {  	v44 =	vadd.s32 $0x1FBD1DF5, v44  }
0x59d: {  	(erf) = vrcp.f32 v44;
	_ =	sdelay $0x8  }
0x59e: {  	v45 =	vpop (erf)  }
0x59f: {  	v45 =	vmul.f32 v45, v43;
	_ =	sdelay $0x1  }
0x5a0: {  	v44 =	vadd.f32 v44, v45;
	_ =	sdelay $0x1  }
0x5a1: {  	v44 =	vmul.f32 $5.000000000e-01, v44;
	_ =	sdelay $0x1  }
0x5a2: {  	(erf) = vrcp.f32 v44;
	_ =	sdelay $0x8  }
0x5a3: {  	v57 =	vpop (erf)  }
0x5a4: {  	v45 =	vmul.f32 v57, v43;
	_ =	sdelay $0x1  }
0x5a5: {  	v44 =	vadd.f32 v45, v44;
	_ =	sdelay $0x1  }
0x5a6: {  	v44 =	vmul.f32 $5.000000000e-01, v44;
	_ =	sdelay $0x1  }
0x5a7: {  	(erf) = vrcp.f32 v44;
	_ =	sdelay $0x8  }
0x5a8: {  	v58 =	vpop (erf)  }
0x5a9: {  	v43 =	vmul.f32 v58, v43;
	_ =	sdelay $0x1  }
0x5aa: {  	v43 =	vadd.f32 v43, v44;
	_ =	sdelay $0x1  }
0x5ab: {  	v43 =	vmul.f32 $5.000000000e-01, v43;
	_ =	sdelay $0x1  }
0x5ac: {  	v43 =	vadd.f32 $9.999999970e-07, v43;
	_ =	sdelay $0x1  }
0x5ad: {  	v43 =	vmul.f32 v43, v43  }
0x5ae: {  	v59 =	vld.idx.msk [tilespmem:v3+s17+$0x0], $0xffff  }
0x5af: {  	v60 =	vld.idx.msk [tilespmem:v4+s17+$0x0], $0xffff;
	(erf) = vrcp.f32 v43;
	_ =	sdelay $0x4  }
0x5b0: {  	v41 =	vmul.f32 v41, v59;
	v42 =	vmul.f32 v42, v60  }
0x5b1: {  	v61 =	vld.idx.msk [tilespmem:v5+s17+$0x0], $0xffff  }
0x5b2: {  	v62 =	vld [tilespmem:$0x500];
	v41 =	vadd.f32 v42, v41  }
0x5b3: {  	v63 =	vld [tilespmem:$0x200]  }
0x5b4: {  	v41 =	vmax.f32 v41, $0.0e+00;
	v48 =	vpop (erf)  }
0x5b5: {  	v41 =	vmul.f32 v48, v41;
	_ =	sdelay $0x1  }
0x5b6: {  	v41 =	vmul.f32 v41, v61;
	_ =	sdelay $0x1  }
0x5b7: {  	v43 =	vsub.f32 $0.0e+00, v41  }
0x5b8: {  	[tilespmem:v62+s7+$0x0] =	vst.idx.add.f32.msk $0xffff, v41  }
0x5b9: {  	[tilespmem:v63+s7+$0x0] =	vst.idx.add.f32.msk $0xffff, v43  }
0x5ba: {  	v41 =	vld.idx.msk [tilespmem:v6+s17+$0x0], $0xffff  }
0x5bb: {  	v42 =	vld.idx.msk [tilespmem:v7+s17+$0x0], $0xffff  }
0x5bc: {  	v43 =	vld.idx.msk [tilespmem:v6+s5+$0x0], $0xffff  }
0x5bd: {  	v44 =	vld.idx.msk [tilespmem:v7+s5+$0x0], $0xffff;
	_ =	sdelay $0x4  }
0x5be: {  	v41 =	vsub.f32 v43, v41;
	v42 =	vsub.f32 v44, v42;
	_ =	sdelay $0x1  }
0x5bf: {  	v43 =	vmul.f32 v41, v41;
	v44 =	vmul.f32 v42, v42;
	_ =	sdelay $0x1  }
0x5c0: {  	v43 =	vadd.f32 v44, v43;
	_ =	sdelay $0x1  }
0x5c1: {  	v44 =	vshra.s32 v43, $0x1  }
0x5c2: {  	v44 =	vadd.s32 $0x1FBD1DF5, v44  }
0x5c3: {  	(erf) = vrcp.f32 v44;
	_ =	sdelay $0x8  }
0x5c4: {  	v49 =	vpop (erf)  }
0x5c5: {  	v45 =	vmul.f32 v49, v43;
	_ =	sdelay $0x1  }
0x5c6: {  	v44 =	vadd.f32 v44, v45;
	_ =	sdelay $0x1  }
0x5c7: {  	v44 =	vmul.f32 $5.000000000e-01, v44;
	_ =	sdelay $0x1  }
0x5c8: {  	(erf) = vrcp.f32 v44;
	_ =	sdelay $0x8  }
0x5c9: {  	v50 =	vpop (erf)  }
0x5ca: {  	v45 =	vmul.f32 v50, v43;
	_ =	sdelay $0x1  }
0x5cb: {  	v44 =	vadd.f32 v45, v44;
	_ =	sdelay $0x1  }
0x5cc: {  	v44 =	vmul.f32 $5.000000000e-01, v44;
	_ =	sdelay $0x1  }
0x5cd: {  	(erf) = vrcp.f32 v44;
	_ =	sdelay $0x8  }
0x5ce: {  	v51 =	vpop (erf)  }
0x5cf: {  	v43 =	vmul.f32 v51, v43;
	_ =	sdelay $0x1  }
0x5d0: {  	v43 =	vadd.f32 v43, v44;
	_ =	sdelay $0x1  }
0x5d1: {  	v43 =	vmul.f32 $5.000000000e-01, v43;
	_ =	sdelay $0x1  }
0x5d2: {  	v43 =	vadd.f32 $9.999999970e-07, v43;
	_ =	sdelay $0x1  }
0x5d3: {  	v43 =	vmul.f32 v43, v43  }
0x5d4: {  	v52 =	vld.idx.msk [tilespmem:v8+s17+$0x0], $0xffff  }
0x5d5: {  	v53 =	vld.idx.msk [tilespmem:v9+s17+$0x0], $0xffff;
	(erf) = vrcp.f32 v43;
	_ =	sdelay $0x4  }
0x5d6: {  	v41 =	vmul.f32 v41, v52;
	v42 =	vmul.f32 v42, v53  }
0x5d7: {  	v54 =	vld.idx.msk [tilespmem:v10+s17+$0x0], $0xffff  }
0x5d8: {  	v55 =	vld [tilespmem:$0x510];
	v41 =	vadd.f32 v42, v41  }
0x5d9: {  	v56 =	vld [tilespmem:$0x210]  }
0x5da: {  	v41 =	vmax.f32 v41, $0.0e+00;
	v57 =	vpop (erf)  }
0x5db: {  	v41 =	vmul.f32 v57, v41;
	_ =	sdelay $0x1  }
0x5dc: {  	v41 =	vmul.f32 v41, v54;
	_ =	sdelay $0x1  }
0x5dd: {  	v43 =	vsub.f32 $0.0e+00, v41  }
0x5de: {  	[tilespmem:v55+s7+$0x0] =	vst.idx.add.f32.msk $0xffff, v41  }
0x5df: {  	[tilespmem:v56+s7+$0x0] =	vst.idx.add.f32.msk $0xffff, v43  }
0x5e0: {  	v41 =	vld.idx.msk [tilespmem:v11+s17+$0x0], $0xffff  }
0x5e1: {  	v42 =	vld.idx.msk [tilespmem:v12+s17+$0x0], $0xffff  }
0x5e2: {  	v43 =	vld.idx.msk [tilespmem:v11+s5+$0x0], $0xffff  }
0x5e3: {  	v44 =	vld.idx.msk [tilespmem:v12+s5+$0x0], $0xffff;
	_ =	sdelay $0x4  }
0x5e4: {  	v41 =	vsub.f32 v43, v41;
	v42 =	vsub.f32 v44, v42;
	_ =	sdelay $0x1  }
0x5e5: {  	v43 =	vmul.f32 v41, v41;
	v44 =	vmul.f32 v42, v42;
	_ =	sdelay $0x1  }
0x5e6: {  	v43 =	vadd.f32 v44, v43;
	_ =	sdelay $0x1  }
0x5e7: {  	v44 =	vshra.s32 v43, $0x1  }
0x5e8: {  	v44 =	vadd.s32 $0x1FBD1DF5, v44  }
0x5e9: {  	(erf) = vrcp.f32 v44;
	_ =	sdelay $0x8  }
0x5ea: {  	v58 =	vpop (erf)  }
0x5eb: {  	v45 =	vmul.f32 v58, v43;
	_ =	sdelay $0x1  }
0x5ec: {  	v44 =	vadd.f32 v44, v45;
	_ =	sdelay $0x1  }
0x5ed: {  	v44 =	vmul.f32 $5.000000000e-01, v44;
	_ =	sdelay $0x1  }
0x5ee: {  	(erf) = vrcp.f32 v44;
	_ =	sdelay $0x8  }
0x5ef: {  	v59 =	vpop (erf)  }
0x5f0: {  	v45 =	vmul.f32 v59, v43;
	_ =	sdelay $0x1  }
0x5f1: {  	v44 =	vadd.f32 v45, v44;
	_ =	sdelay $0x1  }
0x5f2: {  	v44 =	vmul.f32 $5.000000000e-01, v44;
	_ =	sdelay $0x1  }
0x5f3: {  	(erf) = vrcp.f32 v44;
	_ =	sdelay $0x8  }
0x5f4: {  	v60 =	vpop (erf)  }
0x5f5: {  	v43 =	vmul.f32 v60, v43;
	_ =	sdelay $0x1  }
0x5f6: {  	v43 =	vadd.f32 v43, v44;
	_ =	sdelay $0x1  }
0x5f7: {  	v43 =	vmul.f32 $5.000000000e-01, v43;
	_ =	sdelay $0x1  }
0x5f8: {  	v43 =	vadd.f32 $9.999999970e-07, v43;
	_ =	sdelay $0x1  }
0x5f9: {  	v43 =	vmul.f32 v43, v43  }
0x5fa: {  	v61 =	vld.idx.msk [tilespmem:v13+s17+$0x0], $0xffff  }
0x5fb: {  	v62 =	vld.idx.msk [tilespmem:v14+s17+$0x0], $0xffff;
	(erf) = vrcp.f32 v43;
	_ =	sdelay $0x4  }
0x5fc: {  	v41 =	vmul.f32 v41, v61;
	v42 =	vmul.f32 v42, v62  }
0x5fd: {  	v63 =	vld.idx.msk [tilespmem:v15+s17+$0x0], $0xffff  }
0x5fe: {  	v48 =	vld [tilespmem:$0x520];
	v41 =	vadd.f32 v42, v41  }
0x5ff: {  	v49 =	vld [tilespmem:$0x220]  }
0x600: {  	v41 =	vmax.f32 v41, $0.0e+00;
	v50 =	vpop (erf)  }
0x601: {  	v41 =	vmul.f32 v50, v41;
	_ =	sdelay $0x1  }
0x602: {  	v41 =	vmul.f32 v41, v63;
	_ =	sdelay $0x1  }
0x603: {  	v43 =	vsub.f32 $0.0e+00, v41  }
0x604: {  	[tilespmem:v48+s7+$0x0] =	vst.idx.add.f32.msk $0xffff, v41  }
0x605: {  	[tilespmem:v49+s7+$0x0] =	vst.idx.add.f32.msk $0xffff, v43  }
0x606: {  	v41 =	vld.idx.msk [tilespmem:v16+s17+$0x0], $0xffff  }
0x607: {  	v42 =	vld.idx.msk [tilespmem:v17+s17+$0x0], $0xffff  }
0x608: {  	v43 =	vld.idx.msk [tilespmem:v16+s5+$0x0], $0xffff  }
0x609: {  	v44 =	vld.idx.msk [tilespmem:v17+s5+$0x0], $0xffff;
	_ =	sdelay $0x4  }
0x60a: {  	v41 =	vsub.f32 v43, v41;
	v42 =	vsub.f32 v44, v42;
	_ =	sdelay $0x1  }
0x60b: {  	v43 =	vmul.f32 v41, v41;
	v44 =	vmul.f32 v42, v42;
	_ =	sdelay $0x1  }
0x60c: {  	v43 =	vadd.f32 v44, v43;
	_ =	sdelay $0x1  }
0x60d: {  	v44 =	vshra.s32 v43, $0x1  }
0x60e: {  	v44 =	vadd.s32 $0x1FBD1DF5, v44  }
0x60f: {  	(erf) = vrcp.f32 v44;
	_ =	sdelay $0x8  }
0x610: {  	v51 =	vpop (erf)  }
0x611: {  	v45 =	vmul.f32 v51, v43;
	_ =	sdelay $0x1  }
0x612: {  	v44 =	vadd.f32 v44, v45;
	_ =	sdelay $0x1  }
0x613: {  	v44 =	vmul.f32 $5.000000000e-01, v44;
	_ =	sdelay $0x1  }
0x614: {  	(erf) = vrcp.f32 v44;
	_ =	sdelay $0x8  }
0x615: {  	v52 =	vpop (erf)  }
0x616: {  	v45 =	vmul.f32 v52, v43;
	_ =	sdelay $0x1  }
0x617: {  	v44 =	vadd.f32 v45, v44;
	_ =	sdelay $0x1  }
0x618: {  	v44 =	vmul.f32 $5.000000000e-01, v44;
	_ =	sdelay $0x1  }
0x619: {  	(erf) = vrcp.f32 v44;
	_ =	sdelay $0x8  }
0x61a: {  	v53 =	vpop (erf)  }
0x61b: {  	v43 =	vmul.f32 v53, v43;
	_ =	sdelay $0x1  }
0x61c: {  	v43 =	vadd.f32 v43, v44;
	_ =	sdelay $0x1  }
0x61d: {  	v43 =	vmul.f32 $5.000000000e-01, v43;
	_ =	sdelay $0x1  }
0x61e: {  	v43 =	vadd.f32 $9.999999970e-07, v43;
	_ =	sdelay $0x1  }
0x61f: {  	v43 =	vmul.f32 v43, v43  }
0x620: {  	v54 =	vld.idx.msk [tilespmem:v18+s17+$0x0], $0xffff  }
0x621: {  	v55 =	vld.idx.msk [tilespmem:v19+s17+$0x0], $0xffff;
	(erf) = vrcp.f32 v43;
	_ =	sdelay $0x4  }
0x622: {  	v41 =	vmul.f32 v41, v54;
	v42 =	vmul.f32 v42, v55  }
0x623: {  	v56 =	vld.idx.msk [tilespmem:v20+s17+$0x0], $0xffff  }
0x624: {  	v57 =	vld [tilespmem:$0x530];
	v41 =	vadd.f32 v42, v41  }
0x625: {  	v58 =	vld [tilespmem:$0x230]  }
0x626: {  	v41 =	vmax.f32 v41, $0.0e+00;
	v59 =	vpop (erf)  }
0x627: {  	v41 =	vmul.f32 v59, v41;
	_ =	sdelay $0x1  }
0x628: {  	v41 =	vmul.f32 v41, v56;
	_ =	sdelay $0x1  }
0x629: {  	v43 =	vsub.f32 $0.0e+00, v41  }
0x62a: {  	[tilespmem:v57+s7+$0x0] =	vst.idx.add.f32.msk $0xffff, v41  }
0x62b: {  	[tilespmem:v58+s7+$0x0] =	vst.idx.add.f32.msk $0xffff, v43  }
0x62c: {  	v41 =	vld.idx.msk [tilespmem:v21+s17+$0x0], $0xffff  }
0x62d: {  	v42 =	vld.idx.msk [tilespmem:v22+s17+$0x0], $0xffff  }
0x62e: {  	v43 =	vld.idx.msk [tilespmem:v21+s5+$0x0], $0xffff  }
0x62f: {  	v44 =	vld.idx.msk [tilespmem:v22+s5+$0x0], $0xffff;
	_ =	sdelay $0x4  }
0x630: {  	v41 =	vsub.f32 v43, v41;
	v42 =	vsub.f32 v44, v42;
	_ =	sdelay $0x1  }
0x631: {  	v43 =	vmul.f32 v41, v41;
	v44 =	vmul.f32 v42, v42;
	_ =	sdelay $0x1  }
0x632: {  	v43 =	vadd.f32 v44, v43;
	_ =	sdelay $0x1  }
0x633: {  	v44 =	vshra.s32 v43, $0x1  }
0x634: {  	v44 =	vadd.s32 $0x1FBD1DF5, v44  }
0x635: {  	(erf) = vrcp.f32 v44;
	_ =	sdelay $0x8  }
0x636: {  	v60 =	vpop (erf)  }
0x637: {  	v45 =	vmul.f32 v60, v43;
	_ =	sdelay $0x1  }
0x638: {  	v44 =	vadd.f32 v44, v45;
	_ =	sdelay $0x1  }
0x639: {  	v44 =	vmul.f32 $5.000000000e-01, v44;
	_ =	sdelay $0x1  }
0x63a: {  	(erf) = vrcp.f32 v44;
	_ =	sdelay $0x8  }
0x63b: {  	v61 =	vpop (erf)  }
0x63c: {  	v45 =	vmul.f32 v61, v43;
	_ =	sdelay $0x1  }
0x63d: {  	v44 =	vadd.f32 v45, v44;
	_ =	sdelay $0x1  }
0x63e: {  	v44 =	vmul.f32 $5.000000000e-01, v44;
	_ =	sdelay $0x1  }
0x63f: {  	(erf) = vrcp.f32 v44;
	_ =	sdelay $0x8  }
0x640: {  	v62 =	vpop (erf)  }
0x641: {  	v43 =	vmul.f32 v62, v43;
	_ =	sdelay $0x1  }
0x642: {  	v43 =	vadd.f32 v43, v44;
	_ =	sdelay $0x1  }
0x643: {  	v43 =	vmul.f32 $5.000000000e-01, v43;
	_ =	sdelay $0x1  }
0x644: {  	v43 =	vadd.f32 $9.999999970e-07, v43;
	_ =	sdelay $0x1  }
0x645: {  	v43 =	vmul.f32 v43, v43  }
0x646: {  	v63 =	vld.idx.msk [tilespmem:v23+s17+$0x0], $0xffff  }
0x647: {  	v48 =	vld.idx.msk [tilespmem:v24+s17+$0x0], $0xffff;
	(erf) = vrcp.f32 v43;
	_ =	sdelay $0x4  }
0x648: {  	v41 =	vmul.f32 v41, v63;
	v42 =	vmul.f32 v42, v48  }
0x649: {  	v49 =	vld.idx.msk [tilespmem:v25+s17+$0x0], $0xffff  }
0x64a: {  	v50 =	vld [tilespmem:$0x540];
	v41 =	vadd.f32 v42, v41  }
0x64b: {  	v51 =	vld [tilespmem:$0x240]  }
0x64c: {  	v41 =	vmax.f32 v41, $0.0e+00;
	v52 =	vpop (erf)  }
0x64d: {  	v41 =	vmul.f32 v52, v41;
	_ =	sdelay $0x1  }
0x64e: {  	v41 =	vmul.f32 v41, v49;
	_ =	sdelay $0x1  }
0x64f: {  	v43 =	vsub.f32 $0.0e+00, v41  }
0x650: {  	[tilespmem:v50+s7+$0x0] =	vst.idx.add.f32.msk $0xffff, v41  }
0x651: {  	[tilespmem:v51+s7+$0x0] =	vst.idx.add.f32.msk $0xffff, v43  }
0x652: {  	v41 =	vld.idx.msk [tilespmem:v26+s17+$0x0], $0xffff  }
0x653: {  	v42 =	vld.idx.msk [tilespmem:v27+s17+$0x0], $0xffff  }
0x654: {  	v43 =	vld.idx.msk [tilespmem:v26+s5+$0x0], $0xffff  }
0x655: {  	v44 =	vld.idx.msk [tilespmem:v27+s5+$0x0], $0xffff;
	_ =	sdelay $0x4  }
0x656: {  	v41 =	vsub.f32 v43, v41;
	v42 =	vsub.f32 v44, v42;
	_ =	sdelay $0x1  }
0x657: {  	v43 =	vmul.f32 v41, v41;
	v44 =	vmul.f32 v42, v42;
	_ =	sdelay $0x1  }
0x658: {  	v43 =	vadd.f32 v44, v43;
	_ =	sdelay $0x1  }
0x659: {  	v44 =	vshra.s32 v43, $0x1  }
0x65a: {  	v44 =	vadd.s32 $0x1FBD1DF5, v44  }
0x65b: {  	(erf) = vrcp.f32 v44;
	_ =	sdelay $0x8  }
0x65c: {  	v53 =	vpop (erf)  }
0x65d: {  	v45 =	vmul.f32 v53, v43;
	_ =	sdelay $0x1  }
0x65e: {  	v44 =	vadd.f32 v44, v45;
	_ =	sdelay $0x1  }
0x65f: {  	v44 =	vmul.f32 $5.000000000e-01, v44;
	_ =	sdelay $0x1  }
0x660: {  	(erf) = vrcp.f32 v44;
	_ =	sdelay $0x8  }
0x661: {  	v54 =	vpop (erf)  }
0x662: {  	v45 =	vmul.f32 v54, v43;
	_ =	sdelay $0x1  }
0x663: {  	v44 =	vadd.f32 v45, v44;
	_ =	sdelay $0x1  }
0x664: {  	v44 =	vmul.f32 $5.000000000e-01, v44;
	_ =	sdelay $0x1  }
0x665: {  	(erf) = vrcp.f32 v44;
	_ =	sdelay $0x8  }
0x666: {  	v55 =	vpop (erf)  }
0x667: {  	v43 =	vmul.f32 v55, v43;
	_ =	sdelay $0x1  }
0x668: {  	v43 =	vadd.f32 v43, v44;
	_ =	sdelay $0x1  }
0x669: {  	v43 =	vmul.f32 $5.000000000e-01, v43;
	_ =	sdelay $0x1  }
0x66a: {  	v43 =	vadd.f32 $9.999999970e-07, v43;
	_ =	sdelay $0x1  }
0x66b: {  	v43 =	vmul.f32 v43, v43  }
0x66c: {  	v56 =	vld.idx.msk [tilespmem:v28+s17+$0x0], $0xffff  }
0x66d: {  	v57 =	vld.idx.msk [tilespmem:v29+s17+$0x0], $0xffff;
	(erf) = vrcp.f32 v43;
	_ =	sdelay $0x4  }
0x66e: {  	v41 =	vmul.f32 v41, v56;
	v42 =	vmul.f32 v42, v57  }
0x66f: {  	v58 =	vld.idx.msk [tilespmem:v30+s17+$0x0], $0xffff  }
0x670: {  	v59 =	vld [tilespmem:$0x550];
	v41 =	vadd.f32 v42, v41  }
0x671: {  	v60 =	vld [tilespmem:$0x250]  }
0x672: {  	v41 =	vmax.f32 v41, $0.0e+00;
	v61 =	vpop (erf)  }
0x673: {  	v41 =	vmul.f32 v61, v41;
	_ =	sdelay $0x1  }
0x674: {  	v41 =	vmul.f32 v41, v58;
	_ =	sdelay $0x1  }
0x675: {  	v43 =	vsub.f32 $0.0e+00, v41  }
0x676: {  	[tilespmem:v59+s7+$0x0] =	vst.idx.add.f32.msk $0xffff, v41  }
0x677: {  	[tilespmem:v60+s7+$0x0] =	vst.idx.add.f32.msk $0xffff, v43  }
0x678: {  	v41 =	vld.idx.msk [tilespmem:v31+s17+$0x0], $0xffff  }
0x679: {  	v42 =	vld.idx.msk [tilespmem:v32+s17+$0x0], $0xffff  }
0x67a: {  	v43 =	vld.idx.msk [tilespmem:v31+s5+$0x0], $0xffff  }
0x67b: {  	v44 =	vld.idx.msk [tilespmem:v32+s5+$0x0], $0xffff;
	_ =	sdelay $0x4  }
0x67c: {  	v41 =	vsub.f32 v43, v41;
	v42 =	vsub.f32 v44, v42;
	_ =	sdelay $0x1  }
0x67d: {  	v43 =	vmul.f32 v41, v41;
	v44 =	vmul.f32 v42, v42;
	_ =	sdelay $0x1  }
0x67e: {  	v43 =	vadd.f32 v44, v43;
	_ =	sdelay $0x1  }
0x67f: {  	v44 =	vshra.s32 v43, $0x1  }
0x680: {  	v44 =	vadd.s32 $0x1FBD1DF5, v44  }
0x681: {  	(erf) = vrcp.f32 v44;
	_ =	sdelay $0x8  }
0x682: {  	v62 =	vpop (erf)  }
0x683: {  	v45 =	vmul.f32 v62, v43;
	_ =	sdelay $0x1  }
0x684: {  	v44 =	vadd.f32 v44, v45;
	_ =	sdelay $0x1  }
0x685: {  	v44 =	vmul.f32 $5.000000000e-01, v44;
	_ =	sdelay $0x1  }
0x686: {  	(erf) = vrcp.f32 v44;
	_ =	sdelay $0x8  }
0x687: {  	v63 =	vpop (erf)  }
0x688: {  	v45 =	vmul.f32 v63, v43;
	_ =	sdelay $0x1  }
0x689: {  	v44 =	vadd.f32 v45, v44;
	_ =	sdelay $0x1  }
0x68a: {  	v44 =	vmul.f32 $5.000000000e-01, v44;
	_ =	sdelay $0x1  }
0x68b: {  	(erf) = vrcp.f32 v44;
	_ =	sdelay $0x8  }
0x68c: {  	v48 =	vpop (erf)  }
0x68d: {  	v43 =	vmul.f32 v48, v43;
	_ =	sdelay $0x1  }
0x68e: {  	v43 =	vadd.f32 v43, v44;
	_ =	sdelay $0x1  }
0x68f: {  	v43 =	vmul.f32 $5.000000000e-01, v43;
	_ =	sdelay $0x1  }
0x690: {  	v43 =	vadd.f32 $9.999999970e-07, v43;
	_ =	sdelay $0x1  }
0x691: {  	v43 =	vmul.f32 v43, v43  }
0x692: {  	v49 =	vld.idx.msk [tilespmem:v33+s17+$0x0], $0xffff  }
0x693: {  	v50 =	vld.idx.msk [tilespmem:v34+s17+$0x0], $0xffff;
	(erf) = vrcp.f32 v43;
	_ =	sdelay $0x4  }
0x694: {  	v41 =	vmul.f32 v41, v49;
	v42 =	vmul.f32 v42, v50  }
0x695: {  	v51 =	vld.idx.msk [tilespmem:v35+s17+$0x0], $0xffff  }
0x696: {  	v52 =	vld [tilespmem:$0x560];
	v41 =	vadd.f32 v42, v41  }
0x697: {  	v53 =	vld [tilespmem:$0x260]  }
0x698: {  	v41 =	vmax.f32 v41, $0.0e+00;
	v54 =	vpop (erf)  }
0x699: {  	v41 =	vmul.f32 v54, v41;
	_ =	sdelay $0x1  }
0x69a: {  	v41 =	vmul.f32 v41, v51;
	_ =	sdelay $0x1  }
0x69b: {  	v43 =	vsub.f32 $0.0e+00, v41  }
0x69c: {  	[tilespmem:v52+s7+$0x0] =	vst.idx.add.f32.msk $0xffff, v41  }
0x69d: {  	[tilespmem:v53+s7+$0x0] =	vst.idx.add.f32.msk $0xffff, v43  }
0x69e: {  	v41 =	vld.idx.msk [tilespmem:v36+s17+$0x0], $0xffff  }
0x69f: {  	v42 =	vld.idx.msk [tilespmem:v37+s17+$0x0], $0xffff  }
0x6a0: {  	v43 =	vld.idx.msk [tilespmem:v36+s5+$0x0], $0xffff  }
0x6a1: {  	v44 =	vld.idx.msk [tilespmem:v37+s5+$0x0], $0xffff;
	_ =	sdelay $0x4  }
0x6a2: {  	v41 =	vsub.f32 v43, v41;
	v42 =	vsub.f32 v44, v42;
	_ =	sdelay $0x1  }
0x6a3: {  	v43 =	vmul.f32 v41, v41;
	v44 =	vmul.f32 v42, v42;
	_ =	sdelay $0x1  }
0x6a4: {  	v43 =	vadd.f32 v44, v43;
	_ =	sdelay $0x1  }
0x6a5: {  	v44 =	vshra.s32 v43, $0x1  }
0x6a6: {  	v44 =	vadd.s32 $0x1FBD1DF5, v44  }
0x6a7: {  	(erf) = vrcp.f32 v44;
	_ =	sdelay $0x8  }
0x6a8: {  	v55 =	vpop (erf)  }
0x6a9: {  	v45 =	vmul.f32 v55, v43;
	_ =	sdelay $0x1  }
0x6aa: {  	v44 =	vadd.f32 v44, v45;
	_ =	sdelay $0x1  }
0x6ab: {  	v44 =	vmul.f32 $5.000000000e-01, v44;
	_ =	sdelay $0x1  }
0x6ac: {  	(erf) = vrcp.f32 v44;
	_ =	sdelay $0x8  }
0x6ad: {  	v56 =	vpop (erf)  }
0x6ae: {  	v45 =	vmul.f32 v56, v43;
	_ =	sdelay $0x1  }
0x6af: {  	v44 =	vadd.f32 v45, v44;
	_ =	sdelay $0x1  }
0x6b0: {  	v44 =	vmul.f32 $5.000000000e-01, v44;
	_ =	sdelay $0x1  }
0x6b1: {  	(erf) = vrcp.f32 v44;
	_ =	sdelay $0x8  }
0x6b2: {  	v57 =	vpop (erf)  }
0x6b3: {  	v43 =	vmul.f32 v57, v43;
	_ =	sdelay $0x1  }
0x6b4: {  	v43 =	vadd.f32 v43, v44;
	_ =	sdelay $0x1  }
0x6b5: {  	v43 =	vmul.f32 $5.000000000e-01, v43;
	_ =	sdelay $0x1  }
0x6b6: {  	v43 =	vadd.f32 $9.999999970e-07, v43;
	_ =	sdelay $0x1  }
0x6b7: {  	v43 =	vmul.f32 v43, v43  }
0x6b8: {  	v58 =	vld.idx.msk [tilespmem:v38+s17+$0x0], $0xffff  }
0x6b9: {  	v59 =	vld.idx.msk [tilespmem:v39+s17+$0x0], $0xffff;
	(erf) = vrcp.f32 v43;
	_ =	sdelay $0x4  }
0x6ba: {  	v41 =	vmul.f32 v41, v58;
	v42 =	vmul.f32 v42, v59  }
0x6bb: {  	v60 =	vld.idx.msk [tilespmem:v40+s17+$0x0], $0xffff  }
0x6bc: {  	v61 =	vld [tilespmem:$0x570];
	v41 =	vadd.f32 v42, v41  }
0x6bd: {  	v62 =	vld [tilespmem:$0x270]  }
0x6be: {  	v41 =	vmax.f32 v41, $0.0e+00;
	v63 =	vpop (erf)  }
0x6bf: {  	v41 =	vmul.f32 v63, v41;
	_ =	sdelay $0x1  }
0x6c0: {  	v41 =	vmul.f32 v41, v60;
	_ =	sdelay $0x1  }
0x6c1: {  	v43 =	vsub.f32 $0.0e+00, v41  }
0x6c2: {  	[tilespmem:v61+s7+$0x0] =	vst.idx.add.f32.msk $0xffff, v41  }
0x6c3: {  	[tilespmem:v62+s7+$0x0] =	vst.idx.add.f32.msk $0xffff, v43  }
.LBB2_14:
0x6c4: {  	s19 =	simm.s32 @!p2 $0x2  }
0x6c5: {  	_ =	swait.ge @!p2 [sflag:s19], $0x80  }
0x6c6: {  	[sflag:s19] =	ssyncset.done @!p2 $0x0  }
0x6c7: {  	[sflag:s19] =	ssyncadd.s32 @!p2 $0xFFFFFF80  }
0x6c8: {  	s14 =	sadd.s32 $0x9, s14;
	_ =	swait.ge @!p2 [sflag:s19], $0x80  }
0x6c9: {  	s20 =	simm.s32 @!p2 $0xA00;
	p0 =	sge.u32 s14, s4;
	[sflag:s19] =	ssyncset.done @!p2 $0x0  }
0x6ca: {  	s14 =	rddreg [dreg:$0xf];
	[sflag:s19] =	ssyncadd.s32 @!p2 $0xFFFFFF80;
	s19 =	simm.s32 @!p2 $0x80  }
0x6cb: {  	[tilespmem:s20], [sflag:$0x8] =	stream.indirect.gather @!p2 [hbm4b:s3+s19], $0x8, s19, s19, $0xb8;
	[tilespmem:$0x1BD00] =	vst v63  }
0x6cc: {  	s21 =	simm.s32 @!p2 $0x2200;
	s14 =	sadd.s32 @!p0 s13, s14;
	s20 =	simm.s32 @!p2 $0x380  }
0x6cd: {  	[tilespmem:s21], [sflag:$0x8] =	stream.indirect.gather @!p2 [hbm4b:s3+s19], $0x8, s20, s19, $0xb8;
	[tilespmem:$0x1BD00] =	vst v63  }
.Ltmp10:
0x6ce: {  	s19 =	simm.s32 @!p0 $0x0;
	s20 =	simm.s32 @!p0 $0x180;
	(pc) =	sbr.rel @p1 .LBB2_16-.Ltmp10, $4  }
0x6cf: {  	[tilespmem:s20], [sflag:$0x4] =	stream.linear.gather @!p0 [hbm4b:s14+s19], $0x80, $0x38;
	[tilespmem:$0x1BD00] =	vst v63  }
0x6d0: {  	s14 =	sadd.s32 @!p0 s13, s18  }
0x6d1: {  	s20 =	simm.s32 @!p0 $0x480;
	s14 =	sadd.s32 @!p0 $0x30DD0, s14  }
0x6d2: {  	[tilespmem:s20], [sflag:$0x4] =	stream.linear.gather @!p0 [hbm4b:s14+s19], $0x80, $0x38;
	[tilespmem:$0x1BD00] =	vst v63  }
0x6d3: {  	_ =	swait.ge [sflag:s26], $0x400  }
0x6d4: {  	[sflag:s26] =	ssyncset.done $0x0  }
0x6d5: {  	[sflag:s26] =	ssyncadd.s32 $0xFFFFFC00  }
0x6d6: {  	_ =	swait.ge [sflag:s26], $0x400  }
0x6d7: {  	[sflag:s26] =	ssyncset.done $0x0  }
0x6d8: {  	[sflag:s26] =	ssyncadd.s32 $0xFFFFFC00  }
0x6d9: {  	v41 =	vld.idx.msk [tilespmem:v0+s1+$0x0], $0xffff  }
0x6da: {  	v42 =	vld.idx.msk [tilespmem:v2+s1+$0x0], $0xffff  }
0x6db: {  	v43 =	vld.idx.msk [tilespmem:v0+s31+$0x0], $0xffff  }
0x6dc: {  	v44 =	vld.idx.msk [tilespmem:v2+s31+$0x0], $0xffff;
	_ =	sdelay $0x4  }
0x6dd: {  	v41 =	vsub.f32 v43, v41;
	v42 =	vsub.f32 v44, v42;
	_ =	sdelay $0x1  }
0x6de: {  	v43 =	vmul.f32 v41, v41;
	v44 =	vmul.f32 v42, v42;
	_ =	sdelay $0x1  }
0x6df: {  	v43 =	vadd.f32 v44, v43;
	_ =	sdelay $0x1  }
0x6e0: {  	v44 =	vshra.s32 v43, $0x1  }
0x6e1: {  	v44 =	vadd.s32 $0x1FBD1DF5, v44  }
0x6e2: {  	(erf) = vrcp.f32 v44;
	_ =	sdelay $0x8  }
0x6e3: {  	v45 =	vpop (erf)  }
0x6e4: {  	v45 =	vmul.f32 v45, v43;
	_ =	sdelay $0x1  }
0x6e5: {  	v44 =	vadd.f32 v44, v45;
	_ =	sdelay $0x1  }
0x6e6: {  	v44 =	vmul.f32 $5.000000000e-01, v44;
	_ =	sdelay $0x1  }
0x6e7: {  	(erf) = vrcp.f32 v44;
	_ =	sdelay $0x8  }
0x6e8: {  	v57 =	vpop (erf)  }
0x6e9: {  	v45 =	vmul.f32 v57, v43;
	_ =	sdelay $0x1  }
0x6ea: {  	v44 =	vadd.f32 v45, v44;
	_ =	sdelay $0x1  }
0x6eb: {  	v44 =	vmul.f32 $5.000000000e-01, v44;
	_ =	sdelay $0x1  }
0x6ec: {  	(erf) = vrcp.f32 v44;
	_ =	sdelay $0x8  }
0x6ed: {  	v58 =	vpop (erf)  }
0x6ee: {  	v43 =	vmul.f32 v58, v43;
	_ =	sdelay $0x1  }
0x6ef: {  	v43 =	vadd.f32 v43, v44;
	_ =	sdelay $0x1  }
0x6f0: {  	v43 =	vmul.f32 $5.000000000e-01, v43;
	_ =	sdelay $0x1  }
0x6f1: {  	v43 =	vadd.f32 $9.999999970e-07, v43;
	_ =	sdelay $0x1  }
0x6f2: {  	v43 =	vmul.f32 v43, v43  }
0x6f3: {  	v59 =	vld.idx.msk [tilespmem:v3+s1+$0x0], $0xffff  }
0x6f4: {  	v60 =	vld.idx.msk [tilespmem:v4+s1+$0x0], $0xffff;
	(erf) = vrcp.f32 v43;
	_ =	sdelay $0x4  }
0x6f5: {  	v41 =	vmul.f32 v41, v59;
	v42 =	vmul.f32 v42, v60  }
0x6f6: {  	v61 =	vld.idx.msk [tilespmem:v5+s1+$0x0], $0xffff  }
0x6f7: {  	v62 =	vld [tilespmem:$0x580];
	v41 =	vadd.f32 v42, v41  }
0x6f8: {  	v63 =	vld [tilespmem:$0x280]  }
0x6f9: {  	v41 =	vmax.f32 v41, $0.0e+00;
	v48 =	vpop (erf)  }
0x6fa: {  	v41 =	vmul.f32 v48, v41;
	_ =	sdelay $0x1  }
0x6fb: {  	v41 =	vmul.f32 v41, v61;
	_ =	sdelay $0x1  }
0x6fc: {  	v43 =	vsub.f32 $0.0e+00, v41  }
0x6fd: {  	[tilespmem:v62+s7+$0x0] =	vst.idx.add.f32.msk $0xffff, v41  }
0x6fe: {  	[tilespmem:v63+s7+$0x0] =	vst.idx.add.f32.msk $0xffff, v43  }
0x6ff: {  	v41 =	vld.idx.msk [tilespmem:v6+s1+$0x0], $0xffff  }
0x700: {  	v42 =	vld.idx.msk [tilespmem:v7+s1+$0x0], $0xffff  }
0x701: {  	v43 =	vld.idx.msk [tilespmem:v6+s31+$0x0], $0xffff  }
0x702: {  	v44 =	vld.idx.msk [tilespmem:v7+s31+$0x0], $0xffff;
	_ =	sdelay $0x4  }
0x703: {  	v41 =	vsub.f32 v43, v41;
	v42 =	vsub.f32 v44, v42;
	_ =	sdelay $0x1  }
0x704: {  	v43 =	vmul.f32 v41, v41;
	v44 =	vmul.f32 v42, v42;
	_ =	sdelay $0x1  }
0x705: {  	v43 =	vadd.f32 v44, v43;
	_ =	sdelay $0x1  }
0x706: {  	v44 =	vshra.s32 v43, $0x1  }
0x707: {  	v44 =	vadd.s32 $0x1FBD1DF5, v44  }
0x708: {  	(erf) = vrcp.f32 v44;
	_ =	sdelay $0x8  }
0x709: {  	v49 =	vpop (erf)  }
0x70a: {  	v45 =	vmul.f32 v49, v43;
	_ =	sdelay $0x1  }
0x70b: {  	v44 =	vadd.f32 v44, v45;
	_ =	sdelay $0x1  }
0x70c: {  	v44 =	vmul.f32 $5.000000000e-01, v44;
	_ =	sdelay $0x1  }
0x70d: {  	(erf) = vrcp.f32 v44;
	_ =	sdelay $0x8  }
0x70e: {  	v50 =	vpop (erf)  }
0x70f: {  	v45 =	vmul.f32 v50, v43;
	_ =	sdelay $0x1  }
0x710: {  	v44 =	vadd.f32 v45, v44;
	_ =	sdelay $0x1  }
0x711: {  	v44 =	vmul.f32 $5.000000000e-01, v44;
	_ =	sdelay $0x1  }
0x712: {  	(erf) = vrcp.f32 v44;
	_ =	sdelay $0x8  }
0x713: {  	v51 =	vpop (erf)  }
0x714: {  	v43 =	vmul.f32 v51, v43;
	_ =	sdelay $0x1  }
0x715: {  	v43 =	vadd.f32 v43, v44;
	_ =	sdelay $0x1  }
0x716: {  	v43 =	vmul.f32 $5.000000000e-01, v43;
	_ =	sdelay $0x1  }
0x717: {  	v43 =	vadd.f32 $9.999999970e-07, v43;
	_ =	sdelay $0x1  }
0x718: {  	v43 =	vmul.f32 v43, v43  }
0x719: {  	v52 =	vld.idx.msk [tilespmem:v8+s1+$0x0], $0xffff  }
0x71a: {  	v53 =	vld.idx.msk [tilespmem:v9+s1+$0x0], $0xffff;
	(erf) = vrcp.f32 v43;
	_ =	sdelay $0x4  }
0x71b: {  	v41 =	vmul.f32 v41, v52;
	v42 =	vmul.f32 v42, v53  }
0x71c: {  	v54 =	vld.idx.msk [tilespmem:v10+s1+$0x0], $0xffff  }
0x71d: {  	v55 =	vld [tilespmem:$0x590];
	v41 =	vadd.f32 v42, v41  }
0x71e: {  	v56 =	vld [tilespmem:$0x290]  }
0x71f: {  	v41 =	vmax.f32 v41, $0.0e+00;
	v57 =	vpop (erf)  }
0x720: {  	v41 =	vmul.f32 v57, v41;
	_ =	sdelay $0x1  }
0x721: {  	v41 =	vmul.f32 v41, v54;
	_ =	sdelay $0x1  }
0x722: {  	v43 =	vsub.f32 $0.0e+00, v41  }
0x723: {  	[tilespmem:v55+s7+$0x0] =	vst.idx.add.f32.msk $0xffff, v41  }
0x724: {  	[tilespmem:v56+s7+$0x0] =	vst.idx.add.f32.msk $0xffff, v43  }
0x725: {  	v41 =	vld.idx.msk [tilespmem:v11+s1+$0x0], $0xffff  }
0x726: {  	v42 =	vld.idx.msk [tilespmem:v12+s1+$0x0], $0xffff  }
0x727: {  	v43 =	vld.idx.msk [tilespmem:v11+s31+$0x0], $0xffff  }
0x728: {  	v44 =	vld.idx.msk [tilespmem:v12+s31+$0x0], $0xffff;
	_ =	sdelay $0x4  }
0x729: {  	v41 =	vsub.f32 v43, v41;
	v42 =	vsub.f32 v44, v42;
	_ =	sdelay $0x1  }
0x72a: {  	v43 =	vmul.f32 v41, v41;
	v44 =	vmul.f32 v42, v42;
	_ =	sdelay $0x1  }
0x72b: {  	v43 =	vadd.f32 v44, v43;
	_ =	sdelay $0x1  }
0x72c: {  	v44 =	vshra.s32 v43, $0x1  }
0x72d: {  	v44 =	vadd.s32 $0x1FBD1DF5, v44  }
0x72e: {  	(erf) = vrcp.f32 v44;
	_ =	sdelay $0x8  }
0x72f: {  	v58 =	vpop (erf)  }
0x730: {  	v45 =	vmul.f32 v58, v43;
	_ =	sdelay $0x1  }
0x731: {  	v44 =	vadd.f32 v44, v45;
	_ =	sdelay $0x1  }
0x732: {  	v44 =	vmul.f32 $5.000000000e-01, v44;
	_ =	sdelay $0x1  }
0x733: {  	(erf) = vrcp.f32 v44;
	_ =	sdelay $0x8  }
0x734: {  	v59 =	vpop (erf)  }
0x735: {  	v45 =	vmul.f32 v59, v43;
	_ =	sdelay $0x1  }
0x736: {  	v44 =	vadd.f32 v45, v44;
	_ =	sdelay $0x1  }
0x737: {  	v44 =	vmul.f32 $5.000000000e-01, v44;
	_ =	sdelay $0x1  }
0x738: {  	(erf) = vrcp.f32 v44;
	_ =	sdelay $0x8  }
0x739: {  	v60 =	vpop (erf)  }
0x73a: {  	v43 =	vmul.f32 v60, v43;
	_ =	sdelay $0x1  }
0x73b: {  	v43 =	vadd.f32 v43, v44;
	_ =	sdelay $0x1  }
0x73c: {  	v43 =	vmul.f32 $5.000000000e-01, v43;
	_ =	sdelay $0x1  }
0x73d: {  	v43 =	vadd.f32 $9.999999970e-07, v43;
	_ =	sdelay $0x1  }
0x73e: {  	v43 =	vmul.f32 v43, v43  }
0x73f: {  	v61 =	vld.idx.msk [tilespmem:v13+s1+$0x0], $0xffff  }
0x740: {  	v62 =	vld.idx.msk [tilespmem:v14+s1+$0x0], $0xffff;
	(erf) = vrcp.f32 v43;
	_ =	sdelay $0x4  }
0x741: {  	v41 =	vmul.f32 v41, v61;
	v42 =	vmul.f32 v42, v62  }
0x742: {  	v63 =	vld.idx.msk [tilespmem:v15+s1+$0x0], $0xffff  }
0x743: {  	v48 =	vld [tilespmem:$0x5A0];
	v41 =	vadd.f32 v42, v41  }
0x744: {  	v49 =	vld [tilespmem:$0x2A0]  }
0x745: {  	v41 =	vmax.f32 v41, $0.0e+00;
	v50 =	vpop (erf)  }
0x746: {  	v41 =	vmul.f32 v50, v41;
	_ =	sdelay $0x1  }
0x747: {  	v41 =	vmul.f32 v41, v63;
	_ =	sdelay $0x1  }
0x748: {  	v43 =	vsub.f32 $0.0e+00, v41  }
0x749: {  	[tilespmem:v48+s7+$0x0] =	vst.idx.add.f32.msk $0xffff, v41  }
0x74a: {  	[tilespmem:v49+s7+$0x0] =	vst.idx.add.f32.msk $0xffff, v43  }
0x74b: {  	v41 =	vld.idx.msk [tilespmem:v16+s1+$0x0], $0xffff  }
0x74c: {  	v42 =	vld.idx.msk [tilespmem:v17+s1+$0x0], $0xffff  }
0x74d: {  	v43 =	vld.idx.msk [tilespmem:v16+s31+$0x0], $0xffff  }
0x74e: {  	v44 =	vld.idx.msk [tilespmem:v17+s31+$0x0], $0xffff;
	_ =	sdelay $0x4  }
0x74f: {  	v41 =	vsub.f32 v43, v41;
	v42 =	vsub.f32 v44, v42;
	_ =	sdelay $0x1  }
0x750: {  	v43 =	vmul.f32 v41, v41;
	v44 =	vmul.f32 v42, v42;
	_ =	sdelay $0x1  }
0x751: {  	v43 =	vadd.f32 v44, v43;
	_ =	sdelay $0x1  }
0x752: {  	v44 =	vshra.s32 v43, $0x1  }
0x753: {  	v44 =	vadd.s32 $0x1FBD1DF5, v44  }
0x754: {  	(erf) = vrcp.f32 v44;
	_ =	sdelay $0x8  }
0x755: {  	v51 =	vpop (erf)  }
0x756: {  	v45 =	vmul.f32 v51, v43;
	_ =	sdelay $0x1  }
0x757: {  	v44 =	vadd.f32 v44, v45;
	_ =	sdelay $0x1  }
0x758: {  	v44 =	vmul.f32 $5.000000000e-01, v44;
	_ =	sdelay $0x1  }
0x759: {  	(erf) = vrcp.f32 v44;
	_ =	sdelay $0x8  }
0x75a: {  	v52 =	vpop (erf)  }
0x75b: {  	v45 =	vmul.f32 v52, v43;
	_ =	sdelay $0x1  }
0x75c: {  	v44 =	vadd.f32 v45, v44;
	_ =	sdelay $0x1  }
0x75d: {  	v44 =	vmul.f32 $5.000000000e-01, v44;
	_ =	sdelay $0x1  }
0x75e: {  	(erf) = vrcp.f32 v44;
	_ =	sdelay $0x8  }
0x75f: {  	v53 =	vpop (erf)  }
0x760: {  	v43 =	vmul.f32 v53, v43;
	_ =	sdelay $0x1  }
0x761: {  	v43 =	vadd.f32 v43, v44;
	_ =	sdelay $0x1  }
0x762: {  	v43 =	vmul.f32 $5.000000000e-01, v43;
	_ =	sdelay $0x1  }
0x763: {  	v43 =	vadd.f32 $9.999999970e-07, v43;
	_ =	sdelay $0x1  }
0x764: {  	v43 =	vmul.f32 v43, v43  }
0x765: {  	v54 =	vld.idx.msk [tilespmem:v18+s1+$0x0], $0xffff  }
0x766: {  	v55 =	vld.idx.msk [tilespmem:v19+s1+$0x0], $0xffff;
	(erf) = vrcp.f32 v43;
	_ =	sdelay $0x4  }
0x767: {  	v41 =	vmul.f32 v41, v54;
	v42 =	vmul.f32 v42, v55  }
0x768: {  	v56 =	vld.idx.msk [tilespmem:v20+s1+$0x0], $0xffff  }
0x769: {  	v57 =	vld [tilespmem:$0x5B0];
	v41 =	vadd.f32 v42, v41  }
0x76a: {  	v58 =	vld [tilespmem:$0x2B0]  }
0x76b: {  	v41 =	vmax.f32 v41, $0.0e+00;
	v59 =	vpop (erf)  }
0x76c: {  	v41 =	vmul.f32 v59, v41;
	_ =	sdelay $0x1  }
0x76d: {  	v41 =	vmul.f32 v41, v56;
	_ =	sdelay $0x1  }
0x76e: {  	v43 =	vsub.f32 $0.0e+00, v41  }
0x76f: {  	[tilespmem:v57+s7+$0x0] =	vst.idx.add.f32.msk $0xffff, v41  }
0x770: {  	[tilespmem:v58+s7+$0x0] =	vst.idx.add.f32.msk $0xffff, v43  }
0x771: {  	v41 =	vld.idx.msk [tilespmem:v21+s1+$0x0], $0xffff  }
0x772: {  	v42 =	vld.idx.msk [tilespmem:v22+s1+$0x0], $0xffff  }
0x773: {  	v43 =	vld.idx.msk [tilespmem:v21+s31+$0x0], $0xffff  }
0x774: {  	v44 =	vld.idx.msk [tilespmem:v22+s31+$0x0], $0xffff;
	_ =	sdelay $0x4  }
0x775: {  	v41 =	vsub.f32 v43, v41;
	v42 =	vsub.f32 v44, v42;
	_ =	sdelay $0x1  }
0x776: {  	v43 =	vmul.f32 v41, v41;
	v44 =	vmul.f32 v42, v42;
	_ =	sdelay $0x1  }
0x777: {  	v43 =	vadd.f32 v44, v43;
	_ =	sdelay $0x1  }
0x778: {  	v44 =	vshra.s32 v43, $0x1  }
0x779: {  	v44 =	vadd.s32 $0x1FBD1DF5, v44  }
0x77a: {  	(erf) = vrcp.f32 v44;
	_ =	sdelay $0x8  }
0x77b: {  	v60 =	vpop (erf)  }
0x77c: {  	v45 =	vmul.f32 v60, v43;
	_ =	sdelay $0x1  }
0x77d: {  	v44 =	vadd.f32 v44, v45;
	_ =	sdelay $0x1  }
0x77e: {  	v44 =	vmul.f32 $5.000000000e-01, v44;
	_ =	sdelay $0x1  }
0x77f: {  	(erf) = vrcp.f32 v44;
	_ =	sdelay $0x8  }
0x780: {  	v61 =	vpop (erf)  }
0x781: {  	v45 =	vmul.f32 v61, v43;
	_ =	sdelay $0x1  }
0x782: {  	v44 =	vadd.f32 v45, v44;
	_ =	sdelay $0x1  }
0x783: {  	v44 =	vmul.f32 $5.000000000e-01, v44;
	_ =	sdelay $0x1  }
0x784: {  	(erf) = vrcp.f32 v44;
	_ =	sdelay $0x8  }
0x785: {  	v62 =	vpop (erf)  }
0x786: {  	v43 =	vmul.f32 v62, v43;
	_ =	sdelay $0x1  }
0x787: {  	v43 =	vadd.f32 v43, v44;
	_ =	sdelay $0x1  }
0x788: {  	v43 =	vmul.f32 $5.000000000e-01, v43;
	_ =	sdelay $0x1  }
0x789: {  	v43 =	vadd.f32 $9.999999970e-07, v43;
	_ =	sdelay $0x1  }
0x78a: {  	v43 =	vmul.f32 v43, v43  }
0x78b: {  	v63 =	vld.idx.msk [tilespmem:v23+s1+$0x0], $0xffff  }
0x78c: {  	v48 =	vld.idx.msk [tilespmem:v24+s1+$0x0], $0xffff;
	(erf) = vrcp.f32 v43;
	_ =	sdelay $0x4  }
0x78d: {  	v41 =	vmul.f32 v41, v63;
	v42 =	vmul.f32 v42, v48  }
0x78e: {  	v49 =	vld.idx.msk [tilespmem:v25+s1+$0x0], $0xffff  }
0x78f: {  	v50 =	vld [tilespmem:$0x5C0];
	v41 =	vadd.f32 v42, v41  }
0x790: {  	v51 =	vld [tilespmem:$0x2C0]  }
0x791: {  	v41 =	vmax.f32 v41, $0.0e+00;
	v52 =	vpop (erf)  }
0x792: {  	v41 =	vmul.f32 v52, v41;
	_ =	sdelay $0x1  }
0x793: {  	v41 =	vmul.f32 v41, v49;
	_ =	sdelay $0x1  }
0x794: {  	v43 =	vsub.f32 $0.0e+00, v41  }
0x795: {  	[tilespmem:v50+s7+$0x0] =	vst.idx.add.f32.msk $0xffff, v41  }
0x796: {  	[tilespmem:v51+s7+$0x0] =	vst.idx.add.f32.msk $0xffff, v43  }
0x797: {  	v41 =	vld.idx.msk [tilespmem:v26+s1+$0x0], $0xffff  }
0x798: {  	v42 =	vld.idx.msk [tilespmem:v27+s1+$0x0], $0xffff  }
0x799: {  	v43 =	vld.idx.msk [tilespmem:v26+s31+$0x0], $0xffff  }
0x79a: {  	v44 =	vld.idx.msk [tilespmem:v27+s31+$0x0], $0xffff;
	_ =	sdelay $0x4  }
0x79b: {  	v41 =	vsub.f32 v43, v41;
	v42 =	vsub.f32 v44, v42;
	_ =	sdelay $0x1  }
0x79c: {  	v43 =	vmul.f32 v41, v41;
	v44 =	vmul.f32 v42, v42;
	_ =	sdelay $0x1  }
0x79d: {  	v43 =	vadd.f32 v44, v43;
	_ =	sdelay $0x1  }
0x79e: {  	v44 =	vshra.s32 v43, $0x1  }
0x79f: {  	v44 =	vadd.s32 $0x1FBD1DF5, v44  }
0x7a0: {  	(erf) = vrcp.f32 v44;
	_ =	sdelay $0x8  }
0x7a1: {  	v53 =	vpop (erf)  }
0x7a2: {  	v45 =	vmul.f32 v53, v43;
	_ =	sdelay $0x1  }
0x7a3: {  	v44 =	vadd.f32 v44, v45;
	_ =	sdelay $0x1  }
0x7a4: {  	v44 =	vmul.f32 $5.000000000e-01, v44;
	_ =	sdelay $0x1  }
0x7a5: {  	(erf) = vrcp.f32 v44;
	_ =	sdelay $0x8  }
0x7a6: {  	v54 =	vpop (erf)  }
0x7a7: {  	v45 =	vmul.f32 v54, v43;
	_ =	sdelay $0x1  }
0x7a8: {  	v44 =	vadd.f32 v45, v44;
	_ =	sdelay $0x1  }
0x7a9: {  	v44 =	vmul.f32 $5.000000000e-01, v44;
	_ =	sdelay $0x1  }
0x7aa: {  	(erf) = vrcp.f32 v44;
	_ =	sdelay $0x8  }
0x7ab: {  	v55 =	vpop (erf)  }
0x7ac: {  	v43 =	vmul.f32 v55, v43;
	_ =	sdelay $0x1  }
0x7ad: {  	v43 =	vadd.f32 v43, v44;
	_ =	sdelay $0x1  }
0x7ae: {  	v43 =	vmul.f32 $5.000000000e-01, v43;
	_ =	sdelay $0x1  }
0x7af: {  	v43 =	vadd.f32 $9.999999970e-07, v43;
	_ =	sdelay $0x1  }
0x7b0: {  	v43 =	vmul.f32 v43, v43  }
0x7b1: {  	v56 =	vld.idx.msk [tilespmem:v28+s1+$0x0], $0xffff  }
0x7b2: {  	v57 =	vld.idx.msk [tilespmem:v29+s1+$0x0], $0xffff;
	(erf) = vrcp.f32 v43;
	_ =	sdelay $0x4  }
0x7b3: {  	v41 =	vmul.f32 v41, v56;
	v42 =	vmul.f32 v42, v57  }
0x7b4: {  	v58 =	vld.idx.msk [tilespmem:v30+s1+$0x0], $0xffff  }
0x7b5: {  	v59 =	vld [tilespmem:$0x5D0];
	v41 =	vadd.f32 v42, v41  }
0x7b6: {  	v60 =	vld [tilespmem:$0x2D0]  }
0x7b7: {  	v41 =	vmax.f32 v41, $0.0e+00;
	v61 =	vpop (erf)  }
0x7b8: {  	v41 =	vmul.f32 v61, v41;
	_ =	sdelay $0x1  }
0x7b9: {  	v41 =	vmul.f32 v41, v58;
	_ =	sdelay $0x1  }
0x7ba: {  	v43 =	vsub.f32 $0.0e+00, v41  }
0x7bb: {  	[tilespmem:v59+s7+$0x0] =	vst.idx.add.f32.msk $0xffff, v41  }
0x7bc: {  	[tilespmem:v60+s7+$0x0] =	vst.idx.add.f32.msk $0xffff, v43  }
0x7bd: {  	v41 =	vld.idx.msk [tilespmem:v31+s1+$0x0], $0xffff  }
0x7be: {  	v42 =	vld.idx.msk [tilespmem:v32+s1+$0x0], $0xffff  }
0x7bf: {  	v43 =	vld.idx.msk [tilespmem:v31+s31+$0x0], $0xffff  }
0x7c0: {  	v44 =	vld.idx.msk [tilespmem:v32+s31+$0x0], $0xffff;
	_ =	sdelay $0x4  }
0x7c1: {  	v41 =	vsub.f32 v43, v41;
	v42 =	vsub.f32 v44, v42;
	_ =	sdelay $0x1  }
0x7c2: {  	v43 =	vmul.f32 v41, v41;
	v44 =	vmul.f32 v42, v42;
	_ =	sdelay $0x1  }
0x7c3: {  	v43 =	vadd.f32 v44, v43;
	_ =	sdelay $0x1  }
0x7c4: {  	v44 =	vshra.s32 v43, $0x1  }
0x7c5: {  	v44 =	vadd.s32 $0x1FBD1DF5, v44  }
0x7c6: {  	(erf) = vrcp.f32 v44;
	_ =	sdelay $0x8  }
0x7c7: {  	v62 =	vpop (erf)  }
0x7c8: {  	v45 =	vmul.f32 v62, v43;
	_ =	sdelay $0x1  }
0x7c9: {  	v44 =	vadd.f32 v44, v45;
	_ =	sdelay $0x1  }
0x7ca: {  	v44 =	vmul.f32 $5.000000000e-01, v44;
	_ =	sdelay $0x1  }
0x7cb: {  	(erf) = vrcp.f32 v44;
	_ =	sdelay $0x8  }
0x7cc: {  	v63 =	vpop (erf)  }
0x7cd: {  	v45 =	vmul.f32 v63, v43;
	_ =	sdelay $0x1  }
0x7ce: {  	v44 =	vadd.f32 v45, v44;
	_ =	sdelay $0x1  }
0x7cf: {  	v44 =	vmul.f32 $5.000000000e-01, v44;
	_ =	sdelay $0x1  }
0x7d0: {  	(erf) = vrcp.f32 v44;
	_ =	sdelay $0x8  }
0x7d1: {  	v48 =	vpop (erf)  }
0x7d2: {  	v43 =	vmul.f32 v48, v43;
	_ =	sdelay $0x1  }
0x7d3: {  	v43 =	vadd.f32 v43, v44;
	_ =	sdelay $0x1  }
0x7d4: {  	v43 =	vmul.f32 $5.000000000e-01, v43;
	_ =	sdelay $0x1  }
0x7d5: {  	v43 =	vadd.f32 $9.999999970e-07, v43;
	_ =	sdelay $0x1  }
0x7d6: {  	v43 =	vmul.f32 v43, v43  }
0x7d7: {  	v49 =	vld.idx.msk [tilespmem:v33+s1+$0x0], $0xffff  }
0x7d8: {  	v50 =	vld.idx.msk [tilespmem:v34+s1+$0x0], $0xffff;
	(erf) = vrcp.f32 v43;
	_ =	sdelay $0x4  }
0x7d9: {  	v41 =	vmul.f32 v41, v49;
	v42 =	vmul.f32 v42, v50  }
0x7da: {  	v51 =	vld.idx.msk [tilespmem:v35+s1+$0x0], $0xffff  }
0x7db: {  	v52 =	vld [tilespmem:$0x5E0];
	v41 =	vadd.f32 v42, v41  }
0x7dc: {  	v53 =	vld [tilespmem:$0x2E0]  }
0x7dd: {  	v41 =	vmax.f32 v41, $0.0e+00;
	v54 =	vpop (erf)  }
0x7de: {  	v41 =	vmul.f32 v54, v41;
	_ =	sdelay $0x1  }
0x7df: {  	v41 =	vmul.f32 v41, v51;
	_ =	sdelay $0x1  }
0x7e0: {  	v43 =	vsub.f32 $0.0e+00, v41  }
0x7e1: {  	[tilespmem:v52+s7+$0x0] =	vst.idx.add.f32.msk $0xffff, v41  }
0x7e2: {  	[tilespmem:v53+s7+$0x0] =	vst.idx.add.f32.msk $0xffff, v43  }
0x7e3: {  	v41 =	vld.idx.msk [tilespmem:v36+s1+$0x0], $0xffff  }
0x7e4: {  	v42 =	vld.idx.msk [tilespmem:v37+s1+$0x0], $0xffff  }
0x7e5: {  	v43 =	vld.idx.msk [tilespmem:v36+s31+$0x0], $0xffff  }
0x7e6: {  	v44 =	vld.idx.msk [tilespmem:v37+s31+$0x0], $0xffff;
	_ =	sdelay $0x4  }
0x7e7: {  	v41 =	vsub.f32 v43, v41;
	v42 =	vsub.f32 v44, v42;
	_ =	sdelay $0x1  }
0x7e8: {  	v43 =	vmul.f32 v41, v41;
	v44 =	vmul.f32 v42, v42;
	_ =	sdelay $0x1  }
0x7e9: {  	v43 =	vadd.f32 v44, v43;
	_ =	sdelay $0x1  }
0x7ea: {  	v44 =	vshra.s32 v43, $0x1  }
0x7eb: {  	v44 =	vadd.s32 $0x1FBD1DF5, v44  }
0x7ec: {  	(erf) = vrcp.f32 v44;
	_ =	sdelay $0x8  }
0x7ed: {  	v55 =	vpop (erf)  }
0x7ee: {  	v45 =	vmul.f32 v55, v43;
	_ =	sdelay $0x1  }
0x7ef: {  	v44 =	vadd.f32 v44, v45;
	_ =	sdelay $0x1  }
0x7f0: {  	v44 =	vmul.f32 $5.000000000e-01, v44;
	_ =	sdelay $0x1  }
0x7f1: {  	(erf) = vrcp.f32 v44;
	_ =	sdelay $0x8  }
0x7f2: {  	v56 =	vpop (erf)  }
0x7f3: {  	v45 =	vmul.f32 v56, v43;
	_ =	sdelay $0x1  }
0x7f4: {  	v44 =	vadd.f32 v45, v44;
	_ =	sdelay $0x1  }
0x7f5: {  	v44 =	vmul.f32 $5.000000000e-01, v44;
	_ =	sdelay $0x1  }
0x7f6: {  	(erf) = vrcp.f32 v44;
	_ =	sdelay $0x8  }
0x7f7: {  	v57 =	vpop (erf)  }
0x7f8: {  	v43 =	vmul.f32 v57, v43;
	_ =	sdelay $0x1  }
0x7f9: {  	v43 =	vadd.f32 v43, v44;
	_ =	sdelay $0x1  }
0x7fa: {  	v43 =	vmul.f32 $5.000000000e-01, v43;
	_ =	sdelay $0x1  }
0x7fb: {  	v43 =	vadd.f32 $9.999999970e-07, v43;
	_ =	sdelay $0x1  }
0x7fc: {  	v43 =	vmul.f32 v43, v43  }
0x7fd: {  	v58 =	vld.idx.msk [tilespmem:v38+s1+$0x0], $0xffff  }
0x7fe: {  	v59 =	vld.idx.msk [tilespmem:v39+s1+$0x0], $0xffff;
	(erf) = vrcp.f32 v43;
	_ =	sdelay $0x4  }
0x7ff: {  	v41 =	vmul.f32 v41, v58;
	v42 =	vmul.f32 v42, v59  }
0x800: {  	v60 =	vld.idx.msk [tilespmem:v40+s1+$0x0], $0xffff  }
0x801: {  	v61 =	vld [tilespmem:$0x5F0];
	v41 =	vadd.f32 v42, v41  }
0x802: {  	v62 =	vld [tilespmem:$0x2F0]  }
0x803: {  	v41 =	vmax.f32 v41, $0.0e+00;
	v63 =	vpop (erf)  }
0x804: {  	v41 =	vmul.f32 v63, v41;
	_ =	sdelay $0x1  }
.Ltmp11:
0x805: {  	v41 =	vmul.f32 v41, v60;
	(pc) =	sbr.rel .LBB2_16-.Ltmp11, $4  }
0x806: {  	_ = 	snop  }
0x807: {  	v43 =	vsub.f32 $0.0e+00, v41  }
0x808: {  	[tilespmem:v61+s7+$0x0] =	vst.idx.add.f32.msk $0xffff, v41  }
0x809: {  	[tilespmem:v62+s7+$0x0] =	vst.idx.add.f32.msk $0xffff, v43  }
.LBB2_18:
0x80a: {  	_ =	sfence.sel $0x180000  }
0x80b: {  	[bflag:$0x0] =	sbarrier.arrive $0xFFFF  }
0x80c: {  	_ =	strace $0x90000047  }
0x80d: {  	s0 =	stileid.u32;
	[bflag:$0x2] =	sbarrier.arrive $0xFFFF  }
0x80e: {  	p0 =	sne.s32 s0, $0x0;
	s0 =	rddreg [dreg:$0x1]  }
0x80f: {  	s0 =	sadd.s32 @!p0 $0x100000, s0  }
0x810: {  	[sflag:s0] =	ssyncadd.tile.s32 @!p0 $0x1;
	_ =	shalt  }
.Lfunc_end2:
_tile_overlayer_lowered:
.L_overlay_start_2:
0x811: {  	(tag) =	ssettag $0x2  }
0x812: {  	s0 =	rddreg [dreg:$0x0];
	s2 =	stileid.u32  }
0x813: {  	s1 =	rddreg [dreg:$0x1];
	p0 =	sne.s32 s2, $0x0  }
0x814: {  	s3 =	rddreg [dreg:$0x2];
	[bflag:$0x3] =	sbarrier.arrive $0xFFFF;
	s2 =	simm.s32 @!p0 $0x1C0D  }
0x815: {  	[timem:s3], [sflag:s2] =	dma.local @!p0 [hbm:s0], s1  }
0x816: {  	s0 =	simm.s32 @!p0 $0xD  }
0x817: {  	_ =	swait.ge @!p0 [sflag:s0], s1  }
0x818: {  	s1 =	ssub.s32 @!p0 $0x0, s1;
	[sflag:s0] =	ssyncset.done @!p0 $0x0  }
0x819: {  	[sflag:s0] =	ssyncadd.s32 @!p0 s1  }
0x81a: {  	[bflag:$0x3] =	sbarrier.arrive $0xFFFF  }
0x81b: {  	_ =	shalt  }

</sc_bundles>
